<compile_context>
chip_gen: v7x
topology: tpu7x:2x2x1
jax: 0.10.2.dev20260603
libtpu: 0.0.44.dev20260713+nightly
codegen_flags: <defaults>
</compile_context>

<pallas_src>
import functools

import jax
import jax.numpy as jnp
from jax import lax
from jax.experimental import pallas as pl
from jax.experimental.pallas import tpu as pltpu
from jax.experimental.pallas import tpu_sc as plsc

N = 10000
E = 320000
D = 128
B = 128

NC = 2
NS = 16
NW = NC * NS
NPAD = 10240
ROWS_PS = NPAD // NS
EPW = E // NW
C = 80
NITER = EPW // C
BPAD = 136
NPPW = NPAD // NW
PC = 64
PITER = NPPW // PC

_sc_mesh = plsc.VectorSubcoreMesh(
    core_axis_name="c", subcore_axis_name="s", num_cores=NC, num_subcores=NS)


def _fill_rows(ref, nrows, value):
    def row(i, _):
        def col(j, _):
            ref[i, pl.ds(j * 16, 16)] = jnp.full((16,), value, jnp.float32)
            return 0
        lax.fori_loop(0, D // 16, col, 0)
        return 0
    lax.fori_loop(0, nrows, row, 0)



NB = 4


@functools.partial(
    pl.kernel,
    out_type=jax.ShapeDtypeStruct((NC, NS, ROWS_PS, D), jnp.float32),
    mesh=_sc_mesh,
    scratch_types=(
        [pltpu.VMEM((C,), jnp.int32) for _ in range(NB)]
        + [pltpu.VMEM((C, D), jnp.float32),
           pltpu.VMEM((64, D), jnp.float32),
           pltpu.VMEM_SHARED((NPAD, D), jnp.float32)]
        + [pltpu.SemaphoreType.DMA for _ in range(2 * NB)]
    ),
)
def _sc_degree(dst_hbm, out_hbm, *refs):
    dstv = refs[0:NB]
    ones_v, zv, acc = refs[NB:NB + 3]
    sem_i = refs[NB + 3:NB + 3 + NB]
    sem_s = refs[NB + 3 + NB:NB + 3 + 2 * NB]
    cid = lax.axis_index("c")
    sid = lax.axis_index("s")
    wid = sid * NC + cid

    _fill_rows(ones_v, C, 1.0)
    _fill_rows(zv, 64, 0.0)

    def zcp(k, _):
        o = pl.multiple_of(sid * ROWS_PS + k * 64, 8)
        pltpu.sync_copy(zv, acc.at[pl.ds(o, 64)])
        return 0
    lax.fori_loop(0, ROWS_PS // 64, zcp, 0)
    plsc.subcore_barrier()

    def idx_base(j):
        return pl.multiple_of(wid * EPW + j * C, 8)

    def fetch_idx(j, b):
        pltpu.async_copy(dst_hbm.at[pl.ds(idx_base(j), C)], dstv[b], sem_i[b])

    fetch_idx(0, 0)

    def sub_iter(j, b, skip_swait, last):
        nb = (b + 1) % NB
        pltpu.make_async_copy(dst_hbm.at[pl.ds(idx_base(j), C)],
                              dstv[b], sem_i[b]).wait()
        if not skip_swait:
            pltpu.make_async_copy(ones_v, acc.at[dstv[nb]], sem_s[nb]).wait()
        if not last:
            fetch_idx(j + 1, nb)
        pltpu.async_copy(ones_v, acc.at[dstv[b]], sem_s[b], add=True)

    def quad(k, _):
        j0 = k * NB

        @pl.when(k == 0)
        def _():
            for u in range(NB):
                sub_iter(j0 + u, u, u < NB - 1, False)

        @pl.when(k > 0)
        def _():
            for u in range(NB):
                sub_iter(j0 + u, u, False, False)
        return 0
    lax.fori_loop(0, NITER // NB, quad, 0)
    sub_iter(NITER - 1, (NITER - 1) % NB, False, True)
    for j in (NITER - 3, NITER - 2, NITER - 1):
        b = j % NB
        pltpu.make_async_copy(ones_v, acc.at[dstv[b]], sem_s[b]).wait()

    plsc.subcore_barrier()
    off = pl.multiple_of(sid * ROWS_PS, 8)
    pltpu.sync_copy(acc.at[pl.ds(off, ROWS_PS)], out_hbm.at[cid, sid])



@functools.partial(
    pl.kernel,
    out_type=jax.ShapeDtypeStruct((NC, NS, ROWS_PS, D), jnp.float32),
    mesh=_sc_mesh,
    scratch_types=(
        [pltpu.VMEM((C,), jnp.int32) for _ in range(2 * NB)]
        + [pltpu.VMEM((C, D), jnp.float32) for _ in range(NB)]
        + [pltpu.VMEM_SHARED((NPAD, D), jnp.float32)]
        + [pltpu.SemaphoreType.DMA for _ in range(2 * NB + 1)]
    ),
)
def _sc_agg(g_hbm, src_hbm, dst_hbm, out_hbm, *refs):
    srcv = refs[0:NB]
    dstv = refs[NB:2 * NB]
    rows = refs[2 * NB:3 * NB]
    acc = refs[3 * NB]
    sem_i = refs[3 * NB + 1:3 * NB + 1 + NB]
    sem_s = refs[3 * NB + 1 + NB:3 * NB + 1 + 2 * NB]
    sem_g = refs[3 * NB + 1 + 2 * NB]
    cid = lax.axis_index("c")
    sid = lax.axis_index("s")
    wid = sid * NC + cid

    _fill_rows(rows[0], C, 0.0)

    def zcp(k, _):
        o = pl.multiple_of(sid * ROWS_PS + k * C, 8)
        pltpu.sync_copy(rows[0], acc.at[pl.ds(o, C)])
        return 0
    lax.fori_loop(0, ROWS_PS // C, zcp, 0)
    plsc.subcore_barrier()

    def idx_base(j):
        return pl.multiple_of(wid * EPW + j * C, 8)

    def fetch_idx(j, b):
        base = idx_base(j)
        pltpu.async_copy(src_hbm.at[pl.ds(base, C)], srcv[b], sem_i[b])
        pltpu.async_copy(dst_hbm.at[pl.ds(base, C)], dstv[b], sem_i[b])

    fetch_idx(0, 0)

    def sub_iter(j, b, skip_swait, last):
        nb = (b + 1) % NB
        base = idx_base(j)
        pltpu.make_async_copy(src_hbm.at[pl.ds(base, C)],
                              srcv[b], sem_i[b]).wait()
        pltpu.make_async_copy(dst_hbm.at[pl.ds(base, C)],
                              dstv[b], sem_i[b]).wait()
        gather = pltpu.async_copy(g_hbm.at[srcv[b]], rows[b], sem_g)
        if not skip_swait:
            pltpu.make_async_copy(rows[nb], acc.at[dstv[nb]], sem_s[nb]).wait()
        if not last:
            fetch_idx(j + 1, nb)
        gather.wait()
        pltpu.async_copy(rows[b], acc.at[dstv[b]], sem_s[b], add=True)

    def quad(k, _):
        j0 = k * NB

        @pl.when(k == 0)
        def _():
            for u in range(NB):
                sub_iter(j0 + u, u, u < NB - 1, False)

        @pl.when(k > 0)
        def _():
            for u in range(NB):
                sub_iter(j0 + u, u, False, False)
        return 0
    lax.fori_loop(0, NITER // NB, quad, 0)
    sub_iter(NITER - 1, (NITER - 1) % NB, False, True)
    for j in (NITER - 3, NITER - 2, NITER - 1):
        b = j % NB
        pltpu.make_async_copy(rows[b], acc.at[dstv[b]], sem_s[b]).wait()

    plsc.subcore_barrier()
    off = pl.multiple_of(sid * ROWS_PS, 8)
    pltpu.sync_copy(acc.at[pl.ds(off, ROWS_PS)], out_hbm.at[cid, sid])



@functools.partial(
    pl.kernel,
    out_type=[
        jax.ShapeDtypeStruct((NC, BPAD, D), jnp.float32),
        jax.ShapeDtypeStruct((NC, BPAD, D), jnp.float32),
    ],
    mesh=_sc_mesh,
    scratch_types=[
        pltpu.VMEM((PC,), jnp.int32),
        pltpu.VMEM((PC, D), jnp.float32),
        pltpu.VMEM((PC, D), jnp.float32),
        pltpu.VMEM((BPAD, D), jnp.float32),
        pltpu.VMEM_SHARED((BPAD, D), jnp.float32),
        pltpu.VMEM_SHARED((BPAD, D), jnp.float32),
    ],
)
def _sc_pool(h_hbm, batch_hbm, sums_hbm, cnts_hbm,
             bidx, rows, ones_v, zvs, accs, accc):
    cid = lax.axis_index("c")
    sid = lax.axis_index("s")
    wid = sid * NC + cid

    _fill_rows(ones_v, PC, 1.0)
    _fill_rows(zvs, BPAD, 0.0)

    @pl.when(sid == 0)
    def _():
        pltpu.sync_copy(zvs, accs)
        pltpu.sync_copy(zvs, accc)
    plsc.subcore_barrier()

    def body(i, _):
        base = pl.multiple_of(wid * NPPW + i * PC, 8)
        pltpu.sync_copy(batch_hbm.at[pl.ds(base, PC)], bidx)
        pltpu.sync_copy(h_hbm.at[pl.ds(base, PC)], rows)
        pltpu.sync_copy(rows, accs.at[bidx], add=True)
        pltpu.sync_copy(ones_v, accc.at[bidx], add=True)
        return 0
    lax.fori_loop(0, PITER, body, 0)

    plsc.subcore_barrier()

    @pl.when(sid == 0)
    def _():
        pltpu.sync_copy(accs, sums_hbm.at[cid])
        pltpu.sync_copy(accc, cnts_hbm.at[cid])



def _mm_dinv_body(x_ref, w_ref, d0_ref, d1_ref, g_ref, dinv_ref):
    h = jnp.dot(x_ref[...], w_ref[...], preferred_element_type=jnp.float32)
    deg = d0_ref[...][:, 0:1] + d1_ref[...][:, 0:1] + 1.0
    dinv = lax.rsqrt(deg)[:N]
    dinv_ref[...] = dinv
    g_ref[...] = h * dinv


def _layer_body(a0_ref, a1_ref, g_ref, dinv_ref, b_ref, w_ref, o_ref):
    agg = a0_ref[...][:N] + a1_ref[...][:N] + g_ref[...]
    h = jnp.maximum(dinv_ref[...] * agg + b_ref[...], 0.0)
    o_ref[...] = dinv_ref[...] * jnp.dot(h, w_ref[...],
                                         preferred_element_type=jnp.float32)


def _post_body(a0_ref, a1_ref, g_ref, dinv_ref, b_ref, o_ref):
    agg = a0_ref[...][:N] + a1_ref[...][:N] + g_ref[...]
    h = jnp.maximum(dinv_ref[...] * agg + b_ref[...], 0.0)
    o_ref[0:N, :] = h
    o_ref[N:NPAD, :] = jnp.zeros((NPAD - N, D), jnp.float32)


def _final_body(s0_ref, s1_ref, c0_ref, c1_ref, wl_ref, bl_ref, o_ref):
    s = s0_ref[...][:B] + s1_ref[...][:B]
    c = c0_ref[...][:B, 0:1] + c1_ref[...][:B, 0:1]
    pooled = s / jnp.maximum(c, 1.0)
    o_ref[...] = jnp.dot(pooled, wl_ref[...],
                         preferred_element_type=jnp.float32) + bl_ref[...]


def _tc(body, out_shape, *args):
    return pl.pallas_call(body, out_shape=out_shape)(*args)



def kernel(x, edge_index, batch, W1, b1, W2, b2, Wl, bl):
    src = edge_index[0].astype(jnp.int32)
    dst = edge_index[1].astype(jnp.int32)
    batch = batch.astype(jnp.int32)

    degp = _sc_degree(dst).reshape(NC, NPAD, D)
    g1, dinv = _tc(
        _mm_dinv_body,
        [jax.ShapeDtypeStruct((N, D), jnp.float32),
         jax.ShapeDtypeStruct((N, 1), jnp.float32)],
        x, W1, degp[0], degp[1])

    aggp1 = _sc_agg(g1, src, dst).reshape(NC, NPAD, D)
    g2 = _tc(_layer_body, jax.ShapeDtypeStruct((N, D), jnp.float32),
             aggp1[0], aggp1[1], g1, dinv, b1.reshape(1, D), W2)

    aggp2 = _sc_agg(g2, src, dst).reshape(NC, NPAD, D)
    h2o = _tc(_post_body, jax.ShapeDtypeStruct((NPAD, D), jnp.float32),
              aggp2[0], aggp2[1], g2, dinv, b2.reshape(1, D))

    batch_pad = jnp.concatenate(
        [batch, jnp.full((NPAD - N,), B, jnp.int32)])
    sums, cnts = _sc_pool(h2o, batch_pad)

    out = _tc(_final_body, jax.ShapeDtypeStruct((B, 1), jnp.float32),
              sums[0], sums[1], cnts[0], cnts[1], Wl, bl.reshape(1, 1))
    return out

# --- scband reference (transcript-rebuilt; emitter-appended) ---
"""Pipeline reference for scband-simple-gnn-31224412242409 (READ-ONLY COPY).

The authoritative reference and input builder live on the scoring server;
editing this copy changes nothing except your own understanding.
"""

import jax, jax.numpy as jnp
import numpy as np

N = 10000
E = 320000
D = 128
B = 128

def setup_inputs(seed: int = 0) -> dict:
    key = jax.random.key(seed)
    ks = jax.random.split(key, 8)
    x = jax.random.normal(ks[0], (N, D), dtype=jnp.float32)
    edge_index = jax.random.randint(ks[1], (2, E), 0, N)
    batch = jnp.sort(jax.random.randint(ks[2], (N,), 0, B))
    W1 = jax.random.normal(ks[3], (D, D), dtype=jnp.float32) * 0.05
    b1 = jnp.zeros((D,), dtype=jnp.float32)
    W2 = jax.random.normal(ks[4], (D, D), dtype=jnp.float32) * 0.05
    b2 = jnp.zeros((D,), dtype=jnp.float32)
    Wl = jax.random.normal(ks[5], (D, 1), dtype=jnp.float32) * 0.05
    bl = jnp.zeros((1,), dtype=jnp.float32)
    return {"x": x, "edge_index": edge_index, "batch": batch,
            "W1": W1, "b1": b1, "W2": W2, "b2": b2, "Wl": Wl, "bl": bl}


def _gcn_conv(x, src, dst, W, b, n):
    # GCNConv: add self-loops, symmetric normalization D^-1/2 A_hat D^-1/2 (XW) + b
    loop = jnp.arange(n, dtype=src.dtype)
    s = jnp.concatenate([src, loop])
    d = jnp.concatenate([dst, loop])
    deg = jnp.zeros((n,), x.dtype).at[d].add(1.0)
    dinv = jnp.where(deg > 0, 1.0 / jnp.sqrt(deg), 0.0)
    norm = dinv[s] * dinv[d]
    h = x @ W
    msg = h[s] * norm[:, None]
    out = jnp.zeros((n, W.shape[1]), x.dtype).at[d].add(msg)
    return out + b


def reference(x, edge_index, batch, W1, b1, W2, b2, Wl, bl):
    src, dst = edge_index[0], edge_index[1]
    n = x.shape[0]
    h = jax.nn.relu(_gcn_conv(x, src, dst, W1, b1, n))
    h = jax.nn.relu(_gcn_conv(h, src, dst, W2, b2, n))
    # global_mean_pool over batch ids
    sums = jax.ops.segment_sum(h, batch, num_segments=B)
    cnt = jax.ops.segment_sum(jnp.ones((n, 1), h.dtype), batch, num_segments=B)
    pooled = sums / jnp.maximum(cnt, 1.0)
    return pooled @ Wl + bl

if __name__ == "__main__":
    import jax
    _d = setup_inputs()
    print(jax.jit(kernel)(*tuple(_d.values())))

</pallas_src>

<mosaic_0001>
#map = affine_map<(d0, d1) -> (0, 0)>
#map1 = affine_map<(d0, d1) -> (0)>
#map2 = affine_map<(d0, d1) -> (0, 0, 0, 0)>
module attributes {stable_mosaic.version = 14 : i64} {
  func.func @_sc_agg(%arg0: i32, %arg1: i32, %arg2: memref<10000x128xf32, #tpu.memory_space<hbm>>, %arg3: memref<320000xi32, #tpu.memory_space<hbm>>, %arg4: memref<320000xi32, #tpu.memory_space<hbm>>, %arg5: memref<2x16x640x128xf32, #tpu.memory_space<hbm>>, %arg6: memref<80xi32, #tpu.memory_space<vmem>>, %arg7: memref<80xi32, #tpu.memory_space<vmem>>, %arg8: memref<80xi32, #tpu.memory_space<vmem>>, %arg9: memref<80xi32, #tpu.memory_space<vmem>>, %arg10: memref<80xi32, #tpu.memory_space<vmem>>, %arg11: memref<80xi32, #tpu.memory_space<vmem>>, %arg12: memref<80xi32, #tpu.memory_space<vmem>>, %arg13: memref<80xi32, #tpu.memory_space<vmem>>, %arg14: memref<80x128xf32, #tpu.memory_space<vmem>>, %arg15: memref<80x128xf32, #tpu.memory_space<vmem>>, %arg16: memref<80x128xf32, #tpu.memory_space<vmem>>, %arg17: memref<80x128xf32, #tpu.memory_space<vmem>>, %arg18: memref<10240x128xf32, #tpu.memory_space<vmem_shared>>, %arg19: memref<!tpu.dma_semaphore, #tpu.memory_space<semaphore_mem>>, %arg20: memref<!tpu.dma_semaphore, #tpu.memory_space<semaphore_mem>>, %arg21: memref<!tpu.dma_semaphore, #tpu.memory_space<semaphore_mem>>, %arg22: memref<!tpu.dma_semaphore, #tpu.memory_space<semaphore_mem>>, %arg23: memref<!tpu.dma_semaphore, #tpu.memory_space<semaphore_mem>>, %arg24: memref<!tpu.dma_semaphore, #tpu.memory_space<semaphore_mem>>, %arg25: memref<!tpu.dma_semaphore, #tpu.memory_space<semaphore_mem>>, %arg26: memref<!tpu.dma_semaphore, #tpu.memory_space<semaphore_mem>>, %arg27: memref<!tpu.dma_semaphore, #tpu.memory_space<semaphore_mem>>) attributes {dimension_semantics = [#tpu.dimension_semantics<core_parallel>, #tpu.dimension_semantics<subcore_parallel>], iteration_bounds = array<i64: 2, 16>, scalar_prefetch = 0 : i64, scratch_operands = 22 : i64, tpu.core_type = #tpu.core_type<sc_vector_subcore>, window_params = [{transform_indices = #map}, {transform_indices = #map1}, {transform_indices = #map1}, {transform_indices = #map2}]} {
    %mul3A = arith.constant 2 : i32
    %mul3A_0 = arith.muli %arg1, %mul3A : i32
    %add3A = arith.addi %mul3A_0, %arg0 : i32
    %scan3A = arith.constant 0 : i32
    %scan3A_1 = arith.constant 0 : i32
    %scan3A_2 = arith.constant 80 : i32
    %scan3A_3 = arith.addi %scan3A_1, %scan3A_2 : i32
    %scan3A_4 = arith.constant 1 : i32
    %scan3A_5 = scf.for %scan3A_61 = %scan3A_1 to %scan3A_3 step %scan3A_4 iter_args(%scan3A_62 = %scan3A) -> (i32)  : i32 {
      %scan3A_63 = arith.constant 0 : i32
      %scan3A_64 = arith.constant 0 : i32
      %scan3A_65 = arith.constant 8 : i32
      %scan3A_66 = arith.addi %scan3A_64, %scan3A_65 : i32
      %scan3A_67 = arith.constant 1 : i32
      %scan3A_68 = scf.for %scan3A_71 = %scan3A_64 to %scan3A_66 step %scan3A_67 iter_args(%scan3A_72 = %scan3A_63) -> (i32)  : i32 {
        %broadcast_in_dim3A = arith.constant 0.000000e+00 : f32
        %broadcast_in_dim3A_73 = vector.broadcast %broadcast_in_dim3A : f32 to vector<16xf32>
        %mul3A_74 = arith.constant 16 : i32
        %mul3A_75 = arith.muli %scan3A_71, %mul3A_74 : i32
        %swap3A = arith.index_cast %scan3A_61 : i32 to index
        %swap3A_76 = arith.index_cast %mul3A_75 : i32 to index
        %swap3A_77 = tpu.vector_load %arg14[%swap3A, %swap3A_76] {strides = array<i32>} : memref<80x128xf32, #tpu.memory_space<vmem>>, vector<1x16xf32>,
        %swap3A_78 = vector.shape_cast %swap3A_77 : vector<1x16xf32> to vector<16xf32>
        %swap3A_79 = vector.shape_cast %broadcast_in_dim3A_73 : vector<16xf32> to vector<1x16xf32>
        tpu.vector_store %arg14[%swap3A, %swap3A_76], %swap3A_79 {strides = array<i32>} : memref<80x128xf32, #tpu.memory_space<vmem>>, vector<1x16xf32>,
        %scan3A_80 = arith.constant 0 : i32
        scf.yield %scan3A_80 : i32
      }
      %scan3A_69 = arith.constant 8 : i32
      %scan3A_70 = arith.constant 0 : i32
      scf.yield %scan3A_70 : i32
    }
    %scan3A_6 = arith.constant 80 : i32
    %scan3A_7 = arith.constant 0 : i32
    %scan3A_8 = arith.constant 0 : i32
    %scan3A_9 = arith.constant 8 : i32
    %scan3A_10 = arith.addi %scan3A_8, %scan3A_9 : i32
    %scan3A_11 = arith.constant 1 : i32
    %scan3A_12 = scf.for %scan3A_61 = %scan3A_8 to %scan3A_10 step %scan3A_11 iter_args(%scan3A_62 = %scan3A_7) -> (i32)  : i32 {
      %mul3A_63 = arith.constant 640 : i32
      %mul3A_64 = arith.muli %arg1, %mul3A_63 : i32
      %mul3A_65 = arith.constant 80 : i32
      %mul3A_66 = arith.muli %scan3A_61, %mul3A_65 : i32
      %add3A_67 = arith.addi %mul3A_64, %mul3A_66 : i32
      %multiple_of3A_68 = tpu.assume_multiple %add3A_67, 8 : i32
      "tpu.region"() ({
        %run_scoped3A = tpu.sem_alloc : memref<!tpu.dma_semaphore, #tpu.memory_space<semaphore_mem>>
        %dma_start3A_70 = arith.constant 0 : i32
        %dma_start3A_71 = tpu.memref_slice %arg18[%multiple_of3A_68, %dma_start3A_70] : memref<10240x128xf32, #tpu.memory_space<vmem_shared>> -> memref<80x128xf32, #tpu.memory_space<vmem_shared>>
        %dma_start3A_72 = arith.constant 0 : i32
        %dma_start3A_73 = tpu.memref_slice %arg18[%multiple_of3A_68, %dma_start3A_72] : memref<10240x128xf32, #tpu.memory_space<vmem_shared>> -> memref<80x128xf32, #tpu.memory_space<vmem_shared>>
        tpu.enqueue_dma source(%arg14 : memref<80x128xf32, #tpu.memory_space<vmem>>) target(%dma_start3A_73 : memref<80x128xf32, #tpu.memory_space<vmem_shared>>) target_semaphore(%run_scoped3A : memref<!tpu.dma_semaphore, #tpu.memory_space<semaphore_mem>>)
        %dma_wait3A_74 = arith.constant 0 : i32
        %dma_wait3A_75 = tpu.memref_slice %arg18[%multiple_of3A_68, %dma_wait3A_74] : memref<10240x128xf32, #tpu.memory_space<vmem_shared>> -> memref<80x128xf32, #tpu.memory_space<vmem_shared>>
        %dma_wait3A_76 = arith.constant 0 : i32
        %dma_wait3A_77 = tpu.memref_slice %arg18[%multiple_of3A_68, %dma_wait3A_76] : memref<10240x128xf32, #tpu.memory_space<vmem_shared>> -> memref<80x128xf32, #tpu.memory_space<vmem_shared>>
        tpu.wait_dma2 semaphore(%run_scoped3A : memref<!tpu.dma_semaphore, #tpu.memory_space<semaphore_mem>>) src(%arg14 : memref<80x128xf32, #tpu.memory_space<vmem>>) dst(%dma_wait3A_77 : memref<80x128xf32, #tpu.memory_space<vmem_shared>>)
        tpu.yield
      }) : () -> ()
      %scan3A_69 = arith.constant 0 : i32
      scf.yield %scan3A_69 : i32
    }
    %scan3A_13 = arith.constant 8 : i32
    %barrier3A = arith.constant 0 : index
    tpu.barrier barrier_id(%barrier3A)
    %mul3A_14 = arith.constant 10000 : i32
    %mul3A_15 = arith.muli %add3A, %mul3A_14 : i32
    %add3A_16 = arith.constant 0 : i32
    %add3A_17 = arith.addi %mul3A_15, %add3A_16 : i32
    %multiple_of3A = tpu.assume_multiple %add3A_17, 8 : i32
    %dma_start3A = tpu.memref_slice %arg3[%multiple_of3A] : memref<320000xi32, #tpu.memory_space<hbm>> -> memref<80xi32, #tpu.memory_space<hbm>>
    %dma_start3A_18 = tpu.memref_slice %arg3[%multiple_of3A] : memref<320000xi32, #tpu.memory_space<hbm>> -> memref<80xi32, #tpu.memory_space<hbm>>
    tpu.enqueue_dma source(%dma_start3A_18 : memref<80xi32, #tpu.memory_space<hbm>>) target(%arg6 : memref<80xi32, #tpu.memory_space<vmem>>) target_semaphore(%arg19 : memref<!tpu.dma_semaphore, #tpu.memory_space<semaphore_mem>>)
    %dma_start3A_19 = tpu.memref_slice %arg4[%multiple_of3A] : memref<320000xi32, #tpu.memory_space<hbm>> -> memref<80xi32, #tpu.memory_space<hbm>>
    %dma_start3A_20 = tpu.memref_slice %arg4[%multiple_of3A] : memref<320000xi32, #tpu.memory_space<hbm>> -> memref<80xi32, #tpu.memory_space<hbm>>
    tpu.enqueue_dma source(%dma_start3A_20 : memref<80xi32, #tpu.memory_space<hbm>>) target(%arg10 : memref<80xi32, #tpu.memory_space<vmem>>) target_semaphore(%arg19 : memref<!tpu.dma_semaphore, #tpu.memory_space<semaphore_mem>>)
    %scan3A_21 = arith.constant 0 : i32
    %scan3A_22 = arith.constant 0 : i32
    %scan3A_23 = arith.constant 31 : i32
    %scan3A_24 = arith.addi %scan3A_22, %scan3A_23 : i32
    %scan3A_25 = arith.constant 1 : i32
    %scan3A_26 = scf.for %scan3A_61 = %scan3A_22 to %scan3A_24 step %scan3A_25 iter_args(%scan3A_62 = %scan3A_21) -> (i32)  : i32 {
      %mul3A_63 = arith.constant 4 : i32
      %mul3A_64 = arith.muli %scan3A_61, %mul3A_63 : i32
      %eq3A = arith.constant 0 : i32
      %eq3A_65 = arith.cmpi eq, %scan3A_61, %eq3A : i32
      %convert_element_type3A = arith.extui %eq3A_65 : i1 to i32
      %cond3A = arith.constant 0 : i32
      %cond3A_66 = arith.cmpi ne, %convert_element_type3A, %cond3A : i32
      scf.if %cond3A_66 {
        %add3A_72 = arith.constant 0 : i32
        %add3A_73 = arith.addi %mul3A_64, %add3A_72 : i32
        %mul3A_74 = arith.constant 10000 : i32
        %mul3A_75 = arith.muli %add3A, %mul3A_74 : i32
        %mul3A_76 = arith.constant 80 : i32
        %mul3A_77 = arith.muli %add3A_73, %mul3A_76 : i32
        %add3A_78 = arith.addi %mul3A_75, %mul3A_77 : i32
        %multiple_of3A_79 = tpu.assume_multiple %add3A_78, 8 : i32
        %dma_wait3A_80 = tpu.memref_slice %arg3[%multiple_of3A_79] : memref<320000xi32, #tpu.memory_space<hbm>> -> memref<80xi32, #tpu.memory_space<hbm>>
        %dma_wait3A_81 = tpu.memref_slice %arg3[%multiple_of3A_79] : memref<320000xi32, #tpu.memory_space<hbm>> -> memref<80xi32, #tpu.memory_space<hbm>>
        tpu.wait_dma2 semaphore(%arg19 : memref<!tpu.dma_semaphore, #tpu.memory_space<semaphore_mem>>) src(%dma_wait3A_81 : memref<80xi32, #tpu.memory_space<hbm>>) dst(%arg6 : memref<80xi32, #tpu.memory_space<vmem>>)
        %dma_wait3A_82 = tpu.memref_slice %arg4[%multiple_of3A_79] : memref<320000xi32, #tpu.memory_space<hbm>> -> memref<80xi32, #tpu.memory_space<hbm>>
        %dma_wait3A_83 = tpu.memref_slice %arg4[%multiple_of3A_79] : memref<320000xi32, #tpu.memory_space<hbm>> -> memref<80xi32, #tpu.memory_space<hbm>>
        tpu.wait_dma2 semaphore(%arg19 : memref<!tpu.dma_semaphore, #tpu.memory_space<semaphore_mem>>) src(%dma_wait3A_83 : memref<80xi32, #tpu.memory_space<hbm>>) dst(%arg10 : memref<80xi32, #tpu.memory_space<vmem>>)
        %dma_start3A_84 = arith.constant 0 : i32
        %dma_start3A_85 = arith.constant 0 : i32
        %dma_start3A_86 = tpu.memref_slice %arg2[%dma_start3A_84, %dma_start3A_85] : memref<10000x128xf32, #tpu.memory_space<hbm>> -> memref<10000x128xf32, #tpu.memory_space<hbm>>
        tpu.enqueue_indirect_dma source(%dma_start3A_86 : memref<10000x128xf32, #tpu.memory_space<hbm>>) target(%arg14 : memref<80x128xf32, #tpu.memory_space<vmem>>) offsets(%arg6 : memref<80xi32, #tpu.memory_space<vmem>>) semaphore(%arg27 : memref<!tpu.dma_semaphore, #tpu.memory_space<semaphore_mem>>)
        %add3A_87 = arith.constant 1 : i32
        %add3A_88 = arith.addi %add3A_73, %add3A_87 : i32
        %mul3A_89 = arith.constant 10000 : i32
        %mul3A_90 = arith.muli %add3A, %mul3A_89 : i32
        %mul3A_91 = arith.constant 80 : i32
        %mul3A_92 = arith.muli %add3A_88, %mul3A_91 : i32
        %add3A_93 = arith.addi %mul3A_90, %mul3A_92 : i32
        %multiple_of3A_94 = tpu.assume_multiple %add3A_93, 8 : i32
        %dma_start3A_95 = tpu.memref_slice %arg3[%multiple_of3A_94] : memref<320000xi32, #tpu.memory_space<hbm>> -> memref<80xi32, #tpu.memory_space<hbm>>
        %dma_start3A_96 = tpu.memref_slice %arg3[%multiple_of3A_94] : memref<320000xi32, #tpu.memory_space<hbm>> -> memref<80xi32, #tpu.memory_space<hbm>>
        tpu.enqueue_dma source(%dma_start3A_96 : memref<80xi32, #tpu.memory_space<hbm>>) target(%arg7 : memref<80xi32, #tpu.memory_space<vmem>>) target_semaphore(%arg20 : memref<!tpu.dma_semaphore, #tpu.memory_space<semaphore_mem>>)
        %dma_start3A_97 = tpu.memref_slice %arg4[%multiple_of3A_94] : memref<320000xi32, #tpu.memory_space<hbm>> -> memref<80xi32, #tpu.memory_space<hbm>>
        %dma_start3A_98 = tpu.memref_slice %arg4[%multiple_of3A_94] : memref<320000xi32, #tpu.memory_space<hbm>> -> memref<80xi32, #tpu.memory_space<hbm>>
        tpu.enqueue_dma source(%dma_start3A_98 : memref<80xi32, #tpu.memory_space<hbm>>) target(%arg11 : memref<80xi32, #tpu.memory_space<vmem>>) target_semaphore(%arg20 : memref<!tpu.dma_semaphore, #tpu.memory_space<semaphore_mem>>)
        %dma_wait3A_99 = arith.constant 0 : i32
        %dma_wait3A_100 = arith.constant 0 : i32
        %dma_wait3A_101 = tpu.memref_slice %arg2[%dma_wait3A_99, %dma_wait3A_100] : memref<10000x128xf32, #tpu.memory_space<hbm>> -> memref<10000x128xf32, #tpu.memory_space<hbm>>
        tpu.wait_indirect_dma semaphore(%arg27 : memref<!tpu.dma_semaphore, #tpu.memory_space<semaphore_mem>>) src(%dma_wait3A_101 : memref<10000x128xf32, #tpu.memory_space<hbm>>) dst(%arg14 : memref<80x128xf32, #tpu.memory_space<vmem>>)
        %dma_start3A_102 = arith.constant 0 : i32
        %dma_start3A_103 = arith.constant 0 : i32
        %dma_start3A_104 = tpu.memref_slice %arg18[%dma_start3A_102, %dma_start3A_103] : memref<10240x128xf32, #tpu.memory_space<vmem_shared>> -> memref<10240x128xf32, #tpu.memory_space<vmem_shared>>
        tpu.enqueue_indirect_dma source(%arg14 : memref<80x128xf32, #tpu.memory_space<vmem>>) target(%dma_start3A_104 : memref<10240x128xf32, #tpu.memory_space<vmem_shared>>) offsets(%arg10 : memref<80xi32, #tpu.memory_space<vmem>>) semaphore(%arg23 : memref<!tpu.dma_semaphore, #tpu.memory_space<semaphore_mem>>) {add = true}
        %add3A_105 = arith.constant 1 : i32
        %add3A_106 = arith.addi %mul3A_64, %add3A_105 : i32
        %mul3A_107 = arith.constant 10000 : i32
        %mul3A_108 = arith.muli %add3A, %mul3A_107 : i32
        %mul3A_109 = arith.constant 80 : i32
        %mul3A_110 = arith.muli %add3A_106, %mul3A_109 : i32
        %add3A_111 = arith.addi %mul3A_108, %mul3A_110 : i32
        %multiple_of3A_112 = tpu.assume_multiple %add3A_111, 8 : i32
        %dma_wait3A_113 = tpu.memref_slice %arg3[%multiple_of3A_112] : memref<320000xi32, #tpu.memory_space<hbm>> -> memref<80xi32, #tpu.memory_space<hbm>>
        %dma_wait3A_114 = tpu.memref_slice %arg3[%multiple_of3A_112] : memref<320000xi32, #tpu.memory_space<hbm>> -> memref<80xi32, #tpu.memory_space<hbm>>
        tpu.wait_dma2 semaphore(%arg20 : memref<!tpu.dma_semaphore, #tpu.memory_space<semaphore_mem>>) src(%dma_wait3A_114 : memref<80xi32, #tpu.memory_space<hbm>>) dst(%arg7 : memref<80xi32, #tpu.memory_space<vmem>>)
        %dma_wait3A_115 = tpu.memref_slice %arg4[%multiple_of3A_112] : memref<320000xi32, #tpu.memory_space<hbm>> -> memref<80xi32, #tpu.memory_space<hbm>>
        %dma_wait3A_116 = tpu.memref_slice %arg4[%multiple_of3A_112] : memref<320000xi32, #tpu.memory_space<hbm>> -> memref<80xi32, #tpu.memory_space<hbm>>
        tpu.wait_dma2 semaphore(%arg20 : memref<!tpu.dma_semaphore, #tpu.memory_space<semaphore_mem>>) src(%dma_wait3A_116 : memref<80xi32, #tpu.memory_space<hbm>>) dst(%arg11 : memref<80xi32, #tpu.memory_space<vmem>>)
        %dma_start3A_117 = arith.constant 0 : i32
        %dma_start3A_118 = arith.constant 0 : i32
        %dma_start3A_119 = tpu.memref_slice %arg2[%dma_start3A_117, %dma_start3A_118] : memref<10000x128xf32, #tpu.memory_space<hbm>> -> memref<10000x128xf32, #tpu.memory_space<hbm>>
        tpu.enqueue_indirect_dma source(%dma_start3A_119 : memref<10000x128xf32, #tpu.memory_space<hbm>>) target(%arg15 : memref<80x128xf32, #tpu.memory_space<vmem>>) offsets(%arg7 : memref<80xi32, #tpu.memory_space<vmem>>) semaphore(%arg27 : memref<!tpu.dma_semaphore, #tpu.memory_space<semaphore_mem>>)
        %add3A_120 = arith.constant 1 : i32
        %add3A_121 = arith.addi %add3A_106, %add3A_120 : i32
        %mul3A_122 = arith.constant 10000 : i32
        %mul3A_123 = arith.muli %add3A, %mul3A_122 : i32
        %mul3A_124 = arith.constant 80 : i32
        %mul3A_125 = arith.muli %add3A_121, %mul3A_124 : i32
        %add3A_126 = arith.addi %mul3A_123, %mul3A_125 : i32
        %multiple_of3A_127 = tpu.assume_multiple %add3A_126, 8 : i32
        %dma_start3A_128 = tpu.memref_slice %arg3[%multiple_of3A_127] : memref<320000xi32, #tpu.memory_space<hbm>> -> memref<80xi32, #tpu.memory_space<hbm>>
        %dma_start3A_129 = tpu.memref_slice %arg3[%multiple_of3A_127] : memref<320000xi32, #tpu.memory_space<hbm>> -> memref<80xi32, #tpu.memory_space<hbm>>
        tpu.enqueue_dma source(%dma_start3A_129 : memref<80xi32, #tpu.memory_space<hbm>>) target(%arg8 : memref<80xi32, #tpu.memory_space<vmem>>) target_semaphore(%arg21 : memref<!tpu.dma_semaphore, #tpu.memory_space<semaphore_mem>>)
        %dma_start3A_130 = tpu.memref_slice %arg4[%multiple_of3A_127] : memref<320000xi32, #tpu.memory_space<hbm>> -> memref<80xi32, #tpu.memory_space<hbm>>
        %dma_start3A_131 = tpu.memref_slice %arg4[%multiple_of3A_127] : memref<320000xi32, #tpu.memory_space<hbm>> -> memref<80xi32, #tpu.memory_space<hbm>>
        tpu.enqueue_dma source(%dma_start3A_131 : memref<80xi32, #tpu.memory_space<hbm>>) target(%arg12 : memref<80xi32, #tpu.memory_space<vmem>>) target_semaphore(%arg21 : memref<!tpu.dma_semaphore, #tpu.memory_space<semaphore_mem>>)
        %dma_wait3A_132 = arith.constant 0 : i32
        %dma_wait3A_133 = arith.constant 0 : i32
        %dma_wait3A_134 = tpu.memref_slice %arg2[%dma_wait3A_132, %dma_wait3A_133] : memref<10000x128xf32, #tpu.memory_space<hbm>> -> memref<10000x128xf32, #tpu.memory_space<hbm>>
        tpu.wait_indirect_dma semaphore(%arg27 : memref<!tpu.dma_semaphore, #tpu.memory_space<semaphore_mem>>) src(%dma_wait3A_134 : memref<10000x128xf32, #tpu.memory_space<hbm>>) dst(%arg15 : memref<80x128xf32, #tpu.memory_space<vmem>>)
        %dma_start3A_135 = arith.constant 0 : i32
        %dma_start3A_136 = arith.constant 0 : i32
        %dma_start3A_137 = tpu.memref_slice %arg18[%dma_start3A_135, %dma_start3A_136] : memref<10240x128xf32, #tpu.memory_space<vmem_shared>> -> memref<10240x128xf32, #tpu.memory_space<vmem_shared>>
        tpu.enqueue_indirect_dma source(%arg15 : memref<80x128xf32, #tpu.memory_space<vmem>>) target(%dma_start3A_137 : memref<10240x128xf32, #tpu.memory_space<vmem_shared>>) offsets(%arg11 : memref<80xi32, #tpu.memory_space<vmem>>) semaphore(%arg24 : memref<!tpu.dma_semaphore, #tpu.memory_space<semaphore_mem>>) {add = true}
        %add3A_138 = arith.constant 2 : i32
        %add3A_139 = arith.addi %mul3A_64, %add3A_138 : i32
        %mul3A_140 = arith.constant 10000 : i32
        %mul3A_141 = arith.muli %add3A, %mul3A_140 : i32
        %mul3A_142 = arith.constant 80 : i32
        %mul3A_143 = arith.muli %add3A_139, %mul3A_142 : i32
        %add3A_144 = arith.addi %mul3A_141, %mul3A_143 : i32
        %multiple_of3A_145 = tpu.assume_multiple %add3A_144, 8 : i32
        %dma_wait3A_146 = tpu.memref_slice %arg3[%multiple_of3A_145] : memref<320000xi32, #tpu.memory_space<hbm>> -> memref<80xi32, #tpu.memory_space<hbm>>
        %dma_wait3A_147 = tpu.memref_slice %arg3[%multiple_of3A_145] : memref<320000xi32, #tpu.memory_space<hbm>> -> memref<80xi32, #tpu.memory_space<hbm>>
        tpu.wait_dma2 semaphore(%arg21 : memref<!tpu.dma_semaphore, #tpu.memory_space<semaphore_mem>>) src(%dma_wait3A_147 : memref<80xi32, #tpu.memory_space<hbm>>) dst(%arg8 : memref<80xi32, #tpu.memory_space<vmem>>)
        %dma_wait3A_148 = tpu.memref_slice %arg4[%multiple_of3A_145] : memref<320000xi32, #tpu.memory_space<hbm>> -> memref<80xi32, #tpu.memory_space<hbm>>
        %dma_wait3A_149 = tpu.memref_slice %arg4[%multiple_of3A_145] : memref<320000xi32, #tpu.memory_space<hbm>> -> memref<80xi32, #tpu.memory_space<hbm>>
        tpu.wait_dma2 semaphore(%arg21 : memref<!tpu.dma_semaphore, #tpu.memory_space<semaphore_mem>>) src(%dma_wait3A_149 : memref<80xi32, #tpu.memory_space<hbm>>) dst(%arg12 : memref<80xi32, #tpu.memory_space<vmem>>)
        %dma_start3A_150 = arith.constant 0 : i32
        %dma_start3A_151 = arith.constant 0 : i32
        %dma_start3A_152 = tpu.memref_slice %arg2[%dma_start3A_150, %dma_start3A_151] : memref<10000x128xf32, #tpu.memory_space<hbm>> -> memref<10000x128xf32, #tpu.memory_space<hbm>>
        tpu.enqueue_indirect_dma source(%dma_start3A_152 : memref<10000x128xf32, #tpu.memory_space<hbm>>) target(%arg16 : memref<80x128xf32, #tpu.memory_space<vmem>>) offsets(%arg8 : memref<80xi32, #tpu.memory_space<vmem>>) semaphore(%arg27 : memref<!tpu.dma_semaphore, #tpu.memory_space<semaphore_mem>>)
        %add3A_153 = arith.constant 1 : i32
        %add3A_154 = arith.addi %add3A_139, %add3A_153 : i32
        %mul3A_155 = arith.constant 10000 : i32
        %mul3A_156 = arith.muli %add3A, %mul3A_155 : i32
        %mul3A_157 = arith.constant 80 : i32
        %mul3A_158 = arith.muli %add3A_154, %mul3A_157 : i32
        %add3A_159 = arith.addi %mul3A_156, %mul3A_158 : i32
        %multiple_of3A_160 = tpu.assume_multiple %add3A_159, 8 : i32
        %dma_start3A_161 = tpu.memref_slice %arg3[%multiple_of3A_160] : memref<320000xi32, #tpu.memory_space<hbm>> -> memref<80xi32, #tpu.memory_space<hbm>>
        %dma_start3A_162 = tpu.memref_slice %arg3[%multiple_of3A_160] : memref<320000xi32, #tpu.memory_space<hbm>> -> memref<80xi32, #tpu.memory_space<hbm>>
        tpu.enqueue_dma source(%dma_start3A_162 : memref<80xi32, #tpu.memory_space<hbm>>) target(%arg9 : memref<80xi32, #tpu.memory_space<vmem>>) target_semaphore(%arg22 : memref<!tpu.dma_semaphore, #tpu.memory_space<semaphore_mem>>)
        %dma_start3A_163 = tpu.memref_slice %arg4[%multiple_of3A_160] : memref<320000xi32, #tpu.memory_space<hbm>> -> memref<80xi32, #tpu.memory_space<hbm>>
        %dma_start3A_164 = tpu.memref_slice %arg4[%multiple_of3A_160] : memref<320000xi32, #tpu.memory_space<hbm>> -> memref<80xi32, #tpu.memory_space<hbm>>
        tpu.enqueue_dma source(%dma_start3A_164 : memref<80xi32, #tpu.memory_space<hbm>>) target(%arg13 : memref<80xi32, #tpu.memory_space<vmem>>) target_semaphore(%arg22 : memref<!tpu.dma_semaphore, #tpu.memory_space<semaphore_mem>>)
        %dma_wait3A_165 = arith.constant 0 : i32
        %dma_wait3A_166 = arith.constant 0 : i32
        %dma_wait3A_167 = tpu.memref_slice %arg2[%dma_wait3A_165, %dma_wait3A_166] : memref<10000x128xf32, #tpu.memory_space<hbm>> -> memref<10000x128xf32, #tpu.memory_space<hbm>>
        tpu.wait_indirect_dma semaphore(%arg27 : memref<!tpu.dma_semaphore, #tpu.memory_space<semaphore_mem>>) src(%dma_wait3A_167 : memref<10000x128xf32, #tpu.memory_space<hbm>>) dst(%arg16 : memref<80x128xf32, #tpu.memory_space<vmem>>)
        %dma_start3A_168 = arith.constant 0 : i32
        %dma_start3A_169 = arith.constant 0 : i32
        %dma_start3A_170 = tpu.memref_slice %arg18[%dma_start3A_168, %dma_start3A_169] : memref<10240x128xf32, #tpu.memory_space<vmem_shared>> -> memref<10240x128xf32, #tpu.memory_space<vmem_shared>>
        tpu.enqueue_indirect_dma source(%arg16 : memref<80x128xf32, #tpu.memory_space<vmem>>) target(%dma_start3A_170 : memref<10240x128xf32, #tpu.memory_space<vmem_shared>>) offsets(%arg12 : memref<80xi32, #tpu.memory_space<vmem>>) semaphore(%arg25 : memref<!tpu.dma_semaphore, #tpu.memory_space<semaphore_mem>>) {add = true}
        %add3A_171 = arith.constant 3 : i32
        %add3A_172 = arith.addi %mul3A_64, %add3A_171 : i32
        %mul3A_173 = arith.constant 10000 : i32
        %mul3A_174 = arith.muli %add3A, %mul3A_173 : i32
        %mul3A_175 = arith.constant 80 : i32
        %mul3A_176 = arith.muli %add3A_172, %mul3A_175 : i32
        %add3A_177 = arith.addi %mul3A_174, %mul3A_176 : i32
        %multiple_of3A_178 = tpu.assume_multiple %add3A_177, 8 : i32
        %dma_wait3A_179 = tpu.memref_slice %arg3[%multiple_of3A_178] : memref<320000xi32, #tpu.memory_space<hbm>> -> memref<80xi32, #tpu.memory_space<hbm>>
        %dma_wait3A_180 = tpu.memref_slice %arg3[%multiple_of3A_178] : memref<320000xi32, #tpu.memory_space<hbm>> -> memref<80xi32, #tpu.memory_space<hbm>>
        tpu.wait_dma2 semaphore(%arg22 : memref<!tpu.dma_semaphore, #tpu.memory_space<semaphore_mem>>) src(%dma_wait3A_180 : memref<80xi32, #tpu.memory_space<hbm>>) dst(%arg9 : memref<80xi32, #tpu.memory_space<vmem>>)
        %dma_wait3A_181 = tpu.memref_slice %arg4[%multiple_of3A_178] : memref<320000xi32, #tpu.memory_space<hbm>> -> memref<80xi32, #tpu.memory_space<hbm>>
        %dma_wait3A_182 = tpu.memref_slice %arg4[%multiple_of3A_178] : memref<320000xi32, #tpu.memory_space<hbm>> -> memref<80xi32, #tpu.memory_space<hbm>>
        tpu.wait_dma2 semaphore(%arg22 : memref<!tpu.dma_semaphore, #tpu.memory_space<semaphore_mem>>) src(%dma_wait3A_182 : memref<80xi32, #tpu.memory_space<hbm>>) dst(%arg13 : memref<80xi32, #tpu.memory_space<vmem>>)
        %dma_start3A_183 = arith.constant 0 : i32
        %dma_start3A_184 = arith.constant 0 : i32
        %dma_start3A_185 = tpu.memref_slice %arg2[%dma_start3A_183, %dma_start3A_184] : memref<10000x128xf32, #tpu.memory_space<hbm>> -> memref<10000x128xf32, #tpu.memory_space<hbm>>
        tpu.enqueue_indirect_dma source(%dma_start3A_185 : memref<10000x128xf32, #tpu.memory_space<hbm>>) target(%arg17 : memref<80x128xf32, #tpu.memory_space<vmem>>) offsets(%arg9 : memref<80xi32, #tpu.memory_space<vmem>>) semaphore(%arg27 : memref<!tpu.dma_semaphore, #tpu.memory_space<semaphore_mem>>)
        %dma_wait3A_186 = arith.constant 0 : i32
        %dma_wait3A_187 = arith.constant 0 : i32
        %dma_wait3A_188 = tpu.memref_slice %arg18[%dma_wait3A_186, %dma_wait3A_187] : memref<10240x128xf32, #tpu.memory_space<vmem_shared>> -> memref<10240x128xf32, #tpu.memory_space<vmem_shared>>
        tpu.wait_indirect_dma semaphore(%arg23 : memref<!tpu.dma_semaphore, #tpu.memory_space<semaphore_mem>>) src(%arg14 : memref<80x128xf32, #tpu.memory_space<vmem>>) dst(%dma_wait3A_188 : memref<10240x128xf32, #tpu.memory_space<vmem_shared>>)
        %add3A_189 = arith.constant 1 : i32
        %add3A_190 = arith.addi %add3A_172, %add3A_189 : i32
        %mul3A_191 = arith.constant 10000 : i32
        %mul3A_192 = arith.muli %add3A, %mul3A_191 : i32
        %mul3A_193 = arith.constant 80 : i32
        %mul3A_194 = arith.muli %add3A_190, %mul3A_193 : i32
        %add3A_195 = arith.addi %mul3A_192, %mul3A_194 : i32
        %multiple_of3A_196 = tpu.assume_multiple %add3A_195, 8 : i32
        %dma_start3A_197 = tpu.memref_slice %arg3[%multiple_of3A_196] : memref<320000xi32, #tpu.memory_space<hbm>> -> memref<80xi32, #tpu.memory_space<hbm>>
        %dma_start3A_198 = tpu.memref_slice %arg3[%multiple_of3A_196] : memref<320000xi32, #tpu.memory_space<hbm>> -> memref<80xi32, #tpu.memory_space<hbm>>
        tpu.enqueue_dma source(%dma_start3A_198 : memref<80xi32, #tpu.memory_space<hbm>>) target(%arg6 : memref<80xi32, #tpu.memory_space<vmem>>) target_semaphore(%arg19 : memref<!tpu.dma_semaphore, #tpu.memory_space<semaphore_mem>>)
        %dma_start3A_199 = tpu.memref_slice %arg4[%multiple_of3A_196] : memref<320000xi32, #tpu.memory_space<hbm>> -> memref<80xi32, #tpu.memory_space<hbm>>
        %dma_start3A_200 = tpu.memref_slice %arg4[%multiple_of3A_196] : memref<320000xi32, #tpu.memory_space<hbm>> -> memref<80xi32, #tpu.memory_space<hbm>>
        tpu.enqueue_dma source(%dma_start3A_200 : memref<80xi32, #tpu.memory_space<hbm>>) target(%arg10 : memref<80xi32, #tpu.memory_space<vmem>>) target_semaphore(%arg19 : memref<!tpu.dma_semaphore, #tpu.memory_space<semaphore_mem>>)
        %dma_wait3A_201 = arith.constant 0 : i32
        %dma_wait3A_202 = arith.constant 0 : i32
        %dma_wait3A_203 = tpu.memref_slice %arg2[%dma_wait3A_201, %dma_wait3A_202] : memref<10000x128xf32, #tpu.memory_space<hbm>> -> memref<10000x128xf32, #tpu.memory_space<hbm>>
        tpu.wait_indirect_dma semaphore(%arg27 : memref<!tpu.dma_semaphore, #tpu.memory_space<semaphore_mem>>) src(%dma_wait3A_203 : memref<10000x128xf32, #tpu.memory_space<hbm>>) dst(%arg17 : memref<80x128xf32, #tpu.memory_space<vmem>>)
        %dma_start3A_204 = arith.constant 0 : i32
        %dma_start3A_205 = arith.constant 0 : i32
        %dma_start3A_206 = tpu.memref_slice %arg18[%dma_start3A_204, %dma_start3A_205] : memref<10240x128xf32, #tpu.memory_space<vmem_shared>> -> memref<10240x128xf32, #tpu.memory_space<vmem_shared>>
        tpu.enqueue_indirect_dma source(%arg17 : memref<80x128xf32, #tpu.memory_space<vmem>>) target(%dma_start3A_206 : memref<10240x128xf32, #tpu.memory_space<vmem_shared>>) offsets(%arg13 : memref<80xi32, #tpu.memory_space<vmem>>) semaphore(%arg26 : memref<!tpu.dma_semaphore, #tpu.memory_space<semaphore_mem>>) {add = true}
      } else {
      }
      %gt3A = arith.constant 0 : i32
      %gt3A_67 = arith.cmpi sgt, %scan3A_61, %gt3A : i32
      %convert_element_type3A_68 = arith.extui %gt3A_67 : i1 to i32
      %cond3A_69 = arith.constant 0 : i32
      %cond3A_70 = arith.cmpi ne, %convert_element_type3A_68, %cond3A_69 : i32
      scf.if %cond3A_70 {
        %add3A_72 = arith.constant 0 : i32
        %add3A_73 = arith.addi %mul3A_64, %add3A_72 : i32
        %mul3A_74 = arith.constant 10000 : i32
        %mul3A_75 = arith.muli %add3A, %mul3A_74 : i32
        %mul3A_76 = arith.constant 80 : i32
        %mul3A_77 = arith.muli %add3A_73, %mul3A_76 : i32
        %add3A_78 = arith.addi %mul3A_75, %mul3A_77 : i32
        %multiple_of3A_79 = tpu.assume_multiple %add3A_78, 8 : i32
        %dma_wait3A_80 = tpu.memref_slice %arg3[%multiple_of3A_79] : memref<320000xi32, #tpu.memory_space<hbm>> -> memref<80xi32, #tpu.memory_space<hbm>>
        %dma_wait3A_81 = tpu.memref_slice %arg3[%multiple_of3A_79] : memref<320000xi32, #tpu.memory_space<hbm>> -> memref<80xi32, #tpu.memory_space<hbm>>
        tpu.wait_dma2 semaphore(%arg19 : memref<!tpu.dma_semaphore, #tpu.memory_space<semaphore_mem>>) src(%dma_wait3A_81 : memref<80xi32, #tpu.memory_space<hbm>>) dst(%arg6 : memref<80xi32, #tpu.memory_space<vmem>>)
        %dma_wait3A_82 = tpu.memref_slice %arg4[%multiple_of3A_79] : memref<320000xi32, #tpu.memory_space<hbm>> -> memref<80xi32, #tpu.memory_space<hbm>>
        %dma_wait3A_83 = tpu.memref_slice %arg4[%multiple_of3A_79] : memref<320000xi32, #tpu.memory_space<hbm>> -> memref<80xi32, #tpu.memory_space<hbm>>
        tpu.wait_dma2 semaphore(%arg19 : memref<!tpu.dma_semaphore, #tpu.memory_space<semaphore_mem>>) src(%dma_wait3A_83 : memref<80xi32, #tpu.memory_space<hbm>>) dst(%arg10 : memref<80xi32, #tpu.memory_space<vmem>>)
        %dma_start3A_84 = arith.constant 0 : i32
        %dma_start3A_85 = arith.constant 0 : i32
        %dma_start3A_86 = tpu.memref_slice %arg2[%dma_start3A_84, %dma_start3A_85] : memref<10000x128xf32, #tpu.memory_space<hbm>> -> memref<10000x128xf32, #tpu.memory_space<hbm>>
        tpu.enqueue_indirect_dma source(%dma_start3A_86 : memref<10000x128xf32, #tpu.memory_space<hbm>>) target(%arg14 : memref<80x128xf32, #tpu.memory_space<vmem>>) offsets(%arg6 : memref<80xi32, #tpu.memory_space<vmem>>) semaphore(%arg27 : memref<!tpu.dma_semaphore, #tpu.memory_space<semaphore_mem>>)
        %dma_wait3A_87 = arith.constant 0 : i32
        %dma_wait3A_88 = arith.constant 0 : i32
        %dma_wait3A_89 = tpu.memref_slice %arg18[%dma_wait3A_87, %dma_wait3A_88] : memref<10240x128xf32, #tpu.memory_space<vmem_shared>> -> memref<10240x128xf32, #tpu.memory_space<vmem_shared>>
        tpu.wait_indirect_dma semaphore(%arg24 : memref<!tpu.dma_semaphore, #tpu.memory_space<semaphore_mem>>) src(%arg15 : memref<80x128xf32, #tpu.memory_space<vmem>>) dst(%dma_wait3A_89 : memref<10240x128xf32, #tpu.memory_space<vmem_shared>>)
        %add3A_90 = arith.constant 1 : i32
        %add3A_91 = arith.addi %add3A_73, %add3A_90 : i32
        %mul3A_92 = arith.constant 10000 : i32
        %mul3A_93 = arith.muli %add3A, %mul3A_92 : i32
        %mul3A_94 = arith.constant 80 : i32
        %mul3A_95 = arith.muli %add3A_91, %mul3A_94 : i32
        %add3A_96 = arith.addi %mul3A_93, %mul3A_95 : i32
        %multiple_of3A_97 = tpu.assume_multiple %add3A_96, 8 : i32
        %dma_start3A_98 = tpu.memref_slice %arg3[%multiple_of3A_97] : memref<320000xi32, #tpu.memory_space<hbm>> -> memref<80xi32, #tpu.memory_space<hbm>>
        %dma_start3A_99 = tpu.memref_slice %arg3[%multiple_of3A_97] : memref<320000xi32, #tpu.memory_space<hbm>> -> memref<80xi32, #tpu.memory_space<hbm>>
        tpu.enqueue_dma source(%dma_start3A_99 : memref<80xi32, #tpu.memory_space<hbm>>) target(%arg7 : memref<80xi32, #tpu.memory_space<vmem>>) target_semaphore(%arg20 : memref<!tpu.dma_semaphore, #tpu.memory_space<semaphore_mem>>)
        %dma_start3A_100 = tpu.memref_slice %arg4[%multiple_of3A_97] : memref<320000xi32, #tpu.memory_space<hbm>> -> memref<80xi32, #tpu.memory_space<hbm>>
        %dma_start3A_101 = tpu.memref_slice %arg4[%multiple_of3A_97] : memref<320000xi32, #tpu.memory_space<hbm>> -> memref<80xi32, #tpu.memory_space<hbm>>
        tpu.enqueue_dma source(%dma_start3A_101 : memref<80xi32, #tpu.memory_space<hbm>>) target(%arg11 : memref<80xi32, #tpu.memory_space<vmem>>) target_semaphore(%arg20 : memref<!tpu.dma_semaphore, #tpu.memory_space<semaphore_mem>>)
        %dma_wait3A_102 = arith.constant 0 : i32
        %dma_wait3A_103 = arith.constant 0 : i32
        %dma_wait3A_104 = tpu.memref_slice %arg2[%dma_wait3A_102, %dma_wait3A_103] : memref<10000x128xf32, #tpu.memory_space<hbm>> -> memref<10000x128xf32, #tpu.memory_space<hbm>>
        tpu.wait_indirect_dma semaphore(%arg27 : memref<!tpu.dma_semaphore, #tpu.memory_space<semaphore_mem>>) src(%dma_wait3A_104 : memref<10000x128xf32, #tpu.memory_space<hbm>>) dst(%arg14 : memref<80x128xf32, #tpu.memory_space<vmem>>)
        %dma_start3A_105 = arith.constant 0 : i32
        %dma_start3A_106 = arith.constant 0 : i32
        %dma_start3A_107 = tpu.memref_slice %arg18[%dma_start3A_105, %dma_start3A_106] : memref<10240x128xf32, #tpu.memory_space<vmem_shared>> -> memref<10240x128xf32, #tpu.memory_space<vmem_shared>>
        tpu.enqueue_indirect_dma source(%arg14 : memref<80x128xf32, #tpu.memory_space<vmem>>) target(%dma_start3A_107 : memref<10240x128xf32, #tpu.memory_space<vmem_shared>>) offsets(%arg10 : memref<80xi32, #tpu.memory_space<vmem>>) semaphore(%arg23 : memref<!tpu.dma_semaphore, #tpu.memory_space<semaphore_mem>>) {add = true}
        %add3A_108 = arith.constant 1 : i32
        %add3A_109 = arith.addi %mul3A_64, %add3A_108 : i32
        %mul3A_110 = arith.constant 10000 : i32
        %mul3A_111 = arith.muli %add3A, %mul3A_110 : i32
        %mul3A_112 = arith.constant 80 : i32
        %mul3A_113 = arith.muli %add3A_109, %mul3A_112 : i32
        %add3A_114 = arith.addi %mul3A_111, %mul3A_113 : i32
        %multiple_of3A_115 = tpu.assume_multiple %add3A_114, 8 : i32
        %dma_wait3A_116 = tpu.memref_slice %arg3[%multiple_of3A_115] : memref<320000xi32, #tpu.memory_space<hbm>> -> memref<80xi32, #tpu.memory_space<hbm>>
        %dma_wait3A_117 = tpu.memref_slice %arg3[%multiple_of3A_115] : memref<320000xi32, #tpu.memory_space<hbm>> -> memref<80xi32, #tpu.memory_space<hbm>>
        tpu.wait_dma2 semaphore(%arg20 : memref<!tpu.dma_semaphore, #tpu.memory_space<semaphore_mem>>) src(%dma_wait3A_117 : memref<80xi32, #tpu.memory_space<hbm>>) dst(%arg7 : memref<80xi32, #tpu.memory_space<vmem>>)
        %dma_wait3A_118 = tpu.memref_slice %arg4[%multiple_of3A_115] : memref<320000xi32, #tpu.memory_space<hbm>> -> memref<80xi32, #tpu.memory_space<hbm>>
        %dma_wait3A_119 = tpu.memref_slice %arg4[%multiple_of3A_115] : memref<320000xi32, #tpu.memory_space<hbm>> -> memref<80xi32, #tpu.memory_space<hbm>>
        tpu.wait_dma2 semaphore(%arg20 : memref<!tpu.dma_semaphore, #tpu.memory_space<semaphore_mem>>) src(%dma_wait3A_119 : memref<80xi32, #tpu.memory_space<hbm>>) dst(%arg11 : memref<80xi32, #tpu.memory_space<vmem>>)
        %dma_start3A_120 = arith.constant 0 : i32
        %dma_start3A_121 = arith.constant 0 : i32
        %dma_start3A_122 = tpu.memref_slice %arg2[%dma_start3A_120, %dma_start3A_121] : memref<10000x128xf32, #tpu.memory_space<hbm>> -> memref<10000x128xf32, #tpu.memory_space<hbm>>
        tpu.enqueue_indirect_dma source(%dma_start3A_122 : memref<10000x128xf32, #tpu.memory_space<hbm>>) target(%arg15 : memref<80x128xf32, #tpu.memory_space<vmem>>) offsets(%arg7 : memref<80xi32, #tpu.memory_space<vmem>>) semaphore(%arg27 : memref<!tpu.dma_semaphore, #tpu.memory_space<semaphore_mem>>)
        %dma_wait3A_123 = arith.constant 0 : i32
        %dma_wait3A_124 = arith.constant 0 : i32
        %dma_wait3A_125 = tpu.memref_slice %arg18[%dma_wait3A_123, %dma_wait3A_124] : memref<10240x128xf32, #tpu.memory_space<vmem_shared>> -> memref<10240x128xf32, #tpu.memory_space<vmem_shared>>
        tpu.wait_indirect_dma semaphore(%arg25 : memref<!tpu.dma_semaphore, #tpu.memory_space<semaphore_mem>>) src(%arg16 : memref<80x128xf32, #tpu.memory_space<vmem>>) dst(%dma_wait3A_125 : memref<10240x128xf32, #tpu.memory_space<vmem_shared>>)
        %add3A_126 = arith.constant 1 : i32
        %add3A_127 = arith.addi %add3A_109, %add3A_126 : i32
        %mul3A_128 = arith.constant 10000 : i32
        %mul3A_129 = arith.muli %add3A, %mul3A_128 : i32
        %mul3A_130 = arith.constant 80 : i32
        %mul3A_131 = arith.muli %add3A_127, %mul3A_130 : i32
        %add3A_132 = arith.addi %mul3A_129, %mul3A_131 : i32
        %multiple_of3A_133 = tpu.assume_multiple %add3A_132, 8 : i32
        %dma_start3A_134 = tpu.memref_slice %arg3[%multiple_of3A_133] : memref<320000xi32, #tpu.memory_space<hbm>> -> memref<80xi32, #tpu.memory_space<hbm>>
        %dma_start3A_135 = tpu.memref_slice %arg3[%multiple_of3A_133] : memref<320000xi32, #tpu.memory_space<hbm>> -> memref<80xi32, #tpu.memory_space<hbm>>
        tpu.enqueue_dma source(%dma_start3A_135 : memref<80xi32, #tpu.memory_space<hbm>>) target(%arg8 : memref<80xi32, #tpu.memory_space<vmem>>) target_semaphore(%arg21 : memref<!tpu.dma_semaphore, #tpu.memory_space<semaphore_mem>>)
        %dma_start3A_136 = tpu.memref_slice %arg4[%multiple_of3A_133] : memref<320000xi32, #tpu.memory_space<hbm>> -> memref<80xi32, #tpu.memory_space<hbm>>
        %dma_start3A_137 = tpu.memref_slice %arg4[%multiple_of3A_133] : memref<320000xi32, #tpu.memory_space<hbm>> -> memref<80xi32, #tpu.memory_space<hbm>>
        tpu.enqueue_dma source(%dma_start3A_137 : memref<80xi32, #tpu.memory_space<hbm>>) target(%arg12 : memref<80xi32, #tpu.memory_space<vmem>>) target_semaphore(%arg21 : memref<!tpu.dma_semaphore, #tpu.memory_space<semaphore_mem>>)
        %dma_wait3A_138 = arith.constant 0 : i32
        %dma_wait3A_139 = arith.constant 0 : i32
        %dma_wait3A_140 = tpu.memref_slice %arg2[%dma_wait3A_138, %dma_wait3A_139] : memref<10000x128xf32, #tpu.memory_space<hbm>> -> memref<10000x128xf32, #tpu.memory_space<hbm>>
        tpu.wait_indirect_dma semaphore(%arg27 : memref<!tpu.dma_semaphore, #tpu.memory_space<semaphore_mem>>) src(%dma_wait3A_140 : memref<10000x128xf32, #tpu.memory_space<hbm>>) dst(%arg15 : memref<80x128xf32, #tpu.memory_space<vmem>>)
        %dma_start3A_141 = arith.constant 0 : i32
        %dma_start3A_142 = arith.constant 0 : i32
        %dma_start3A_143 = tpu.memref_slice %arg18[%dma_start3A_141, %dma_start3A_142] : memref<10240x128xf32, #tpu.memory_space<vmem_shared>> -> memref<10240x128xf32, #tpu.memory_space<vmem_shared>>
        tpu.enqueue_indirect_dma source(%arg15 : memref<80x128xf32, #tpu.memory_space<vmem>>) target(%dma_start3A_143 : memref<10240x128xf32, #tpu.memory_space<vmem_shared>>) offsets(%arg11 : memref<80xi32, #tpu.memory_space<vmem>>) semaphore(%arg24 : memref<!tpu.dma_semaphore, #tpu.memory_space<semaphore_mem>>) {add = true}
        %add3A_144 = arith.constant 2 : i32
        %add3A_145 = arith.addi %mul3A_64, %add3A_144 : i32
        %mul3A_146 = arith.constant 10000 : i32
        %mul3A_147 = arith.muli %add3A, %mul3A_146 : i32
        %mul3A_148 = arith.constant 80 : i32
        %mul3A_149 = arith.muli %add3A_145, %mul3A_148 : i32
        %add3A_150 = arith.addi %mul3A_147, %mul3A_149 : i32
        %multiple_of3A_151 = tpu.assume_multiple %add3A_150, 8 : i32
        %dma_wait3A_152 = tpu.memref_slice %arg3[%multiple_of3A_151] : memref<320000xi32, #tpu.memory_space<hbm>> -> memref<80xi32, #tpu.memory_space<hbm>>
        %dma_wait3A_153 = tpu.memref_slice %arg3[%multiple_of3A_151] : memref<320000xi32, #tpu.memory_space<hbm>> -> memref<80xi32, #tpu.memory_space<hbm>>
        tpu.wait_dma2 semaphore(%arg21 : memref<!tpu.dma_semaphore, #tpu.memory_space<semaphore_mem>>) src(%dma_wait3A_153 : memref<80xi32, #tpu.memory_space<hbm>>) dst(%arg8 : memref<80xi32, #tpu.memory_space<vmem>>)
        %dma_wait3A_154 = tpu.memref_slice %arg4[%multiple_of3A_151] : memref<320000xi32, #tpu.memory_space<hbm>> -> memref<80xi32, #tpu.memory_space<hbm>>
        %dma_wait3A_155 = tpu.memref_slice %arg4[%multiple_of3A_151] : memref<320000xi32, #tpu.memory_space<hbm>> -> memref<80xi32, #tpu.memory_space<hbm>>
        tpu.wait_dma2 semaphore(%arg21 : memref<!tpu.dma_semaphore, #tpu.memory_space<semaphore_mem>>) src(%dma_wait3A_155 : memref<80xi32, #tpu.memory_space<hbm>>) dst(%arg12 : memref<80xi32, #tpu.memory_space<vmem>>)
        %dma_start3A_156 = arith.constant 0 : i32
        %dma_start3A_157 = arith.constant 0 : i32
        %dma_start3A_158 = tpu.memref_slice %arg2[%dma_start3A_156, %dma_start3A_157] : memref<10000x128xf32, #tpu.memory_space<hbm>> -> memref<10000x128xf32, #tpu.memory_space<hbm>>
        tpu.enqueue_indirect_dma source(%dma_start3A_158 : memref<10000x128xf32, #tpu.memory_space<hbm>>) target(%arg16 : memref<80x128xf32, #tpu.memory_space<vmem>>) offsets(%arg8 : memref<80xi32, #tpu.memory_space<vmem>>) semaphore(%arg27 : memref<!tpu.dma_semaphore, #tpu.memory_space<semaphore_mem>>)
        %dma_wait3A_159 = arith.constant 0 : i32
        %dma_wait3A_160 = arith.constant 0 : i32
        %dma_wait3A_161 = tpu.memref_slice %arg18[%dma_wait3A_159, %dma_wait3A_160] : memref<10240x128xf32, #tpu.memory_space<vmem_shared>> -> memref<10240x128xf32, #tpu.memory_space<vmem_shared>>
        tpu.wait_indirect_dma semaphore(%arg26 : memref<!tpu.dma_semaphore, #tpu.memory_space<semaphore_mem>>) src(%arg17 : memref<80x128xf32, #tpu.memory_space<vmem>>) dst(%dma_wait3A_161 : memref<10240x128xf32, #tpu.memory_space<vmem_shared>>)
        %add3A_162 = arith.constant 1 : i32
        %add3A_163 = arith.addi %add3A_145, %add3A_162 : i32
        %mul3A_164 = arith.constant 10000 : i32
        %mul3A_165 = arith.muli %add3A, %mul3A_164 : i32
        %mul3A_166 = arith.constant 80 : i32
        %mul3A_167 = arith.muli %add3A_163, %mul3A_166 : i32
        %add3A_168 = arith.addi %mul3A_165, %mul3A_167 : i32
        %multiple_of3A_169 = tpu.assume_multiple %add3A_168, 8 : i32
        %dma_start3A_170 = tpu.memref_slice %arg3[%multiple_of3A_169] : memref<320000xi32, #tpu.memory_space<hbm>> -> memref<80xi32, #tpu.memory_space<hbm>>
        %dma_start3A_171 = tpu.memref_slice %arg3[%multiple_of3A_169] : memref<320000xi32, #tpu.memory_space<hbm>> -> memref<80xi32, #tpu.memory_space<hbm>>
        tpu.enqueue_dma source(%dma_start3A_171 : memref<80xi32, #tpu.memory_space<hbm>>) target(%arg9 : memref<80xi32, #tpu.memory_space<vmem>>) target_semaphore(%arg22 : memref<!tpu.dma_semaphore, #tpu.memory_space<semaphore_mem>>)
        %dma_start3A_172 = tpu.memref_slice %arg4[%multiple_of3A_169] : memref<320000xi32, #tpu.memory_space<hbm>> -> memref<80xi32, #tpu.memory_space<hbm>>
        %dma_start3A_173 = tpu.memref_slice %arg4[%multiple_of3A_169] : memref<320000xi32, #tpu.memory_space<hbm>> -> memref<80xi32, #tpu.memory_space<hbm>>
        tpu.enqueue_dma source(%dma_start3A_173 : memref<80xi32, #tpu.memory_space<hbm>>) target(%arg13 : memref<80xi32, #tpu.memory_space<vmem>>) target_semaphore(%arg22 : memref<!tpu.dma_semaphore, #tpu.memory_space<semaphore_mem>>)
        %dma_wait3A_174 = arith.constant 0 : i32
        %dma_wait3A_175 = arith.constant 0 : i32
        %dma_wait3A_176 = tpu.memref_slice %arg2[%dma_wait3A_174, %dma_wait3A_175] : memref<10000x128xf32, #tpu.memory_space<hbm>> -> memref<10000x128xf32, #tpu.memory_space<hbm>>
        tpu.wait_indirect_dma semaphore(%arg27 : memref<!tpu.dma_semaphore, #tpu.memory_space<semaphore_mem>>) src(%dma_wait3A_176 : memref<10000x128xf32, #tpu.memory_space<hbm>>) dst(%arg16 : memref<80x128xf32, #tpu.memory_space<vmem>>)
        %dma_start3A_177 = arith.constant 0 : i32
        %dma_start3A_178 = arith.constant 0 : i32
        %dma_start3A_179 = tpu.memref_slice %arg18[%dma_start3A_177, %dma_start3A_178] : memref<10240x128xf32, #tpu.memory_space<vmem_shared>> -> memref<10240x128xf32, #tpu.memory_space<vmem_shared>>
        tpu.enqueue_indirect_dma source(%arg16 : memref<80x128xf32, #tpu.memory_space<vmem>>) target(%dma_start3A_179 : memref<10240x128xf32, #tpu.memory_space<vmem_shared>>) offsets(%arg12 : memref<80xi32, #tpu.memory_space<vmem>>) semaphore(%arg25 : memref<!tpu.dma_semaphore, #tpu.memory_space<semaphore_mem>>) {add = true}
        %add3A_180 = arith.constant 3 : i32
        %add3A_181 = arith.addi %mul3A_64, %add3A_180 : i32
        %mul3A_182 = arith.constant 10000 : i32
        %mul3A_183 = arith.muli %add3A, %mul3A_182 : i32
        %mul3A_184 = arith.constant 80 : i32
        %mul3A_185 = arith.muli %add3A_181, %mul3A_184 : i32
        %add3A_186 = arith.addi %mul3A_183, %mul3A_185 : i32
        %multiple_of3A_187 = tpu.assume_multiple %add3A_186, 8 : i32
        %dma_wait3A_188 = tpu.memref_slice %arg3[%multiple_of3A_187] : memref<320000xi32, #tpu.memory_space<hbm>> -> memref<80xi32, #tpu.memory_space<hbm>>
        %dma_wait3A_189 = tpu.memref_slice %arg3[%multiple_of3A_187] : memref<320000xi32, #tpu.memory_space<hbm>> -> memref<80xi32, #tpu.memory_space<hbm>>
        tpu.wait_dma2 semaphore(%arg22 : memref<!tpu.dma_semaphore, #tpu.memory_space<semaphore_mem>>) src(%dma_wait3A_189 : memref<80xi32, #tpu.memory_space<hbm>>) dst(%arg9 : memref<80xi32, #tpu.memory_space<vmem>>)
        %dma_wait3A_190 = tpu.memref_slice %arg4[%multiple_of3A_187] : memref<320000xi32, #tpu.memory_space<hbm>> -> memref<80xi32, #tpu.memory_space<hbm>>
        %dma_wait3A_191 = tpu.memref_slice %arg4[%multiple_of3A_187] : memref<320000xi32, #tpu.memory_space<hbm>> -> memref<80xi32, #tpu.memory_space<hbm>>
        tpu.wait_dma2 semaphore(%arg22 : memref<!tpu.dma_semaphore, #tpu.memory_space<semaphore_mem>>) src(%dma_wait3A_191 : memref<80xi32, #tpu.memory_space<hbm>>) dst(%arg13 : memref<80xi32, #tpu.memory_space<vmem>>)
        %dma_start3A_192 = arith.constant 0 : i32
        %dma_start3A_193 = arith.constant 0 : i32
        %dma_start3A_194 = tpu.memref_slice %arg2[%dma_start3A_192, %dma_start3A_193] : memref<10000x128xf32, #tpu.memory_space<hbm>> -> memref<10000x128xf32, #tpu.memory_space<hbm>>
        tpu.enqueue_indirect_dma source(%dma_start3A_194 : memref<10000x128xf32, #tpu.memory_space<hbm>>) target(%arg17 : memref<80x128xf32, #tpu.memory_space<vmem>>) offsets(%arg9 : memref<80xi32, #tpu.memory_space<vmem>>) semaphore(%arg27 : memref<!tpu.dma_semaphore, #tpu.memory_space<semaphore_mem>>)
        %dma_wait3A_195 = arith.constant 0 : i32
        %dma_wait3A_196 = arith.constant 0 : i32
        %dma_wait3A_197 = tpu.memref_slice %arg18[%dma_wait3A_195, %dma_wait3A_196] : memref<10240x128xf32, #tpu.memory_space<vmem_shared>> -> memref<10240x128xf32, #tpu.memory_space<vmem_shared>>
        tpu.wait_indirect_dma semaphore(%arg23 : memref<!tpu.dma_semaphore, #tpu.memory_space<semaphore_mem>>) src(%arg14 : memref<80x128xf32, #tpu.memory_space<vmem>>) dst(%dma_wait3A_197 : memref<10240x128xf32, #tpu.memory_space<vmem_shared>>)
        %add3A_198 = arith.constant 1 : i32
        %add3A_199 = arith.addi %add3A_181, %add3A_198 : i32
        %mul3A_200 = arith.constant 10000 : i32
        %mul3A_201 = arith.muli %add3A, %mul3A_200 : i32
        %mul3A_202 = arith.constant 80 : i32
        %mul3A_203 = arith.muli %add3A_199, %mul3A_202 : i32
        %add3A_204 = arith.addi %mul3A_201, %mul3A_203 : i32
        %multiple_of3A_205 = tpu.assume_multiple %add3A_204, 8 : i32
        %dma_start3A_206 = tpu.memref_slice %arg3[%multiple_of3A_205] : memref<320000xi32, #tpu.memory_space<hbm>> -> memref<80xi32, #tpu.memory_space<hbm>>
        %dma_start3A_207 = tpu.memref_slice %arg3[%multiple_of3A_205] : memref<320000xi32, #tpu.memory_space<hbm>> -> memref<80xi32, #tpu.memory_space<hbm>>
        tpu.enqueue_dma source(%dma_start3A_207 : memref<80xi32, #tpu.memory_space<hbm>>) target(%arg6 : memref<80xi32, #tpu.memory_space<vmem>>) target_semaphore(%arg19 : memref<!tpu.dma_semaphore, #tpu.memory_space<semaphore_mem>>)
        %dma_start3A_208 = tpu.memref_slice %arg4[%multiple_of3A_205] : memref<320000xi32, #tpu.memory_space<hbm>> -> memref<80xi32, #tpu.memory_space<hbm>>
        %dma_start3A_209 = tpu.memref_slice %arg4[%multiple_of3A_205] : memref<320000xi32, #tpu.memory_space<hbm>> -> memref<80xi32, #tpu.memory_space<hbm>>
        tpu.enqueue_dma source(%dma_start3A_209 : memref<80xi32, #tpu.memory_space<hbm>>) target(%arg10 : memref<80xi32, #tpu.memory_space<vmem>>) target_semaphore(%arg19 : memref<!tpu.dma_semaphore, #tpu.memory_space<semaphore_mem>>)
        %dma_wait3A_210 = arith.constant 0 : i32
        %dma_wait3A_211 = arith.constant 0 : i32
        %dma_wait3A_212 = tpu.memref_slice %arg2[%dma_wait3A_210, %dma_wait3A_211] : memref<10000x128xf32, #tpu.memory_space<hbm>> -> memref<10000x128xf32, #tpu.memory_space<hbm>>
        tpu.wait_indirect_dma semaphore(%arg27 : memref<!tpu.dma_semaphore, #tpu.memory_space<semaphore_mem>>) src(%dma_wait3A_212 : memref<10000x128xf32, #tpu.memory_space<hbm>>) dst(%arg17 : memref<80x128xf32, #tpu.memory_space<vmem>>)
        %dma_start3A_213 = arith.constant 0 : i32
        %dma_start3A_214 = arith.constant 0 : i32
        %dma_start3A_215 = tpu.memref_slice %arg18[%dma_start3A_213, %dma_start3A_214] : memref<10240x128xf32, #tpu.memory_space<vmem_shared>> -> memref<10240x128xf32, #tpu.memory_space<vmem_shared>>
        tpu.enqueue_indirect_dma source(%arg17 : memref<80x128xf32, #tpu.memory_space<vmem>>) target(%dma_start3A_215 : memref<10240x128xf32, #tpu.memory_space<vmem_shared>>) offsets(%arg13 : memref<80xi32, #tpu.memory_space<vmem>>) semaphore(%arg26 : memref<!tpu.dma_semaphore, #tpu.memory_space<semaphore_mem>>) {add = true}
      } else {
      }
      %scan3A_71 = arith.constant 0 : i32
      scf.yield %scan3A_71 : i32
    }
    %scan3A_27 = arith.constant 31 : i32
    %mul3A_28 = arith.constant 10000 : i32
    %mul3A_29 = arith.muli %add3A, %mul3A_28 : i32
    %add3A_30 = arith.constant 9920 : i32
    %add3A_31 = arith.addi %mul3A_29, %add3A_30 : i32
    %multiple_of3A_32 = tpu.assume_multiple %add3A_31, 8 : i32
    %dma_wait3A = tpu.memref_slice %arg3[%multiple_of3A_32] : memref<320000xi32, #tpu.memory_space<hbm>> -> memref<80xi32, #tpu.memory_space<hbm>>
    %dma_wait3A_33 = tpu.memref_slice %arg3[%multiple_of3A_32] : memref<320000xi32, #tpu.memory_space<hbm>> -> memref<80xi32, #tpu.memory_space<hbm>>
    tpu.wait_dma2 semaphore(%arg19 : memref<!tpu.dma_semaphore, #tpu.memory_space<semaphore_mem>>) src(%dma_wait3A_33 : memref<80xi32, #tpu.memory_space<hbm>>) dst(%arg6 : memref<80xi32, #tpu.memory_space<vmem>>)
    %dma_wait3A_34 = tpu.memref_slice %arg4[%multiple_of3A_32] : memref<320000xi32, #tpu.memory_space<hbm>> -> memref<80xi32, #tpu.memory_space<hbm>>
    %dma_wait3A_35 = tpu.memref_slice %arg4[%multiple_of3A_32] : memref<320000xi32, #tpu.memory_space<hbm>> -> memref<80xi32, #tpu.memory_space<hbm>>
    tpu.wait_dma2 semaphore(%arg19 : memref<!tpu.dma_semaphore, #tpu.memory_space<semaphore_mem>>) src(%dma_wait3A_35 : memref<80xi32, #tpu.memory_space<hbm>>) dst(%arg10 : memref<80xi32, #tpu.memory_space<vmem>>)
    %dma_start3A_36 = arith.constant 0 : i32
    %dma_start3A_37 = arith.constant 0 : i32
    %dma_start3A_38 = tpu.memref_slice %arg2[%dma_start3A_36, %dma_start3A_37] : memref<10000x128xf32, #tpu.memory_space<hbm>> -> memref<10000x128xf32, #tpu.memory_space<hbm>>
    tpu.enqueue_indirect_dma source(%dma_start3A_38 : memref<10000x128xf32, #tpu.memory_space<hbm>>) target(%arg14 : memref<80x128xf32, #tpu.memory_space<vmem>>) offsets(%arg6 : memref<80xi32, #tpu.memory_space<vmem>>) semaphore(%arg27 : memref<!tpu.dma_semaphore, #tpu.memory_space<semaphore_mem>>)
    %dma_wait3A_39 = arith.constant 0 : i32
    %dma_wait3A_40 = arith.constant 0 : i32
    %dma_wait3A_41 = tpu.memref_slice %arg18[%dma_wait3A_39, %dma_wait3A_40] : memref<10240x128xf32, #tpu.memory_space<vmem_shared>> -> memref<10240x128xf32, #tpu.memory_space<vmem_shared>>
    tpu.wait_indirect_dma semaphore(%arg24 : memref<!tpu.dma_semaphore, #tpu.memory_space<semaphore_mem>>) src(%arg15 : memref<80x128xf32, #tpu.memory_space<vmem>>) dst(%dma_wait3A_41 : memref<10240x128xf32, #tpu.memory_space<vmem_shared>>)
    %dma_wait3A_42 = arith.constant 0 : i32
    %dma_wait3A_43 = arith.constant 0 : i32
    %dma_wait3A_44 = tpu.memref_slice %arg2[%dma_wait3A_42, %dma_wait3A_43] : memref<10000x128xf32, #tpu.memory_space<hbm>> -> memref<10000x128xf32, #tpu.memory_space<hbm>>
    tpu.wait_indirect_dma semaphore(%arg27 : memref<!tpu.dma_semaphore, #tpu.memory_space<semaphore_mem>>) src(%dma_wait3A_44 : memref<10000x128xf32, #tpu.memory_space<hbm>>) dst(%arg14 : memref<80x128xf32, #tpu.memory_space<vmem>>)
    %dma_start3A_45 = arith.constant 0 : i32
    %dma_start3A_46 = arith.constant 0 : i32
    %dma_start3A_47 = tpu.memref_slice %arg18[%dma_start3A_45, %dma_start3A_46] : memref<10240x128xf32, #tpu.memory_space<vmem_shared>> -> memref<10240x128xf32, #tpu.memory_space<vmem_shared>>
    tpu.enqueue_indirect_dma source(%arg14 : memref<80x128xf32, #tpu.memory_space<vmem>>) target(%dma_start3A_47 : memref<10240x128xf32, #tpu.memory_space<vmem_shared>>) offsets(%arg10 : memref<80xi32, #tpu.memory_space<vmem>>) semaphore(%arg23 : memref<!tpu.dma_semaphore, #tpu.memory_space<semaphore_mem>>) {add = true}
    %dma_wait3A_48 = arith.constant 0 : i32
    %dma_wait3A_49 = arith.constant 0 : i32
    %dma_wait3A_50 = tpu.memref_slice %arg18[%dma_wait3A_48, %dma_wait3A_49] : memref<10240x128xf32, #tpu.memory_space<vmem_shared>> -> memref<10240x128xf32, #tpu.memory_space<vmem_shared>>
    tpu.wait_indirect_dma semaphore(%arg25 : memref<!tpu.dma_semaphore, #tpu.memory_space<semaphore_mem>>) src(%arg16 : memref<80x128xf32, #tpu.memory_space<vmem>>) dst(%dma_wait3A_50 : memref<10240x128xf32, #tpu.memory_space<vmem_shared>>)
    %dma_wait3A_51 = arith.constant 0 : i32
    %dma_wait3A_52 = arith.constant 0 : i32
    %dma_wait3A_53 = tpu.memref_slice %arg18[%dma_wait3A_51, %dma_wait3A_52] : memref<10240x128xf32, #tpu.memory_space<vmem_shared>> -> memref<10240x128xf32, #tpu.memory_space<vmem_shared>>
    tpu.wait_indirect_dma semaphore(%arg26 : memref<!tpu.dma_semaphore, #tpu.memory_space<semaphore_mem>>) src(%arg17 : memref<80x128xf32, #tpu.memory_space<vmem>>) dst(%dma_wait3A_53 : memref<10240x128xf32, #tpu.memory_space<vmem_shared>>)
    %dma_wait3A_54 = arith.constant 0 : i32
    %dma_wait3A_55 = arith.constant 0 : i32
    %dma_wait3A_56 = tpu.memref_slice %arg18[%dma_wait3A_54, %dma_wait3A_55] : memref<10240x128xf32, #tpu.memory_space<vmem_shared>> -> memref<10240x128xf32, #tpu.memory_space<vmem_shared>>
    tpu.wait_indirect_dma semaphore(%arg23 : memref<!tpu.dma_semaphore, #tpu.memory_space<semaphore_mem>>) src(%arg14 : memref<80x128xf32, #tpu.memory_space<vmem>>) dst(%dma_wait3A_56 : memref<10240x128xf32, #tpu.memory_space<vmem_shared>>)
    %barrier3A_57 = arith.constant 0 : index
    tpu.barrier barrier_id(%barrier3A_57)
    %mul3A_58 = arith.constant 640 : i32
    %mul3A_59 = arith.muli %arg1, %mul3A_58 : i32
    %multiple_of3A_60 = tpu.assume_multiple %mul3A_59, 8 : i32
    "tpu.region"() ({
      %run_scoped3A = tpu.sem_alloc : memref<!tpu.dma_semaphore, #tpu.memory_space<semaphore_mem>>
      %dma_start3A_61 = arith.constant 0 : i32
      %dma_start3A_62 = arith.constant 0 : i32
      %dma_start3A_63 = tpu.memref_slice %arg5[%arg0, %arg1, %dma_start3A_61, %dma_start3A_62] : memref<2x16x640x128xf32, #tpu.memory_space<hbm>> -> memref<1x1x640x128xf32, #tpu.memory_space<hbm>>
      %dma_start3A_64 = tpu.memref_squeeze %dma_start3A_63 : memref<1x1x640x128xf32, #tpu.memory_space<hbm>> -> memref<640x128xf32, #tpu.memory_space<hbm>>
      %dma_start3A_65 = arith.constant 0 : i32
      %dma_start3A_66 = tpu.memref_slice %arg18[%multiple_of3A_60, %dma_start3A_65] : memref<10240x128xf32, #tpu.memory_space<vmem_shared>> -> memref<640x128xf32, #tpu.memory_space<vmem_shared>>
      tpu.enqueue_dma source(%dma_start3A_66 : memref<640x128xf32, #tpu.memory_space<vmem_shared>>) target(%dma_start3A_64 : memref<640x128xf32, #tpu.memory_space<hbm>>) target_semaphore(%run_scoped3A : memref<!tpu.dma_semaphore, #tpu.memory_space<semaphore_mem>>)
      %dma_wait3A_67 = arith.constant 0 : i32
      %dma_wait3A_68 = arith.constant 0 : i32
      %dma_wait3A_69 = tpu.memref_slice %arg5[%arg0, %arg1, %dma_wait3A_67, %dma_wait3A_68] : memref<2x16x640x128xf32, #tpu.memory_space<hbm>> -> memref<1x1x640x128xf32, #tpu.memory_space<hbm>>
      %dma_wait3A_70 = tpu.memref_squeeze %dma_wait3A_69 : memref<1x1x640x128xf32, #tpu.memory_space<hbm>> -> memref<640x128xf32, #tpu.memory_space<hbm>>
      %dma_wait3A_71 = arith.constant 0 : i32
      %dma_wait3A_72 = tpu.memref_slice %arg18[%multiple_of3A_60, %dma_wait3A_71] : memref<10240x128xf32, #tpu.memory_space<vmem_shared>> -> memref<640x128xf32, #tpu.memory_space<vmem_shared>>
      tpu.wait_dma2 semaphore(%run_scoped3A : memref<!tpu.dma_semaphore, #tpu.memory_space<semaphore_mem>>) src(%dma_wait3A_72 : memref<640x128xf32, #tpu.memory_space<vmem_shared>>) dst(%dma_wait3A_70 : memref<640x128xf32, #tpu.memory_space<hbm>>)
      tpu.yield
    }) : () -> ()
    return
  }
}

#map = affine_map<(d0, d1) -> (0, 0)>
#map1 = affine_map<(d0, d1) -> (0)>
#map2 = affine_map<(d0, d1) -> (0, 0, 0, 0)>
module attributes {stable_mosaic.version = 14 : i64} {
  func.func @_sc_agg(%arg0: i32, %arg1: i32, %arg2: memref<10000x128xf32, #tpu.memory_space<hbm>>, %arg3: memref<320000xi32, #tpu.memory_space<hbm>>, %arg4: memref<320000xi32, #tpu.memory_space<hbm>>, %arg5: memref<2x16x640x128xf32, #tpu.memory_space<hbm>>, %arg6: memref<80xi32, #tpu.memory_space<vmem>>, %arg7: memref<80xi32, #tpu.memory_space<vmem>>, %arg8: memref<80xi32, #tpu.memory_space<vmem>>, %arg9: memref<80xi32, #tpu.memory_space<vmem>>, %arg10: memref<80xi32, #tpu.memory_space<vmem>>, %arg11: memref<80xi32, #tpu.memory_space<vmem>>, %arg12: memref<80xi32, #tpu.memory_space<vmem>>, %arg13: memref<80xi32, #tpu.memory_space<vmem>>, %arg14: memref<80x128xf32, #tpu.memory_space<vmem>>, %arg15: memref<80x128xf32, #tpu.memory_space<vmem>>, %arg16: memref<80x128xf32, #tpu.memory_space<vmem>>, %arg17: memref<80x128xf32, #tpu.memory_space<vmem>>, %arg18: memref<10240x128xf32, #tpu.memory_space<vmem_shared>>, %arg19: memref<!tpu.dma_semaphore, #tpu.memory_space<semaphore_mem>>, %arg20: memref<!tpu.dma_semaphore, #tpu.memory_space<semaphore_mem>>, %arg21: memref<!tpu.dma_semaphore, #tpu.memory_space<semaphore_mem>>, %arg22: memref<!tpu.dma_semaphore, #tpu.memory_space<semaphore_mem>>, %arg23: memref<!tpu.dma_semaphore, #tpu.memory_space<semaphore_mem>>, %arg24: memref<!tpu.dma_semaphore, #tpu.memory_space<semaphore_mem>>, %arg25: memref<!tpu.dma_semaphore, #tpu.memory_space<semaphore_mem>>, %arg26: memref<!tpu.dma_semaphore, #tpu.memory_space<semaphore_mem>>, %arg27: memref<!tpu.dma_semaphore, #tpu.memory_space<semaphore_mem>>) attributes {dimension_semantics = [#tpu.dimension_semantics<core_parallel>, #tpu.dimension_semantics<subcore_parallel>], iteration_bounds = array<i64: 2, 16>, scalar_prefetch = 0 : i64, scratch_operands = 22 : i64, tpu.core_type = #tpu.core_type<sc_vector_subcore>, window_params = [{transform_indices = #map}, {transform_indices = #map1}, {transform_indices = #map1}, {transform_indices = #map2}]} {
    %mul3A = arith.constant 2 : i32
    %mul3A_0 = arith.muli %arg1, %mul3A : i32
    %add3A = arith.addi %mul3A_0, %arg0 : i32
    %scan3A = arith.constant 0 : i32
    %scan3A_1 = arith.constant 0 : i32
    %scan3A_2 = arith.constant 80 : i32
    %scan3A_3 = arith.addi %scan3A_1, %scan3A_2 : i32
    %scan3A_4 = arith.constant 1 : i32
    %scan3A_5 = scf.for %scan3A_61 = %scan3A_1 to %scan3A_3 step %scan3A_4 iter_args(%scan3A_62 = %scan3A) -> (i32)  : i32 {
      %scan3A_63 = arith.constant 0 : i32
      %scan3A_64 = arith.constant 0 : i32
      %scan3A_65 = arith.constant 8 : i32
      %scan3A_66 = arith.addi %scan3A_64, %scan3A_65 : i32
      %scan3A_67 = arith.constant 1 : i32
      %scan3A_68 = scf.for %scan3A_71 = %scan3A_64 to %scan3A_66 step %scan3A_67 iter_args(%scan3A_72 = %scan3A_63) -> (i32)  : i32 {
        %broadcast_in_dim3A = arith.constant 0.000000e+00 : f32
        %broadcast_in_dim3A_73 = vector.broadcast %broadcast_in_dim3A : f32 to vector<16xf32>
        %mul3A_74 = arith.constant 16 : i32
        %mul3A_75 = arith.muli %scan3A_71, %mul3A_74 : i32
        %swap3A = arith.index_cast %scan3A_61 : i32 to index
        %swap3A_76 = arith.index_cast %mul3A_75 : i32 to index
        %swap3A_77 = tpu.vector_load %arg14[%swap3A, %swap3A_76] {strides = array<i32>} : memref<80x128xf32, #tpu.memory_space<vmem>>, vector<1x16xf32>,
        %swap3A_78 = vector.shape_cast %swap3A_77 : vector<1x16xf32> to vector<16xf32>
        %swap3A_79 = vector.shape_cast %broadcast_in_dim3A_73 : vector<16xf32> to vector<1x16xf32>
        tpu.vector_store %arg14[%swap3A, %swap3A_76], %swap3A_79 {strides = array<i32>} : memref<80x128xf32, #tpu.memory_space<vmem>>, vector<1x16xf32>,
        %scan3A_80 = arith.constant 0 : i32
        scf.yield %scan3A_80 : i32
      }
      %scan3A_69 = arith.constant 8 : i32
      %scan3A_70 = arith.constant 0 : i32
      scf.yield %scan3A_70 : i32
    }
    %scan3A_6 = arith.constant 80 : i32
    %scan3A_7 = arith.constant 0 : i32
    %scan3A_8 = arith.constant 0 : i32
    %scan3A_9 = arith.constant 8 : i32
    %scan3A_10 = arith.addi %scan3A_8, %scan3A_9 : i32
    %scan3A_11 = arith.constant 1 : i32
    %scan3A_12 = scf.for %scan3A_61 = %scan3A_8 to %scan3A_10 step %scan3A_11 iter_args(%scan3A_62 = %scan3A_7) -> (i32)  : i32 {
      %mul3A_63 = arith.constant 640 : i32
      %mul3A_64 = arith.muli %arg1, %mul3A_63 : i32
      %mul3A_65 = arith.constant 80 : i32
      %mul3A_66 = arith.muli %scan3A_61, %mul3A_65 : i32
      %add3A_67 = arith.addi %mul3A_64, %mul3A_66 : i32
      %multiple_of3A_68 = tpu.assume_multiple %add3A_67, 8 : i32
      "tpu.region"() ({
        %run_scoped3A = tpu.sem_alloc : memref<!tpu.dma_semaphore, #tpu.memory_space<semaphore_mem>>
        %dma_start3A_70 = arith.constant 0 : i32
        %dma_start3A_71 = tpu.memref_slice %arg18[%multiple_of3A_68, %dma_start3A_70] : memref<10240x128xf32, #tpu.memory_space<vmem_shared>> -> memref<80x128xf32, #tpu.memory_space<vmem_shared>>
        %dma_start3A_72 = arith.constant 0 : i32
        %dma_start3A_73 = tpu.memref_slice %arg18[%multiple_of3A_68, %dma_start3A_72] : memref<10240x128xf32, #tpu.memory_space<vmem_shared>> -> memref<80x128xf32, #tpu.memory_space<vmem_shared>>
        tpu.enqueue_dma source(%arg14 : memref<80x128xf32, #tpu.memory_space<vmem>>) target(%dma_start3A_73 : memref<80x128xf32, #tpu.memory_space<vmem_shared>>) target_semaphore(%run_scoped3A : memref<!tpu.dma_semaphore, #tpu.memory_space<semaphore_mem>>)
        %dma_wait3A_74 = arith.constant 0 : i32
        %dma_wait3A_75 = tpu.memref_slice %arg18[%multiple_of3A_68, %dma_wait3A_74] : memref<10240x128xf32, #tpu.memory_space<vmem_shared>> -> memref<80x128xf32, #tpu.memory_space<vmem_shared>>
        %dma_wait3A_76 = arith.constant 0 : i32
        %dma_wait3A_77 = tpu.memref_slice %arg18[%multiple_of3A_68, %dma_wait3A_76] : memref<10240x128xf32, #tpu.memory_space<vmem_shared>> -> memref<80x128xf32, #tpu.memory_space<vmem_shared>>
        tpu.wait_dma2 semaphore(%run_scoped3A : memref<!tpu.dma_semaphore, #tpu.memory_space<semaphore_mem>>) src(%arg14 : memref<80x128xf32, #tpu.memory_space<vmem>>) dst(%dma_wait3A_77 : memref<80x128xf32, #tpu.memory_space<vmem_shared>>)
        tpu.yield
      }) : () -> ()
      %scan3A_69 = arith.constant 0 : i32
      scf.yield %scan3A_69 : i32
    }
    %scan3A_13 = arith.constant 8 : i32
    %barrier3A = arith.constant 0 : index
    tpu.barrier barrier_id(%barrier3A)
    %mul3A_14 = arith.constant 10000 : i32
    %mul3A_15 = arith.muli %add3A, %mul3A_14 : i32
    %add3A_16 = arith.constant 0 : i32
    %add3A_17 = arith.addi %mul3A_15, %add3A_16 : i32
    %multiple_of3A = tpu.assume_multiple %add3A_17, 8 : i32
    %dma_start3A = tpu.memref_slice %arg3[%multiple_of3A] : memref<320000xi32, #tpu.memory_space<hbm>> -> memref<80xi32, #tpu.memory_space<hbm>>
    %dma_start3A_18 = tpu.memref_slice %arg3[%multiple_of3A] : memref<320000xi32, #tpu.memory_space<hbm>> -> memref<80xi32, #tpu.memory_space<hbm>>
    tpu.enqueue_dma source(%dma_start3A_18 : memref<80xi32, #tpu.memory_space<hbm>>) target(%arg6 : memref<80xi32, #tpu.memory_space<vmem>>) target_semaphore(%arg19 : memref<!tpu.dma_semaphore, #tpu.memory_space<semaphore_mem>>)
    %dma_start3A_19 = tpu.memref_slice %arg4[%multiple_of3A] : memref<320000xi32, #tpu.memory_space<hbm>> -> memref<80xi32, #tpu.memory_space<hbm>>
    %dma_start3A_20 = tpu.memref_slice %arg4[%multiple_of3A] : memref<320000xi32, #tpu.memory_space<hbm>> -> memref<80xi32, #tpu.memory_space<hbm>>
    tpu.enqueue_dma source(%dma_start3A_20 : memref<80xi32, #tpu.memory_space<hbm>>) target(%arg10 : memref<80xi32, #tpu.memory_space<vmem>>) target_semaphore(%arg19 : memref<!tpu.dma_semaphore, #tpu.memory_space<semaphore_mem>>)
    %scan3A_21 = arith.constant 0 : i32
    %scan3A_22 = arith.constant 0 : i32
    %scan3A_23 = arith.constant 31 : i32
    %scan3A_24 = arith.addi %scan3A_22, %scan3A_23 : i32
    %scan3A_25 = arith.constant 1 : i32
    %scan3A_26 = scf.for %scan3A_61 = %scan3A_22 to %scan3A_24 step %scan3A_25 iter_args(%scan3A_62 = %scan3A_21) -> (i32)  : i32 {
      %mul3A_63 = arith.constant 4 : i32
      %mul3A_64 = arith.muli %scan3A_61, %mul3A_63 : i32
      %eq3A = arith.constant 0 : i32
      %eq3A_65 = arith.cmpi eq, %scan3A_61, %eq3A : i32
      %convert_element_type3A = arith.extui %eq3A_65 : i1 to i32
      %cond3A = arith.constant 0 : i32
      %cond3A_66 = arith.cmpi ne, %convert_element_type3A, %cond3A : i32
      scf.if %cond3A_66 {
        %add3A_72 = arith.constant 0 : i32
        %add3A_73 = arith.addi %mul3A_64, %add3A_72 : i32
        %mul3A_74 = arith.constant 10000 : i32
        %mul3A_75 = arith.muli %add3A, %mul3A_74 : i32
        %mul3A_76 = arith.constant 80 : i32
        %mul3A_77 = arith.muli %add3A_73, %mul3A_76 : i32
        %add3A_78 = arith.addi %mul3A_75, %mul3A_77 : i32
        %multiple_of3A_79 = tpu.assume_multiple %add3A_78, 8 : i32
        %dma_wait3A_80 = tpu.memref_slice %arg3[%multiple_of3A_79] : memref<320000xi32, #tpu.memory_space<hbm>> -> memref<80xi32, #tpu.memory_space<hbm>>
        %dma_wait3A_81 = tpu.memref_slice %arg3[%multiple_of3A_79] : memref<320000xi32, #tpu.memory_space<hbm>> -> memref<80xi32, #tpu.memory_space<hbm>>
        tpu.wait_dma2 semaphore(%arg19 : memref<!tpu.dma_semaphore, #tpu.memory_space<semaphore_mem>>) src(%dma_wait3A_81 : memref<80xi32, #tpu.memory_space<hbm>>) dst(%arg6 : memref<80xi32, #tpu.memory_space<vmem>>)
        %dma_wait3A_82 = tpu.memref_slice %arg4[%multiple_of3A_79] : memref<320000xi32, #tpu.memory_space<hbm>> -> memref<80xi32, #tpu.memory_space<hbm>>
        %dma_wait3A_83 = tpu.memref_slice %arg4[%multiple_of3A_79] : memref<320000xi32, #tpu.memory_space<hbm>> -> memref<80xi32, #tpu.memory_space<hbm>>
        tpu.wait_dma2 semaphore(%arg19 : memref<!tpu.dma_semaphore, #tpu.memory_space<semaphore_mem>>) src(%dma_wait3A_83 : memref<80xi32, #tpu.memory_space<hbm>>) dst(%arg10 : memref<80xi32, #tpu.memory_space<vmem>>)
        %dma_start3A_84 = arith.constant 0 : i32
        %dma_start3A_85 = arith.constant 0 : i32
        %dma_start3A_86 = tpu.memref_slice %arg2[%dma_start3A_84, %dma_start3A_85] : memref<10000x128xf32, #tpu.memory_space<hbm>> -> memref<10000x128xf32, #tpu.memory_space<hbm>>
        tpu.enqueue_indirect_dma source(%dma_start3A_86 : memref<10000x128xf32, #tpu.memory_space<hbm>>) target(%arg14 : memref<80x128xf32, #tpu.memory_space<vmem>>) offsets(%arg6 : memref<80xi32, #tpu.memory_space<vmem>>) semaphore(%arg27 : memref<!tpu.dma_semaphore, #tpu.memory_space<semaphore_mem>>)
        %add3A_87 = arith.constant 1 : i32
        %add3A_88 = arith.addi %add3A_73, %add3A_87 : i32
        %mul3A_89 = arith.constant 10000 : i32
        %mul3A_90 = arith.muli %add3A, %mul3A_89 : i32
        %mul3A_91 = arith.constant 80 : i32
        %mul3A_92 = arith.muli %add3A_88, %mul3A_91 : i32
        %add3A_93 = arith.addi %mul3A_90, %mul3A_92 : i32
        %multiple_of3A_94 = tpu.assume_multiple %add3A_93, 8 : i32
        %dma_start3A_95 = tpu.memref_slice %arg3[%multiple_of3A_94] : memref<320000xi32, #tpu.memory_space<hbm>> -> memref<80xi32, #tpu.memory_space<hbm>>
        %dma_start3A_96 = tpu.memref_slice %arg3[%multiple_of3A_94] : memref<320000xi32, #tpu.memory_space<hbm>> -> memref<80xi32, #tpu.memory_space<hbm>>
        tpu.enqueue_dma source(%dma_start3A_96 : memref<80xi32, #tpu.memory_space<hbm>>) target(%arg7 : memref<80xi32, #tpu.memory_space<vmem>>) target_semaphore(%arg20 : memref<!tpu.dma_semaphore, #tpu.memory_space<semaphore_mem>>)
        %dma_start3A_97 = tpu.memref_slice %arg4[%multiple_of3A_94] : memref<320000xi32, #tpu.memory_space<hbm>> -> memref<80xi32, #tpu.memory_space<hbm>>
        %dma_start3A_98 = tpu.memref_slice %arg4[%multiple_of3A_94] : memref<320000xi32, #tpu.memory_space<hbm>> -> memref<80xi32, #tpu.memory_space<hbm>>
        tpu.enqueue_dma source(%dma_start3A_98 : memref<80xi32, #tpu.memory_space<hbm>>) target(%arg11 : memref<80xi32, #tpu.memory_space<vmem>>) target_semaphore(%arg20 : memref<!tpu.dma_semaphore, #tpu.memory_space<semaphore_mem>>)
        %dma_wait3A_99 = arith.constant 0 : i32
        %dma_wait3A_100 = arith.constant 0 : i32
        %dma_wait3A_101 = tpu.memref_slice %arg2[%dma_wait3A_99, %dma_wait3A_100] : memref<10000x128xf32, #tpu.memory_space<hbm>> -> memref<10000x128xf32, #tpu.memory_space<hbm>>
        tpu.wait_indirect_dma semaphore(%arg27 : memref<!tpu.dma_semaphore, #tpu.memory_space<semaphore_mem>>) src(%dma_wait3A_101 : memref<10000x128xf32, #tpu.memory_space<hbm>>) dst(%arg14 : memref<80x128xf32, #tpu.memory_space<vmem>>)
        %dma_start3A_102 = arith.constant 0 : i32
        %dma_start3A_103 = arith.constant 0 : i32
        %dma_start3A_104 = tpu.memref_slice %arg18[%dma_start3A_102, %dma_start3A_103] : memref<10240x128xf32, #tpu.memory_space<vmem_shared>> -> memref<10240x128xf32, #tpu.memory_space<vmem_shared>>
        tpu.enqueue_indirect_dma source(%arg14 : memref<80x128xf32, #tpu.memory_space<vmem>>) target(%dma_start3A_104 : memref<10240x128xf32, #tpu.memory_space<vmem_shared>>) offsets(%arg10 : memref<80xi32, #tpu.memory_space<vmem>>) semaphore(%arg23 : memref<!tpu.dma_semaphore, #tpu.memory_space<semaphore_mem>>) {add = true}
        %add3A_105 = arith.constant 1 : i32
        %add3A_106 = arith.addi %mul3A_64, %add3A_105 : i32
        %mul3A_107 = arith.constant 10000 : i32
        %mul3A_108 = arith.muli %add3A, %mul3A_107 : i32
        %mul3A_109 = arith.constant 80 : i32
        %mul3A_110 = arith.muli %add3A_106, %mul3A_109 : i32
        %add3A_111 = arith.addi %mul3A_108, %mul3A_110 : i32
        %multiple_of3A_112 = tpu.assume_multiple %add3A_111, 8 : i32
        %dma_wait3A_113 = tpu.memref_slice %arg3[%multiple_of3A_112] : memref<320000xi32, #tpu.memory_space<hbm>> -> memref<80xi32, #tpu.memory_space<hbm>>
        %dma_wait3A_114 = tpu.memref_slice %arg3[%multiple_of3A_112] : memref<320000xi32, #tpu.memory_space<hbm>> -> memref<80xi32, #tpu.memory_space<hbm>>
        tpu.wait_dma2 semaphore(%arg20 : memref<!tpu.dma_semaphore, #tpu.memory_space<semaphore_mem>>) src(%dma_wait3A_114 : memref<80xi32, #tpu.memory_space<hbm>>) dst(%arg7 : memref<80xi32, #tpu.memory_space<vmem>>)
        %dma_wait3A_115 = tpu.memref_slice %arg4[%multiple_of3A_112] : memref<320000xi32, #tpu.memory_space<hbm>> -> memref<80xi32, #tpu.memory_space<hbm>>
        %dma_wait3A_116 = tpu.memref_slice %arg4[%multiple_of3A_112] : memref<320000xi32, #tpu.memory_space<hbm>> -> memref<80xi32, #tpu.memory_space<hbm>>
        tpu.wait_dma2 semaphore(%arg20 : memref<!tpu.dma_semaphore, #tpu.memory_space<semaphore_mem>>) src(%dma_wait3A_116 : memref<80xi32, #tpu.memory_space<hbm>>) dst(%arg11 : memref<80xi32, #tpu.memory_space<vmem>>)
        %dma_start3A_117 = arith.constant 0 : i32
        %dma_start3A_118 = arith.constant 0 : i32
        %dma_start3A_119 = tpu.memref_slice %arg2[%dma_start3A_117, %dma_start3A_118] : memref<10000x128xf32, #tpu.memory_space<hbm>> -> memref<10000x128xf32, #tpu.memory_space<hbm>>
        tpu.enqueue_indirect_dma source(%dma_start3A_119 : memref<10000x128xf32, #tpu.memory_space<hbm>>) target(%arg15 : memref<80x128xf32, #tpu.memory_space<vmem>>) offsets(%arg7 : memref<80xi32, #tpu.memory_space<vmem>>) semaphore(%arg27 : memref<!tpu.dma_semaphore, #tpu.memory_space<semaphore_mem>>)
        %add3A_120 = arith.constant 1 : i32
        %add3A_121 = arith.addi %add3A_106, %add3A_120 : i32
        %mul3A_122 = arith.constant 10000 : i32
        %mul3A_123 = arith.muli %add3A, %mul3A_122 : i32
        %mul3A_124 = arith.constant 80 : i32
        %mul3A_125 = arith.muli %add3A_121, %mul3A_124 : i32
        %add3A_126 = arith.addi %mul3A_123, %mul3A_125 : i32
        %multiple_of3A_127 = tpu.assume_multiple %add3A_126, 8 : i32
        %dma_start3A_128 = tpu.memref_slice %arg3[%multiple_of3A_127] : memref<320000xi32, #tpu.memory_space<hbm>> -> memref<80xi32, #tpu.memory_space<hbm>>
        %dma_start3A_129 = tpu.memref_slice %arg3[%multiple_of3A_127] : memref<320000xi32, #tpu.memory_space<hbm>> -> memref<80xi32, #tpu.memory_space<hbm>>
        tpu.enqueue_dma source(%dma_start3A_129 : memref<80xi32, #tpu.memory_space<hbm>>) target(%arg8 : memref<80xi32, #tpu.memory_space<vmem>>) target_semaphore(%arg21 : memref<!tpu.dma_semaphore, #tpu.memory_space<semaphore_mem>>)
        %dma_start3A_130 = tpu.memref_slice %arg4[%multiple_of3A_127] : memref<320000xi32, #tpu.memory_space<hbm>> -> memref<80xi32, #tpu.memory_space<hbm>>
        %dma_start3A_131 = tpu.memref_slice %arg4[%multiple_of3A_127] : memref<320000xi32, #tpu.memory_space<hbm>> -> memref<80xi32, #tpu.memory_space<hbm>>
        tpu.enqueue_dma source(%dma_start3A_131 : memref<80xi32, #tpu.memory_space<hbm>>) target(%arg12 : memref<80xi32, #tpu.memory_space<vmem>>) target_semaphore(%arg21 : memref<!tpu.dma_semaphore, #tpu.memory_space<semaphore_mem>>)
        %dma_wait3A_132 = arith.constant 0 : i32
        %dma_wait3A_133 = arith.constant 0 : i32
        %dma_wait3A_134 = tpu.memref_slice %arg2[%dma_wait3A_132, %dma_wait3A_133] : memref<10000x128xf32, #tpu.memory_space<hbm>> -> memref<10000x128xf32, #tpu.memory_space<hbm>>
        tpu.wait_indirect_dma semaphore(%arg27 : memref<!tpu.dma_semaphore, #tpu.memory_space<semaphore_mem>>) src(%dma_wait3A_134 : memref<10000x128xf32, #tpu.memory_space<hbm>>) dst(%arg15 : memref<80x128xf32, #tpu.memory_space<vmem>>)
        %dma_start3A_135 = arith.constant 0 : i32
        %dma_start3A_136 = arith.constant 0 : i32
        %dma_start3A_137 = tpu.memref_slice %arg18[%dma_start3A_135, %dma_start3A_136] : memref<10240x128xf32, #tpu.memory_space<vmem_shared>> -> memref<10240x128xf32, #tpu.memory_space<vmem_shared>>
        tpu.enqueue_indirect_dma source(%arg15 : memref<80x128xf32, #tpu.memory_space<vmem>>) target(%dma_start3A_137 : memref<10240x128xf32, #tpu.memory_space<vmem_shared>>) offsets(%arg11 : memref<80xi32, #tpu.memory_space<vmem>>) semaphore(%arg24 : memref<!tpu.dma_semaphore, #tpu.memory_space<semaphore_mem>>) {add = true}
        %add3A_138 = arith.constant 2 : i32
        %add3A_139 = arith.addi %mul3A_64, %add3A_138 : i32
        %mul3A_140 = arith.constant 10000 : i32
        %mul3A_141 = arith.muli %add3A, %mul3A_140 : i32
        %mul3A_142 = arith.constant 80 : i32
        %mul3A_143 = arith.muli %add3A_139, %mul3A_142 : i32
        %add3A_144 = arith.addi %mul3A_141, %mul3A_143 : i32
        %multiple_of3A_145 = tpu.assume_multiple %add3A_144, 8 : i32
        %dma_wait3A_146 = tpu.memref_slice %arg3[%multiple_of3A_145] : memref<320000xi32, #tpu.memory_space<hbm>> -> memref<80xi32, #tpu.memory_space<hbm>>
        %dma_wait3A_147 = tpu.memref_slice %arg3[%multiple_of3A_145] : memref<320000xi32, #tpu.memory_space<hbm>> -> memref<80xi32, #tpu.memory_space<hbm>>
        tpu.wait_dma2 semaphore(%arg21 : memref<!tpu.dma_semaphore, #tpu.memory_space<semaphore_mem>>) src(%dma_wait3A_147 : memref<80xi32, #tpu.memory_space<hbm>>) dst(%arg8 : memref<80xi32, #tpu.memory_space<vmem>>)
        %dma_wait3A_148 = tpu.memref_slice %arg4[%multiple_of3A_145] : memref<320000xi32, #tpu.memory_space<hbm>> -> memref<80xi32, #tpu.memory_space<hbm>>
        %dma_wait3A_149 = tpu.memref_slice %arg4[%multiple_of3A_145] : memref<320000xi32, #tpu.memory_space<hbm>> -> memref<80xi32, #tpu.memory_space<hbm>>
        tpu.wait_dma2 semaphore(%arg21 : memref<!tpu.dma_semaphore, #tpu.memory_space<semaphore_mem>>) src(%dma_wait3A_149 : memref<80xi32, #tpu.memory_space<hbm>>) dst(%arg12 : memref<80xi32, #tpu.memory_space<vmem>>)
        %dma_start3A_150 = arith.constant 0 : i32
        %dma_start3A_151 = arith.constant 0 : i32
        %dma_start3A_152 = tpu.memref_slice %arg2[%dma_start3A_150, %dma_start3A_151] : memref<10000x128xf32, #tpu.memory_space<hbm>> -> memref<10000x128xf32, #tpu.memory_space<hbm>>
        tpu.enqueue_indirect_dma source(%dma_start3A_152 : memref<10000x128xf32, #tpu.memory_space<hbm>>) target(%arg16 : memref<80x128xf32, #tpu.memory_space<vmem>>) offsets(%arg8 : memref<80xi32, #tpu.memory_space<vmem>>) semaphore(%arg27 : memref<!tpu.dma_semaphore, #tpu.memory_space<semaphore_mem>>)
        %add3A_153 = arith.constant 1 : i32
        %add3A_154 = arith.addi %add3A_139, %add3A_153 : i32
        %mul3A_155 = arith.constant 10000 : i32
        %mul3A_156 = arith.muli %add3A, %mul3A_155 : i32
        %mul3A_157 = arith.constant 80 : i32
        %mul3A_158 = arith.muli %add3A_154, %mul3A_157 : i32
        %add3A_159 = arith.addi %mul3A_156, %mul3A_158 : i32
        %multiple_of3A_160 = tpu.assume_multiple %add3A_159, 8 : i32
        %dma_start3A_161 = tpu.memref_slice %arg3[%multiple_of3A_160] : memref<320000xi32, #tpu.memory_space<hbm>> -> memref<80xi32, #tpu.memory_space<hbm>>
        %dma_start3A_162 = tpu.memref_slice %arg3[%multiple_of3A_160] : memref<320000xi32, #tpu.memory_space<hbm>> -> memref<80xi32, #tpu.memory_space<hbm>>
        tpu.enqueue_dma source(%dma_start3A_162 : memref<80xi32, #tpu.memory_space<hbm>>) target(%arg9 : memref<80xi32, #tpu.memory_space<vmem>>) target_semaphore(%arg22 : memref<!tpu.dma_semaphore, #tpu.memory_space<semaphore_mem>>)
        %dma_start3A_163 = tpu.memref_slice %arg4[%multiple_of3A_160] : memref<320000xi32, #tpu.memory_space<hbm>> -> memref<80xi32, #tpu.memory_space<hbm>>
        %dma_start3A_164 = tpu.memref_slice %arg4[%multiple_of3A_160] : memref<320000xi32, #tpu.memory_space<hbm>> -> memref<80xi32, #tpu.memory_space<hbm>>
        tpu.enqueue_dma source(%dma_start3A_164 : memref<80xi32, #tpu.memory_space<hbm>>) target(%arg13 : memref<80xi32, #tpu.memory_space<vmem>>) target_semaphore(%arg22 : memref<!tpu.dma_semaphore, #tpu.memory_space<semaphore_mem>>)
        %dma_wait3A_165 = arith.constant 0 : i32
        %dma_wait3A_166 = arith.constant 0 : i32
        %dma_wait3A_167 = tpu.memref_slice %arg2[%dma_wait3A_165, %dma_wait3A_166] : memref<10000x128xf32, #tpu.memory_space<hbm>> -> memref<10000x128xf32, #tpu.memory_space<hbm>>
        tpu.wait_indirect_dma semaphore(%arg27 : memref<!tpu.dma_semaphore, #tpu.memory_space<semaphore_mem>>) src(%dma_wait3A_167 : memref<10000x128xf32, #tpu.memory_space<hbm>>) dst(%arg16 : memref<80x128xf32, #tpu.memory_space<vmem>>)
        %dma_start3A_168 = arith.constant 0 : i32
        %dma_start3A_169 = arith.constant 0 : i32
        %dma_start3A_170 = tpu.memref_slice %arg18[%dma_start3A_168, %dma_start3A_169] : memref<10240x128xf32, #tpu.memory_space<vmem_shared>> -> memref<10240x128xf32, #tpu.memory_space<vmem_shared>>
        tpu.enqueue_indirect_dma source(%arg16 : memref<80x128xf32, #tpu.memory_space<vmem>>) target(%dma_start3A_170 : memref<10240x128xf32, #tpu.memory_space<vmem_shared>>) offsets(%arg12 : memref<80xi32, #tpu.memory_space<vmem>>) semaphore(%arg25 : memref<!tpu.dma_semaphore, #tpu.memory_space<semaphore_mem>>) {add = true}
        %add3A_171 = arith.constant 3 : i32
        %add3A_172 = arith.addi %mul3A_64, %add3A_171 : i32
        %mul3A_173 = arith.constant 10000 : i32
        %mul3A_174 = arith.muli %add3A, %mul3A_173 : i32
        %mul3A_175 = arith.constant 80 : i32
        %mul3A_176 = arith.muli %add3A_172, %mul3A_175 : i32
        %add3A_177 = arith.addi %mul3A_174, %mul3A_176 : i32
        %multiple_of3A_178 = tpu.assume_multiple %add3A_177, 8 : i32
        %dma_wait3A_179 = tpu.memref_slice %arg3[%multiple_of3A_178] : memref<320000xi32, #tpu.memory_space<hbm>> -> memref<80xi32, #tpu.memory_space<hbm>>
        %dma_wait3A_180 = tpu.memref_slice %arg3[%multiple_of3A_178] : memref<320000xi32, #tpu.memory_space<hbm>> -> memref<80xi32, #tpu.memory_space<hbm>>
        tpu.wait_dma2 semaphore(%arg22 : memref<!tpu.dma_semaphore, #tpu.memory_space<semaphore_mem>>) src(%dma_wait3A_180 : memref<80xi32, #tpu.memory_space<hbm>>) dst(%arg9 : memref<80xi32, #tpu.memory_space<vmem>>)
        %dma_wait3A_181 = tpu.memref_slice %arg4[%multiple_of3A_178] : memref<320000xi32, #tpu.memory_space<hbm>> -> memref<80xi32, #tpu.memory_space<hbm>>
        %dma_wait3A_182 = tpu.memref_slice %arg4[%multiple_of3A_178] : memref<320000xi32, #tpu.memory_space<hbm>> -> memref<80xi32, #tpu.memory_space<hbm>>
        tpu.wait_dma2 semaphore(%arg22 : memref<!tpu.dma_semaphore, #tpu.memory_space<semaphore_mem>>) src(%dma_wait3A_182 : memref<80xi32, #tpu.memory_space<hbm>>) dst(%arg13 : memref<80xi32, #tpu.memory_space<vmem>>)
        %dma_start3A_183 = arith.constant 0 : i32
        %dma_start3A_184 = arith.constant 0 : i32
        %dma_start3A_185 = tpu.memref_slice %arg2[%dma_start3A_183, %dma_start3A_184] : memref<10000x128xf32, #tpu.memory_space<hbm>> -> memref<10000x128xf32, #tpu.memory_space<hbm>>
        tpu.enqueue_indirect_dma source(%dma_start3A_185 : memref<10000x128xf32, #tpu.memory_space<hbm>>) target(%arg17 : memref<80x128xf32, #tpu.memory_space<vmem>>) offsets(%arg9 : memref<80xi32, #tpu.memory_space<vmem>>) semaphore(%arg27 : memref<!tpu.dma_semaphore, #tpu.memory_space<semaphore_mem>>)
        %dma_wait3A_186 = arith.constant 0 : i32
        %dma_wait3A_187 = arith.constant 0 : i32
        %dma_wait3A_188 = tpu.memref_slice %arg18[%dma_wait3A_186, %dma_wait3A_187] : memref<10240x128xf32, #tpu.memory_space<vmem_shared>> -> memref<10240x128xf32, #tpu.memory_space<vmem_shared>>
        tpu.wait_indirect_dma semaphore(%arg23 : memref<!tpu.dma_semaphore, #tpu.memory_space<semaphore_mem>>) src(%arg14 : memref<80x128xf32, #tpu.memory_space<vmem>>) dst(%dma_wait3A_188 : memref<10240x128xf32, #tpu.memory_space<vmem_shared>>)
        %add3A_189 = arith.constant 1 : i32
        %add3A_190 = arith.addi %add3A_172, %add3A_189 : i32
        %mul3A_191 = arith.constant 10000 : i32
        %mul3A_192 = arith.muli %add3A, %mul3A_191 : i32
        %mul3A_193 = arith.constant 80 : i32
        %mul3A_194 = arith.muli %add3A_190, %mul3A_193 : i32
        %add3A_195 = arith.addi %mul3A_192, %mul3A_194 : i32
        %multiple_of3A_196 = tpu.assume_multiple %add3A_195, 8 : i32
        %dma_start3A_197 = tpu.memref_slice %arg3[%multiple_of3A_196] : memref<320000xi32, #tpu.memory_space<hbm>> -> memref<80xi32, #tpu.memory_space<hbm>>
        %dma_start3A_198 = tpu.memref_slice %arg3[%multiple_of3A_196] : memref<320000xi32, #tpu.memory_space<hbm>> -> memref<80xi32, #tpu.memory_space<hbm>>
        tpu.enqueue_dma source(%dma_start3A_198 : memref<80xi32, #tpu.memory_space<hbm>>) target(%arg6 : memref<80xi32, #tpu.memory_space<vmem>>) target_semaphore(%arg19 : memref<!tpu.dma_semaphore, #tpu.memory_space<semaphore_mem>>)
        %dma_start3A_199 = tpu.memref_slice %arg4[%multiple_of3A_196] : memref<320000xi32, #tpu.memory_space<hbm>> -> memref<80xi32, #tpu.memory_space<hbm>>
        %dma_start3A_200 = tpu.memref_slice %arg4[%multiple_of3A_196] : memref<320000xi32, #tpu.memory_space<hbm>> -> memref<80xi32, #tpu.memory_space<hbm>>
        tpu.enqueue_dma source(%dma_start3A_200 : memref<80xi32, #tpu.memory_space<hbm>>) target(%arg10 : memref<80xi32, #tpu.memory_space<vmem>>) target_semaphore(%arg19 : memref<!tpu.dma_semaphore, #tpu.memory_space<semaphore_mem>>)
        %dma_wait3A_201 = arith.constant 0 : i32
        %dma_wait3A_202 = arith.constant 0 : i32
        %dma_wait3A_203 = tpu.memref_slice %arg2[%dma_wait3A_201, %dma_wait3A_202] : memref<10000x128xf32, #tpu.memory_space<hbm>> -> memref<10000x128xf32, #tpu.memory_space<hbm>>
        tpu.wait_indirect_dma semaphore(%arg27 : memref<!tpu.dma_semaphore, #tpu.memory_space<semaphore_mem>>) src(%dma_wait3A_203 : memref<10000x128xf32, #tpu.memory_space<hbm>>) dst(%arg17 : memref<80x128xf32, #tpu.memory_space<vmem>>)
        %dma_start3A_204 = arith.constant 0 : i32
        %dma_start3A_205 = arith.constant 0 : i32
        %dma_start3A_206 = tpu.memref_slice %arg18[%dma_start3A_204, %dma_start3A_205] : memref<10240x128xf32, #tpu.memory_space<vmem_shared>> -> memref<10240x128xf32, #tpu.memory_space<vmem_shared>>
        tpu.enqueue_indirect_dma source(%arg17 : memref<80x128xf32, #tpu.memory_space<vmem>>) target(%dma_start3A_206 : memref<10240x128xf32, #tpu.memory_space<vmem_shared>>) offsets(%arg13 : memref<80xi32, #tpu.memory_space<vmem>>) semaphore(%arg26 : memref<!tpu.dma_semaphore, #tpu.memory_space<semaphore_mem>>) {add = true}
      } else {
      }
      %gt3A = arith.constant 0 : i32
      %gt3A_67 = arith.cmpi sgt, %scan3A_61, %gt3A : i32
      %convert_element_type3A_68 = arith.extui %gt3A_67 : i1 to i32
      %cond3A_69 = arith.constant 0 : i32
      %cond3A_70 = arith.cmpi ne, %convert_element_type3A_68, %cond3A_69 : i32
      scf.if %cond3A_70 {
        %add3A_72 = arith.constant 0 : i32
        %add3A_73 = arith.addi %mul3A_64, %add3A_72 : i32
        %mul3A_74 = arith.constant 10000 : i32
        %mul3A_75 = arith.muli %add3A, %mul3A_74 : i32
        %mul3A_76 = arith.constant 80 : i32
        %mul3A_77 = arith.muli %add3A_73, %mul3A_76 : i32
        %add3A_78 = arith.addi %mul3A_75, %mul3A_77 : i32
        %multiple_of3A_79 = tpu.assume_multiple %add3A_78, 8 : i32
        %dma_wait3A_80 = tpu.memref_slice %arg3[%multiple_of3A_79] : memref<320000xi32, #tpu.memory_space<hbm>> -> memref<80xi32, #tpu.memory_space<hbm>>
        %dma_wait3A_81 = tpu.memref_slice %arg3[%multiple_of3A_79] : memref<320000xi32, #tpu.memory_space<hbm>> -> memref<80xi32, #tpu.memory_space<hbm>>
        tpu.wait_dma2 semaphore(%arg19 : memref<!tpu.dma_semaphore, #tpu.memory_space<semaphore_mem>>) src(%dma_wait3A_81 : memref<80xi32, #tpu.memory_space<hbm>>) dst(%arg6 : memref<80xi32, #tpu.memory_space<vmem>>)
        %dma_wait3A_82 = tpu.memref_slice %arg4[%multiple_of3A_79] : memref<320000xi32, #tpu.memory_space<hbm>> -> memref<80xi32, #tpu.memory_space<hbm>>
        %dma_wait3A_83 = tpu.memref_slice %arg4[%multiple_of3A_79] : memref<320000xi32, #tpu.memory_space<hbm>> -> memref<80xi32, #tpu.memory_space<hbm>>
        tpu.wait_dma2 semaphore(%arg19 : memref<!tpu.dma_semaphore, #tpu.memory_space<semaphore_mem>>) src(%dma_wait3A_83 : memref<80xi32, #tpu.memory_space<hbm>>) dst(%arg10 : memref<80xi32, #tpu.memory_space<vmem>>)
        %dma_start3A_84 = arith.constant 0 : i32
        %dma_start3A_85 = arith.constant 0 : i32
        %dma_start3A_86 = tpu.memref_slice %arg2[%dma_start3A_84, %dma_start3A_85] : memref<10000x128xf32, #tpu.memory_space<hbm>> -> memref<10000x128xf32, #tpu.memory_space<hbm>>
        tpu.enqueue_indirect_dma source(%dma_start3A_86 : memref<10000x128xf32, #tpu.memory_space<hbm>>) target(%arg14 : memref<80x128xf32, #tpu.memory_space<vmem>>) offsets(%arg6 : memref<80xi32, #tpu.memory_space<vmem>>) semaphore(%arg27 : memref<!tpu.dma_semaphore, #tpu.memory_space<semaphore_mem>>)
        %dma_wait3A_87 = arith.constant 0 : i32
        %dma_wait3A_88 = arith.constant 0 : i32
        %dma_wait3A_89 = tpu.memref_slice %arg18[%dma_wait3A_87, %dma_wait3A_88] : memref<10240x128xf32, #tpu.memory_space<vmem_shared>> -> memref<10240x128xf32, #tpu.memory_space<vmem_shared>>
        tpu.wait_indirect_dma semaphore(%arg24 : memref<!tpu.dma_semaphore, #tpu.memory_space<semaphore_mem>>) src(%arg15 : memref<80x128xf32, #tpu.memory_space<vmem>>) dst(%dma_wait3A_89 : memref<10240x128xf32, #tpu.memory_space<vmem_shared>>)
        %add3A_90 = arith.constant 1 : i32
        %add3A_91 = arith.addi %add3A_73, %add3A_90 : i32
        %mul3A_92 = arith.constant 10000 : i32
        %mul3A_93 = arith.muli %add3A, %mul3A_92 : i32
        %mul3A_94 = arith.constant 80 : i32
        %mul3A_95 = arith.muli %add3A_91, %mul3A_94 : i32
        %add3A_96 = arith.addi %mul3A_93, %mul3A_95 : i32
        %multiple_of3A_97 = tpu.assume_multiple %add3A_96, 8 : i32
        %dma_start3A_98 = tpu.memref_slice %arg3[%multiple_of3A_97] : memref<320000xi32, #tpu.memory_space<hbm>> -> memref<80xi32, #tpu.memory_space<hbm>>
        %dma_start3A_99 = tpu.memref_slice %arg3[%multiple_of3A_97] : memref<320000xi32, #tpu.memory_space<hbm>> -> memref<80xi32, #tpu.memory_space<hbm>>
        tpu.enqueue_dma source(%dma_start3A_99 : memref<80xi32, #tpu.memory_space<hbm>>) target(%arg7 : memref<80xi32, #tpu.memory_space<vmem>>) target_semaphore(%arg20 : memref<!tpu.dma_semaphore, #tpu.memory_space<semaphore_mem>>)
        %dma_start3A_100 = tpu.memref_slice %arg4[%multiple_of3A_97] : memref<320000xi32, #tpu.memory_space<hbm>> -> memref<80xi32, #tpu.memory_space<hbm>>
        %dma_start3A_101 = tpu.memref_slice %arg4[%multiple_of3A_97] : memref<320000xi32, #tpu.memory_space<hbm>> -> memref<80xi32, #tpu.memory_space<hbm>>
        tpu.enqueue_dma source(%dma_start3A_101 : memref<80xi32, #tpu.memory_space<hbm>>) target(%arg11 : memref<80xi32, #tpu.memory_space<vmem>>) target_semaphore(%arg20 : memref<!tpu.dma_semaphore, #tpu.memory_space<semaphore_mem>>)
        %dma_wait3A_102 = arith.constant 0 : i32
        %dma_wait3A_103 = arith.constant 0 : i32
        %dma_wait3A_104 = tpu.memref_slice %arg2[%dma_wait3A_102, %dma_wait3A_103] : memref<10000x128xf32, #tpu.memory_space<hbm>> -> memref<10000x128xf32, #tpu.memory_space<hbm>>
        tpu.wait_indirect_dma semaphore(%arg27 : memref<!tpu.dma_semaphore, #tpu.memory_space<semaphore_mem>>) src(%dma_wait3A_104 : memref<10000x128xf32, #tpu.memory_space<hbm>>) dst(%arg14 : memref<80x128xf32, #tpu.memory_space<vmem>>)
        %dma_start3A_105 = arith.constant 0 : i32
        %dma_start3A_106 = arith.constant 0 : i32
        %dma_start3A_107 = tpu.memref_slice %arg18[%dma_start3A_105, %dma_start3A_106] : memref<10240x128xf32, #tpu.memory_space<vmem_shared>> -> memref<10240x128xf32, #tpu.memory_space<vmem_shared>>
        tpu.enqueue_indirect_dma source(%arg14 : memref<80x128xf32, #tpu.memory_space<vmem>>) target(%dma_start3A_107 : memref<10240x128xf32, #tpu.memory_space<vmem_shared>>) offsets(%arg10 : memref<80xi32, #tpu.memory_space<vmem>>) semaphore(%arg23 : memref<!tpu.dma_semaphore, #tpu.memory_space<semaphore_mem>>) {add = true}
        %add3A_108 = arith.constant 1 : i32
        %add3A_109 = arith.addi %mul3A_64, %add3A_108 : i32
        %mul3A_110 = arith.constant 10000 : i32
        %mul3A_111 = arith.muli %add3A, %mul3A_110 : i32
        %mul3A_112 = arith.constant 80 : i32
        %mul3A_113 = arith.muli %add3A_109, %mul3A_112 : i32
        %add3A_114 = arith.addi %mul3A_111, %mul3A_113 : i32
        %multiple_of3A_115 = tpu.assume_multiple %add3A_114, 8 : i32
        %dma_wait3A_116 = tpu.memref_slice %arg3[%multiple_of3A_115] : memref<320000xi32, #tpu.memory_space<hbm>> -> memref<80xi32, #tpu.memory_space<hbm>>
        %dma_wait3A_117 = tpu.memref_slice %arg3[%multiple_of3A_115] : memref<320000xi32, #tpu.memory_space<hbm>> -> memref<80xi32, #tpu.memory_space<hbm>>
        tpu.wait_dma2 semaphore(%arg20 : memref<!tpu.dma_semaphore, #tpu.memory_space<semaphore_mem>>) src(%dma_wait3A_117 : memref<80xi32, #tpu.memory_space<hbm>>) dst(%arg7 : memref<80xi32, #tpu.memory_space<vmem>>)
        %dma_wait3A_118 = tpu.memref_slice %arg4[%multiple_of3A_115] : memref<320000xi32, #tpu.memory_space<hbm>> -> memref<80xi32, #tpu.memory_space<hbm>>
        %dma_wait3A_119 = tpu.memref_slice %arg4[%multiple_of3A_115] : memref<320000xi32, #tpu.memory_space<hbm>> -> memref<80xi32, #tpu.memory_space<hbm>>
        tpu.wait_dma2 semaphore(%arg20 : memref<!tpu.dma_semaphore, #tpu.memory_space<semaphore_mem>>) src(%dma_wait3A_119 : memref<80xi32, #tpu.memory_space<hbm>>) dst(%arg11 : memref<80xi32, #tpu.memory_space<vmem>>)
        %dma_start3A_120 = arith.constant 0 : i32
        %dma_start3A_121 = arith.constant 0 : i32
        %dma_start3A_122 = tpu.memref_slice %arg2[%dma_start3A_120, %dma_start3A_121] : memref<10000x128xf32, #tpu.memory_space<hbm>> -> memref<10000x128xf32, #tpu.memory_space<hbm>>
        tpu.enqueue_indirect_dma source(%dma_start3A_122 : memref<10000x128xf32, #tpu.memory_space<hbm>>) target(%arg15 : memref<80x128xf32, #tpu.memory_space<vmem>>) offsets(%arg7 : memref<80xi32, #tpu.memory_space<vmem>>) semaphore(%arg27 : memref<!tpu.dma_semaphore, #tpu.memory_space<semaphore_mem>>)
        %dma_wait3A_123 = arith.constant 0 : i32
        %dma_wait3A_124 = arith.constant 0 : i32
        %dma_wait3A_125 = tpu.memref_slice %arg18[%dma_wait3A_123, %dma_wait3A_124] : memref<10240x128xf32, #tpu.memory_space<vmem_shared>> -> memref<10240x128xf32, #tpu.memory_space<vmem_shared>>
        tpu.wait_indirect_dma semaphore(%arg25 : memref<!tpu.dma_semaphore, #tpu.memory_space<semaphore_mem>>) src(%arg16 : memref<80x128xf32, #tpu.memory_space<vmem>>) dst(%dma_wait3A_125 : memref<10240x128xf32, #tpu.memory_space<vmem_shared>>)
        %add3A_126 = arith.constant 1 : i32
        %add3A_127 = arith.addi %add3A_109, %add3A_126 : i32
        %mul3A_128 = arith.constant 10000 : i32
        %mul3A_129 = arith.muli %add3A, %mul3A_128 : i32
        %mul3A_130 = arith.constant 80 : i32
        %mul3A_131 = arith.muli %add3A_127, %mul3A_130 : i32
        %add3A_132 = arith.addi %mul3A_129, %mul3A_131 : i32
        %multiple_of3A_133 = tpu.assume_multiple %add3A_132, 8 : i32
        %dma_start3A_134 = tpu.memref_slice %arg3[%multiple_of3A_133] : memref<320000xi32, #tpu.memory_space<hbm>> -> memref<80xi32, #tpu.memory_space<hbm>>
        %dma_start3A_135 = tpu.memref_slice %arg3[%multiple_of3A_133] : memref<320000xi32, #tpu.memory_space<hbm>> -> memref<80xi32, #tpu.memory_space<hbm>>
        tpu.enqueue_dma source(%dma_start3A_135 : memref<80xi32, #tpu.memory_space<hbm>>) target(%arg8 : memref<80xi32, #tpu.memory_space<vmem>>) target_semaphore(%arg21 : memref<!tpu.dma_semaphore, #tpu.memory_space<semaphore_mem>>)
        %dma_start3A_136 = tpu.memref_slice %arg4[%multiple_of3A_133] : memref<320000xi32, #tpu.memory_space<hbm>> -> memref<80xi32, #tpu.memory_space<hbm>>
        %dma_start3A_137 = tpu.memref_slice %arg4[%multiple_of3A_133] : memref<320000xi32, #tpu.memory_space<hbm>> -> memref<80xi32, #tpu.memory_space<hbm>>
        tpu.enqueue_dma source(%dma_start3A_137 : memref<80xi32, #tpu.memory_space<hbm>>) target(%arg12 : memref<80xi32, #tpu.memory_space<vmem>>) target_semaphore(%arg21 : memref<!tpu.dma_semaphore, #tpu.memory_space<semaphore_mem>>)
        %dma_wait3A_138 = arith.constant 0 : i32
        %dma_wait3A_139 = arith.constant 0 : i32
        %dma_wait3A_140 = tpu.memref_slice %arg2[%dma_wait3A_138, %dma_wait3A_139] : memref<10000x128xf32, #tpu.memory_space<hbm>> -> memref<10000x128xf32, #tpu.memory_space<hbm>>
        tpu.wait_indirect_dma semaphore(%arg27 : memref<!tpu.dma_semaphore, #tpu.memory_space<semaphore_mem>>) src(%dma_wait3A_140 : memref<10000x128xf32, #tpu.memory_space<hbm>>) dst(%arg15 : memref<80x128xf32, #tpu.memory_space<vmem>>)
        %dma_start3A_141 = arith.constant 0 : i32
        %dma_start3A_142 = arith.constant 0 : i32
        %dma_start3A_143 = tpu.memref_slice %arg18[%dma_start3A_141, %dma_start3A_142] : memref<10240x128xf32, #tpu.memory_space<vmem_shared>> -> memref<10240x128xf32, #tpu.memory_space<vmem_shared>>
        tpu.enqueue_indirect_dma source(%arg15 : memref<80x128xf32, #tpu.memory_space<vmem>>) target(%dma_start3A_143 : memref<10240x128xf32, #tpu.memory_space<vmem_shared>>) offsets(%arg11 : memref<80xi32, #tpu.memory_space<vmem>>) semaphore(%arg24 : memref<!tpu.dma_semaphore, #tpu.memory_space<semaphore_mem>>) {add = true}
        %add3A_144 = arith.constant 2 : i32
        %add3A_145 = arith.addi %mul3A_64, %add3A_144 : i32
        %mul3A_146 = arith.constant 10000 : i32
        %mul3A_147 = arith.muli %add3A, %mul3A_146 : i32
        %mul3A_148 = arith.constant 80 : i32
        %mul3A_149 = arith.muli %add3A_145, %mul3A_148 : i32
        %add3A_150 = arith.addi %mul3A_147, %mul3A_149 : i32
        %multiple_of3A_151 = tpu.assume_multiple %add3A_150, 8 : i32
        %dma_wait3A_152 = tpu.memref_slice %arg3[%multiple_of3A_151] : memref<320000xi32, #tpu.memory_space<hbm>> -> memref<80xi32, #tpu.memory_space<hbm>>
        %dma_wait3A_153 = tpu.memref_slice %arg3[%multiple_of3A_151] : memref<320000xi32, #tpu.memory_space<hbm>> -> memref<80xi32, #tpu.memory_space<hbm>>
        tpu.wait_dma2 semaphore(%arg21 : memref<!tpu.dma_semaphore, #tpu.memory_space<semaphore_mem>>) src(%dma_wait3A_153 : memref<80xi32, #tpu.memory_space<hbm>>) dst(%arg8 : memref<80xi32, #tpu.memory_space<vmem>>)
        %dma_wait3A_154 = tpu.memref_slice %arg4[%multiple_of3A_151] : memref<320000xi32, #tpu.memory_space<hbm>> -> memref<80xi32, #tpu.memory_space<hbm>>
        %dma_wait3A_155 = tpu.memref_slice %arg4[%multiple_of3A_151] : memref<320000xi32, #tpu.memory_space<hbm>> -> memref<80xi32, #tpu.memory_space<hbm>>
        tpu.wait_dma2 semaphore(%arg21 : memref<!tpu.dma_semaphore, #tpu.memory_space<semaphore_mem>>) src(%dma_wait3A_155 : memref<80xi32, #tpu.memory_space<hbm>>) dst(%arg12 : memref<80xi32, #tpu.memory_space<vmem>>)
        %dma_start3A_156 = arith.constant 0 : i32
        %dma_start3A_157 = arith.constant 0 : i32
        %dma_start3A_158 = tpu.memref_slice %arg2[%dma_start3A_156, %dma_start3A_157] : memref<10000x128xf32, #tpu.memory_space<hbm>> -> memref<10000x128xf32, #tpu.memory_space<hbm>>
        tpu.enqueue_indirect_dma source(%dma_start3A_158 : memref<10000x128xf32, #tpu.memory_space<hbm>>) target(%arg16 : memref<80x128xf32, #tpu.memory_space<vmem>>) offsets(%arg8 : memref<80xi32, #tpu.memory_space<vmem>>) semaphore(%arg27 : memref<!tpu.dma_semaphore, #tpu.memory_space<semaphore_mem>>)
        %dma_wait3A_159 = arith.constant 0 : i32
        %dma_wait3A_160 = arith.constant 0 : i32
        %dma_wait3A_161 = tpu.memref_slice %arg18[%dma_wait3A_159, %dma_wait3A_160] : memref<10240x128xf32, #tpu.memory_space<vmem_shared>> -> memref<10240x128xf32, #tpu.memory_space<vmem_shared>>
        tpu.wait_indirect_dma semaphore(%arg26 : memref<!tpu.dma_semaphore, #tpu.memory_space<semaphore_mem>>) src(%arg17 : memref<80x128xf32, #tpu.memory_space<vmem>>) dst(%dma_wait3A_161 : memref<10240x128xf32, #tpu.memory_space<vmem_shared>>)
        %add3A_162 = arith.constant 1 : i32
        %add3A_163 = arith.addi %add3A_145, %add3A_162 : i32
        %mul3A_164 = arith.constant 10000 : i32
        %mul3A_165 = arith.muli %add3A, %mul3A_164 : i32
        %mul3A_166 = arith.constant 80 : i32
        %mul3A_167 = arith.muli %add3A_163, %mul3A_166 : i32
        %add3A_168 = arith.addi %mul3A_165, %mul3A_167 : i32
        %multiple_of3A_169 = tpu.assume_multiple %add3A_168, 8 : i32
        %dma_start3A_170 = tpu.memref_slice %arg3[%multiple_of3A_169] : memref<320000xi32, #tpu.memory_space<hbm>> -> memref<80xi32, #tpu.memory_space<hbm>>
        %dma_start3A_171 = tpu.memref_slice %arg3[%multiple_of3A_169] : memref<320000xi32, #tpu.memory_space<hbm>> -> memref<80xi32, #tpu.memory_space<hbm>>
        tpu.enqueue_dma source(%dma_start3A_171 : memref<80xi32, #tpu.memory_space<hbm>>) target(%arg9 : memref<80xi32, #tpu.memory_space<vmem>>) target_semaphore(%arg22 : memref<!tpu.dma_semaphore, #tpu.memory_space<semaphore_mem>>)
        %dma_start3A_172 = tpu.memref_slice %arg4[%multiple_of3A_169] : memref<320000xi32, #tpu.memory_space<hbm>> -> memref<80xi32, #tpu.memory_space<hbm>>
        %dma_start3A_173 = tpu.memref_slice %arg4[%multiple_of3A_169] : memref<320000xi32, #tpu.memory_space<hbm>> -> memref<80xi32, #tpu.memory_space<hbm>>
        tpu.enqueue_dma source(%dma_start3A_173 : memref<80xi32, #tpu.memory_space<hbm>>) target(%arg13 : memref<80xi32, #tpu.memory_space<vmem>>) target_semaphore(%arg22 : memref<!tpu.dma_semaphore, #tpu.memory_space<semaphore_mem>>)
        %dma_wait3A_174 = arith.constant 0 : i32
        %dma_wait3A_175 = arith.constant 0 : i32
        %dma_wait3A_176 = tpu.memref_slice %arg2[%dma_wait3A_174, %dma_wait3A_175] : memref<10000x128xf32, #tpu.memory_space<hbm>> -> memref<10000x128xf32, #tpu.memory_space<hbm>>
        tpu.wait_indirect_dma semaphore(%arg27 : memref<!tpu.dma_semaphore, #tpu.memory_space<semaphore_mem>>) src(%dma_wait3A_176 : memref<10000x128xf32, #tpu.memory_space<hbm>>) dst(%arg16 : memref<80x128xf32, #tpu.memory_space<vmem>>)
        %dma_start3A_177 = arith.constant 0 : i32
        %dma_start3A_178 = arith.constant 0 : i32
        %dma_start3A_179 = tpu.memref_slice %arg18[%dma_start3A_177, %dma_start3A_178] : memref<10240x128xf32, #tpu.memory_space<vmem_shared>> -> memref<10240x128xf32, #tpu.memory_space<vmem_shared>>
        tpu.enqueue_indirect_dma source(%arg16 : memref<80x128xf32, #tpu.memory_space<vmem>>) target(%dma_start3A_179 : memref<10240x128xf32, #tpu.memory_space<vmem_shared>>) offsets(%arg12 : memref<80xi32, #tpu.memory_space<vmem>>) semaphore(%arg25 : memref<!tpu.dma_semaphore, #tpu.memory_space<semaphore_mem>>) {add = true}
        %add3A_180 = arith.constant 3 : i32
        %add3A_181 = arith.addi %mul3A_64, %add3A_180 : i32
        %mul3A_182 = arith.constant 10000 : i32
        %mul3A_183 = arith.muli %add3A, %mul3A_182 : i32
        %mul3A_184 = arith.constant 80 : i32
        %mul3A_185 = arith.muli %add3A_181, %mul3A_184 : i32
        %add3A_186 = arith.addi %mul3A_183, %mul3A_185 : i32
        %multiple_of3A_187 = tpu.assume_multiple %add3A_186, 8 : i32
        %dma_wait3A_188 = tpu.memref_slice %arg3[%multiple_of3A_187] : memref<320000xi32, #tpu.memory_space<hbm>> -> memref<80xi32, #tpu.memory_space<hbm>>
        %dma_wait3A_189 = tpu.memref_slice %arg3[%multiple_of3A_187] : memref<320000xi32, #tpu.memory_space<hbm>> -> memref<80xi32, #tpu.memory_space<hbm>>
        tpu.wait_dma2 semaphore(%arg22 : memref<!tpu.dma_semaphore, #tpu.memory_space<semaphore_mem>>) src(%dma_wait3A_189 : memref<80xi32, #tpu.memory_space<hbm>>) dst(%arg9 : memref<80xi32, #tpu.memory_space<vmem>>)
        %dma_wait3A_190 = tpu.memref_slice %arg4[%multiple_of3A_187] : memref<320000xi32, #tpu.memory_space<hbm>> -> memref<80xi32, #tpu.memory_space<hbm>>
        %dma_wait3A_191 = tpu.memref_slice %arg4[%multiple_of3A_187] : memref<320000xi32, #tpu.memory_space<hbm>> -> memref<80xi32, #tpu.memory_space<hbm>>
        tpu.wait_dma2 semaphore(%arg22 : memref<!tpu.dma_semaphore, #tpu.memory_space<semaphore_mem>>) src(%dma_wait3A_191 : memref<80xi32, #tpu.memory_space<hbm>>) dst(%arg13 : memref<80xi32, #tpu.memory_space<vmem>>)
        %dma_start3A_192 = arith.constant 0 : i32
        %dma_start3A_193 = arith.constant 0 : i32
        %dma_start3A_194 = tpu.memref_slice %arg2[%dma_start3A_192, %dma_start3A_193] : memref<10000x128xf32, #tpu.memory_space<hbm>> -> memref<10000x128xf32, #tpu.memory_space<hbm>>
        tpu.enqueue_indirect_dma source(%dma_start3A_194 : memref<10000x128xf32, #tpu.memory_space<hbm>>) target(%arg17 : memref<80x128xf32, #tpu.memory_space<vmem>>) offsets(%arg9 : memref<80xi32, #tpu.memory_space<vmem>>) semaphore(%arg27 : memref<!tpu.dma_semaphore, #tpu.memory_space<semaphore_mem>>)
        %dma_wait3A_195 = arith.constant 0 : i32
        %dma_wait3A_196 = arith.constant 0 : i32
        %dma_wait3A_197 = tpu.memref_slice %arg18[%dma_wait3A_195, %dma_wait3A_196] : memref<10240x128xf32, #tpu.memory_space<vmem_shared>> -> memref<10240x128xf32, #tpu.memory_space<vmem_shared>>
        tpu.wait_indirect_dma semaphore(%arg23 : memref<!tpu.dma_semaphore, #tpu.memory_space<semaphore_mem>>) src(%arg14 : memref<80x128xf32, #tpu.memory_space<vmem>>) dst(%dma_wait3A_197 : memref<10240x128xf32, #tpu.memory_space<vmem_shared>>)
        %add3A_198 = arith.constant 1 : i32
        %add3A_199 = arith.addi %add3A_181, %add3A_198 : i32
        %mul3A_200 = arith.constant 10000 : i32
        %mul3A_201 = arith.muli %add3A, %mul3A_200 : i32
        %mul3A_202 = arith.constant 80 : i32
        %mul3A_203 = arith.muli %add3A_199, %mul3A_202 : i32
        %add3A_204 = arith.addi %mul3A_201, %mul3A_203 : i32
        %multiple_of3A_205 = tpu.assume_multiple %add3A_204, 8 : i32
        %dma_start3A_206 = tpu.memref_slice %arg3[%multiple_of3A_205] : memref<320000xi32, #tpu.memory_space<hbm>> -> memref<80xi32, #tpu.memory_space<hbm>>
        %dma_start3A_207 = tpu.memref_slice %arg3[%multiple_of3A_205] : memref<320000xi32, #tpu.memory_space<hbm>> -> memref<80xi32, #tpu.memory_space<hbm>>
        tpu.enqueue_dma source(%dma_start3A_207 : memref<80xi32, #tpu.memory_space<hbm>>) target(%arg6 : memref<80xi32, #tpu.memory_space<vmem>>) target_semaphore(%arg19 : memref<!tpu.dma_semaphore, #tpu.memory_space<semaphore_mem>>)
        %dma_start3A_208 = tpu.memref_slice %arg4[%multiple_of3A_205] : memref<320000xi32, #tpu.memory_space<hbm>> -> memref<80xi32, #tpu.memory_space<hbm>>
        %dma_start3A_209 = tpu.memref_slice %arg4[%multiple_of3A_205] : memref<320000xi32, #tpu.memory_space<hbm>> -> memref<80xi32, #tpu.memory_space<hbm>>
        tpu.enqueue_dma source(%dma_start3A_209 : memref<80xi32, #tpu.memory_space<hbm>>) target(%arg10 : memref<80xi32, #tpu.memory_space<vmem>>) target_semaphore(%arg19 : memref<!tpu.dma_semaphore, #tpu.memory_space<semaphore_mem>>)
        %dma_wait3A_210 = arith.constant 0 : i32
        %dma_wait3A_211 = arith.constant 0 : i32
        %dma_wait3A_212 = tpu.memref_slice %arg2[%dma_wait3A_210, %dma_wait3A_211] : memref<10000x128xf32, #tpu.memory_space<hbm>> -> memref<10000x128xf32, #tpu.memory_space<hbm>>
        tpu.wait_indirect_dma semaphore(%arg27 : memref<!tpu.dma_semaphore, #tpu.memory_space<semaphore_mem>>) src(%dma_wait3A_212 : memref<10000x128xf32, #tpu.memory_space<hbm>>) dst(%arg17 : memref<80x128xf32, #tpu.memory_space<vmem>>)
        %dma_start3A_213 = arith.constant 0 : i32
        %dma_start3A_214 = arith.constant 0 : i32
        %dma_start3A_215 = tpu.memref_slice %arg18[%dma_start3A_213, %dma_start3A_214] : memref<10240x128xf32, #tpu.memory_space<vmem_shared>> -> memref<10240x128xf32, #tpu.memory_space<vmem_shared>>
        tpu.enqueue_indirect_dma source(%arg17 : memref<80x128xf32, #tpu.memory_space<vmem>>) target(%dma_start3A_215 : memref<10240x128xf32, #tpu.memory_space<vmem_shared>>) offsets(%arg13 : memref<80xi32, #tpu.memory_space<vmem>>) semaphore(%arg26 : memref<!tpu.dma_semaphore, #tpu.memory_space<semaphore_mem>>) {add = true}
      } else {
      }
      %scan3A_71 = arith.constant 0 : i32
      scf.yield %scan3A_71 : i32
    }
    %scan3A_27 = arith.constant 31 : i32
    %mul3A_28 = arith.constant 10000 : i32
    %mul3A_29 = arith.muli %add3A, %mul3A_28 : i32
    %add3A_30 = arith.constant 9920 : i32
    %add3A_31 = arith.addi %mul3A_29, %add3A_30 : i32
    %multiple_of3A_32 = tpu.assume_multiple %add3A_31, 8 : i32
    %dma_wait3A = tpu.memref_slice %arg3[%multiple_of3A_32] : memref<320000xi32, #tpu.memory_space<hbm>> -> memref<80xi32, #tpu.memory_space<hbm>>
    %dma_wait3A_33 = tpu.memref_slice %arg3[%multiple_of3A_32] : memref<320000xi32, #tpu.memory_space<hbm>> -> memref<80xi32, #tpu.memory_space<hbm>>
    tpu.wait_dma2 semaphore(%arg19 : memref<!tpu.dma_semaphore, #tpu.memory_space<semaphore_mem>>) src(%dma_wait3A_33 : memref<80xi32, #tpu.memory_space<hbm>>) dst(%arg6 : memref<80xi32, #tpu.memory_space<vmem>>)
    %dma_wait3A_34 = tpu.memref_slice %arg4[%multiple_of3A_32] : memref<320000xi32, #tpu.memory_space<hbm>> -> memref<80xi32, #tpu.memory_space<hbm>>
    %dma_wait3A_35 = tpu.memref_slice %arg4[%multiple_of3A_32] : memref<320000xi32, #tpu.memory_space<hbm>> -> memref<80xi32, #tpu.memory_space<hbm>>
    tpu.wait_dma2 semaphore(%arg19 : memref<!tpu.dma_semaphore, #tpu.memory_space<semaphore_mem>>) src(%dma_wait3A_35 : memref<80xi32, #tpu.memory_space<hbm>>) dst(%arg10 : memref<80xi32, #tpu.memory_space<vmem>>)
    %dma_start3A_36 = arith.constant 0 : i32
    %dma_start3A_37 = arith.constant 0 : i32
    %dma_start3A_38 = tpu.memref_slice %arg2[%dma_start3A_36, %dma_start3A_37] : memref<10000x128xf32, #tpu.memory_space<hbm>> -> memref<10000x128xf32, #tpu.memory_space<hbm>>
    tpu.enqueue_indirect_dma source(%dma_start3A_38 : memref<10000x128xf32, #tpu.memory_space<hbm>>) target(%arg14 : memref<80x128xf32, #tpu.memory_space<vmem>>) offsets(%arg6 : memref<80xi32, #tpu.memory_space<vmem>>) semaphore(%arg27 : memref<!tpu.dma_semaphore, #tpu.memory_space<semaphore_mem>>)
    %dma_wait3A_39 = arith.constant 0 : i32
    %dma_wait3A_40 = arith.constant 0 : i32
    %dma_wait3A_41 = tpu.memref_slice %arg18[%dma_wait3A_39, %dma_wait3A_40] : memref<10240x128xf32, #tpu.memory_space<vmem_shared>> -> memref<10240x128xf32, #tpu.memory_space<vmem_shared>>
    tpu.wait_indirect_dma semaphore(%arg24 : memref<!tpu.dma_semaphore, #tpu.memory_space<semaphore_mem>>) src(%arg15 : memref<80x128xf32, #tpu.memory_space<vmem>>) dst(%dma_wait3A_41 : memref<10240x128xf32, #tpu.memory_space<vmem_shared>>)
    %dma_wait3A_42 = arith.constant 0 : i32
    %dma_wait3A_43 = arith.constant 0 : i32
    %dma_wait3A_44 = tpu.memref_slice %arg2[%dma_wait3A_42, %dma_wait3A_43] : memref<10000x128xf32, #tpu.memory_space<hbm>> -> memref<10000x128xf32, #tpu.memory_space<hbm>>
    tpu.wait_indirect_dma semaphore(%arg27 : memref<!tpu.dma_semaphore, #tpu.memory_space<semaphore_mem>>) src(%dma_wait3A_44 : memref<10000x128xf32, #tpu.memory_space<hbm>>) dst(%arg14 : memref<80x128xf32, #tpu.memory_space<vmem>>)
    %dma_start3A_45 = arith.constant 0 : i32
    %dma_start3A_46 = arith.constant 0 : i32
    %dma_start3A_47 = tpu.memref_slice %arg18[%dma_start3A_45, %dma_start3A_46] : memref<10240x128xf32, #tpu.memory_space<vmem_shared>> -> memref<10240x128xf32, #tpu.memory_space<vmem_shared>>
    tpu.enqueue_indirect_dma source(%arg14 : memref<80x128xf32, #tpu.memory_space<vmem>>) target(%dma_start3A_47 : memref<10240x128xf32, #tpu.memory_space<vmem_shared>>) offsets(%arg10 : memref<80xi32, #tpu.memory_space<vmem>>) semaphore(%arg23 : memref<!tpu.dma_semaphore, #tpu.memory_space<semaphore_mem>>) {add = true}
    %dma_wait3A_48 = arith.constant 0 : i32
    %dma_wait3A_49 = arith.constant 0 : i32
    %dma_wait3A_50 = tpu.memref_slice %arg18[%dma_wait3A_48, %dma_wait3A_49] : memref<10240x128xf32, #tpu.memory_space<vmem_shared>> -> memref<10240x128xf32, #tpu.memory_space<vmem_shared>>
    tpu.wait_indirect_dma semaphore(%arg25 : memref<!tpu.dma_semaphore, #tpu.memory_space<semaphore_mem>>) src(%arg16 : memref<80x128xf32, #tpu.memory_space<vmem>>) dst(%dma_wait3A_50 : memref<10240x128xf32, #tpu.memory_space<vmem_shared>>)
    %dma_wait3A_51 = arith.constant 0 : i32
    %dma_wait3A_52 = arith.constant 0 : i32
    %dma_wait3A_53 = tpu.memref_slice %arg18[%dma_wait3A_51, %dma_wait3A_52] : memref<10240x128xf32, #tpu.memory_space<vmem_shared>> -> memref<10240x128xf32, #tpu.memory_space<vmem_shared>>
    tpu.wait_indirect_dma semaphore(%arg26 : memref<!tpu.dma_semaphore, #tpu.memory_space<semaphore_mem>>) src(%arg17 : memref<80x128xf32, #tpu.memory_space<vmem>>) dst(%dma_wait3A_53 : memref<10240x128xf32, #tpu.memory_space<vmem_shared>>)
    %dma_wait3A_54 = arith.constant 0 : i32
    %dma_wait3A_55 = arith.constant 0 : i32
    %dma_wait3A_56 = tpu.memref_slice %arg18[%dma_wait3A_54, %dma_wait3A_55] : memref<10240x128xf32, #tpu.memory_space<vmem_shared>> -> memref<10240x128xf32, #tpu.memory_space<vmem_shared>>
    tpu.wait_indirect_dma semaphore(%arg23 : memref<!tpu.dma_semaphore, #tpu.memory_space<semaphore_mem>>) src(%arg14 : memref<80x128xf32, #tpu.memory_space<vmem>>) dst(%dma_wait3A_56 : memref<10240x128xf32, #tpu.memory_space<vmem_shared>>)
    %barrier3A_57 = arith.constant 0 : index
    tpu.barrier barrier_id(%barrier3A_57)
    %mul3A_58 = arith.constant 640 : i32
    %mul3A_59 = arith.muli %arg1, %mul3A_58 : i32
    %multiple_of3A_60 = tpu.assume_multiple %mul3A_59, 8 : i32
    "tpu.region"() ({
      %run_scoped3A = tpu.sem_alloc : memref<!tpu.dma_semaphore, #tpu.memory_space<semaphore_mem>>
      %dma_start3A_61 = arith.constant 0 : i32
      %dma_start3A_62 = arith.constant 0 : i32
      %dma_start3A_63 = tpu.memref_slice %arg5[%arg0, %arg1, %dma_start3A_61, %dma_start3A_62] : memref<2x16x640x128xf32, #tpu.memory_space<hbm>> -> memref<1x1x640x128xf32, #tpu.memory_space<hbm>>
      %dma_start3A_64 = tpu.memref_squeeze %dma_start3A_63 : memref<1x1x640x128xf32, #tpu.memory_space<hbm>> -> memref<640x128xf32, #tpu.memory_space<hbm>>
      %dma_start3A_65 = arith.constant 0 : i32
      %dma_start3A_66 = tpu.memref_slice %arg18[%multiple_of3A_60, %dma_start3A_65] : memref<10240x128xf32, #tpu.memory_space<vmem_shared>> -> memref<640x128xf32, #tpu.memory_space<vmem_shared>>
      tpu.enqueue_dma source(%dma_start3A_66 : memref<640x128xf32, #tpu.memory_space<vmem_shared>>) target(%dma_start3A_64 : memref<640x128xf32, #tpu.memory_space<hbm>>) target_semaphore(%run_scoped3A : memref<!tpu.dma_semaphore, #tpu.memory_space<semaphore_mem>>)
      %dma_wait3A_67 = arith.constant 0 : i32
      %dma_wait3A_68 = arith.constant 0 : i32
      %dma_wait3A_69 = tpu.memref_slice %arg5[%arg0, %arg1, %dma_wait3A_67, %dma_wait3A_68] : memref<2x16x640x128xf32, #tpu.memory_space<hbm>> -> memref<1x1x640x128xf32, #tpu.memory_space<hbm>>
      %dma_wait3A_70 = tpu.memref_squeeze %dma_wait3A_69 : memref<1x1x640x128xf32, #tpu.memory_space<hbm>> -> memref<640x128xf32, #tpu.memory_space<hbm>>
      %dma_wait3A_71 = arith.constant 0 : i32
      %dma_wait3A_72 = tpu.memref_slice %arg18[%multiple_of3A_60, %dma_wait3A_71] : memref<10240x128xf32, #tpu.memory_space<vmem_shared>> -> memref<640x128xf32, #tpu.memory_space<vmem_shared>>
      tpu.wait_dma2 semaphore(%run_scoped3A : memref<!tpu.dma_semaphore, #tpu.memory_space<semaphore_mem>>) src(%dma_wait3A_72 : memref<640x128xf32, #tpu.memory_space<vmem_shared>>) dst(%dma_wait3A_70 : memref<640x128xf32, #tpu.memory_space<hbm>>)
      tpu.yield
    }) : () -> ()
    return
  }
}

#map = affine_map<(d0, d1) -> (0)>
#map1 = affine_map<(d0, d1) -> (0, 0, 0, 0)>
module attributes {stable_mosaic.version = 14 : i64} {
  func.func @_sc_degree(%arg0: i32, %arg1: i32, %arg2: memref<320000xi32, #tpu.memory_space<hbm>>, %arg3: memref<2x16x640x128xf32, #tpu.memory_space<hbm>>, %arg4: memref<80xi32, #tpu.memory_space<vmem>>, %arg5: memref<80xi32, #tpu.memory_space<vmem>>, %arg6: memref<80xi32, #tpu.memory_space<vmem>>, %arg7: memref<80xi32, #tpu.memory_space<vmem>>, %arg8: memref<80x128xf32, #tpu.memory_space<vmem>>, %arg9: memref<64x128xf32, #tpu.memory_space<vmem>>, %arg10: memref<10240x128xf32, #tpu.memory_space<vmem_shared>>, %arg11: memref<!tpu.dma_semaphore, #tpu.memory_space<semaphore_mem>>, %arg12: memref<!tpu.dma_semaphore, #tpu.memory_space<semaphore_mem>>, %arg13: memref<!tpu.dma_semaphore, #tpu.memory_space<semaphore_mem>>, %arg14: memref<!tpu.dma_semaphore, #tpu.memory_space<semaphore_mem>>, %arg15: memref<!tpu.dma_semaphore, #tpu.memory_space<semaphore_mem>>, %arg16: memref<!tpu.dma_semaphore, #tpu.memory_space<semaphore_mem>>, %arg17: memref<!tpu.dma_semaphore, #tpu.memory_space<semaphore_mem>>, %arg18: memref<!tpu.dma_semaphore, #tpu.memory_space<semaphore_mem>>) attributes {dimension_semantics = [#tpu.dimension_semantics<core_parallel>, #tpu.dimension_semantics<subcore_parallel>], iteration_bounds = array<i64: 2, 16>, scalar_prefetch = 0 : i64, scratch_operands = 15 : i64, tpu.core_type = #tpu.core_type<sc_vector_subcore>, window_params = [{transform_indices = #map}, {transform_indices = #map1}]} {
    %mul3A = arith.constant 2 : i32
    %mul3A_0 = arith.muli %arg1, %mul3A : i32
    %add3A = arith.addi %mul3A_0, %arg0 : i32
    %scan3A = arith.constant 0 : i32
    %scan3A_1 = arith.constant 0 : i32
    %scan3A_2 = arith.constant 80 : i32
    %scan3A_3 = arith.addi %scan3A_1, %scan3A_2 : i32
    %scan3A_4 = arith.constant 1 : i32
    %scan3A_5 = scf.for %scan3A_58 = %scan3A_1 to %scan3A_3 step %scan3A_4 iter_args(%scan3A_59 = %scan3A) -> (i32)  : i32 {
      %scan3A_60 = arith.constant 0 : i32
      %scan3A_61 = arith.constant 0 : i32
      %scan3A_62 = arith.constant 8 : i32
      %scan3A_63 = arith.addi %scan3A_61, %scan3A_62 : i32
      %scan3A_64 = arith.constant 1 : i32
      %scan3A_65 = scf.for %scan3A_68 = %scan3A_61 to %scan3A_63 step %scan3A_64 iter_args(%scan3A_69 = %scan3A_60) -> (i32)  : i32 {
        %broadcast_in_dim3A = arith.constant 1.000000e+00 : f32
        %broadcast_in_dim3A_70 = vector.broadcast %broadcast_in_dim3A : f32 to vector<16xf32>
        %mul3A_71 = arith.constant 16 : i32
        %mul3A_72 = arith.muli %scan3A_68, %mul3A_71 : i32
        %swap3A = arith.index_cast %scan3A_58 : i32 to index
        %swap3A_73 = arith.index_cast %mul3A_72 : i32 to index
        %swap3A_74 = tpu.vector_load %arg8[%swap3A, %swap3A_73] {strides = array<i32>} : memref<80x128xf32, #tpu.memory_space<vmem>>, vector<1x16xf32>,
        %swap3A_75 = vector.shape_cast %swap3A_74 : vector<1x16xf32> to vector<16xf32>
        %swap3A_76 = vector.shape_cast %broadcast_in_dim3A_70 : vector<16xf32> to vector<1x16xf32>
        tpu.vector_store %arg8[%swap3A, %swap3A_73], %swap3A_76 {strides = array<i32>} : memref<80x128xf32, #tpu.memory_space<vmem>>, vector<1x16xf32>,
        %scan3A_77 = arith.constant 0 : i32
        scf.yield %scan3A_77 : i32
      }
      %scan3A_66 = arith.constant 8 : i32
      %scan3A_67 = arith.constant 0 : i32
      scf.yield %scan3A_67 : i32
    }
    %scan3A_6 = arith.constant 80 : i32
    %scan3A_7 = arith.constant 0 : i32
    %scan3A_8 = arith.constant 0 : i32
    %scan3A_9 = arith.constant 64 : i32
    %scan3A_10 = arith.addi %scan3A_8, %scan3A_9 : i32
    %scan3A_11 = arith.constant 1 : i32
    %scan3A_12 = scf.for %scan3A_58 = %scan3A_8 to %scan3A_10 step %scan3A_11 iter_args(%scan3A_59 = %scan3A_7) -> (i32)  : i32 {
      %scan3A_60 = arith.constant 0 : i32
      %scan3A_61 = arith.constant 0 : i32
      %scan3A_62 = arith.constant 8 : i32
      %scan3A_63 = arith.addi %scan3A_61, %scan3A_62 : i32
      %scan3A_64 = arith.constant 1 : i32
      %scan3A_65 = scf.for %scan3A_68 = %scan3A_61 to %scan3A_63 step %scan3A_64 iter_args(%scan3A_69 = %scan3A_60) -> (i32)  : i32 {
        %broadcast_in_dim3A = arith.constant 0.000000e+00 : f32
        %broadcast_in_dim3A_70 = vector.broadcast %broadcast_in_dim3A : f32 to vector<16xf32>
        %mul3A_71 = arith.constant 16 : i32
        %mul3A_72 = arith.muli %scan3A_68, %mul3A_71 : i32
        %swap3A = arith.index_cast %scan3A_58 : i32 to index
        %swap3A_73 = arith.index_cast %mul3A_72 : i32 to index
        %swap3A_74 = tpu.vector_load %arg9[%swap3A, %swap3A_73] {strides = array<i32>} : memref<64x128xf32, #tpu.memory_space<vmem>>, vector<1x16xf32>,
        %swap3A_75 = vector.shape_cast %swap3A_74 : vector<1x16xf32> to vector<16xf32>
        %swap3A_76 = vector.shape_cast %broadcast_in_dim3A_70 : vector<16xf32> to vector<1x16xf32>
        tpu.vector_store %arg9[%swap3A, %swap3A_73], %swap3A_76 {strides = array<i32>} : memref<64x128xf32, #tpu.memory_space<vmem>>, vector<1x16xf32>,
        %scan3A_77 = arith.constant 0 : i32
        scf.yield %scan3A_77 : i32
      }
      %scan3A_66 = arith.constant 8 : i32
      %scan3A_67 = arith.constant 0 : i32
      scf.yield %scan3A_67 : i32
    }
    %scan3A_13 = arith.constant 64 : i32
    %scan3A_14 = arith.constant 0 : i32
    %scan3A_15 = arith.constant 0 : i32
    %scan3A_16 = arith.constant 10 : i32
    %scan3A_17 = arith.addi %scan3A_15, %scan3A_16 : i32
    %scan3A_18 = arith.constant 1 : i32
    %scan3A_19 = scf.for %scan3A_58 = %scan3A_15 to %scan3A_17 step %scan3A_18 iter_args(%scan3A_59 = %scan3A_14) -> (i32)  : i32 {
      %mul3A_60 = arith.constant 640 : i32
      %mul3A_61 = arith.muli %arg1, %mul3A_60 : i32
      %mul3A_62 = arith.constant 64 : i32
      %mul3A_63 = arith.muli %scan3A_58, %mul3A_62 : i32
      %add3A_64 = arith.addi %mul3A_61, %mul3A_63 : i32
      %multiple_of3A_65 = tpu.assume_multiple %add3A_64, 8 : i32
      "tpu.region"() ({
        %run_scoped3A = tpu.sem_alloc : memref<!tpu.dma_semaphore, #tpu.memory_space<semaphore_mem>>
        %dma_start3A_67 = arith.constant 0 : i32
        %dma_start3A_68 = tpu.memref_slice %arg10[%multiple_of3A_65, %dma_start3A_67] : memref<10240x128xf32, #tpu.memory_space<vmem_shared>> -> memref<64x128xf32, #tpu.memory_space<vmem_shared>>
        %dma_start3A_69 = arith.constant 0 : i32
        %dma_start3A_70 = tpu.memref_slice %arg10[%multiple_of3A_65, %dma_start3A_69] : memref<10240x128xf32, #tpu.memory_space<vmem_shared>> -> memref<64x128xf32, #tpu.memory_space<vmem_shared>>
        tpu.enqueue_dma source(%arg9 : memref<64x128xf32, #tpu.memory_space<vmem>>) target(%dma_start3A_70 : memref<64x128xf32, #tpu.memory_space<vmem_shared>>) target_semaphore(%run_scoped3A : memref<!tpu.dma_semaphore, #tpu.memory_space<semaphore_mem>>)
        %dma_wait3A_71 = arith.constant 0 : i32
        %dma_wait3A_72 = tpu.memref_slice %arg10[%multiple_of3A_65, %dma_wait3A_71] : memref<10240x128xf32, #tpu.memory_space<vmem_shared>> -> memref<64x128xf32, #tpu.memory_space<vmem_shared>>
        %dma_wait3A_73 = arith.constant 0 : i32
        %dma_wait3A_74 = tpu.memref_slice %arg10[%multiple_of3A_65, %dma_wait3A_73] : memref<10240x128xf32, #tpu.memory_space<vmem_shared>> -> memref<64x128xf32, #tpu.memory_space<vmem_shared>>
        tpu.wait_dma2 semaphore(%run_scoped3A : memref<!tpu.dma_semaphore, #tpu.memory_space<semaphore_mem>>) src(%arg9 : memref<64x128xf32, #tpu.memory_space<vmem>>) dst(%dma_wait3A_74 : memref<64x128xf32, #tpu.memory_space<vmem_shared>>)
        tpu.yield
      }) : () -> ()
      %scan3A_66 = arith.constant 0 : i32
      scf.yield %scan3A_66 : i32
    }
    %scan3A_20 = arith.constant 10 : i32
    %barrier3A = arith.constant 0 : index
    tpu.barrier barrier_id(%barrier3A)
    %mul3A_21 = arith.constant 10000 : i32
    %mul3A_22 = arith.muli %add3A, %mul3A_21 : i32
    %add3A_23 = arith.constant 0 : i32
    %add3A_24 = arith.addi %mul3A_22, %add3A_23 : i32
    %multiple_of3A = tpu.assume_multiple %add3A_24, 8 : i32
    %dma_start3A = tpu.memref_slice %arg2[%multiple_of3A] : memref<320000xi32, #tpu.memory_space<hbm>> -> memref<80xi32, #tpu.memory_space<hbm>>
    %dma_start3A_25 = tpu.memref_slice %arg2[%multiple_of3A] : memref<320000xi32, #tpu.memory_space<hbm>> -> memref<80xi32, #tpu.memory_space<hbm>>
    tpu.enqueue_dma source(%dma_start3A_25 : memref<80xi32, #tpu.memory_space<hbm>>) target(%arg4 : memref<80xi32, #tpu.memory_space<vmem>>) target_semaphore(%arg11 : memref<!tpu.dma_semaphore, #tpu.memory_space<semaphore_mem>>)
    %scan3A_26 = arith.constant 0 : i32
    %scan3A_27 = arith.constant 0 : i32
    %scan3A_28 = arith.constant 31 : i32
    %scan3A_29 = arith.addi %scan3A_27, %scan3A_28 : i32
    %scan3A_30 = arith.constant 1 : i32
    %scan3A_31 = scf.for %scan3A_58 = %scan3A_27 to %scan3A_29 step %scan3A_30 iter_args(%scan3A_59 = %scan3A_26) -> (i32)  : i32 {
      %mul3A_60 = arith.constant 4 : i32
      %mul3A_61 = arith.muli %scan3A_58, %mul3A_60 : i32
      %eq3A = arith.constant 0 : i32
      %eq3A_62 = arith.cmpi eq, %scan3A_58, %eq3A : i32
      %convert_element_type3A = arith.extui %eq3A_62 : i1 to i32
      %cond3A = arith.constant 0 : i32
      %cond3A_63 = arith.cmpi ne, %convert_element_type3A, %cond3A : i32
      scf.if %cond3A_63 {
        %add3A_69 = arith.constant 0 : i32
        %add3A_70 = arith.addi %mul3A_61, %add3A_69 : i32
        %mul3A_71 = arith.constant 10000 : i32
        %mul3A_72 = arith.muli %add3A, %mul3A_71 : i32
        %mul3A_73 = arith.constant 80 : i32
        %mul3A_74 = arith.muli %add3A_70, %mul3A_73 : i32
        %add3A_75 = arith.addi %mul3A_72, %mul3A_74 : i32
        %multiple_of3A_76 = tpu.assume_multiple %add3A_75, 8 : i32
        %dma_wait3A_77 = tpu.memref_slice %arg2[%multiple_of3A_76] : memref<320000xi32, #tpu.memory_space<hbm>> -> memref<80xi32, #tpu.memory_space<hbm>>
        %dma_wait3A_78 = tpu.memref_slice %arg2[%multiple_of3A_76] : memref<320000xi32, #tpu.memory_space<hbm>> -> memref<80xi32, #tpu.memory_space<hbm>>
        tpu.wait_dma2 semaphore(%arg11 : memref<!tpu.dma_semaphore, #tpu.memory_space<semaphore_mem>>) src(%dma_wait3A_78 : memref<80xi32, #tpu.memory_space<hbm>>) dst(%arg4 : memref<80xi32, #tpu.memory_space<vmem>>)
        %add3A_79 = arith.constant 1 : i32
        %add3A_80 = arith.addi %add3A_70, %add3A_79 : i32
        %mul3A_81 = arith.constant 10000 : i32
        %mul3A_82 = arith.muli %add3A, %mul3A_81 : i32
        %mul3A_83 = arith.constant 80 : i32
        %mul3A_84 = arith.muli %add3A_80, %mul3A_83 : i32
        %add3A_85 = arith.addi %mul3A_82, %mul3A_84 : i32
        %multiple_of3A_86 = tpu.assume_multiple %add3A_85, 8 : i32
        %dma_start3A_87 = tpu.memref_slice %arg2[%multiple_of3A_86] : memref<320000xi32, #tpu.memory_space<hbm>> -> memref<80xi32, #tpu.memory_space<hbm>>
        %dma_start3A_88 = tpu.memref_slice %arg2[%multiple_of3A_86] : memref<320000xi32, #tpu.memory_space<hbm>> -> memref<80xi32, #tpu.memory_space<hbm>>
        tpu.enqueue_dma source(%dma_start3A_88 : memref<80xi32, #tpu.memory_space<hbm>>) target(%arg5 : memref<80xi32, #tpu.memory_space<vmem>>) target_semaphore(%arg12 : memref<!tpu.dma_semaphore, #tpu.memory_space<semaphore_mem>>)
        %dma_start3A_89 = arith.constant 0 : i32
        %dma_start3A_90 = arith.constant 0 : i32
        %dma_start3A_91 = tpu.memref_slice %arg10[%dma_start3A_89, %dma_start3A_90] : memref<10240x128xf32, #tpu.memory_space<vmem_shared>> -> memref<10240x128xf32, #tpu.memory_space<vmem_shared>>
        tpu.enqueue_indirect_dma source(%arg8 : memref<80x128xf32, #tpu.memory_space<vmem>>) target(%dma_start3A_91 : memref<10240x128xf32, #tpu.memory_space<vmem_shared>>) offsets(%arg4 : memref<80xi32, #tpu.memory_space<vmem>>) semaphore(%arg15 : memref<!tpu.dma_semaphore, #tpu.memory_space<semaphore_mem>>) {add = true}
        %add3A_92 = arith.constant 1 : i32
        %add3A_93 = arith.addi %mul3A_61, %add3A_92 : i32
        %mul3A_94 = arith.constant 10000 : i32
        %mul3A_95 = arith.muli %add3A, %mul3A_94 : i32
        %mul3A_96 = arith.constant 80 : i32
        %mul3A_97 = arith.muli %add3A_93, %mul3A_96 : i32
        %add3A_98 = arith.addi %mul3A_95, %mul3A_97 : i32
        %multiple_of3A_99 = tpu.assume_multiple %add3A_98, 8 : i32
        %dma_wait3A_100 = tpu.memref_slice %arg2[%multiple_of3A_99] : memref<320000xi32, #tpu.memory_space<hbm>> -> memref<80xi32, #tpu.memory_space<hbm>>
        %dma_wait3A_101 = tpu.memref_slice %arg2[%multiple_of3A_99] : memref<320000xi32, #tpu.memory_space<hbm>> -> memref<80xi32, #tpu.memory_space<hbm>>
        tpu.wait_dma2 semaphore(%arg12 : memref<!tpu.dma_semaphore, #tpu.memory_space<semaphore_mem>>) src(%dma_wait3A_101 : memref<80xi32, #tpu.memory_space<hbm>>) dst(%arg5 : memref<80xi32, #tpu.memory_space<vmem>>)
        %add3A_102 = arith.constant 1 : i32
        %add3A_103 = arith.addi %add3A_93, %add3A_102 : i32
        %mul3A_104 = arith.constant 10000 : i32
        %mul3A_105 = arith.muli %add3A, %mul3A_104 : i32
        %mul3A_106 = arith.constant 80 : i32
        %mul3A_107 = arith.muli %add3A_103, %mul3A_106 : i32
        %add3A_108 = arith.addi %mul3A_105, %mul3A_107 : i32
        %multiple_of3A_109 = tpu.assume_multiple %add3A_108, 8 : i32
        %dma_start3A_110 = tpu.memref_slice %arg2[%multiple_of3A_109] : memref<320000xi32, #tpu.memory_space<hbm>> -> memref<80xi32, #tpu.memory_space<hbm>>
        %dma_start3A_111 = tpu.memref_slice %arg2[%multiple_of3A_109] : memref<320000xi32, #tpu.memory_space<hbm>> -> memref<80xi32, #tpu.memory_space<hbm>>
        tpu.enqueue_dma source(%dma_start3A_111 : memref<80xi32, #tpu.memory_space<hbm>>) target(%arg6 : memref<80xi32, #tpu.memory_space<vmem>>) target_semaphore(%arg13 : memref<!tpu.dma_semaphore, #tpu.memory_space<semaphore_mem>>)
        %dma_start3A_112 = arith.constant 0 : i32
        %dma_start3A_113 = arith.constant 0 : i32
        %dma_start3A_114 = tpu.memref_slice %arg10[%dma_start3A_112, %dma_start3A_113] : memref<10240x128xf32, #tpu.memory_space<vmem_shared>> -> memref<10240x128xf32, #tpu.memory_space<vmem_shared>>
        tpu.enqueue_indirect_dma source(%arg8 : memref<80x128xf32, #tpu.memory_space<vmem>>) target(%dma_start3A_114 : memref<10240x128xf32, #tpu.memory_space<vmem_shared>>) offsets(%arg5 : memref<80xi32, #tpu.memory_space<vmem>>) semaphore(%arg16 : memref<!tpu.dma_semaphore, #tpu.memory_space<semaphore_mem>>) {add = true}
        %add3A_115 = arith.constant 2 : i32
        %add3A_116 = arith.addi %mul3A_61, %add3A_115 : i32
        %mul3A_117 = arith.constant 10000 : i32
        %mul3A_118 = arith.muli %add3A, %mul3A_117 : i32
        %mul3A_119 = arith.constant 80 : i32
        %mul3A_120 = arith.muli %add3A_116, %mul3A_119 : i32
        %add3A_121 = arith.addi %mul3A_118, %mul3A_120 : i32
        %multiple_of3A_122 = tpu.assume_multiple %add3A_121, 8 : i32
        %dma_wait3A_123 = tpu.memref_slice %arg2[%multiple_of3A_122] : memref<320000xi32, #tpu.memory_space<hbm>> -> memref<80xi32, #tpu.memory_space<hbm>>
        %dma_wait3A_124 = tpu.memref_slice %arg2[%multiple_of3A_122] : memref<320000xi32, #tpu.memory_space<hbm>> -> memref<80xi32, #tpu.memory_space<hbm>>
        tpu.wait_dma2 semaphore(%arg13 : memref<!tpu.dma_semaphore, #tpu.memory_space<semaphore_mem>>) src(%dma_wait3A_124 : memref<80xi32, #tpu.memory_space<hbm>>) dst(%arg6 : memref<80xi32, #tpu.memory_space<vmem>>)
        %add3A_125 = arith.constant 1 : i32
        %add3A_126 = arith.addi %add3A_116, %add3A_125 : i32
        %mul3A_127 = arith.constant 10000 : i32
        %mul3A_128 = arith.muli %add3A, %mul3A_127 : i32
        %mul3A_129 = arith.constant 80 : i32
        %mul3A_130 = arith.muli %add3A_126, %mul3A_129 : i32
        %add3A_131 = arith.addi %mul3A_128, %mul3A_130 : i32
        %multiple_of3A_132 = tpu.assume_multiple %add3A_131, 8 : i32
        %dma_start3A_133 = tpu.memref_slice %arg2[%multiple_of3A_132] : memref<320000xi32, #tpu.memory_space<hbm>> -> memref<80xi32, #tpu.memory_space<hbm>>
        %dma_start3A_134 = tpu.memref_slice %arg2[%multiple_of3A_132] : memref<320000xi32, #tpu.memory_space<hbm>> -> memref<80xi32, #tpu.memory_space<hbm>>
        tpu.enqueue_dma source(%dma_start3A_134 : memref<80xi32, #tpu.memory_space<hbm>>) target(%arg7 : memref<80xi32, #tpu.memory_space<vmem>>) target_semaphore(%arg14 : memref<!tpu.dma_semaphore, #tpu.memory_space<semaphore_mem>>)
        %dma_start3A_135 = arith.constant 0 : i32
        %dma_start3A_136 = arith.constant 0 : i32
        %dma_start3A_137 = tpu.memref_slice %arg10[%dma_start3A_135, %dma_start3A_136] : memref<10240x128xf32, #tpu.memory_space<vmem_shared>> -> memref<10240x128xf32, #tpu.memory_space<vmem_shared>>
        tpu.enqueue_indirect_dma source(%arg8 : memref<80x128xf32, #tpu.memory_space<vmem>>) target(%dma_start3A_137 : memref<10240x128xf32, #tpu.memory_space<vmem_shared>>) offsets(%arg6 : memref<80xi32, #tpu.memory_space<vmem>>) semaphore(%arg17 : memref<!tpu.dma_semaphore, #tpu.memory_space<semaphore_mem>>) {add = true}
        %add3A_138 = arith.constant 3 : i32
        %add3A_139 = arith.addi %mul3A_61, %add3A_138 : i32
        %mul3A_140 = arith.constant 10000 : i32
        %mul3A_141 = arith.muli %add3A, %mul3A_140 : i32
        %mul3A_142 = arith.constant 80 : i32
        %mul3A_143 = arith.muli %add3A_139, %mul3A_142 : i32
        %add3A_144 = arith.addi %mul3A_141, %mul3A_143 : i32
        %multiple_of3A_145 = tpu.assume_multiple %add3A_144, 8 : i32
        %dma_wait3A_146 = tpu.memref_slice %arg2[%multiple_of3A_145] : memref<320000xi32, #tpu.memory_space<hbm>> -> memref<80xi32, #tpu.memory_space<hbm>>
        %dma_wait3A_147 = tpu.memref_slice %arg2[%multiple_of3A_145] : memref<320000xi32, #tpu.memory_space<hbm>> -> memref<80xi32, #tpu.memory_space<hbm>>
        tpu.wait_dma2 semaphore(%arg14 : memref<!tpu.dma_semaphore, #tpu.memory_space<semaphore_mem>>) src(%dma_wait3A_147 : memref<80xi32, #tpu.memory_space<hbm>>) dst(%arg7 : memref<80xi32, #tpu.memory_space<vmem>>)
        %dma_wait3A_148 = arith.constant 0 : i32
        %dma_wait3A_149 = arith.constant 0 : i32
        %dma_wait3A_150 = tpu.memref_slice %arg10[%dma_wait3A_148, %dma_wait3A_149] : memref<10240x128xf32, #tpu.memory_space<vmem_shared>> -> memref<10240x128xf32, #tpu.memory_space<vmem_shared>>
        tpu.wait_indirect_dma semaphore(%arg15 : memref<!tpu.dma_semaphore, #tpu.memory_space<semaphore_mem>>) src(%arg8 : memref<80x128xf32, #tpu.memory_space<vmem>>) dst(%dma_wait3A_150 : memref<10240x128xf32, #tpu.memory_space<vmem_shared>>)
        %add3A_151 = arith.constant 1 : i32
        %add3A_152 = arith.addi %add3A_139, %add3A_151 : i32
        %mul3A_153 = arith.constant 10000 : i32
        %mul3A_154 = arith.muli %add3A, %mul3A_153 : i32
        %mul3A_155 = arith.constant 80 : i32
        %mul3A_156 = arith.muli %add3A_152, %mul3A_155 : i32
        %add3A_157 = arith.addi %mul3A_154, %mul3A_156 : i32
        %multiple_of3A_158 = tpu.assume_multiple %add3A_157, 8 : i32
        %dma_start3A_159 = tpu.memref_slice %arg2[%multiple_of3A_158] : memref<320000xi32, #tpu.memory_space<hbm>> -> memref<80xi32, #tpu.memory_space<hbm>>
        %dma_start3A_160 = tpu.memref_slice %arg2[%multiple_of3A_158] : memref<320000xi32, #tpu.memory_space<hbm>> -> memref<80xi32, #tpu.memory_space<hbm>>
        tpu.enqueue_dma source(%dma_start3A_160 : memref<80xi32, #tpu.memory_space<hbm>>) target(%arg4 : memref<80xi32, #tpu.memory_space<vmem>>) target_semaphore(%arg11 : memref<!tpu.dma_semaphore, #tpu.memory_space<semaphore_mem>>)
        %dma_start3A_161 = arith.constant 0 : i32
        %dma_start3A_162 = arith.constant 0 : i32
        %dma_start3A_163 = tpu.memref_slice %arg10[%dma_start3A_161, %dma_start3A_162] : memref<10240x128xf32, #tpu.memory_space<vmem_shared>> -> memref<10240x128xf32, #tpu.memory_space<vmem_shared>>
        tpu.enqueue_indirect_dma source(%arg8 : memref<80x128xf32, #tpu.memory_space<vmem>>) target(%dma_start3A_163 : memref<10240x128xf32, #tpu.memory_space<vmem_shared>>) offsets(%arg7 : memref<80xi32, #tpu.memory_space<vmem>>) semaphore(%arg18 : memref<!tpu.dma_semaphore, #tpu.memory_space<semaphore_mem>>) {add = true}
      } else {
      }
      %gt3A = arith.constant 0 : i32
      %gt3A_64 = arith.cmpi sgt, %scan3A_58, %gt3A : i32
      %convert_element_type3A_65 = arith.extui %gt3A_64 : i1 to i32
      %cond3A_66 = arith.constant 0 : i32
      %cond3A_67 = arith.cmpi ne, %convert_element_type3A_65, %cond3A_66 : i32
      scf.if %cond3A_67 {
        %add3A_69 = arith.constant 0 : i32
        %add3A_70 = arith.addi %mul3A_61, %add3A_69 : i32
        %mul3A_71 = arith.constant 10000 : i32
        %mul3A_72 = arith.muli %add3A, %mul3A_71 : i32
        %mul3A_73 = arith.constant 80 : i32
        %mul3A_74 = arith.muli %add3A_70, %mul3A_73 : i32
        %add3A_75 = arith.addi %mul3A_72, %mul3A_74 : i32
        %multiple_of3A_76 = tpu.assume_multiple %add3A_75, 8 : i32
        %dma_wait3A_77 = tpu.memref_slice %arg2[%multiple_of3A_76] : memref<320000xi32, #tpu.memory_space<hbm>> -> memref<80xi32, #tpu.memory_space<hbm>>
        %dma_wait3A_78 = tpu.memref_slice %arg2[%multiple_of3A_76] : memref<320000xi32, #tpu.memory_space<hbm>> -> memref<80xi32, #tpu.memory_space<hbm>>
        tpu.wait_dma2 semaphore(%arg11 : memref<!tpu.dma_semaphore, #tpu.memory_space<semaphore_mem>>) src(%dma_wait3A_78 : memref<80xi32, #tpu.memory_space<hbm>>) dst(%arg4 : memref<80xi32, #tpu.memory_space<vmem>>)
        %dma_wait3A_79 = arith.constant 0 : i32
        %dma_wait3A_80 = arith.constant 0 : i32
        %dma_wait3A_81 = tpu.memref_slice %arg10[%dma_wait3A_79, %dma_wait3A_80] : memref<10240x128xf32, #tpu.memory_space<vmem_shared>> -> memref<10240x128xf32, #tpu.memory_space<vmem_shared>>
        tpu.wait_indirect_dma semaphore(%arg16 : memref<!tpu.dma_semaphore, #tpu.memory_space<semaphore_mem>>) src(%arg8 : memref<80x128xf32, #tpu.memory_space<vmem>>) dst(%dma_wait3A_81 : memref<10240x128xf32, #tpu.memory_space<vmem_shared>>)
        %add3A_82 = arith.constant 1 : i32
        %add3A_83 = arith.addi %add3A_70, %add3A_82 : i32
        %mul3A_84 = arith.constant 10000 : i32
        %mul3A_85 = arith.muli %add3A, %mul3A_84 : i32
        %mul3A_86 = arith.constant 80 : i32
        %mul3A_87 = arith.muli %add3A_83, %mul3A_86 : i32
        %add3A_88 = arith.addi %mul3A_85, %mul3A_87 : i32
        %multiple_of3A_89 = tpu.assume_multiple %add3A_88, 8 : i32
        %dma_start3A_90 = tpu.memref_slice %arg2[%multiple_of3A_89] : memref<320000xi32, #tpu.memory_space<hbm>> -> memref<80xi32, #tpu.memory_space<hbm>>
        %dma_start3A_91 = tpu.memref_slice %arg2[%multiple_of3A_89] : memref<320000xi32, #tpu.memory_space<hbm>> -> memref<80xi32, #tpu.memory_space<hbm>>
        tpu.enqueue_dma source(%dma_start3A_91 : memref<80xi32, #tpu.memory_space<hbm>>) target(%arg5 : memref<80xi32, #tpu.memory_space<vmem>>) target_semaphore(%arg12 : memref<!tpu.dma_semaphore, #tpu.memory_space<semaphore_mem>>)
        %dma_start3A_92 = arith.constant 0 : i32
        %dma_start3A_93 = arith.constant 0 : i32
        %dma_start3A_94 = tpu.memref_slice %arg10[%dma_start3A_92, %dma_start3A_93] : memref<10240x128xf32, #tpu.memory_space<vmem_shared>> -> memref<10240x128xf32, #tpu.memory_space<vmem_shared>>
        tpu.enqueue_indirect_dma source(%arg8 : memref<80x128xf32, #tpu.memory_space<vmem>>) target(%dma_start3A_94 : memref<10240x128xf32, #tpu.memory_space<vmem_shared>>) offsets(%arg4 : memref<80xi32, #tpu.memory_space<vmem>>) semaphore(%arg15 : memref<!tpu.dma_semaphore, #tpu.memory_space<semaphore_mem>>) {add = true}
        %add3A_95 = arith.constant 1 : i32
        %add3A_96 = arith.addi %mul3A_61, %add3A_95 : i32
        %mul3A_97 = arith.constant 10000 : i32
        %mul3A_98 = arith.muli %add3A, %mul3A_97 : i32
        %mul3A_99 = arith.constant 80 : i32
        %mul3A_100 = arith.muli %add3A_96, %mul3A_99 : i32
        %add3A_101 = arith.addi %mul3A_98, %mul3A_100 : i32
        %multiple_of3A_102 = tpu.assume_multiple %add3A_101, 8 : i32
        %dma_wait3A_103 = tpu.memref_slice %arg2[%multiple_of3A_102] : memref<320000xi32, #tpu.memory_space<hbm>> -> memref<80xi32, #tpu.memory_space<hbm>>
        %dma_wait3A_104 = tpu.memref_slice %arg2[%multiple_of3A_102] : memref<320000xi32, #tpu.memory_space<hbm>> -> memref<80xi32, #tpu.memory_space<hbm>>
        tpu.wait_dma2 semaphore(%arg12 : memref<!tpu.dma_semaphore, #tpu.memory_space<semaphore_mem>>) src(%dma_wait3A_104 : memref<80xi32, #tpu.memory_space<hbm>>) dst(%arg5 : memref<80xi32, #tpu.memory_space<vmem>>)
        %dma_wait3A_105 = arith.constant 0 : i32
        %dma_wait3A_106 = arith.constant 0 : i32
        %dma_wait3A_107 = tpu.memref_slice %arg10[%dma_wait3A_105, %dma_wait3A_106] : memref<10240x128xf32, #tpu.memory_space<vmem_shared>> -> memref<10240x128xf32, #tpu.memory_space<vmem_shared>>
        tpu.wait_indirect_dma semaphore(%arg17 : memref<!tpu.dma_semaphore, #tpu.memory_space<semaphore_mem>>) src(%arg8 : memref<80x128xf32, #tpu.memory_space<vmem>>) dst(%dma_wait3A_107 : memref<10240x128xf32, #tpu.memory_space<vmem_shared>>)
        %add3A_108 = arith.constant 1 : i32
        %add3A_109 = arith.addi %add3A_96, %add3A_108 : i32
        %mul3A_110 = arith.constant 10000 : i32
        %mul3A_111 = arith.muli %add3A, %mul3A_110 : i32
        %mul3A_112 = arith.constant 80 : i32
        %mul3A_113 = arith.muli %add3A_109, %mul3A_112 : i32
        %add3A_114 = arith.addi %mul3A_111, %mul3A_113 : i32
        %multiple_of3A_115 = tpu.assume_multiple %add3A_114, 8 : i32
        %dma_start3A_116 = tpu.memref_slice %arg2[%multiple_of3A_115] : memref<320000xi32, #tpu.memory_space<hbm>> -> memref<80xi32, #tpu.memory_space<hbm>>
        %dma_start3A_117 = tpu.memref_slice %arg2[%multiple_of3A_115] : memref<320000xi32, #tpu.memory_space<hbm>> -> memref<80xi32, #tpu.memory_space<hbm>>
        tpu.enqueue_dma source(%dma_start3A_117 : memref<80xi32, #tpu.memory_space<hbm>>) target(%arg6 : memref<80xi32, #tpu.memory_space<vmem>>) target_semaphore(%arg13 : memref<!tpu.dma_semaphore, #tpu.memory_space<semaphore_mem>>)
        %dma_start3A_118 = arith.constant 0 : i32
        %dma_start3A_119 = arith.constant 0 : i32
        %dma_start3A_120 = tpu.memref_slice %arg10[%dma_start3A_118, %dma_start3A_119] : memref<10240x128xf32, #tpu.memory_space<vmem_shared>> -> memref<10240x128xf32, #tpu.memory_space<vmem_shared>>
        tpu.enqueue_indirect_dma source(%arg8 : memref<80x128xf32, #tpu.memory_space<vmem>>) target(%dma_start3A_120 : memref<10240x128xf32, #tpu.memory_space<vmem_shared>>) offsets(%arg5 : memref<80xi32, #tpu.memory_space<vmem>>) semaphore(%arg16 : memref<!tpu.dma_semaphore, #tpu.memory_space<semaphore_mem>>) {add = true}
        %add3A_121 = arith.constant 2 : i32
        %add3A_122 = arith.addi %mul3A_61, %add3A_121 : i32
        %mul3A_123 = arith.constant 10000 : i32
        %mul3A_124 = arith.muli %add3A, %mul3A_123 : i32
        %mul3A_125 = arith.constant 80 : i32
        %mul3A_126 = arith.muli %add3A_122, %mul3A_125 : i32
        %add3A_127 = arith.addi %mul3A_124, %mul3A_126 : i32
        %multiple_of3A_128 = tpu.assume_multiple %add3A_127, 8 : i32
        %dma_wait3A_129 = tpu.memref_slice %arg2[%multiple_of3A_128] : memref<320000xi32, #tpu.memory_space<hbm>> -> memref<80xi32, #tpu.memory_space<hbm>>
        %dma_wait3A_130 = tpu.memref_slice %arg2[%multiple_of3A_128] : memref<320000xi32, #tpu.memory_space<hbm>> -> memref<80xi32, #tpu.memory_space<hbm>>
        tpu.wait_dma2 semaphore(%arg13 : memref<!tpu.dma_semaphore, #tpu.memory_space<semaphore_mem>>) src(%dma_wait3A_130 : memref<80xi32, #tpu.memory_space<hbm>>) dst(%arg6 : memref<80xi32, #tpu.memory_space<vmem>>)
        %dma_wait3A_131 = arith.constant 0 : i32
        %dma_wait3A_132 = arith.constant 0 : i32
        %dma_wait3A_133 = tpu.memref_slice %arg10[%dma_wait3A_131, %dma_wait3A_132] : memref<10240x128xf32, #tpu.memory_space<vmem_shared>> -> memref<10240x128xf32, #tpu.memory_space<vmem_shared>>
        tpu.wait_indirect_dma semaphore(%arg18 : memref<!tpu.dma_semaphore, #tpu.memory_space<semaphore_mem>>) src(%arg8 : memref<80x128xf32, #tpu.memory_space<vmem>>) dst(%dma_wait3A_133 : memref<10240x128xf32, #tpu.memory_space<vmem_shared>>)
        %add3A_134 = arith.constant 1 : i32
        %add3A_135 = arith.addi %add3A_122, %add3A_134 : i32
        %mul3A_136 = arith.constant 10000 : i32
        %mul3A_137 = arith.muli %add3A, %mul3A_136 : i32
        %mul3A_138 = arith.constant 80 : i32
        %mul3A_139 = arith.muli %add3A_135, %mul3A_138 : i32
        %add3A_140 = arith.addi %mul3A_137, %mul3A_139 : i32
        %multiple_of3A_141 = tpu.assume_multiple %add3A_140, 8 : i32
        %dma_start3A_142 = tpu.memref_slice %arg2[%multiple_of3A_141] : memref<320000xi32, #tpu.memory_space<hbm>> -> memref<80xi32, #tpu.memory_space<hbm>>
        %dma_start3A_143 = tpu.memref_slice %arg2[%multiple_of3A_141] : memref<320000xi32, #tpu.memory_space<hbm>> -> memref<80xi32, #tpu.memory_space<hbm>>
        tpu.enqueue_dma source(%dma_start3A_143 : memref<80xi32, #tpu.memory_space<hbm>>) target(%arg7 : memref<80xi32, #tpu.memory_space<vmem>>) target_semaphore(%arg14 : memref<!tpu.dma_semaphore, #tpu.memory_space<semaphore_mem>>)
        %dma_start3A_144 = arith.constant 0 : i32
        %dma_start3A_145 = arith.constant 0 : i32
        %dma_start3A_146 = tpu.memref_slice %arg10[%dma_start3A_144, %dma_start3A_145] : memref<10240x128xf32, #tpu.memory_space<vmem_shared>> -> memref<10240x128xf32, #tpu.memory_space<vmem_shared>>
        tpu.enqueue_indirect_dma source(%arg8 : memref<80x128xf32, #tpu.memory_space<vmem>>) target(%dma_start3A_146 : memref<10240x128xf32, #tpu.memory_space<vmem_shared>>) offsets(%arg6 : memref<80xi32, #tpu.memory_space<vmem>>) semaphore(%arg17 : memref<!tpu.dma_semaphore, #tpu.memory_space<semaphore_mem>>) {add = true}
        %add3A_147 = arith.constant 3 : i32
        %add3A_148 = arith.addi %mul3A_61, %add3A_147 : i32
        %mul3A_149 = arith.constant 10000 : i32
        %mul3A_150 = arith.muli %add3A, %mul3A_149 : i32
        %mul3A_151 = arith.constant 80 : i32
        %mul3A_152 = arith.muli %add3A_148, %mul3A_151 : i32
        %add3A_153 = arith.addi %mul3A_150, %mul3A_152 : i32
        %multiple_of3A_154 = tpu.assume_multiple %add3A_153, 8 : i32
        %dma_wait3A_155 = tpu.memref_slice %arg2[%multiple_of3A_154] : memref<320000xi32, #tpu.memory_space<hbm>> -> memref<80xi32, #tpu.memory_space<hbm>>
        %dma_wait3A_156 = tpu.memref_slice %arg2[%multiple_of3A_154] : memref<320000xi32, #tpu.memory_space<hbm>> -> memref<80xi32, #tpu.memory_space<hbm>>
        tpu.wait_dma2 semaphore(%arg14 : memref<!tpu.dma_semaphore, #tpu.memory_space<semaphore_mem>>) src(%dma_wait3A_156 : memref<80xi32, #tpu.memory_space<hbm>>) dst(%arg7 : memref<80xi32, #tpu.memory_space<vmem>>)
        %dma_wait3A_157 = arith.constant 0 : i32
        %dma_wait3A_158 = arith.constant 0 : i32
        %dma_wait3A_159 = tpu.memref_slice %arg10[%dma_wait3A_157, %dma_wait3A_158] : memref<10240x128xf32, #tpu.memory_space<vmem_shared>> -> memref<10240x128xf32, #tpu.memory_space<vmem_shared>>
        tpu.wait_indirect_dma semaphore(%arg15 : memref<!tpu.dma_semaphore, #tpu.memory_space<semaphore_mem>>) src(%arg8 : memref<80x128xf32, #tpu.memory_space<vmem>>) dst(%dma_wait3A_159 : memref<10240x128xf32, #tpu.memory_space<vmem_shared>>)
        %add3A_160 = arith.constant 1 : i32
        %add3A_161 = arith.addi %add3A_148, %add3A_160 : i32
        %mul3A_162 = arith.constant 10000 : i32
        %mul3A_163 = arith.muli %add3A, %mul3A_162 : i32
        %mul3A_164 = arith.constant 80 : i32
        %mul3A_165 = arith.muli %add3A_161, %mul3A_164 : i32
        %add3A_166 = arith.addi %mul3A_163, %mul3A_165 : i32
        %multiple_of3A_167 = tpu.assume_multiple %add3A_166, 8 : i32
        %dma_start3A_168 = tpu.memref_slice %arg2[%multiple_of3A_167] : memref<320000xi32, #tpu.memory_space<hbm>> -> memref<80xi32, #tpu.memory_space<hbm>>
        %dma_start3A_169 = tpu.memref_slice %arg2[%multiple_of3A_167] : memref<320000xi32, #tpu.memory_space<hbm>> -> memref<80xi32, #tpu.memory_space<hbm>>
        tpu.enqueue_dma source(%dma_start3A_169 : memref<80xi32, #tpu.memory_space<hbm>>) target(%arg4 : memref<80xi32, #tpu.memory_space<vmem>>) target_semaphore(%arg11 : memref<!tpu.dma_semaphore, #tpu.memory_space<semaphore_mem>>)
        %dma_start3A_170 = arith.constant 0 : i32
        %dma_start3A_171 = arith.constant 0 : i32
        %dma_start3A_172 = tpu.memref_slice %arg10[%dma_start3A_170, %dma_start3A_171] : memref<10240x128xf32, #tpu.memory_space<vmem_shared>> -> memref<10240x128xf32, #tpu.memory_space<vmem_shared>>
        tpu.enqueue_indirect_dma source(%arg8 : memref<80x128xf32, #tpu.memory_space<vmem>>) target(%dma_start3A_172 : memref<10240x128xf32, #tpu.memory_space<vmem_shared>>) offsets(%arg7 : memref<80xi32, #tpu.memory_space<vmem>>) semaphore(%arg18 : memref<!tpu.dma_semaphore, #tpu.memory_space<semaphore_mem>>) {add = true}
      } else {
      }
      %scan3A_68 = arith.constant 0 : i32
      scf.yield %scan3A_68 : i32
    }
    %scan3A_32 = arith.constant 31 : i32
    %mul3A_33 = arith.constant 10000 : i32
    %mul3A_34 = arith.muli %add3A, %mul3A_33 : i32
    %add3A_35 = arith.constant 9920 : i32
    %add3A_36 = arith.addi %mul3A_34, %add3A_35 : i32
    %multiple_of3A_37 = tpu.assume_multiple %add3A_36, 8 : i32
    %dma_wait3A = tpu.memref_slice %arg2[%multiple_of3A_37] : memref<320000xi32, #tpu.memory_space<hbm>> -> memref<80xi32, #tpu.memory_space<hbm>>
    %dma_wait3A_38 = tpu.memref_slice %arg2[%multiple_of3A_37] : memref<320000xi32, #tpu.memory_space<hbm>> -> memref<80xi32, #tpu.memory_space<hbm>>
    tpu.wait_dma2 semaphore(%arg11 : memref<!tpu.dma_semaphore, #tpu.memory_space<semaphore_mem>>) src(%dma_wait3A_38 : memref<80xi32, #tpu.memory_space<hbm>>) dst(%arg4 : memref<80xi32, #tpu.memory_space<vmem>>)
    %dma_wait3A_39 = arith.constant 0 : i32
    %dma_wait3A_40 = arith.constant 0 : i32
    %dma_wait3A_41 = tpu.memref_slice %arg10[%dma_wait3A_39, %dma_wait3A_40] : memref<10240x128xf32, #tpu.memory_space<vmem_shared>> -> memref<10240x128xf32, #tpu.memory_space<vmem_shared>>
    tpu.wait_indirect_dma semaphore(%arg16 : memref<!tpu.dma_semaphore, #tpu.memory_space<semaphore_mem>>) src(%arg8 : memref<80x128xf32, #tpu.memory_space<vmem>>) dst(%dma_wait3A_41 : memref<10240x128xf32, #tpu.memory_space<vmem_shared>>)
    %dma_start3A_42 = arith.constant 0 : i32
    %dma_start3A_43 = arith.constant 0 : i32
    %dma_start3A_44 = tpu.memref_slice %arg10[%dma_start3A_42, %dma_start3A_43] : memref<10240x128xf32, #tpu.memory_space<vmem_shared>> -> memref<10240x128xf32, #tpu.memory_space<vmem_shared>>
    tpu.enqueue_indirect_dma source(%arg8 : memref<80x128xf32, #tpu.memory_space<vmem>>) target(%dma_start3A_44 : memref<10240x128xf32, #tpu.memory_space<vmem_shared>>) offsets(%arg4 : memref<80xi32, #tpu.memory_space<vmem>>) semaphore(%arg15 : memref<!tpu.dma_semaphore, #tpu.memory_space<semaphore_mem>>) {add = true}
    %dma_wait3A_45 = arith.constant 0 : i32
    %dma_wait3A_46 = arith.constant 0 : i32
    %dma_wait3A_47 = tpu.memref_slice %arg10[%dma_wait3A_45, %dma_wait3A_46] : memref<10240x128xf32, #tpu.memory_space<vmem_shared>> -> memref<10240x128xf32, #tpu.memory_space<vmem_shared>>
    tpu.wait_indirect_dma semaphore(%arg17 : memref<!tpu.dma_semaphore, #tpu.memory_space<semaphore_mem>>) src(%arg8 : memref<80x128xf32, #tpu.memory_space<vmem>>) dst(%dma_wait3A_47 : memref<10240x128xf32, #tpu.memory_space<vmem_shared>>)
    %dma_wait3A_48 = arith.constant 0 : i32
    %dma_wait3A_49 = arith.constant 0 : i32
    %dma_wait3A_50 = tpu.memref_slice %arg10[%dma_wait3A_48, %dma_wait3A_49] : memref<10240x128xf32, #tpu.memory_space<vmem_shared>> -> memref<10240x128xf32, #tpu.memory_space<vmem_shared>>
    tpu.wait_indirect_dma semaphore(%arg18 : memref<!tpu.dma_semaphore, #tpu.memory_space<semaphore_mem>>) src(%arg8 : memref<80x128xf32, #tpu.memory_space<vmem>>) dst(%dma_wait3A_50 : memref<10240x128xf32, #tpu.memory_space<vmem_shared>>)
    %dma_wait3A_51 = arith.constant 0 : i32
    %dma_wait3A_52 = arith.constant 0 : i32
    %dma_wait3A_53 = tpu.memref_slice %arg10[%dma_wait3A_51, %dma_wait3A_52] : memref<10240x128xf32, #tpu.memory_space<vmem_shared>> -> memref<10240x128xf32, #tpu.memory_space<vmem_shared>>
    tpu.wait_indirect_dma semaphore(%arg15 : memref<!tpu.dma_semaphore, #tpu.memory_space<semaphore_mem>>) src(%arg8 : memref<80x128xf32, #tpu.memory_space<vmem>>) dst(%dma_wait3A_53 : memref<10240x128xf32, #tpu.memory_space<vmem_shared>>)
    %barrier3A_54 = arith.constant 0 : index
    tpu.barrier barrier_id(%barrier3A_54)
    %mul3A_55 = arith.constant 640 : i32
    %mul3A_56 = arith.muli %arg1, %mul3A_55 : i32
    %multiple_of3A_57 = tpu.assume_multiple %mul3A_56, 8 : i32
    "tpu.region"() ({
      %run_scoped3A = tpu.sem_alloc : memref<!tpu.dma_semaphore, #tpu.memory_space<semaphore_mem>>
      %dma_start3A_58 = arith.constant 0 : i32
      %dma_start3A_59 = arith.constant 0 : i32
      %dma_start3A_60 = tpu.memref_slice %arg3[%arg0, %arg1, %dma_start3A_58, %dma_start3A_59] : memref<2x16x640x128xf32, #tpu.memory_space<hbm>> -> memref<1x1x640x128xf32, #tpu.memory_space<hbm>>
      %dma_start3A_61 = tpu.memref_squeeze %dma_start3A_60 : memref<1x1x640x128xf32, #tpu.memory_space<hbm>> -> memref<640x128xf32, #tpu.memory_space<hbm>>
      %dma_start3A_62 = arith.constant 0 : i32
      %dma_start3A_63 = tpu.memref_slice %arg10[%multiple_of3A_57, %dma_start3A_62] : memref<10240x128xf32, #tpu.memory_space<vmem_shared>> -> memref<640x128xf32, #tpu.memory_space<vmem_shared>>
      tpu.enqueue_dma source(%dma_start3A_63 : memref<640x128xf32, #tpu.memory_space<vmem_shared>>) target(%dma_start3A_61 : memref<640x128xf32, #tpu.memory_space<hbm>>) target_semaphore(%run_scoped3A : memref<!tpu.dma_semaphore, #tpu.memory_space<semaphore_mem>>)
      %dma_wait3A_64 = arith.constant 0 : i32
      %dma_wait3A_65 = arith.constant 0 : i32
      %dma_wait3A_66 = tpu.memref_slice %arg3[%arg0, %arg1, %dma_wait3A_64, %dma_wait3A_65] : memref<2x16x640x128xf32, #tpu.memory_space<hbm>> -> memref<1x1x640x128xf32, #tpu.memory_space<hbm>>
      %dma_wait3A_67 = tpu.memref_squeeze %dma_wait3A_66 : memref<1x1x640x128xf32, #tpu.memory_space<hbm>> -> memref<640x128xf32, #tpu.memory_space<hbm>>
      %dma_wait3A_68 = arith.constant 0 : i32
      %dma_wait3A_69 = tpu.memref_slice %arg10[%multiple_of3A_57, %dma_wait3A_68] : memref<10240x128xf32, #tpu.memory_space<vmem_shared>> -> memref<640x128xf32, #tpu.memory_space<vmem_shared>>
      tpu.wait_dma2 semaphore(%run_scoped3A : memref<!tpu.dma_semaphore, #tpu.memory_space<semaphore_mem>>) src(%dma_wait3A_69 : memref<640x128xf32, #tpu.memory_space<vmem_shared>>) dst(%dma_wait3A_67 : memref<640x128xf32, #tpu.memory_space<hbm>>)
      tpu.yield
    }) : () -> ()
    return
  }
}

#map = affine_map<(d0, d1) -> (0, 0)>
#map1 = affine_map<(d0, d1) -> (0)>
#map2 = affine_map<(d0, d1) -> (0, 0, 0)>
module attributes {stable_mosaic.version = 14 : i64} {
  func.func @_sc_pool(%arg0: i32, %arg1: i32, %arg2: memref<10240x128xf32, #tpu.memory_space<hbm>>, %arg3: memref<10240xi32, #tpu.memory_space<hbm>>, %arg4: memref<2x136x128xf32, #tpu.memory_space<hbm>>, %arg5: memref<2x136x128xf32, #tpu.memory_space<hbm>>, %arg6: memref<64xi32, #tpu.memory_space<vmem>>, %arg7: memref<64x128xf32, #tpu.memory_space<vmem>>, %arg8: memref<64x128xf32, #tpu.memory_space<vmem>>, %arg9: memref<136x128xf32, #tpu.memory_space<vmem>>, %arg10: memref<136x128xf32, #tpu.memory_space<vmem_shared>>, %arg11: memref<136x128xf32, #tpu.memory_space<vmem_shared>>) attributes {dimension_semantics = [#tpu.dimension_semantics<core_parallel>, #tpu.dimension_semantics<subcore_parallel>], iteration_bounds = array<i64: 2, 16>, scalar_prefetch = 0 : i64, scratch_operands = 6 : i64, tpu.core_type = #tpu.core_type<sc_vector_subcore>, window_params = [{transform_indices = #map}, {transform_indices = #map1}, {transform_indices = #map2}, {transform_indices = #map2}]} {
    %mul3A = arith.constant 2 : i32
    %mul3A_0 = arith.muli %arg1, %mul3A : i32
    %add3A = arith.addi %mul3A_0, %arg0 : i32
    %scan3A = arith.constant 0 : i32
    %scan3A_1 = arith.constant 0 : i32
    %scan3A_2 = arith.constant 64 : i32
    %scan3A_3 = arith.addi %scan3A_1, %scan3A_2 : i32
    %scan3A_4 = arith.constant 1 : i32
    %scan3A_5 = scf.for %scan3A_29 = %scan3A_1 to %scan3A_3 step %scan3A_4 iter_args(%scan3A_30 = %scan3A) -> (i32)  : i32 {
      %scan3A_31 = arith.constant 0 : i32
      %scan3A_32 = arith.constant 0 : i32
      %scan3A_33 = arith.constant 8 : i32
      %scan3A_34 = arith.addi %scan3A_32, %scan3A_33 : i32
      %scan3A_35 = arith.constant 1 : i32
      %scan3A_36 = scf.for %scan3A_39 = %scan3A_32 to %scan3A_34 step %scan3A_35 iter_args(%scan3A_40 = %scan3A_31) -> (i32)  : i32 {
        %broadcast_in_dim3A = arith.constant 1.000000e+00 : f32
        %broadcast_in_dim3A_41 = vector.broadcast %broadcast_in_dim3A : f32 to vector<16xf32>
        %mul3A_42 = arith.constant 16 : i32
        %mul3A_43 = arith.muli %scan3A_39, %mul3A_42 : i32
        %swap3A = arith.index_cast %scan3A_29 : i32 to index
        %swap3A_44 = arith.index_cast %mul3A_43 : i32 to index
        %swap3A_45 = tpu.vector_load %arg8[%swap3A, %swap3A_44] {strides = array<i32>} : memref<64x128xf32, #tpu.memory_space<vmem>>, vector<1x16xf32>,
        %swap3A_46 = vector.shape_cast %swap3A_45 : vector<1x16xf32> to vector<16xf32>
        %swap3A_47 = vector.shape_cast %broadcast_in_dim3A_41 : vector<16xf32> to vector<1x16xf32>
        tpu.vector_store %arg8[%swap3A, %swap3A_44], %swap3A_47 {strides = array<i32>} : memref<64x128xf32, #tpu.memory_space<vmem>>, vector<1x16xf32>,
        %scan3A_48 = arith.constant 0 : i32
        scf.yield %scan3A_48 : i32
      }
      %scan3A_37 = arith.constant 8 : i32
      %scan3A_38 = arith.constant 0 : i32
      scf.yield %scan3A_38 : i32
    }
    %scan3A_6 = arith.constant 64 : i32
    %scan3A_7 = arith.constant 0 : i32
    %scan3A_8 = arith.constant 0 : i32
    %scan3A_9 = arith.constant 136 : i32
    %scan3A_10 = arith.addi %scan3A_8, %scan3A_9 : i32
    %scan3A_11 = arith.constant 1 : i32
    %scan3A_12 = scf.for %scan3A_29 = %scan3A_8 to %scan3A_10 step %scan3A_11 iter_args(%scan3A_30 = %scan3A_7) -> (i32)  : i32 {
      %scan3A_31 = arith.constant 0 : i32
      %scan3A_32 = arith.constant 0 : i32
      %scan3A_33 = arith.constant 8 : i32
      %scan3A_34 = arith.addi %scan3A_32, %scan3A_33 : i32
      %scan3A_35 = arith.constant 1 : i32
      %scan3A_36 = scf.for %scan3A_39 = %scan3A_32 to %scan3A_34 step %scan3A_35 iter_args(%scan3A_40 = %scan3A_31) -> (i32)  : i32 {
        %broadcast_in_dim3A = arith.constant 0.000000e+00 : f32
        %broadcast_in_dim3A_41 = vector.broadcast %broadcast_in_dim3A : f32 to vector<16xf32>
        %mul3A_42 = arith.constant 16 : i32
        %mul3A_43 = arith.muli %scan3A_39, %mul3A_42 : i32
        %swap3A = arith.index_cast %scan3A_29 : i32 to index
        %swap3A_44 = arith.index_cast %mul3A_43 : i32 to index
        %swap3A_45 = tpu.vector_load %arg9[%swap3A, %swap3A_44] {strides = array<i32>} : memref<136x128xf32, #tpu.memory_space<vmem>>, vector<1x16xf32>,
        %swap3A_46 = vector.shape_cast %swap3A_45 : vector<1x16xf32> to vector<16xf32>
        %swap3A_47 = vector.shape_cast %broadcast_in_dim3A_41 : vector<16xf32> to vector<1x16xf32>
        tpu.vector_store %arg9[%swap3A, %swap3A_44], %swap3A_47 {strides = array<i32>} : memref<136x128xf32, #tpu.memory_space<vmem>>, vector<1x16xf32>,
        %scan3A_48 = arith.constant 0 : i32
        scf.yield %scan3A_48 : i32
      }
      %scan3A_37 = arith.constant 8 : i32
      %scan3A_38 = arith.constant 0 : i32
      scf.yield %scan3A_38 : i32
    }
    %scan3A_13 = arith.constant 136 : i32
    %eq3A = arith.constant 0 : i32
    %eq3A_14 = arith.cmpi eq, %arg1, %eq3A : i32
    %convert_element_type3A = arith.extui %eq3A_14 : i1 to i32
    %cond3A = arith.constant 0 : i32
    %cond3A_15 = arith.cmpi ne, %convert_element_type3A, %cond3A : i32
    scf.if %cond3A_15 {
      "tpu.region"() ({
        %run_scoped3A = tpu.sem_alloc : memref<!tpu.dma_semaphore, #tpu.memory_space<semaphore_mem>>
        tpu.enqueue_dma source(%arg9 : memref<136x128xf32, #tpu.memory_space<vmem>>) target(%arg10 : memref<136x128xf32, #tpu.memory_space<vmem_shared>>) target_semaphore(%run_scoped3A : memref<!tpu.dma_semaphore, #tpu.memory_space<semaphore_mem>>)
        tpu.wait_dma2 semaphore(%run_scoped3A : memref<!tpu.dma_semaphore, #tpu.memory_space<semaphore_mem>>) src(%arg9 : memref<136x128xf32, #tpu.memory_space<vmem>>) dst(%arg10 : memref<136x128xf32, #tpu.memory_space<vmem_shared>>)
        tpu.yield
      }) : () -> ()
      "tpu.region"() ({
        %run_scoped3A = tpu.sem_alloc : memref<!tpu.dma_semaphore, #tpu.memory_space<semaphore_mem>>
        tpu.enqueue_dma source(%arg9 : memref<136x128xf32, #tpu.memory_space<vmem>>) target(%arg11 : memref<136x128xf32, #tpu.memory_space<vmem_shared>>) target_semaphore(%run_scoped3A : memref<!tpu.dma_semaphore, #tpu.memory_space<semaphore_mem>>)
        tpu.wait_dma2 semaphore(%run_scoped3A : memref<!tpu.dma_semaphore, #tpu.memory_space<semaphore_mem>>) src(%arg9 : memref<136x128xf32, #tpu.memory_space<vmem>>) dst(%arg11 : memref<136x128xf32, #tpu.memory_space<vmem_shared>>)
        tpu.yield
      }) : () -> ()
    } else {
    }
    %barrier3A = arith.constant 0 : index
    tpu.barrier barrier_id(%barrier3A)
    %scan3A_16 = arith.constant 0 : i32
    %scan3A_17 = arith.constant 0 : i32
    %scan3A_18 = arith.constant 5 : i32
    %scan3A_19 = arith.addi %scan3A_17, %scan3A_18 : i32
    %scan3A_20 = arith.constant 1 : i32
    %scan3A_21 = scf.for %scan3A_29 = %scan3A_17 to %scan3A_19 step %scan3A_20 iter_args(%scan3A_30 = %scan3A_16) -> (i32)  : i32 {
      %mul3A_31 = arith.constant 320 : i32
      %mul3A_32 = arith.muli %add3A, %mul3A_31 : i32
      %mul3A_33 = arith.constant 64 : i32
      %mul3A_34 = arith.muli %scan3A_29, %mul3A_33 : i32
      %add3A_35 = arith.addi %mul3A_32, %mul3A_34 : i32
      %multiple_of3A = tpu.assume_multiple %add3A_35, 8 : i32
      "tpu.region"() ({
        %run_scoped3A = tpu.sem_alloc : memref<!tpu.dma_semaphore, #tpu.memory_space<semaphore_mem>>
        %dma_start3A = tpu.memref_slice %arg3[%multiple_of3A] : memref<10240xi32, #tpu.memory_space<hbm>> -> memref<64xi32, #tpu.memory_space<hbm>>
        %dma_start3A_37 = tpu.memref_slice %arg3[%multiple_of3A] : memref<10240xi32, #tpu.memory_space<hbm>> -> memref<64xi32, #tpu.memory_space<hbm>>
        tpu.enqueue_dma source(%dma_start3A_37 : memref<64xi32, #tpu.memory_space<hbm>>) target(%arg6 : memref<64xi32, #tpu.memory_space<vmem>>) target_semaphore(%run_scoped3A : memref<!tpu.dma_semaphore, #tpu.memory_space<semaphore_mem>>)
        %dma_wait3A = tpu.memref_slice %arg3[%multiple_of3A] : memref<10240xi32, #tpu.memory_space<hbm>> -> memref<64xi32, #tpu.memory_space<hbm>>
        %dma_wait3A_38 = tpu.memref_slice %arg3[%multiple_of3A] : memref<10240xi32, #tpu.memory_space<hbm>> -> memref<64xi32, #tpu.memory_space<hbm>>
        tpu.wait_dma2 semaphore(%run_scoped3A : memref<!tpu.dma_semaphore, #tpu.memory_space<semaphore_mem>>) src(%dma_wait3A_38 : memref<64xi32, #tpu.memory_space<hbm>>) dst(%arg6 : memref<64xi32, #tpu.memory_space<vmem>>)
        tpu.yield
      }) : () -> ()
      "tpu.region"() ({
        %run_scoped3A = tpu.sem_alloc : memref<!tpu.dma_semaphore, #tpu.memory_space<semaphore_mem>>
        %dma_start3A = arith.constant 0 : i32
        %dma_start3A_37 = tpu.memref_slice %arg2[%multiple_of3A, %dma_start3A] : memref<10240x128xf32, #tpu.memory_space<hbm>> -> memref<64x128xf32, #tpu.memory_space<hbm>>
        %dma_start3A_38 = arith.constant 0 : i32
        %dma_start3A_39 = tpu.memref_slice %arg2[%multiple_of3A, %dma_start3A_38] : memref<10240x128xf32, #tpu.memory_space<hbm>> -> memref<64x128xf32, #tpu.memory_space<hbm>>
        tpu.enqueue_dma source(%dma_start3A_39 : memref<64x128xf32, #tpu.memory_space<hbm>>) target(%arg7 : memref<64x128xf32, #tpu.memory_space<vmem>>) target_semaphore(%run_scoped3A : memref<!tpu.dma_semaphore, #tpu.memory_space<semaphore_mem>>)
        %dma_wait3A = arith.constant 0 : i32
        %dma_wait3A_40 = tpu.memref_slice %arg2[%multiple_of3A, %dma_wait3A] : memref<10240x128xf32, #tpu.memory_space<hbm>> -> memref<64x128xf32, #tpu.memory_space<hbm>>
        %dma_wait3A_41 = arith.constant 0 : i32
        %dma_wait3A_42 = tpu.memref_slice %arg2[%multiple_of3A, %dma_wait3A_41] : memref<10240x128xf32, #tpu.memory_space<hbm>> -> memref<64x128xf32, #tpu.memory_space<hbm>>
        tpu.wait_dma2 semaphore(%run_scoped3A : memref<!tpu.dma_semaphore, #tpu.memory_space<semaphore_mem>>) src(%dma_wait3A_42 : memref<64x128xf32, #tpu.memory_space<hbm>>) dst(%arg7 : memref<64x128xf32, #tpu.memory_space<vmem>>)
        tpu.yield
      }) : () -> ()
      "tpu.region"() ({
        %run_scoped3A = tpu.sem_alloc : memref<!tpu.dma_semaphore, #tpu.memory_space<semaphore_mem>>
        %dma_start3A = arith.constant 0 : i32
        %dma_start3A_37 = arith.constant 0 : i32
        %dma_start3A_38 = tpu.memref_slice %arg10[%dma_start3A, %dma_start3A_37] : memref<136x128xf32, #tpu.memory_space<vmem_shared>> -> memref<136x128xf32, #tpu.memory_space<vmem_shared>>
        tpu.enqueue_indirect_dma source(%arg7 : memref<64x128xf32, #tpu.memory_space<vmem>>) target(%dma_start3A_38 : memref<136x128xf32, #tpu.memory_space<vmem_shared>>) offsets(%arg6 : memref<64xi32, #tpu.memory_space<vmem>>) semaphore(%run_scoped3A : memref<!tpu.dma_semaphore, #tpu.memory_space<semaphore_mem>>) {add = true}
        %dma_wait3A = arith.constant 0 : i32
        %dma_wait3A_39 = arith.constant 0 : i32
        %dma_wait3A_40 = tpu.memref_slice %arg10[%dma_wait3A, %dma_wait3A_39] : memref<136x128xf32, #tpu.memory_space<vmem_shared>> -> memref<136x128xf32, #tpu.memory_space<vmem_shared>>
        tpu.wait_indirect_dma semaphore(%run_scoped3A : memref<!tpu.dma_semaphore, #tpu.memory_space<semaphore_mem>>) src(%arg7 : memref<64x128xf32, #tpu.memory_space<vmem>>) dst(%dma_wait3A_40 : memref<136x128xf32, #tpu.memory_space<vmem_shared>>)
        tpu.yield
      }) : () -> ()
      "tpu.region"() ({
        %run_scoped3A = tpu.sem_alloc : memref<!tpu.dma_semaphore, #tpu.memory_space<semaphore_mem>>
        %dma_start3A = arith.constant 0 : i32
        %dma_start3A_37 = arith.constant 0 : i32
        %dma_start3A_38 = tpu.memref_slice %arg11[%dma_start3A, %dma_start3A_37] : memref<136x128xf32, #tpu.memory_space<vmem_shared>> -> memref<136x128xf32, #tpu.memory_space<vmem_shared>>
        tpu.enqueue_indirect_dma source(%arg8 : memref<64x128xf32, #tpu.memory_space<vmem>>) target(%dma_start3A_38 : memref<136x128xf32, #tpu.memory_space<vmem_shared>>) offsets(%arg6 : memref<64xi32, #tpu.memory_space<vmem>>) semaphore(%run_scoped3A : memref<!tpu.dma_semaphore, #tpu.memory_space<semaphore_mem>>) {add = true}
        %dma_wait3A = arith.constant 0 : i32
        %dma_wait3A_39 = arith.constant 0 : i32
        %dma_wait3A_40 = tpu.memref_slice %arg11[%dma_wait3A, %dma_wait3A_39] : memref<136x128xf32, #tpu.memory_space<vmem_shared>> -> memref<136x128xf32, #tpu.memory_space<vmem_shared>>
        tpu.wait_indirect_dma semaphore(%run_scoped3A : memref<!tpu.dma_semaphore, #tpu.memory_space<semaphore_mem>>) src(%arg8 : memref<64x128xf32, #tpu.memory_space<vmem>>) dst(%dma_wait3A_40 : memref<136x128xf32, #tpu.memory_space<vmem_shared>>)
        tpu.yield
      }) : () -> ()
      %scan3A_36 = arith.constant 0 : i32
      scf.yield %scan3A_36 : i32
    }
    %scan3A_22 = arith.constant 5 : i32
    %barrier3A_23 = arith.constant 0 : index
    tpu.barrier barrier_id(%barrier3A_23)
    %eq3A_24 = arith.constant 0 : i32
    %eq3A_25 = arith.cmpi eq, %arg1, %eq3A_24 : i32
    %convert_element_type3A_26 = arith.extui %eq3A_25 : i1 to i32
    %cond3A_27 = arith.constant 0 : i32
    %cond3A_28 = arith.cmpi ne, %convert_element_type3A_26, %cond3A_27 : i32
    scf.if %cond3A_28 {
      "tpu.region"() ({
        %run_scoped3A = tpu.sem_alloc : memref<!tpu.dma_semaphore, #tpu.memory_space<semaphore_mem>>
        %dma_start3A = arith.constant 0 : i32
        %dma_start3A_29 = arith.constant 0 : i32
        %dma_start3A_30 = tpu.memref_slice %arg4[%arg0, %dma_start3A, %dma_start3A_29] : memref<2x136x128xf32, #tpu.memory_space<hbm>> -> memref<1x136x128xf32, #tpu.memory_space<hbm>>
        %dma_start3A_31 = tpu.memref_squeeze %dma_start3A_30 : memref<1x136x128xf32, #tpu.memory_space<hbm>> -> memref<136x128xf32, #tpu.memory_space<hbm>>
        tpu.enqueue_dma source(%arg10 : memref<136x128xf32, #tpu.memory_space<vmem_shared>>) target(%dma_start3A_31 : memref<136x128xf32, #tpu.memory_space<hbm>>) target_semaphore(%run_scoped3A : memref<!tpu.dma_semaphore, #tpu.memory_space<semaphore_mem>>)
        %dma_wait3A = arith.constant 0 : i32
        %dma_wait3A_32 = arith.constant 0 : i32
        %dma_wait3A_33 = tpu.memref_slice %arg4[%arg0, %dma_wait3A, %dma_wait3A_32] : memref<2x136x128xf32, #tpu.memory_space<hbm>> -> memref<1x136x128xf32, #tpu.memory_space<hbm>>
        %dma_wait3A_34 = tpu.memref_squeeze %dma_wait3A_33 : memref<1x136x128xf32, #tpu.memory_space<hbm>> -> memref<136x128xf32, #tpu.memory_space<hbm>>
        tpu.wait_dma2 semaphore(%run_scoped3A : memref<!tpu.dma_semaphore, #tpu.memory_space<semaphore_mem>>) src(%arg10 : memref<136x128xf32, #tpu.memory_space<vmem_shared>>) dst(%dma_wait3A_34 : memref<136x128xf32, #tpu.memory_space<hbm>>)
        tpu.yield
      }) : () -> ()
      "tpu.region"() ({
        %run_scoped3A = tpu.sem_alloc : memref<!tpu.dma_semaphore, #tpu.memory_space<semaphore_mem>>
        %dma_start3A = arith.constant 0 : i32
        %dma_start3A_29 = arith.constant 0 : i32
        %dma_start3A_30 = tpu.memref_slice %arg5[%arg0, %dma_start3A, %dma_start3A_29] : memref<2x136x128xf32, #tpu.memory_space<hbm>> -> memref<1x136x128xf32, #tpu.memory_space<hbm>>
        %dma_start3A_31 = tpu.memref_squeeze %dma_start3A_30 : memref<1x136x128xf32, #tpu.memory_space<hbm>> -> memref<136x128xf32, #tpu.memory_space<hbm>>
        tpu.enqueue_dma source(%arg11 : memref<136x128xf32, #tpu.memory_space<vmem_shared>>) target(%dma_start3A_31 : memref<136x128xf32, #tpu.memory_space<hbm>>) target_semaphore(%run_scoped3A : memref<!tpu.dma_semaphore, #tpu.memory_space<semaphore_mem>>)
        %dma_wait3A = arith.constant 0 : i32
        %dma_wait3A_32 = arith.constant 0 : i32
        %dma_wait3A_33 = tpu.memref_slice %arg5[%arg0, %dma_wait3A, %dma_wait3A_32] : memref<2x136x128xf32, #tpu.memory_space<hbm>> -> memref<1x136x128xf32, #tpu.memory_space<hbm>>
        %dma_wait3A_34 = tpu.memref_squeeze %dma_wait3A_33 : memref<1x136x128xf32, #tpu.memory_space<hbm>> -> memref<136x128xf32, #tpu.memory_space<hbm>>
        tpu.wait_dma2 semaphore(%run_scoped3A : memref<!tpu.dma_semaphore, #tpu.memory_space<semaphore_mem>>) src(%arg11 : memref<136x128xf32, #tpu.memory_space<vmem_shared>>) dst(%dma_wait3A_34 : memref<136x128xf32, #tpu.memory_space<hbm>>)
        tpu.yield
      }) : () -> ()
    } else {
    }
    return
  }
}

module attributes {stable_mosaic.version = 14 : i64} {
  func.func @_mm_dinv_body(%arg0: memref<10000x128xf32, #tpu.memory_space<vmem>>, %arg1: memref<128x128xf32, #tpu.memory_space<vmem>>, %arg2: memref<10240x128xf32, #tpu.memory_space<vmem>>, %arg3: memref<10240x128xf32, #tpu.memory_space<vmem>>, %arg4: memref<10000x128xf32, #tpu.memory_space<vmem>>, %arg5: memref<10000x1xf32, #tpu.memory_space<vmem>>) attributes {dimension_semantics = [], scalar_prefetch = 0 : i64, scratch_operands = 0 : i64, tpu.core_type = #tpu.core_type<tc>} {
    %get3A = arith.constant 0 : index
    %get3A_0 = arith.constant 0 : index
    %get3A_1 = vector.load %arg0[%get3A, %get3A_0] : memref<10000x128xf32, #tpu.memory_space<vmem>>, vector<10000x128xf32>
    %get3A_2 = arith.constant 0 : index
    %get3A_3 = arith.constant 0 : index
    %get3A_4 = vector.load %arg1[%get3A_2, %get3A_3] : memref<128x128xf32, #tpu.memory_space<vmem>>, vector<128x128xf32>
    %dot_general3A = arith.constant dense<0.000000e+00> : vector<10000x128xf32>
    %dot_general3A_5 = tpu.matmul %get3A_1, %get3A_4, %dot_general3A {dimension_numbers = #tpu.dot_dimension_numbers<[1], [0], [0], [1], [0, 0, 1, 1], [], []>, transpose_lhs_hint = false} : vector<10000x128xf32>, vector<128x128xf32>, vector<10000x128xf32> -> vector<10000x128xf32>
    %get3A_6 = arith.constant 0 : index
    %get3A_7 = arith.constant 0 : index
    %get3A_8 = vector.load %arg2[%get3A_6, %get3A_7] : memref<10240x128xf32, #tpu.memory_space<vmem>>, vector<10240x128xf32>
    %slice3A = vector.extract_strided_slice %get3A_8 {offsets = [0, 0], sizes = [10240, 1], strides = [1, 1]} : vector<10240x128xf32> to vector<10240x1xf32>
    %get3A_9 = arith.constant 0 : index
    %get3A_10 = arith.constant 0 : index
    %get3A_11 = vector.load %arg3[%get3A_9, %get3A_10] : memref<10240x128xf32, #tpu.memory_space<vmem>>, vector<10240x128xf32>
    %slice3A_12 = vector.extract_strided_slice %get3A_11 {offsets = [0, 0], sizes = [10240, 1], strides = [1, 1]} : vector<10240x128xf32> to vector<10240x1xf32>
    %add3A = arith.addf %slice3A, %slice3A_12 : vector<10240x1xf32>
    %add3A_13 = arith.constant 1.000000e+00 : f32
    %add3A_14 = vector.broadcast %add3A_13 : f32 to vector<10240x1xf32>
    %add3A_15 = arith.addf %add3A, %add3A_14 : vector<10240x1xf32>
    %rsqrt3A = math.rsqrt %add3A_15 : vector<10240x1xf32>
    %slice3A_16 = vector.extract_strided_slice %rsqrt3A {offsets = [0, 0], sizes = [10000, 1], strides = [1, 1]} : vector<10240x1xf32> to vector<10000x1xf32>
    %swap3A = arith.constant 0 : index
    %swap3A_17 = arith.constant 0 : index
    %swap3A_18 = vector.load %arg5[%swap3A, %swap3A_17] : memref<10000x1xf32, #tpu.memory_space<vmem>>, vector<10000x1xf32>
    tpu.vector_store %arg5[%swap3A, %swap3A_17], %slice3A_16 {strides = array<i32>} : memref<10000x1xf32, #tpu.memory_space<vmem>>, vector<10000x1xf32>,
    %mul3A = vector.broadcast %slice3A_16 : vector<10000x1xf32> to vector<10000x128xf32>
    %mul3A_19 = arith.mulf %dot_general3A_5, %mul3A : vector<10000x128xf32>
    %swap3A_20 = arith.constant 0 : index
    %swap3A_21 = arith.constant 0 : index
    %swap3A_22 = vector.load %arg4[%swap3A_20, %swap3A_21] : memref<10000x128xf32, #tpu.memory_space<vmem>>, vector<10000x128xf32>
    tpu.vector_store %arg4[%swap3A_20, %swap3A_21], %mul3A_19 {strides = array<i32>} : memref<10000x128xf32, #tpu.memory_space<vmem>>, vector<10000x128xf32>,
    return
  }
}

module attributes {stable_mosaic.version = 14 : i64} {
  func.func @_layer_body(%arg0: memref<10240x128xf32, #tpu.memory_space<vmem>>, %arg1: memref<10240x128xf32, #tpu.memory_space<vmem>>, %arg2: memref<10000x128xf32, #tpu.memory_space<vmem>>, %arg3: memref<10000x1xf32, #tpu.memory_space<vmem>>, %arg4: memref<1x128xf32, #tpu.memory_space<vmem>>, %arg5: memref<128x128xf32, #tpu.memory_space<vmem>>, %arg6: memref<10000x128xf32, #tpu.memory_space<vmem>>) attributes {dimension_semantics = [], scalar_prefetch = 0 : i64, scratch_operands = 0 : i64, tpu.core_type = #tpu.core_type<tc>} {
    %get3A = arith.constant 0 : index
    %get3A_0 = arith.constant 0 : index
    %get3A_1 = vector.load %arg0[%get3A, %get3A_0] : memref<10240x128xf32, #tpu.memory_space<vmem>>, vector<10240x128xf32>
    %slice3A = vector.extract_strided_slice %get3A_1 {offsets = [0, 0], sizes = [10000, 128], strides = [1, 1]} : vector<10240x128xf32> to vector<10000x128xf32>
    %get3A_2 = arith.constant 0 : index
    %get3A_3 = arith.constant 0 : index
    %get3A_4 = vector.load %arg1[%get3A_2, %get3A_3] : memref<10240x128xf32, #tpu.memory_space<vmem>>, vector<10240x128xf32>
    %slice3A_5 = vector.extract_strided_slice %get3A_4 {offsets = [0, 0], sizes = [10000, 128], strides = [1, 1]} : vector<10240x128xf32> to vector<10000x128xf32>
    %add3A = arith.addf %slice3A, %slice3A_5 : vector<10000x128xf32>
    %get3A_6 = arith.constant 0 : index
    %get3A_7 = arith.constant 0 : index
    %get3A_8 = vector.load %arg2[%get3A_6, %get3A_7] : memref<10000x128xf32, #tpu.memory_space<vmem>>, vector<10000x128xf32>
    %add3A_9 = arith.addf %add3A, %get3A_8 : vector<10000x128xf32>
    %get3A_10 = arith.constant 0 : index
    %get3A_11 = arith.constant 0 : index
    %get3A_12 = vector.load %arg3[%get3A_10, %get3A_11] : memref<10000x1xf32, #tpu.memory_space<vmem>>, vector<10000x1xf32>
    %mul3A = vector.broadcast %get3A_12 : vector<10000x1xf32> to vector<10000x128xf32>
    %mul3A_13 = arith.mulf %mul3A, %add3A_9 : vector<10000x128xf32>
    %get3A_14 = arith.constant 0 : index
    %get3A_15 = arith.constant 0 : index
    %get3A_16 = vector.load %arg4[%get3A_14, %get3A_15] : memref<1x128xf32, #tpu.memory_space<vmem>>, vector<1x128xf32>
    %add3A_17 = vector.broadcast %get3A_16 : vector<1x128xf32> to vector<10000x128xf32>
    %add3A_18 = arith.addf %mul3A_13, %add3A_17 : vector<10000x128xf32>
    %max3A = arith.constant 0.000000e+00 : f32
    %max3A_19 = vector.broadcast %max3A : f32 to vector<10000x128xf32>
    %max3A_20 = arith.maximumf %add3A_18, %max3A_19 : vector<10000x128xf32>
    %get3A_21 = arith.constant 0 : index
    %get3A_22 = arith.constant 0 : index
    %get3A_23 = vector.load %arg3[%get3A_21, %get3A_22] : memref<10000x1xf32, #tpu.memory_space<vmem>>, vector<10000x1xf32>
    %get3A_24 = arith.constant 0 : index
    %get3A_25 = arith.constant 0 : index
    %get3A_26 = vector.load %arg5[%get3A_24, %get3A_25] : memref<128x128xf32, #tpu.memory_space<vmem>>, vector<128x128xf32>
    %dot_general3A = arith.constant dense<0.000000e+00> : vector<10000x128xf32>
    %dot_general3A_27 = tpu.matmul %max3A_20, %get3A_26, %dot_general3A {dimension_numbers = #tpu.dot_dimension_numbers<[1], [0], [0], [1], [0, 0, 1, 1], [], []>, transpose_lhs_hint = false} : vector<10000x128xf32>, vector<128x128xf32>, vector<10000x128xf32> -> vector<10000x128xf32>
    %mul3A_28 = vector.broadcast %get3A_23 : vector<10000x1xf32> to vector<10000x128xf32>
    %mul3A_29 = arith.mulf %mul3A_28, %dot_general3A_27 : vector<10000x128xf32>
    %swap3A = arith.constant 0 : index
    %swap3A_30 = arith.constant 0 : index
    %swap3A_31 = vector.load %arg6[%swap3A, %swap3A_30] : memref<10000x128xf32, #tpu.memory_space<vmem>>, vector<10000x128xf32>
    tpu.vector_store %arg6[%swap3A, %swap3A_30], %mul3A_29 {strides = array<i32>} : memref<10000x128xf32, #tpu.memory_space<vmem>>, vector<10000x128xf32>,
    return
  }
}

module attributes {stable_mosaic.version = 14 : i64} {
  func.func @_post_body(%arg0: memref<10240x128xf32, #tpu.memory_space<vmem>>, %arg1: memref<10240x128xf32, #tpu.memory_space<vmem>>, %arg2: memref<10000x128xf32, #tpu.memory_space<vmem>>, %arg3: memref<10000x1xf32, #tpu.memory_space<vmem>>, %arg4: memref<1x128xf32, #tpu.memory_space<vmem>>, %arg5: memref<10240x128xf32, #tpu.memory_space<vmem>>) attributes {dimension_semantics = [], scalar_prefetch = 0 : i64, scratch_operands = 0 : i64, tpu.core_type = #tpu.core_type<tc>} {
    %get3A = arith.constant 0 : index
    %get3A_0 = arith.constant 0 : index
    %get3A_1 = vector.load %arg0[%get3A, %get3A_0] : memref<10240x128xf32, #tpu.memory_space<vmem>>, vector<10240x128xf32>
    %slice3A = vector.extract_strided_slice %get3A_1 {offsets = [0, 0], sizes = [10000, 128], strides = [1, 1]} : vector<10240x128xf32> to vector<10000x128xf32>
    %get3A_2 = arith.constant 0 : index
    %get3A_3 = arith.constant 0 : index
    %get3A_4 = vector.load %arg1[%get3A_2, %get3A_3] : memref<10240x128xf32, #tpu.memory_space<vmem>>, vector<10240x128xf32>
    %slice3A_5 = vector.extract_strided_slice %get3A_4 {offsets = [0, 0], sizes = [10000, 128], strides = [1, 1]} : vector<10240x128xf32> to vector<10000x128xf32>
    %add3A = arith.addf %slice3A, %slice3A_5 : vector<10000x128xf32>
    %get3A_6 = arith.constant 0 : index
    %get3A_7 = arith.constant 0 : index
    %get3A_8 = vector.load %arg2[%get3A_6, %get3A_7] : memref<10000x128xf32, #tpu.memory_space<vmem>>, vector<10000x128xf32>
    %add3A_9 = arith.addf %add3A, %get3A_8 : vector<10000x128xf32>
    %get3A_10 = arith.constant 0 : index
    %get3A_11 = arith.constant 0 : index
    %get3A_12 = vector.load %arg3[%get3A_10, %get3A_11] : memref<10000x1xf32, #tpu.memory_space<vmem>>, vector<10000x1xf32>
    %mul3A = vector.broadcast %get3A_12 : vector<10000x1xf32> to vector<10000x128xf32>
    %mul3A_13 = arith.mulf %mul3A, %add3A_9 : vector<10000x128xf32>
    %get3A_14 = arith.constant 0 : index
    %get3A_15 = arith.constant 0 : index
    %get3A_16 = vector.load %arg4[%get3A_14, %get3A_15] : memref<1x128xf32, #tpu.memory_space<vmem>>, vector<1x128xf32>
    %add3A_17 = vector.broadcast %get3A_16 : vector<1x128xf32> to vector<10000x128xf32>
    %add3A_18 = arith.addf %mul3A_13, %add3A_17 : vector<10000x128xf32>
    %max3A = arith.constant 0.000000e+00 : f32
    %max3A_19 = vector.broadcast %max3A : f32 to vector<10000x128xf32>
    %max3A_20 = arith.maximumf %add3A_18, %max3A_19 : vector<10000x128xf32>
    %swap3A = arith.constant 0 : index
    %swap3A_21 = arith.constant 0 : index
    %swap3A_22 = vector.load %arg5[%swap3A, %swap3A_21] : memref<10240x128xf32, #tpu.memory_space<vmem>>, vector<10000x128xf32>
    tpu.vector_store %arg5[%swap3A, %swap3A_21], %max3A_20 {strides = array<i32>} : memref<10240x128xf32, #tpu.memory_space<vmem>>, vector<10000x128xf32>,
    %broadcast_in_dim3A = arith.constant 0.000000e+00 : f32
    %broadcast_in_dim3A_23 = vector.broadcast %broadcast_in_dim3A : f32 to vector<240x128xf32>
    %swap3A_24 = arith.constant 10000 : index
    %swap3A_25 = arith.constant 0 : index
    %swap3A_26 = vector.load %arg5[%swap3A_24, %swap3A_25] : memref<10240x128xf32, #tpu.memory_space<vmem>>, vector<240x128xf32>
    tpu.vector_store %arg5[%swap3A_24, %swap3A_25], %broadcast_in_dim3A_23 {strides = array<i32>} : memref<10240x128xf32, #tpu.memory_space<vmem>>, vector<240x128xf32>,
    return
  }
}

module attributes {stable_mosaic.version = 14 : i64} {
  func.func @_final_body(%arg0: memref<136x128xf32, #tpu.memory_space<vmem>>, %arg1: memref<136x128xf32, #tpu.memory_space<vmem>>, %arg2: memref<136x128xf32, #tpu.memory_space<vmem>>, %arg3: memref<136x128xf32, #tpu.memory_space<vmem>>, %arg4: memref<128x1xf32, #tpu.memory_space<vmem>>, %arg5: memref<1x1xf32, #tpu.memory_space<vmem>>, %arg6: memref<128x1xf32, #tpu.memory_space<vmem>>) attributes {dimension_semantics = [], scalar_prefetch = 0 : i64, scratch_operands = 0 : i64, tpu.core_type = #tpu.core_type<tc>} {
    %get3A = arith.constant 0 : index
    %get3A_0 = arith.constant 0 : index
    %get3A_1 = vector.load %arg0[%get3A, %get3A_0] : memref<136x128xf32, #tpu.memory_space<vmem>>, vector<136x128xf32>
    %slice3A = vector.extract_strided_slice %get3A_1 {offsets = [0, 0], sizes = [128, 128], strides = [1, 1]} : vector<136x128xf32> to vector<128x128xf32>
    %get3A_2 = arith.constant 0 : index
    %get3A_3 = arith.constant 0 : index
    %get3A_4 = vector.load %arg1[%get3A_2, %get3A_3] : memref<136x128xf32, #tpu.memory_space<vmem>>, vector<136x128xf32>
    %slice3A_5 = vector.extract_strided_slice %get3A_4 {offsets = [0, 0], sizes = [128, 128], strides = [1, 1]} : vector<136x128xf32> to vector<128x128xf32>
    %add3A = arith.addf %slice3A, %slice3A_5 : vector<128x128xf32>
    %get3A_6 = arith.constant 0 : index
    %get3A_7 = arith.constant 0 : index
    %get3A_8 = vector.load %arg2[%get3A_6, %get3A_7] : memref<136x128xf32, #tpu.memory_space<vmem>>, vector<136x128xf32>
    %slice3A_9 = vector.extract_strided_slice %get3A_8 {offsets = [0, 0], sizes = [128, 1], strides = [1, 1]} : vector<136x128xf32> to vector<128x1xf32>
    %get3A_10 = arith.constant 0 : index
    %get3A_11 = arith.constant 0 : index
    %get3A_12 = vector.load %arg3[%get3A_10, %get3A_11] : memref<136x128xf32, #tpu.memory_space<vmem>>, vector<136x128xf32>
    %slice3A_13 = vector.extract_strided_slice %get3A_12 {offsets = [0, 0], sizes = [128, 1], strides = [1, 1]} : vector<136x128xf32> to vector<128x1xf32>
    %add3A_14 = arith.addf %slice3A_9, %slice3A_13 : vector<128x1xf32>
    %max3A = arith.constant 1.000000e+00 : f32
    %max3A_15 = vector.broadcast %max3A : f32 to vector<128x1xf32>
    %max3A_16 = arith.maximumf %add3A_14, %max3A_15 : vector<128x1xf32>
    %div3A = vector.broadcast %max3A_16 : vector<128x1xf32> to vector<128x128xf32>
    %div3A_17 = arith.divf %add3A, %div3A : vector<128x128xf32>
    %get3A_18 = arith.constant 0 : index
    %get3A_19 = arith.constant 0 : index
    %get3A_20 = vector.load %arg4[%get3A_18, %get3A_19] : memref<128x1xf32, #tpu.memory_space<vmem>>, vector<128x1xf32>
    %dot_general3A = arith.constant dense<0.000000e+00> : vector<128x1xf32>
    %dot_general3A_21 = tpu.matmul %div3A_17, %get3A_20, %dot_general3A {dimension_numbers = #tpu.dot_dimension_numbers<[1], [0], [0], [1], [0, 0, 1, 1], [], []>, transpose_lhs_hint = false} : vector<128x128xf32>, vector<128x1xf32>, vector<128x1xf32> -> vector<128x1xf32>
    %get3A_22 = arith.constant 0 : index
    %get3A_23 = arith.constant 0 : index
    %get3A_24 = vector.load %arg5[%get3A_22, %get3A_23] : memref<1x1xf32, #tpu.memory_space<vmem>>, vector<1x1xf32>
    %add3A_25 = vector.broadcast %get3A_24 : vector<1x1xf32> to vector<128x1xf32>
    %add3A_26 = arith.addf %dot_general3A_21, %add3A_25 : vector<128x1xf32>
    %swap3A = arith.constant 0 : index
    %swap3A_27 = arith.constant 0 : index
    %swap3A_28 = vector.load %arg6[%swap3A, %swap3A_27] : memref<128x1xf32, #tpu.memory_space<vmem>>, vector<128x1xf32>
    tpu.vector_store %arg6[%swap3A, %swap3A_27], %add3A_26 {strides = array<i32>} : memref<128x1xf32, #tpu.memory_space<vmem>>, vector<128x1xf32>,
    return
  }
}

</mosaic_0001>

<sc_bundles>
// kernel: kernel.10.cloned.1.call-start
scs
__scs_entry_jumppad:
0x0: {  	(pc) =	sbr.rel $0x88, $3  }
0x1: {  	(tag) =	ssettag $0x0;
	lr =	simm.s32 $0x1  }
0x2: {  	[smem:$0x3F98] =	sst lr;
	_ =	strace $0xD0000000  }
0x3: {  	_ = 	snop  }
0x4: {  	_ = 	snop  }
0x5: {  	_ = 	snop  }
0x6: {  	_ = 	snop  }
0x7: {  	_ = 	snop  }
__scs_overlays_trampoline_lowered:
0x8: {  	[smem:$0x3FA7] =	sst s0  }
0x9: {  	[smem:$0x3FA8] =	sst s1  }
0xa: {  	[smem:$0x3FA9] =	sst s2  }
0xb: {  	[smem:$0x3FAA] =	sst s3  }
0xc: {  	[smem:$0x3FAB] =	sst s4  }
0xd: {  	[smem:$0x3FAC] =	sst s5  }
0xe: {  	[smem:$0x3FAD] =	sst s6  }
0xf: {  	[smem:$0x3FAE] =	sst s7  }
0x10: {  	[smem:$0x3FAF] =	sst s8  }
0x11: {  	[smem:$0x3FB0] =	sst s9;
	s0 =	simm.s32 @!p0 $0x0  }
0x12: {  	s1 =	sld [smem:$0x3F96];
	s0 =	simm.s32 @p0 $0x1  }
0x13: {  	[smem:$0x3FB1] =	sst s0;
	s0 =	simm.s32 @!p1 $0x0  }
0x14: {  	s2 =	sld [smem:$0x3F95];
	s0 =	simm.s32 @p1 $0x1  }
0x15: {  	[smem:$0x3FB2] =	sst s0;
	s0 =	simm.s32 @!p2 $0x0  }
0x16: {  	s3 =	sld [smem:$0x3FDB];
	s0 =	simm.s32 @p2 $0x1  }
0x17: {  	s4 =	simm.s32 $0x1BF5;
	[smem:$0x3FB4] =	sst s0  }
0x18: {  	s0 =	sld [smem:$0x3F97];
	_ =	swait.ge [sflag:s4], $0x0  }
0x19: {  	s7 =	sld [smem:$0x3F98]  }
0x1a: {  	s8 =	sadd.s32 $0xFFFFE003, lr  }
0x1b: {  	s9 =	sadd.s32 $0xFFFFFEF7, lr;
	s5 =	simm.s32 $0xFFFFFFFF;
	p2 =	slt.u32 s8, $0xFFFFF086  }
0x1c: {  	p1 =	slt.u32 s9, $0xF7A;
	s5 =	simm.s32 @!p2 $0x0  }
0x1d: {  	s5 =	simm.s32 @p1 $0x1;
	p0 =	seq.s32 s7, s2  }
0x1e: {  	s7 =	smul.u32 @!p0 $0xF7A, s2;
	p2 =	seq.s32 @!p0 s5, $0x0  }
0x1f: {  	s9 =	smul.u32 $0xF7A, s1;
	s8 =	simm.s32 @!p0 $0x1BF5;
	p2 =	por !p2, p0  }
0x20: {  	[sflag:s8] =	ssyncset.s32 @!p0 $0xFFFFF086;
	s6 =	sadd.s32 @!p0 s3, s7;
	s7 =	simm.s32 @!p0 $0x108  }
0x21: {  	s3 =	sadd.s32 s3, s9;
	s6 =	sadd.s32 @!p0 $0x88, s6;
	s7 =	simm.s32 @p2 $0x1082  }
0x22: {  	[simem:s7], [sflag:s8] =	dma.local @!p0 [hbm:s6], $0xF7A  }
0x23: {  	s9 =	sor.u32 $0xD0000000, s2;
	s6 =	simm.s32 $0x108;
	_ =	swait.ge @!p0 [sflag:s8], $0x0  }
0x24: {  	s3 =	sadd.s32 $0x88, s3;
	s6 =	simm.s32 @!p1 $0x1082;
	[sflag:s4] =	ssyncset.s32 $0xFFFFF086  }
0x25: {  	[simem:s6], [sflag:s4] =	dma.local [hbm:s3], $0xF7A  }
0x26: {  	[smem:$0x3F98] =	sst s1;
	(tag) =	ssettag s2;
	_ =	strace s9  }
0x27: {  	s1 =	sld [smem:$0x3FA8]  }
0x28: {  	s2 =	sld [smem:$0x3FA9]  }
0x29: {  	s4 =	sld [smem:$0x3FAB]  }
0x2a: {  	p0 =	seq.s32 s5, $0x0;
	s5 =	sld [smem:$0x3FAC]  }
0x2b: {  	s6 =	sld [smem:$0x3FAD]  }
0x2c: {  	s7 =	sld [smem:$0x3FAE]  }
0x2d: {  	s3 =	simm.s32 $0x108;
	s8 =	sld [smem:$0x3FAF]  }
0x2e: {  	s3 =	simm.s32 @!p0 $0x1082;
	s9 =	sld [smem:$0x3FB0]  }
0x2f: {  	lr =	sadd.s32 s0, s3;
	s0 =	sld [smem:$0x3FA7]  }
0x30: {  	s3 =	sld [smem:$0x3FAA]  }
0x31: {  	[smem:$0x3FB3] =	sst s10  }
0x32: {  	s10 =	sld [smem:$0x3FB1];
	_ =	sdelay $0x3  }
0x33: {  	p0 =	seq.s32 s10, $0x1;
	s10 =	sld [smem:$0x3FB3];
	_ =	sdelay $0x3  }
0x34: {  	[smem:$0x3FB3] =	sst s10  }
0x35: {  	s10 =	sld [smem:$0x3FB2];
	_ =	sdelay $0x3  }
0x36: {  	p1 =	seq.s32 s10, $0x1;
	s10 =	sld [smem:$0x3FB3];
	_ =	sdelay $0x3  }
0x37: {  	[smem:$0x3FB3] =	sst s10  }
0x38: {  	s10 =	sld [smem:$0x3FB4]  }
0x39: {  	_ = 	snop;
	(pc) =	sbr.ind lr, $3  }
0x3a: {  	_ = 	snop  }
0x3b: {  	_ = 	snop  }
0x3c: {  	p2 =	seq.s32 s10, $0x1;
	s10 =	sld [smem:$0x3FB3]  }
0x3d: {  	_ =	shalt  }
0x3e: {  	_ =	shalt  }
0x3f: {  	_ =	shalt  }
0x40: {  	_ =	shalt  }
0x41: {  	_ =	shalt  }
0x42: {  	_ =	shalt  }
0x43: {  	_ =	shalt  }
0x44: {  	_ =	shalt  }
0x45: {  	_ =	shalt  }
0x46: {  	_ =	shalt  }
0x47: {  	_ =	shalt  }
0x48: {  	_ =	shalt  }
0x49: {  	_ =	shalt  }
0x4a: {  	_ =	shalt  }
0x4b: {  	_ =	shalt  }
0x4c: {  	_ =	shalt  }
0x4d: {  	_ =	shalt  }
0x4e: {  	_ =	shalt  }
0x4f: {  	_ =	shalt  }
0x50: {  	_ =	shalt  }
0x51: {  	_ =	shalt  }
0x52: {  	_ =	shalt  }
0x53: {  	_ =	shalt  }
0x54: {  	_ =	shalt  }
0x55: {  	_ =	shalt  }
0x56: {  	_ =	shalt  }
0x57: {  	_ =	shalt  }
0x58: {  	_ =	shalt  }
0x59: {  	_ =	shalt  }
0x5a: {  	_ =	shalt  }
0x5b: {  	_ =	shalt  }
0x5c: {  	_ =	shalt  }
0x5d: {  	_ =	shalt  }
0x5e: {  	_ =	shalt  }
0x5f: {  	_ =	shalt  }
0x60: {  	_ =	shalt  }
0x61: {  	_ =	shalt  }
0x62: {  	_ =	shalt  }
0x63: {  	_ =	shalt  }
0x64: {  	_ =	shalt  }
0x65: {  	_ =	shalt  }
0x66: {  	_ =	shalt  }
0x67: {  	_ =	shalt  }
0x68: {  	_ =	shalt  }
0x69: {  	_ =	shalt  }
0x6a: {  	_ =	shalt  }
0x6b: {  	_ =	shalt  }
0x6c: {  	_ =	shalt  }
0x6d: {  	_ =	shalt  }
0x6e: {  	_ =	shalt  }
0x6f: {  	_ =	shalt  }
0x70: {  	_ =	shalt  }
0x71: {  	_ =	shalt  }
0x72: {  	_ =	shalt  }
0x73: {  	_ =	shalt  }
0x74: {  	_ =	shalt  }
0x75: {  	_ =	shalt  }
0x76: {  	_ =	shalt  }
0x77: {  	_ =	shalt  }
0x78: {  	_ =	shalt  }
0x79: {  	_ =	shalt  }
0x7a: {  	_ =	shalt  }
0x7b: {  	_ =	shalt  }
0x7c: {  	_ =	shalt  }
0x7d: {  	_ =	shalt  }
0x7e: {  	_ =	shalt  }
0x7f: {  	_ =	shalt  }
0x80: {  	_ =	shalt  }
0x81: {  	_ =	shalt  }
0x82: {  	_ =	shalt  }
0x83: {  	_ =	shalt  }
0x84: {  	_ =	shalt  }
0x85: {  	_ =	shalt  }
0x86: {  	_ =	shalt  }
0x87: {  	_ =	shalt  }
.Lfunc_end0:
.L_simem_size_0:
called_computation_lowered:
.L_overlay_start_0:
0x88: {  	s2 =	sld [smem:$0x3FD9]  }
0x89: {  	s3 =	sld [smem:$0x3FFE];
	_ =	sdelay $0x1  }
0x8a: {  	s1 =	srdreg.scid  }
0x8b: {  	s0 =	sand.u32 $0x1, s1  }
0x8c: {  	s16 =	sshll.u32 s0, $0xA;
	s2 =	sadd.s32 s3, s2  }
0x8d: {  	s2 =	sadd.s32 s2, s16  }
0x8e: {  	[smem:$0x3FBF] =	sst s2  }
0x8f: {  	_ = 	snop  }
0x90: {  	(tm) =	ssettm $0x1  }
0x91: {  	s17 =	sld [smem:$0x3FFB];
	_ =	sdelay $0x3  }
0x92: {  	_ =	strace s17  }
0x93: {  	s2 =	sld [smem:$0x3FFC];
	_ =	sdelay $0x3  }
0x94: {  	_ =	strace s2  }
0x95: {  	s2 =	sld [smem:$0x3FFD];
	_ =	sdelay $0x3  }
0x96: {  	_ =	strace s2  }
0x97: {  	_ =	strace $0x8FFFFFFF  }
0x98: {  	s18 =	sld [smem:$0x3FDB];
	_ =	sdelay $0x1  }
0x99: {  	s19 =	simm.s32 $_scs_section_size  }
0x9a: {  	s4 =	simm.s32 $_size__tile_overlayer_lowered;
	s5 =	simm.s32 $_tile_overlayer_lowered  }
0x9b: {  	s22 =	simm.s32 $0x1BFF;
	s21 =	sshll.u32 s5, $0x1;
	s2 =	sadd.s32 s19, s18  }
0x9c: {  	s6 =	simm.s32 $0x0;
	s20 =	sshll.u32 s4, $0x1;
	s4 =	sadd.s32 s21, s2  }
0x9d: {  	[timem:s6], [sflag:s22] =	dma.local [hbm:s4], s20  }
0x9e: {  	_ =	swait.ge [sflag:s22], s20  }
0x9f: {  	s3 =	ssub.s32 $0x0, s20;
	[sflag:s22] =	ssyncset.done $0x0  }
0xa0: {  	[sflag:s22] =	ssyncadd.s32 s3;
	_ =	sdelay $0x1  }
0xa1: {  	s23 =	simm.s32 $0x1B8B  }
0xa2: {  	_ =	swait.ge [sflag:s23], $0x1  }
0xa3: {  	[sflag:s23] =	ssyncset.done $0x0  }
0xa4: {  	s25 =	simm.s32 $0x1B8E;
	s24 =	sld [smem:$0x3FFE];
	[sflag:s23] =	ssyncadd.s32 $0xFFFFFFFF  }
0xa5: {  	s26 =	simm.s32 $execute0_lowered;
	[smem:$0x3FD2] =	sst s25  }
0xa6: {  	s4 =	sshll.u32 s26, $0x1;
	_ =	strace $0x80000046;
	[dreg:$0x1] =	wrdreg $0xFFFFFFFF  }
0xa7: {  	s28 =	simm.s32 $_size_execute0_lowered;
	s2 =	sadd.s32 s2, s4;
	[dreg:$0x0] =	wrdreg $0x0  }
0xa8: {  	s4 =	sshll.u32 s28, $0x1;
	[dreg:$0x2] =	wrdreg s2  }
0xa9: {  	[dreg:$0x3] =	wrdreg s4  }
0xaa: {  	[dreg:$0x4] =	wrdreg $0xC0  }
0xab: {  	_ =	task [dreg:s6], $0x5FFFF  }
0xac: {  	[dreg:$0x1] =	wrdreg $0xFFFFFFFF  }
0xad: {  	[dreg:$0x0] =	wrdreg $0x60  }
0xae: {  	[dreg:$0x2] =	wrdreg s24  }
0xaf: {  	[dreg:$0x3] =	wrdreg $0x4A000  }
0xb0: {  	[dreg:$0x4] =	wrdreg $0x9  }
0xb1: {  	_ =	task.clear_ibuf [dreg:s6], $0x5FFFF;
	_ =	strace $0x90000046  }
0xb2: {  	s29 =	simm.s32 $0x9;
	_ =	strace $0x80000048  }
0xb3: {  	_ =	swait.ge [sflag:s29], $0x1  }
0xb4: {  	[sflag:s29] =	ssyncadd.s32 $0xFFFFFFFF  }
0xb5: {  	_ =	strace $0x90000048  }
0xb6: {  	_ =	sfence  }
0xb7: {  	s30 =	sld [smem:$0x0];
	_ =	sdelay $0x2  }
0xb8: {  	s31 =	sshll.u32 s1, $0xD;
	s1 =	sshrl.u32 s1, $0x2  }
0xb9: {  	s3 =	sand.u32 $0x4000, s31;
	s1 =	sadd.s32 s1, s30  }
0xba: {  	s0 =	sor.u32 s3, s0;
	s1 =	sshll.u32 s1, $0x11  }
0xbb: {  	s0 =	sor.u32 s1, s0  }
0xbc: {  	s0 =	sadd.s32 $0x8F2B, s0  }
0xbd: {  	[sflag:s0] =	ssyncadd.remote.s32 $0x1  }
0xbe: {  	_ =	sfence.sel $0xFFFF  }
0xbf: {  	[dreg:$0x0] =	wrdreg $0xFFFFFFFF;
	(pc) =	sbr.abs _section_cstart, $3  }
0xc0: {  	[dreg:$0x1] =	wrdreg $0xFFFFFFFF  }
0xc1: {  	_ =	task.clear_ibuf [dreg:s6], $0x2FFFF;
	_ =	strace $0x9FFFFFFF  }
0xc2: {  	(tm) =	ssettm $0x7FFFFFFF  }
0xc3: {  	_ =	shalt  }
tec
execute0_lowered:
.L_overlay_start_1:
0x0: {  	(tag) =	ssettag $0x1  }
0x1: {  	s0 =	srdreg.scid;
	s1 =	rddreg [dreg:$0x0]  }
0x2: {  	s12 =	stileid.u32;
	s2 =	rddreg [dreg:$0x1];
	s3 =	simm.s32 $0x0  }
0x3: {  	s31 =	simm.s32 $0x180;
	s28 =	simm.s32 $0x5;
	s5 =	smul.u32 $0x14000, s12  }
0x4: {  	s29 =	simm.s32 $0x0;
	s8 =	sand.u32 $0x1, s0;
	s9 =	smul.u32 $0x50000, s12  }
0x5: {  	s6 =	sshll.u32 s12, $0x1;
	[smem:$0x7FF] =	sst s3;
	s4 =	smul.u32 $0x140000, s8  }
0x6: {  	s13 =	sor.u32 s8, s6;
	_ =	strace $0x80000047;
	s23 =	smul.u32 $0x2710, s8  }
0x7: {  	s15 =	ssub.s32 $0x2, s8;
	[dreg:$0xa] =	wrdreg s31;
	s7 =	smul.u32 $0x2710, s13  }
0x8: {  	s16 =	sshrl.u32 s15, $0x1;
	s18 =	sshrl.u32 s9, $0x2;
	s13 =	smul.u32 $0x4E20, s12  }
0x9: {  	s4 =	sadd.s32 s5, s4;
	s11 =	ssub.s32 s15, s16;
	s6 =	sadd.s32 s18, s2  }
0xa: {  	s14 =	sshrl.u32 s4, $0x3;
	s4 =	sadd.s32 $0xD800, s1;
	s17 =	sadd.s32 $0x140, s7  }
0xb: {  	s10 =	sshrl.u32 s7, $0x3;
	s24 =	smax.u32 s11, $0x1;
	[dreg:$0x9] =	wrdreg s17  }
0xc: {  	s25 =	sadd.s32 $0x2000, s6;
	s26 =	sadd.s32 $0x4000, s6;
	[dreg:$0xc] =	wrdreg s24  }
0xd: {  	s30 =	sadd.s32 $0x6000, s6;
	s12 =	sadd.s32 $0x8000, s6;
	[dreg:$0xd] =	wrdreg s25  }
0xe: {  	s15 =	sadd.s32 $0xE000, s6;
	s1 =	sadd.s32 s14, s1;
	[dreg:$0xe] =	wrdreg s26  }
0xf: {  	s5 =	sadd.s32 s4, s10;
	[dreg:$0xf] =	wrdreg s30;
	s14 =	sadd.s32 $0xC000, s6  }
0x10: {  	s24 =	simm.s32 $0x6;
	s25 =	simm.s32 $0x7;
	s19 =	sadd.s32 $0xA, s5  }
0x11: {  	s26 =	simm.s32 $0x8;
	s20 =	sadd.s32 $0x14, s5;
	[dreg:$0x6] =	wrdreg s19  }
0x12: {  	s21 =	sadd.s32 $0x1E, s5;
	s22 =	sadd.s32 $0x17600, s1;
	[dreg:$0x7] =	wrdreg s20  }
0x13: {  	s1 =	sadd.s32 s23, s13;
	s13 =	sadd.s32 $0xA000, s6;
	[dreg:$0x8] =	wrdreg s21  }
0x14: {  	s23 =	simm.s32 $0x200;
	[dreg:$0xb] =	wrdreg s22;
	s16 =	sadd.s32 $0xF0, s1  }
0x15: {  	s17 =	sadd.s32 $0xA0, s1;
	s18 =	sadd.s32 $0x50, s1;
	s20 =	simm.s32 $0x9  }
0x16: {  	s21 =	simm.s32 $0x1;
	s22 =	simm.s32 $0x50;
	s16 =	sshrl.u32 s16, $0x3  }
0x17: {  	s17 =	sshrl.u32 s17, $0x3;
	s18 =	sshrl.u32 s18, $0x3;
	s16 =	sadd.s32 s16, s4  }
0x18: {  	s17 =	sadd.s32 s17, s4;
	s19 =	sadd.s32 s18, s4;
	[dreg:$0x5] =	wrdreg s16  }
0x19: {  	s18 =	sadd.s32 $0x140, s1;
	s16 =	sadd.s32 $0x10000, s6;
	[dreg:$0x4] =	wrdreg s17  }
0x1a: {  	v0 =	vimm.f32 $1.000000000e+00;
	v1 =	vimm.f32 $0.0e+00;
	s17 =	sadd.s32 $0x12000, s6;
	[dreg:$0x3] =	wrdreg s19;
	s19 =	simm.s32 $0x2A00  }
.LBB2_1:
0x1b: {  	s1 =	simm.s32 $0x70;
	s30 =	simm.s32 $0x3C0  }
.LBB2_2:
0x1c: {  	p0 =	sne.s32 s30, $0x9FC0;
	[tilespmem:s1+$0x200] =	vst v0  }
0x1d: {  	[tilespmem:s1+$0x190] =	vst v0  }
0x1e: {  	[tilespmem:s1+$0x1A0] =	vst v0  }
.Ltmp0:
0x1f: {  	[tilespmem:s1+$0x1B0] =	vst v0;
	(pc) =	sbr.rel @p0 .LBB2_2-.Ltmp0, $4  }
0x20: {  	[tilespmem:s1+$0x1C0] =	vst v0  }
0x21: {  	[tilespmem:s1+$0x1D0] =	vst v0  }
0x22: {  	[tilespmem:s1+$0x1E0] =	vst v0  }
0x23: {  	[tilespmem:s1+$0x1F0] =	vst v0;
	s1 =	sshra.s32 s30, $0x2;
	s30 =	sadd.s32 $0x200, s30  }
0x24: {  	[tilespmem:s1+$0x200] =	vst v0  }
0x25: {  	[tilespmem:s1+$0x190] =	vst v0  }
0x26: {  	[tilespmem:s1+$0x1A0] =	vst v0  }
0x27: {  	[tilespmem:s1+$0x1B0] =	vst v0  }
0x28: {  	[tilespmem:s1+$0x1C0] =	vst v0  }
0x29: {  	[tilespmem:s1+$0x1D0] =	vst v0  }
0x2a: {  	[tilespmem:s1+$0x1E0] =	vst v0  }
0x2b: {  	[tilespmem:s1+$0x1F0] =	vst v0;
	s1 =	simm.s32 $0x0;
	s30 =	simm.s32 $0x200  }
.LBB2_4:
0x2c: {  	p0 =	sne.s32 s30, $0x7E00;
	[tilespmem:s1+$0x2A70] =	vst v1  }
0x2d: {  	[tilespmem:s1+$0x2A00] =	vst v1  }
0x2e: {  	[tilespmem:s1+$0x2A10] =	vst v1  }
.Ltmp1:
0x2f: {  	[tilespmem:s1+$0x2A20] =	vst v1;
	(pc) =	sbr.rel @p0 .LBB2_4-.Ltmp1, $4  }
0x30: {  	[tilespmem:s1+$0x2A30] =	vst v1  }
0x31: {  	[tilespmem:s1+$0x2A40] =	vst v1  }
0x32: {  	[tilespmem:s1+$0x2A50] =	vst v1  }
0x33: {  	[tilespmem:s1+$0x2A60] =	vst v1;
	s1 =	sshra.s32 s30, $0x2;
	s30 =	sadd.s32 $0x200, s30  }
0x34: {  	[tilespmem:s1+$0x2A70] =	vst v1  }
0x35: {  	[tilespmem:s1+$0x2A00] =	vst v1  }
0x36: {  	[tilespmem:s1+$0x2A10] =	vst v1  }
0x37: {  	[tilespmem:s1+$0x2A20] =	vst v1  }
0x38: {  	[tilespmem:s1+$0x2A30] =	vst v1  }
0x39: {  	[tilespmem:s1+$0x2A40] =	vst v1  }
0x3a: {  	[tilespmem:s1+$0x2A50] =	vst v1  }
0x3b: {  	[tilespmem:s1+$0x2A60] =	vst v1  }
0x3c: {  	[spmem:s6] =	stream.linear.scatter [tilespmem:s19], [sflag:$0x9], $0x2000, $0x38;
	[tilespmem:$0x18A00] =	vst v63  }
0x3d: {  	_ =	swait.ge [sflag:s20], $0x2000  }
0x3e: {  	[sflag:s20] =	ssyncset.done $0x0  }
0x3f: {  	s0 =	rddreg [dreg:$0xd];
	[sflag:s20] =	ssyncadd.s32 $0xFFFFE000  }
0x40: {  	[spmem:s0] =	stream.linear.scatter [tilespmem:s19], [sflag:$0x9], $0x2000, $0x38;
	[tilespmem:$0x18A00] =	vst v63  }
0x41: {  	_ =	swait.ge [sflag:s20], $0x2000  }
0x42: {  	[sflag:s20] =	ssyncset.done $0x0  }
0x43: {  	s8 =	rddreg [dreg:$0xe];
	[sflag:s20] =	ssyncadd.s32 $0xFFFFE000  }
0x44: {  	[spmem:s8] =	stream.linear.scatter [tilespmem:s19], [sflag:$0x9], $0x2000, $0x38;
	[tilespmem:$0x18A00] =	vst v63  }
0x45: {  	_ =	swait.ge [sflag:s20], $0x2000  }
0x46: {  	[sflag:s20] =	ssyncset.done $0x0  }
0x47: {  	s9 =	rddreg [dreg:$0xf];
	[sflag:s20] =	ssyncadd.s32 $0xFFFFE000  }
0x48: {  	[spmem:s9] =	stream.linear.scatter [tilespmem:s19], [sflag:$0x9], $0x2000, $0x38;
	[tilespmem:$0x18A00] =	vst v63  }
0x49: {  	_ =	swait.ge [sflag:s20], $0x2000  }
0x4a: {  	[sflag:s20] =	ssyncset.done $0x0  }
0x4b: {  	[sflag:s20] =	ssyncadd.s32 $0xFFFFE000  }
0x4c: {  	[spmem:s12] =	stream.linear.scatter [tilespmem:s19], [sflag:$0x9], $0x2000, $0x38;
	[tilespmem:$0x18A00] =	vst v63  }
0x4d: {  	_ =	swait.ge [sflag:s20], $0x2000  }
0x4e: {  	[sflag:s20] =	ssyncset.done $0x0  }
0x4f: {  	[sflag:s20] =	ssyncadd.s32 $0xFFFFE000  }
0x50: {  	[spmem:s13] =	stream.linear.scatter [tilespmem:s19], [sflag:$0x9], $0x2000, $0x38;
	[tilespmem:$0x18A00] =	vst v63  }
0x51: {  	_ =	swait.ge [sflag:s20], $0x2000  }
0x52: {  	[sflag:s20] =	ssyncset.done $0x0  }
0x53: {  	[sflag:s20] =	ssyncadd.s32 $0xFFFFE000  }
0x54: {  	[spmem:s14] =	stream.linear.scatter [tilespmem:s19], [sflag:$0x9], $0x2000, $0x38;
	[tilespmem:$0x18A00] =	vst v63  }
0x55: {  	_ =	swait.ge [sflag:s20], $0x2000  }
0x56: {  	[sflag:s20] =	ssyncset.done $0x0  }
0x57: {  	[sflag:s20] =	ssyncadd.s32 $0xFFFFE000  }
0x58: {  	[spmem:s15] =	stream.linear.scatter [tilespmem:s19], [sflag:$0x9], $0x2000, $0x38;
	[tilespmem:$0x18A00] =	vst v63  }
0x59: {  	_ =	swait.ge [sflag:s20], $0x2000  }
0x5a: {  	[sflag:s20] =	ssyncset.done $0x0  }
0x5b: {  	[sflag:s20] =	ssyncadd.s32 $0xFFFFE000  }
0x5c: {  	[spmem:s16] =	stream.linear.scatter [tilespmem:s19], [sflag:$0x9], $0x2000, $0x38;
	[tilespmem:$0x18A00] =	vst v63  }
0x5d: {  	_ =	swait.ge [sflag:s20], $0x2000  }
0x5e: {  	[sflag:s20] =	ssyncset.done $0x0  }
0x5f: {  	[sflag:s20] =	ssyncadd.s32 $0xFFFFE000  }
0x60: {  	[spmem:s17] =	stream.linear.scatter [tilespmem:s19], [sflag:$0x9], $0x2000, $0x38;
	[tilespmem:$0x18A00] =	vst v63  }
0x61: {  	_ =	swait.ge [sflag:s20], $0x2000  }
0x62: {  	[sflag:s20] =	ssyncset.done $0x0  }
0x63: {  	[sflag:s20] =	ssyncadd.s32 $0xFFFFE000  }
0x64: {  	s10 =	simm.s32 $0x0;
	[bflag:$0x0] =	sbarrier.arrive $0xFFFF  }
0x65: {  	[tilespmem:s10], [sflag:$0x1] =	stream.linear.gather [hbm4b:s5+s10], $0x50, $0x38;
	[tilespmem:$0x18A00] =	vst v63  }
0x66: {  	_ =	swait.ge [sflag:s21], $0x50  }
0x67: {  	p0 =	por $0x0, $0x0;
	[sflag:s21] =	ssyncset.done $0x0  }
0x68: {  	s1 =	simm.s32 @p0 $0x6;
	[sflag:s21] =	ssyncadd.s32 $0xFFFFFFB0  }
0x69: {  	_ =	swait.ge @p0 [sflag:s1], $0x2800  }
0x6a: {  	s31 =	simm.s32 @p0 $0x80;
	s30 =	rddreg [dreg:$0x3];
	[sflag:s1] =	ssyncset.done @p0 $0x0  }
0x6b: {  	[sflag:s1] =	ssyncadd.s32 @p0 $0xFFFFD800;
	s1 =	sadd.s32 @p0 $0x0, s30;
	s30 =	simm.s32 @p0 $0x0  }
0x6c: {  	[tilespmem:s31], [sflag:$0x2] =	stream.linear.gather @p0 [hbm4b:s1+s30], $0x50, $0x38;
	[tilespmem:$0x18A00] =	vst v63  }
0x6d: {  	s7 =	simm.s32 @p0 $0x2;
	s0 =	simm.s32 @p0 $0x200;
	s1 =	simm.s32 @p0 $0x50  }
0x6e: {  	[spmem:s2] =	stream.indirect.scatter.add.f32 @p0 [tilespmem:s0], [sflag:$0x5], $0x80, s30, s1, $0xb8;
	[tilespmem:$0x18A00] =	vst v63  }
0x6f: {  	_ =	swait.ge @p0 [sflag:s7], $0x50  }
0x70: {  	[sflag:s7] =	ssyncset.done @p0 $0x0  }
0x71: {  	[sflag:s7] =	ssyncadd.s32 @p0 $0xFFFFFFB0;
	s7 =	simm.s32 @p0 $0x7  }
0x72: {  	_ =	swait.ge @p0 [sflag:s7], $0x2800  }
0x73: {  	s8 =	rddreg [dreg:$0x4];
	[sflag:s7] =	ssyncset.done @p0 $0x0  }
0x74: {  	[sflag:s7] =	ssyncadd.s32 @p0 $0xFFFFD800;
	s7 =	sadd.s32 @p0 $0x0, s8;
	s8 =	simm.s32 @p0 $0x100  }
0x75: {  	[tilespmem:s8], [sflag:$0x3] =	stream.linear.gather @p0 [hbm4b:s7+s30], $0x50, $0x38;
	[tilespmem:$0x18A00] =	vst v63  }
0x76: {  	s7 =	simm.s32 @p0 $0x3  }
0x77: {  	[spmem:s2] =	stream.indirect.scatter.add.f32 @p0 [tilespmem:s0], [sflag:$0x6], $0x80, s31, s1, $0xb8;
	[tilespmem:$0x18A00] =	vst v63  }
0x78: {  	_ =	swait.ge @p0 [sflag:s7], $0x50  }
0x79: {  	[sflag:s7] =	ssyncset.done @p0 $0x0  }
0x7a: {  	[sflag:s7] =	ssyncadd.s32 @p0 $0xFFFFFFB0;
	s7 =	simm.s32 @p0 $0x8  }
0x7b: {  	_ =	swait.ge @p0 [sflag:s7], $0x2800  }
0x7c: {  	s31 =	rddreg [dreg:$0x5];
	[sflag:s7] =	ssyncset.done @p0 $0x0  }
0x7d: {  	[sflag:s7] =	ssyncadd.s32 @p0 $0xFFFFD800;
	s7 =	sadd.s32 @p0 $0x0, s31;
	s31 =	simm.s32 @p0 $0x180  }
0x7e: {  	[tilespmem:s31], [sflag:$0x4] =	stream.linear.gather @p0 [hbm4b:s7+s30], $0x50, $0x38;
	[tilespmem:$0x18A00] =	vst v63  }
0x7f: {  	s7 =	simm.s32 @p0 $0x4  }
0x80: {  	[spmem:s2] =	stream.indirect.scatter.add.f32 @p0 [tilespmem:s0], [sflag:$0x7], $0x80, s8, s1, $0xb8;
	[tilespmem:$0x18A00] =	vst v63  }
0x81: {  	_ =	swait.ge @p0 [sflag:s7], $0x50  }
0x82: {  	[sflag:s7] =	ssyncset.done @p0 $0x0  }
0x83: {  	s0 =	simm.s32 @p0 $0x5;
	[sflag:s7] =	ssyncadd.s32 @p0 $0xFFFFFFB0  }
0x84: {  	_ =	swait.ge @p0 [sflag:s0], $0x2800  }
0x85: {  	s7 =	simm.s32 @!p0 $0x80;
	[sflag:s0] =	ssyncset.done @p0 $0x0  }
0x86: {  	s1 =	rddreg [dreg:$0x6];
	[sflag:s0] =	ssyncadd.s32 @p0 $0xFFFFD800;
	s0 =	simm.s32 @!p0 $0x0  }
0x87: {  	[tilespmem:s7], [sflag:$0x2] =	stream.linear.gather @!p0 [hbm4b:s1+s0], $0x50, $0x38;
	[tilespmem:$0x18A00] =	vst v63  }
0x88: {  	s30 =	simm.s32 @!p0 $0x2;
	s8 =	simm.s32 @!p0 $0x200;
	s1 =	simm.s32 @!p0 $0x50  }
0x89: {  	[spmem:s2] =	stream.indirect.scatter.add.f32 @!p0 [tilespmem:s8], [sflag:$0x5], $0x80, s0, s1, $0xb8;
	[tilespmem:$0x18A00] =	vst v63  }
0x8a: {  	_ =	swait.ge @!p0 [sflag:s30], $0x50  }
0x8b: {  	[sflag:s30] =	ssyncset.done @!p0 $0x0  }
0x8c: {  	s31 =	rddreg [dreg:$0x7];
	[sflag:s30] =	ssyncadd.s32 @!p0 $0xFFFFFFB0;
	s30 =	simm.s32 @!p0 $0x100  }
0x8d: {  	[tilespmem:s30], [sflag:$0x3] =	stream.linear.gather @!p0 [hbm4b:s31+s0], $0x50, $0x38;
	[tilespmem:$0x18A00] =	vst v63  }
0x8e: {  	s31 =	simm.s32 @!p0 $0x3  }
0x8f: {  	[spmem:s2] =	stream.indirect.scatter.add.f32 @!p0 [tilespmem:s8], [sflag:$0x6], $0x80, s7, s1, $0xb8;
	[tilespmem:$0x18A00] =	vst v63  }
0x90: {  	_ =	swait.ge @!p0 [sflag:s31], $0x50  }
0x91: {  	[sflag:s31] =	ssyncset.done @!p0 $0x0  }
0x92: {  	s7 =	rddreg [dreg:$0x8];
	[sflag:s31] =	ssyncadd.s32 @!p0 $0xFFFFFFB0;
	s31 =	simm.s32 @!p0 $0x180  }
0x93: {  	[tilespmem:s31], [sflag:$0x4] =	stream.linear.gather @!p0 [hbm4b:s7+s0], $0x50, $0x38;
	[tilespmem:$0x18A00] =	vst v63  }
0x94: {  	s0 =	simm.s32 @!p0 $0x4  }
0x95: {  	[spmem:s2] =	stream.indirect.scatter.add.f32 @!p0 [tilespmem:s8], [sflag:$0x7], $0x80, s30, s1, $0xb8;
	[tilespmem:$0x18A00] =	vst v63  }
0x96: {  	_ =	swait.ge @!p0 [sflag:s0], $0x50  }
0x97: {  	[sflag:s0] =	ssyncset.done @!p0 $0x0  }
0x98: {  	[sflag:s0] =	ssyncadd.s32 @!p0 $0xFFFFFFB0;
	s0 =	simm.s32 @!p0 $0x5  }
0x99: {  	_ =	swait.ge @!p0 [sflag:s0], $0x2800  }
0x9a: {  	s1 =	rddreg [dreg:$0x9]  }
0x9b: {  	s31 =	sadd.s32 $0x140, s18;
	s1 =	smov.u32 @p0 s18  }
0x9c: {  	s30 =	simm.s32 $0x28;
	[sflag:s0] =	ssyncset.done @!p0 $0x0;
	s1 =	sshrl.u32 s1, $0x3  }
0x9d: {  	[sflag:s0] =	ssyncadd.s32 @!p0 $0xFFFFD800;
	s11 =	sadd.s32 s4, s1;
	s1 =	rddreg [dreg:$0xa]  }
0x9e: {  	[tilespmem:s3], [sflag:$0x1] =	stream.linear.gather [hbm4b:s11+s3], $0x50, $0x38;
	[tilespmem:$0x18A00] =	vst v63  }
.LBB2_6:
0x9f: {  	[spmem:s2] =	stream.indirect.scatter.add.f32 [tilespmem:s23], [sflag:$0x8], $0x80, s1, s22, $0xb8;
	[tilespmem:$0x18A00] =	vst v63  }
0xa0: {  	s1 =	smov.u32 s30;
	_ =	swait.ge [sflag:s21], $0x50  }
0xa1: {  	p1 =	sne.s32 s1, $0x0;
	[sflag:s21] =	ssyncset.done $0x0  }
0xa2: {  	s0 =	simm.s32 @p1 $0x6;
	[sflag:s21] =	ssyncadd.s32 $0xFFFFFFB0  }
0xa3: {  	_ =	swait.ge @p1 [sflag:s0], $0x2800  }
0xa4: {  	s8 =	simm.s32 @p1 $0x80;
	[sflag:s0] =	ssyncset.done @p1 $0x0;
	s7 =	rddreg [dreg:$0x3]  }
0xa5: {  	[sflag:s0] =	ssyncadd.s32 @p1 $0xFFFFD800;
	s0 =	sadd.s32 @p1 s1, s7;
	s7 =	simm.s32 @p1 $0x0  }
0xa6: {  	[tilespmem:s8], [sflag:$0x2] =	stream.linear.gather @p1 [hbm4b:s0+s7], $0x50, $0x38;
	[tilespmem:$0x18A00] =	vst v63  }
0xa7: {  	s9 =	simm.s32 @p1 $0x200;
	s10 =	simm.s32 @p1 $0x2;
	s0 =	simm.s32 @p1 $0x50  }
0xa8: {  	[spmem:s2] =	stream.indirect.scatter.add.f32 @p1 [tilespmem:s9], [sflag:$0x5], $0x80, s7, s0, $0xb8;
	[tilespmem:$0x18A00] =	vst v63  }
0xa9: {  	_ =	swait.ge @p1 [sflag:s10], $0x50  }
0xaa: {  	[sflag:s10] =	ssyncset.done @p1 $0x0  }
0xab: {  	[sflag:s10] =	ssyncadd.s32 @p1 $0xFFFFFFB0;
	s10 =	simm.s32 @p1 $0x7  }
0xac: {  	_ =	swait.ge @p1 [sflag:s10], $0x2800  }
0xad: {  	s11 =	rddreg [dreg:$0x4];
	[sflag:s10] =	ssyncset.done @p1 $0x0  }
0xae: {  	[sflag:s10] =	ssyncadd.s32 @p1 $0xFFFFD800;
	s10 =	sadd.s32 @p1 s1, s11;
	s11 =	simm.s32 @p1 $0x100  }
0xaf: {  	[tilespmem:s11], [sflag:$0x3] =	stream.linear.gather @p1 [hbm4b:s10+s7], $0x50, $0x38;
	[tilespmem:$0x18A00] =	vst v63  }
0xb0: {  	s10 =	simm.s32 @p1 $0x3  }
0xb1: {  	[spmem:s2] =	stream.indirect.scatter.add.f32 @p1 [tilespmem:s9], [sflag:$0x6], $0x80, s8, s0, $0xb8;
	[tilespmem:$0x18A00] =	vst v63  }
0xb2: {  	_ =	swait.ge @p1 [sflag:s10], $0x50  }
0xb3: {  	[sflag:s10] =	ssyncset.done @p1 $0x0  }
0xb4: {  	s8 =	simm.s32 @p1 $0x8;
	[sflag:s10] =	ssyncadd.s32 @p1 $0xFFFFFFB0  }
0xb5: {  	_ =	swait.ge @p1 [sflag:s8], $0x2800  }
0xb6: {  	s10 =	rddreg [dreg:$0x5];
	[sflag:s8] =	ssyncset.done @p1 $0x0  }
0xb7: {  	[sflag:s8] =	ssyncadd.s32 @p1 $0xFFFFD800;
	s1 =	sadd.s32 @p1 s1, s10;
	s8 =	simm.s32 @p1 $0x180  }
0xb8: {  	[tilespmem:s8], [sflag:$0x4] =	stream.linear.gather @p1 [hbm4b:s1+s7], $0x50, $0x38;
	[tilespmem:$0x18A00] =	vst v63  }
0xb9: {  	s1 =	simm.s32 @p1 $0x4  }
0xba: {  	[spmem:s2] =	stream.indirect.scatter.add.f32 @p1 [tilespmem:s9], [sflag:$0x7], $0x80, s11, s0, $0xb8;
	[tilespmem:$0x18A00] =	vst v63  }
0xbb: {  	_ =	swait.ge @p1 [sflag:s1], $0x50  }
0xbc: {  	[sflag:s1] =	ssyncset.done @p1 $0x0  }
0xbd: {  	s0 =	simm.s32 @p1 $0x5;
	[sflag:s1] =	ssyncadd.s32 @p1 $0xFFFFFFB0  }
0xbe: {  	_ =	swait.ge @p1 [sflag:s0], $0x2800  }
0xbf: {  	s7 =	simm.s32 @!p1 $0x80;
	[sflag:s0] =	ssyncset.done @p1 $0x0  }
0xc0: {  	s1 =	rddreg [dreg:$0x6];
	[sflag:s0] =	ssyncadd.s32 @p1 $0xFFFFD800;
	s0 =	simm.s32 @!p1 $0x0  }
0xc1: {  	[tilespmem:s7], [sflag:$0x2] =	stream.linear.gather @!p1 [hbm4b:s1+s0], $0x50, $0x38;
	[tilespmem:$0x18A00] =	vst v63  }
0xc2: {  	s8 =	simm.s32 @!p1 $0x200;
	s9 =	simm.s32 @!p1 $0x2;
	s1 =	simm.s32 @!p1 $0x50  }
0xc3: {  	[spmem:s2] =	stream.indirect.scatter.add.f32 @!p1 [tilespmem:s8], [sflag:$0x5], $0x80, s0, s1, $0xb8;
	[tilespmem:$0x18A00] =	vst v63  }
0xc4: {  	_ =	swait.ge @!p1 [sflag:s9], $0x50  }
0xc5: {  	[sflag:s9] =	ssyncset.done @!p1 $0x0  }
0xc6: {  	s10 =	rddreg [dreg:$0x7];
	[sflag:s9] =	ssyncadd.s32 @!p1 $0xFFFFFFB0;
	s9 =	simm.s32 @!p1 $0x100  }
0xc7: {  	[tilespmem:s9], [sflag:$0x3] =	stream.linear.gather @!p1 [hbm4b:s10+s0], $0x50, $0x38;
	[tilespmem:$0x18A00] =	vst v63  }
0xc8: {  	s10 =	simm.s32 @!p1 $0x3  }
0xc9: {  	[spmem:s2] =	stream.indirect.scatter.add.f32 @!p1 [tilespmem:s8], [sflag:$0x6], $0x80, s7, s1, $0xb8;
	[tilespmem:$0x18A00] =	vst v63  }
0xca: {  	_ =	swait.ge @!p1 [sflag:s10], $0x50  }
0xcb: {  	[sflag:s10] =	ssyncset.done @!p1 $0x0  }
0xcc: {  	s7 =	rddreg [dreg:$0x8];
	[sflag:s10] =	ssyncadd.s32 @!p1 $0xFFFFFFB0;
	s10 =	simm.s32 @!p1 $0x180  }
0xcd: {  	[tilespmem:s10], [sflag:$0x4] =	stream.linear.gather @!p1 [hbm4b:s7+s0], $0x50, $0x38;
	[tilespmem:$0x18A00] =	vst v63  }
0xce: {  	s0 =	simm.s32 @!p1 $0x4  }
0xcf: {  	[spmem:s2] =	stream.indirect.scatter.add.f32 @!p1 [tilespmem:s8], [sflag:$0x7], $0x80, s9, s1, $0xb8;
	[tilespmem:$0x18A00] =	vst v63  }
0xd0: {  	_ =	swait.ge @!p1 [sflag:s0], $0x50  }
0xd1: {  	[sflag:s0] =	ssyncset.done @!p1 $0x0  }
0xd2: {  	s30 =	sadd.s32 $0x28, s30;
	[sflag:s0] =	ssyncadd.s32 @!p1 $0xFFFFFFB0;
	s0 =	simm.s32 @!p1 $0x5  }
0xd3: {  	p0 =	sne.s32 s30, $0x4D8;
	_ =	swait.ge @!p1 [sflag:s0], $0x2800  }
.Ltmp2:
0xd4: {  	s1 =	rddreg [dreg:$0x9];
	(pc) =	sbr.rel @p0 .LBB2_6-.Ltmp2, $4  }
0xd5: {  	[sflag:s0] =	ssyncset.done @!p1 $0x0;
	s1 =	smov.u32 @p1 s31  }
0xd6: {  	[sflag:s0] =	ssyncadd.s32 @!p1 $0xFFFFD800;
	s11 =	sshrl.u32 s1, $0x3  }
0xd7: {  	s31 =	sadd.s32 $0x140, s31;
	s1 =	rddreg [dreg:$0xa];
	s0 =	sadd.s32 s4, s11  }
0xd8: {  	[tilespmem:s3], [sflag:$0x1] =	stream.linear.gather [hbm4b:s0+s3], $0x50, $0x38;
	[tilespmem:$0x18A00] =	vst v63  }
0xd9: {  	[spmem:s2] =	stream.indirect.scatter.add.f32 [tilespmem:s23], [sflag:$0x8], $0x80, s1, s22, $0xb8;
	[tilespmem:$0x18A00] =	vst v63  }
0xda: {  	_ =	swait.ge [sflag:s21], $0x50  }
0xdb: {  	[sflag:s21] =	ssyncset.done $0x0  }
0xdc: {  	[sflag:s21] =	ssyncadd.s32 $0xFFFFFFB0  }
0xdd: {  	_ =	swait.ge [sflag:s24], $0x2800  }
0xde: {  	[sflag:s24] =	ssyncset.done $0x0  }
0xdf: {  	[sflag:s24] =	ssyncadd.s32 $0xFFFFD800  }
0xe0: {  	[spmem:s2] =	stream.indirect.scatter.add.f32 [tilespmem:s23], [sflag:$0x5], $0x80, s3, s22, $0xb8;
	[tilespmem:$0x18A00] =	vst v63  }
0xe1: {  	_ =	swait.ge [sflag:s25], $0x2800  }
0xe2: {  	[sflag:s25] =	ssyncset.done $0x0  }
0xe3: {  	[sflag:s25] =	ssyncadd.s32 $0xFFFFD800  }
0xe4: {  	_ =	swait.ge [sflag:s26], $0x2800  }
0xe5: {  	[sflag:s26] =	ssyncset.done $0x0  }
0xe6: {  	[sflag:s26] =	ssyncadd.s32 $0xFFFFD800  }
0xe7: {  	_ =	swait.ge [sflag:s28], $0x2800  }
0xe8: {  	[sflag:s28] =	ssyncset.done $0x0  }
0xe9: {  	s0 =	stileid.u32;
	[sflag:s28] =	ssyncadd.s32 $0xFFFFD800  }
0xea: {  	s0 =	sshll.u32 s0, $0x6;
	[bflag:$0x0] =	sbarrier.arrive $0xFFFF  }
0xeb: {  	s30 =	sshrl.u32 s6, $0x3;
	s0 =	sor.u32 $0x1C09, s0;
	s7 =	rddreg [dreg:$0xb]  }
0xec: {  	[hbm:s7], [sflag:s0] =	dma.local [spmem:s30], $0x2800  }
0xed: {  	_ =	swait.ge [sflag:s20], $0x2800  }
0xee: {  	s29 =	sadd.s32 $0x1, s29;
	s31 =	rddreg [dreg:$0xc]  }
0xef: {  	p0 =	sne.s32 s29, s31  }
.Ltmp3:
0xf0: {  	_ = 	snop;
	(pc) =	sbr.rel @p0 .LBB2_1-.Ltmp3, $3  }
0xf1: {  	_ =	sdelay $0x1  }
0xf2: {  	[sflag:s20] =	ssyncset.done $0x0  }
0xf3: {  	[sflag:s20] =	ssyncadd.s32 $0xFFFFD800  }
0xf4: {  	_ =	sfence.sel $0x180000  }
0xf5: {  	[bflag:$0x0] =	sbarrier.arrive $0xFFFF  }
0xf6: {  	_ =	strace $0x90000047  }
0xf7: {  	s0 =	stileid.u32;
	[bflag:$0x2] =	sbarrier.arrive $0xFFFF  }
0xf8: {  	p0 =	sne.s32 s0, $0x0;
	s0 =	rddreg [dreg:$0x2]  }
0xf9: {  	s0 =	sadd.s32 @!p0 $0x100000, s0  }
0xfa: {  	[sflag:s0] =	ssyncadd.tile.s32 @!p0 $0x1;
	_ =	shalt  }
.Lfunc_end2:
_tile_overlayer_lowered:
.L_overlay_start_2:
0xfb: {  	(tag) =	ssettag $0x2  }
0xfc: {  	s0 =	rddreg [dreg:$0x0];
	s2 =	stileid.u32  }
0xfd: {  	s1 =	rddreg [dreg:$0x1];
	p0 =	sne.s32 s2, $0x0  }
0xfe: {  	s3 =	rddreg [dreg:$0x2];
	[bflag:$0x3] =	sbarrier.arrive $0xFFFF;
	s2 =	simm.s32 @!p0 $0x1C09  }
0xff: {  	[timem:s3], [sflag:s2] =	dma.local @!p0 [hbm:s0], s1  }
0x100: {  	s0 =	simm.s32 @!p0 $0x9  }
0x101: {  	_ =	swait.ge @!p0 [sflag:s0], s1  }
0x102: {  	s1 =	ssub.s32 @!p0 $0x0, s1;
	[sflag:s0] =	ssyncset.done @!p0 $0x0  }
0x103: {  	[sflag:s0] =	ssyncadd.s32 @!p0 s1  }
0x104: {  	[bflag:$0x3] =	sbarrier.arrive $0xFFFF  }
0x105: {  	_ =	shalt  }

// kernel: kernel.13.cloned.1.call-start
scs
__scs_entry_jumppad:
0x0: {  	(pc) =	sbr.rel $0x88, $3  }
0x1: {  	(tag) =	ssettag $0x0;
	lr =	simm.s32 $0x1  }
0x2: {  	[smem:$0x3F98] =	sst lr;
	_ =	strace $0xD0000000  }
0x3: {  	_ = 	snop  }
0x4: {  	_ = 	snop  }
0x5: {  	_ = 	snop  }
0x6: {  	_ = 	snop  }
0x7: {  	_ = 	snop  }
__scs_overlays_trampoline_lowered:
0x8: {  	[smem:$0x3FA7] =	sst s0  }
0x9: {  	[smem:$0x3FA8] =	sst s1  }
0xa: {  	[smem:$0x3FA9] =	sst s2  }
0xb: {  	[smem:$0x3FAA] =	sst s3  }
0xc: {  	[smem:$0x3FAB] =	sst s4  }
0xd: {  	[smem:$0x3FAC] =	sst s5  }
0xe: {  	[smem:$0x3FAD] =	sst s6  }
0xf: {  	[smem:$0x3FAE] =	sst s7  }
0x10: {  	[smem:$0x3FAF] =	sst s8  }
0x11: {  	[smem:$0x3FB0] =	sst s9;
	s0 =	simm.s32 @!p0 $0x0  }
0x12: {  	s1 =	sld [smem:$0x3F96];
	s0 =	simm.s32 @p0 $0x1  }
0x13: {  	[smem:$0x3FB1] =	sst s0;
	s0 =	simm.s32 @!p1 $0x0  }
0x14: {  	s2 =	sld [smem:$0x3F95];
	s0 =	simm.s32 @p1 $0x1  }
0x15: {  	[smem:$0x3FB2] =	sst s0;
	s0 =	simm.s32 @!p2 $0x0  }
0x16: {  	s3 =	sld [smem:$0x3FDB];
	s0 =	simm.s32 @p2 $0x1  }
0x17: {  	s4 =	simm.s32 $0x1BF5;
	[smem:$0x3FB4] =	sst s0  }
0x18: {  	s0 =	sld [smem:$0x3F97];
	_ =	swait.ge [sflag:s4], $0x0  }
0x19: {  	s7 =	sld [smem:$0x3F98]  }
0x1a: {  	s8 =	sadd.s32 $0xFFFFE003, lr  }
0x1b: {  	s9 =	sadd.s32 $0xFFFFFEF7, lr;
	s5 =	simm.s32 $0xFFFFFFFF;
	p2 =	slt.u32 s8, $0xFFFFF086  }
0x1c: {  	p1 =	slt.u32 s9, $0xF7A;
	s5 =	simm.s32 @!p2 $0x0  }
0x1d: {  	s5 =	simm.s32 @p1 $0x1;
	p0 =	seq.s32 s7, s2  }
0x1e: {  	s7 =	smul.u32 @!p0 $0xF7A, s2;
	p2 =	seq.s32 @!p0 s5, $0x0  }
0x1f: {  	s9 =	smul.u32 $0xF7A, s1;
	s8 =	simm.s32 @!p0 $0x1BF5;
	p2 =	por !p2, p0  }
0x20: {  	[sflag:s8] =	ssyncset.s32 @!p0 $0xFFFFF086;
	s6 =	sadd.s32 @!p0 s3, s7;
	s7 =	simm.s32 @!p0 $0x108  }
0x21: {  	s3 =	sadd.s32 s3, s9;
	s6 =	sadd.s32 @!p0 $0x88, s6;
	s7 =	simm.s32 @p2 $0x1082  }
0x22: {  	[simem:s7], [sflag:s8] =	dma.local @!p0 [hbm:s6], $0xF7A  }
0x23: {  	s9 =	sor.u32 $0xD0000000, s2;
	s6 =	simm.s32 $0x108;
	_ =	swait.ge @!p0 [sflag:s8], $0x0  }
0x24: {  	s3 =	sadd.s32 $0x88, s3;
	s6 =	simm.s32 @!p1 $0x1082;
	[sflag:s4] =	ssyncset.s32 $0xFFFFF086  }
0x25: {  	[simem:s6], [sflag:s4] =	dma.local [hbm:s3], $0xF7A  }
0x26: {  	[smem:$0x3F98] =	sst s1;
	(tag) =	ssettag s2;
	_ =	strace s9  }
0x27: {  	s1 =	sld [smem:$0x3FA8]  }
0x28: {  	s2 =	sld [smem:$0x3FA9]  }
0x29: {  	s4 =	sld [smem:$0x3FAB]  }
0x2a: {  	p0 =	seq.s32 s5, $0x0;
	s5 =	sld [smem:$0x3FAC]  }
0x2b: {  	s6 =	sld [smem:$0x3FAD]  }
0x2c: {  	s7 =	sld [smem:$0x3FAE]  }
0x2d: {  	s3 =	simm.s32 $0x108;
	s8 =	sld [smem:$0x3FAF]  }
0x2e: {  	s3 =	simm.s32 @!p0 $0x1082;
	s9 =	sld [smem:$0x3FB0]  }
0x2f: {  	lr =	sadd.s32 s0, s3;
	s0 =	sld [smem:$0x3FA7]  }
0x30: {  	s3 =	sld [smem:$0x3FAA]  }
0x31: {  	[smem:$0x3FB3] =	sst s10  }
0x32: {  	s10 =	sld [smem:$0x3FB1];
	_ =	sdelay $0x3  }
0x33: {  	p0 =	seq.s32 s10, $0x1;
	s10 =	sld [smem:$0x3FB3];
	_ =	sdelay $0x3  }
0x34: {  	[smem:$0x3FB3] =	sst s10  }
0x35: {  	s10 =	sld [smem:$0x3FB2];
	_ =	sdelay $0x3  }
0x36: {  	p1 =	seq.s32 s10, $0x1;
	s10 =	sld [smem:$0x3FB3];
	_ =	sdelay $0x3  }
0x37: {  	[smem:$0x3FB3] =	sst s10  }
0x38: {  	s10 =	sld [smem:$0x3FB4]  }
0x39: {  	_ = 	snop;
	(pc) =	sbr.ind lr, $3  }
0x3a: {  	_ = 	snop  }
0x3b: {  	_ = 	snop  }
0x3c: {  	p2 =	seq.s32 s10, $0x1;
	s10 =	sld [smem:$0x3FB3]  }
0x3d: {  	_ =	shalt  }
0x3e: {  	_ =	shalt  }
0x3f: {  	_ =	shalt  }
0x40: {  	_ =	shalt  }
0x41: {  	_ =	shalt  }
0x42: {  	_ =	shalt  }
0x43: {  	_ =	shalt  }
0x44: {  	_ =	shalt  }
0x45: {  	_ =	shalt  }
0x46: {  	_ =	shalt  }
0x47: {  	_ =	shalt  }
0x48: {  	_ =	shalt  }
0x49: {  	_ =	shalt  }
0x4a: {  	_ =	shalt  }
0x4b: {  	_ =	shalt  }
0x4c: {  	_ =	shalt  }
0x4d: {  	_ =	shalt  }
0x4e: {  	_ =	shalt  }
0x4f: {  	_ =	shalt  }
0x50: {  	_ =	shalt  }
0x51: {  	_ =	shalt  }
0x52: {  	_ =	shalt  }
0x53: {  	_ =	shalt  }
0x54: {  	_ =	shalt  }
0x55: {  	_ =	shalt  }
0x56: {  	_ =	shalt  }
0x57: {  	_ =	shalt  }
0x58: {  	_ =	shalt  }
0x59: {  	_ =	shalt  }
0x5a: {  	_ =	shalt  }
0x5b: {  	_ =	shalt  }
0x5c: {  	_ =	shalt  }
0x5d: {  	_ =	shalt  }
0x5e: {  	_ =	shalt  }
0x5f: {  	_ =	shalt  }
0x60: {  	_ =	shalt  }
0x61: {  	_ =	shalt  }
0x62: {  	_ =	shalt  }
0x63: {  	_ =	shalt  }
0x64: {  	_ =	shalt  }
0x65: {  	_ =	shalt  }
0x66: {  	_ =	shalt  }
0x67: {  	_ =	shalt  }
0x68: {  	_ =	shalt  }
0x69: {  	_ =	shalt  }
0x6a: {  	_ =	shalt  }
0x6b: {  	_ =	shalt  }
0x6c: {  	_ =	shalt  }
0x6d: {  	_ =	shalt  }
0x6e: {  	_ =	shalt  }
0x6f: {  	_ =	shalt  }
0x70: {  	_ =	shalt  }
0x71: {  	_ =	shalt  }
0x72: {  	_ =	shalt  }
0x73: {  	_ =	shalt  }
0x74: {  	_ =	shalt  }
0x75: {  	_ =	shalt  }
0x76: {  	_ =	shalt  }
0x77: {  	_ =	shalt  }
0x78: {  	_ =	shalt  }
0x79: {  	_ =	shalt  }
0x7a: {  	_ =	shalt  }
0x7b: {  	_ =	shalt  }
0x7c: {  	_ =	shalt  }
0x7d: {  	_ =	shalt  }
0x7e: {  	_ =	shalt  }
0x7f: {  	_ =	shalt  }
0x80: {  	_ =	shalt  }
0x81: {  	_ =	shalt  }
0x82: {  	_ =	shalt  }
0x83: {  	_ =	shalt  }
0x84: {  	_ =	shalt  }
0x85: {  	_ =	shalt  }
0x86: {  	_ =	shalt  }
0x87: {  	_ =	shalt  }
.Lfunc_end0:
.L_simem_size_0:
called_computation.1_lowered:
.L_overlay_start_0:
0x88: {  	s2 =	sld [smem:$0x3FD9]  }
0x89: {  	s3 =	sld [smem:$0x3FFE];
	_ =	sdelay $0x1  }
0x8a: {  	s1 =	srdreg.scid  }
0x8b: {  	s0 =	sand.u32 $0x1, s1  }
0x8c: {  	s16 =	sshll.u32 s0, $0xA;
	s2 =	sadd.s32 s3, s2  }
0x8d: {  	s2 =	sadd.s32 s2, s16  }
0x8e: {  	[smem:$0x3FBF] =	sst s2  }
0x8f: {  	_ = 	snop  }
0x90: {  	(tm) =	ssettm $0x1  }
0x91: {  	s17 =	sld [smem:$0x3FFB];
	_ =	sdelay $0x3  }
0x92: {  	_ =	strace s17  }
0x93: {  	s2 =	sld [smem:$0x3FFC];
	_ =	sdelay $0x3  }
0x94: {  	_ =	strace s2  }
0x95: {  	s2 =	sld [smem:$0x3FFD];
	_ =	sdelay $0x3  }
0x96: {  	_ =	strace s2  }
0x97: {  	_ =	strace $0x8FFFFFFF  }
0x98: {  	s18 =	sld [smem:$0x3FDB];
	_ =	sdelay $0x1  }
0x99: {  	s19 =	simm.s32 $_scs_section_size  }
0x9a: {  	s4 =	simm.s32 $_size__tile_overlayer_lowered;
	s5 =	simm.s32 $_tile_overlayer_lowered  }
0x9b: {  	s22 =	simm.s32 $0x1BFF;
	s21 =	sshll.u32 s5, $0x1;
	s2 =	sadd.s32 s19, s18  }
0x9c: {  	s6 =	simm.s32 $0x0;
	s20 =	sshll.u32 s4, $0x1;
	s4 =	sadd.s32 s21, s2  }
0x9d: {  	[timem:s6], [sflag:s22] =	dma.local [hbm:s4], s20  }
0x9e: {  	_ =	swait.ge [sflag:s22], s20  }
0x9f: {  	s3 =	ssub.s32 $0x0, s20;
	[sflag:s22] =	ssyncset.done $0x0  }
0xa0: {  	[sflag:s22] =	ssyncadd.s32 s3;
	_ =	sdelay $0x1  }
0xa1: {  	s23 =	simm.s32 $0x1B8B  }
0xa2: {  	_ =	swait.ge [sflag:s23], $0x1  }
0xa3: {  	[sflag:s23] =	ssyncset.done $0x0  }
0xa4: {  	s25 =	simm.s32 $0x1B8E;
	s24 =	sld [smem:$0x3FFE];
	[sflag:s23] =	ssyncadd.s32 $0xFFFFFFFF  }
0xa5: {  	s26 =	simm.s32 $execute0_lowered;
	[smem:$0x3FD2] =	sst s25  }
0xa6: {  	s4 =	sshll.u32 s26, $0x1;
	_ =	strace $0x80000049;
	[dreg:$0x1] =	wrdreg $0xFFFFFFFF  }
0xa7: {  	s28 =	simm.s32 $_size_execute0_lowered;
	s2 =	sadd.s32 s2, s4;
	[dreg:$0x0] =	wrdreg $0x0  }
0xa8: {  	s4 =	sshll.u32 s28, $0x1;
	[dreg:$0x2] =	wrdreg s2  }
0xa9: {  	[dreg:$0x3] =	wrdreg s4  }
0xaa: {  	[dreg:$0x4] =	wrdreg $0xC0  }
0xab: {  	_ =	task [dreg:s6], $0x5FFFF  }
0xac: {  	[dreg:$0x1] =	wrdreg $0xFFFFFFFF  }
0xad: {  	[dreg:$0x0] =	wrdreg $0x60  }
0xae: {  	[dreg:$0x2] =	wrdreg s24  }
0xaf: {  	[dreg:$0x3] =	wrdreg $0xA4000  }
0xb0: {  	[dreg:$0x4] =	wrdreg $0x9  }
0xb1: {  	_ =	task.clear_ibuf [dreg:s6], $0x5FFFF;
	_ =	strace $0x90000049  }
0xb2: {  	s29 =	simm.s32 $0x9;
	_ =	strace $0x8000004B  }
0xb3: {  	_ =	swait.ge [sflag:s29], $0x1  }
0xb4: {  	[sflag:s29] =	ssyncadd.s32 $0xFFFFFFFF  }
0xb5: {  	_ =	strace $0x9000004B  }
0xb6: {  	_ =	sfence  }
0xb7: {  	s30 =	sld [smem:$0x0];
	_ =	sdelay $0x2  }
0xb8: {  	s31 =	sshll.u32 s1, $0xD;
	s1 =	sshrl.u32 s1, $0x2  }
0xb9: {  	s3 =	sand.u32 $0x4000, s31;
	s1 =	sadd.s32 s1, s30  }
0xba: {  	s0 =	sor.u32 s3, s0;
	s1 =	sshll.u32 s1, $0x11  }
0xbb: {  	s0 =	sor.u32 s1, s0  }
0xbc: {  	s0 =	sadd.s32 $0x8F2B, s0  }
0xbd: {  	[sflag:s0] =	ssyncadd.remote.s32 $0x1  }
0xbe: {  	_ =	sfence.sel $0xFFFF  }
0xbf: {  	[dreg:$0x0] =	wrdreg $0xFFFFFFFF;
	(pc) =	sbr.abs _section_cstart, $3  }
0xc0: {  	[dreg:$0x1] =	wrdreg $0xFFFFFFFF  }
0xc1: {  	_ =	task.clear_ibuf [dreg:s6], $0x2FFFF;
	_ =	strace $0x9FFFFFFF  }
0xc2: {  	(tm) =	ssettm $0x7FFFFFFF  }
0xc3: {  	_ =	shalt  }
tec
execute0_lowered:
.L_overlay_start_1:
0x0: {  	(tag) =	ssettag $0x1  }
0x1: {  	s0 =	rddreg [dreg:$0x0]  }
0x2: {  	s1 =	rddreg [dreg:$0x1];
	s3 =	simm.s32 $0x0;
	s2 =	srdreg.scid  }
0x3: {  	s11 =	stileid.u32;
	s28 =	simm.s32 $0x280;
	s29 =	simm.s32 $0x9  }
0x4: {  	s30 =	simm.s32 $0x2;
	s31 =	simm.s32 $0x2C00;
	s7 =	smul.u32 $0x14000, s11  }
0x5: {  	[smem:$0x7FF] =	sst s3;
	s2 =	sand.u32 $0x1, s2;
	s24 =	smul.u32 $0x50000, s11  }
0x6: {  	s8 =	sshll.u32 s11, $0x1;
	s4 =	sadd.s32 $0x17600, s0;
	s11 =	smul.u32 $0x4E20, s11  }
0x7: {  	s5 =	sadd.s32 $0x3A00, s0;
	s6 =	smul.u32 $0x140000, s2;
	_ =	strace $0x8000004A  }
0x8: {  	s8 =	sor.u32 s2, s8;
	s9 =	ssub.s32 $0x2, s2;
	s2 =	smul.u32 $0x2710, s2  }
0x9: {  	s8 =	smul.u32 $0x2710, s8;
	s10 =	sshrl.u32 s9, $0x1;
	s7 =	sadd.s32 s7, s6  }
0xa: {  	s6 =	sadd.s32 $0xD800, s0;
	s18 =	ssub.s32 s9, s10;
	s2 =	sadd.s32 s2, s11  }
0xb: {  	s7 =	sshrl.u32 s7, $0x3;
	s19 =	sshrl.u32 s8, $0x3;
	s8 =	sadd.s32 $0x140, s8  }
0xc: {  	s11 =	sadd.s32 $0xF0, s2;
	s20 =	sadd.s32 s5, s19;
	[dreg:$0x5] =	wrdreg s8  }
0xd: {  	s21 =	sadd.s32 s6, s19;
	s22 =	sadd.s32 $0xA, s19;
	[dreg:$0x3] =	wrdreg s20  }
0xe: {  	s13 =	sadd.s32 $0xA0, s2;
	[dreg:$0x4] =	wrdreg s21;
	s23 =	sadd.s32 s5, s22  }
0xf: {  	s25 =	sadd.s32 $0x14, s19;
	s10 =	sadd.s32 s6, s22;
	[dreg:$0x6] =	wrdreg s23  }
0x10: {  	s9 =	sadd.s32 $0x1E, s19;
	s12 =	sadd.s32 s5, s25;
	[dreg:$0x7] =	wrdreg s10  }
0x11: {  	s0 =	sadd.s32 s7, s0;
	s26 =	sadd.s32 s5, s9;
	[dreg:$0x8] =	wrdreg s12  }
0x12: {  	s7 =	sshrl.u32 s13, $0x3;
	s9 =	sadd.s32 s6, s9;
	[dreg:$0xa] =	wrdreg s26  }
0x13: {  	s13 =	simm.s32 $0x7C00;
	s0 =	sadd.s32 $0x3E800, s0;
	[dreg:$0xb] =	wrdreg s9  }
0x14: {  	s15 =	sadd.s32 s7, s6;
	s17 =	sadd.s32 s7, s5;
	[dreg:$0xc] =	wrdreg s0  }
0x15: {  	s7 =	simm.s32 $0x400;
	s10 =	sadd.s32 s6, s25;
	[dreg:$0x12] =	wrdreg s15  }
0x16: {  	s9 =	sshrl.u32 s24, $0x2;
	s12 =	sadd.s32 $0x140, s2;
	[dreg:$0x13] =	wrdreg s17  }
0x17: {  	s0 =	sshrl.u32 s11, $0x3;
	s2 =	sadd.s32 $0x50, s2;
	[dreg:$0x9] =	wrdreg s10  }
0x18: {  	s17 =	simm.s32 $0x3;
	s10 =	smax.u32 s18, $0x1;
	[dreg:$0xf] =	wrdreg s12  }
0x19: {  	s11 =	simm.s32 $0x180;
	s14 =	sadd.s32 s0, s6;
	[dreg:$0xe] =	wrdreg s10  }
0x1a: {  	s15 =	simm.s32 $0x6;
	s0 =	sadd.s32 s0, s5;
	[dreg:$0x10] =	wrdreg s14  }
0x1b: {  	s8 =	sadd.s32 s9, s1;
	s16 =	sshrl.u32 s2, $0x3;
	[dreg:$0x11] =	wrdreg s0  }
0x1c: {  	s2 =	simm.s32 $0x300;
	s18 =	sadd.s32 s16, s6;
	[dreg:$0xd] =	wrdreg s8  }
0x1d: {  	s9 =	simm.s32 $0x380;
	s19 =	sadd.s32 $0x2800, s8;
	[dreg:$0x14] =	wrdreg s18  }
0x1e: {  	s12 =	simm.s32 $0x4;
	s20 =	sadd.s32 $0x5000, s8;
	[dreg:$0x15] =	wrdreg s19  }
0x1f: {  	s25 =	sadd.s32 s16, s5;
	s21 =	sadd.s32 $0x7800, s8;
	[dreg:$0x16] =	wrdreg s20  }
0x20: {  	s22 =	sadd.s32 $0xA000, s8;
	s23 =	sadd.s32 $0xC800, s8;
	[dreg:$0x17] =	wrdreg s21  }
0x21: {  	s24 =	sadd.s32 $0xF000, s8;
	s26 =	sadd.s32 $0x11800, s8;
	[dreg:$0x18] =	wrdreg s22  }
.Ltmp0:
0x22: {  	s16 =	simm.s32 $0x200;
	[dreg:$0x19] =	wrdreg s23;
	(pc) =	sbr.rel .LBB2_1-.Ltmp0, $4  }
0x23: {  	s0 =	simm.s32 $0x100;
	s10 =	simm.s32 $0x5400;
	[dreg:$0x1a] =	wrdreg s24  }
0x24: {  	s14 =	simm.s32 $0x5;
	s8 =	simm.s32 $0x7;
	[dreg:$0x1b] =	wrdreg s26  }
0x25: {  	s23 =	simm.s32 $0xA;
	s18 =	simm.s32 $0x1;
	s19 =	simm.s32 $0x50  }
0x26: {  	v0 =	vimm.f32 $0.0e+00;
	s26 =	simm.s32 $0x80;
	s20 =	simm.s32 $0x8;
	s22 =	simm.s32 $0x0  }
.LBB2_8:
0x27: {  	_ =	swait.ge [sflag:s18], $0x50  }
0x28: {  	[sflag:s18] =	ssyncset.done $0x0  }
0x29: {  	[sflag:s18] =	ssyncadd.s32 $0xFFFFFFB0  }
0x2a: {  	_ =	swait.ge [sflag:s18], $0x50  }
0x2b: {  	[sflag:s18] =	ssyncset.done $0x0  }
0x2c: {  	[sflag:s18] =	ssyncadd.s32 $0xFFFFFFB0  }
0x2d: {  	[tilespmem:s7], [sflag:$0x9] =	stream.indirect.gather [hbm4b:s4+s19], $0x80, s3, s19, $0xb8;
	[tilespmem:$0x1E400] =	vst v63  }
0x2e: {  	_ =	swait.ge [sflag:s15], $0x2800  }
0x2f: {  	[sflag:s15] =	ssyncset.done $0x0  }
0x30: {  	[sflag:s15] =	ssyncadd.s32 $0xFFFFD800  }
0x31: {  	_ =	swait.ge [sflag:s29], $0x2800  }
0x32: {  	[sflag:s29] =	ssyncset.done $0x0  }
0x33: {  	[sflag:s29] =	ssyncadd.s32 $0xFFFFD800  }
0x34: {  	[spmem:s1] =	stream.indirect.scatter.add.f32 [tilespmem:s7], [sflag:$0x5], $0x80, s16, s19, $0xb8;
	[tilespmem:$0x1E400] =	vst v63  }
0x35: {  	_ =	swait.ge [sflag:s8], $0x2800  }
0x36: {  	[sflag:s8] =	ssyncset.done $0x0  }
0x37: {  	[sflag:s8] =	ssyncadd.s32 $0xFFFFD800  }
0x38: {  	_ =	swait.ge [sflag:s20], $0x2800  }
0x39: {  	[sflag:s20] =	ssyncset.done $0x0  }
0x3a: {  	[sflag:s20] =	ssyncadd.s32 $0xFFFFD800  }
0x3b: {  	_ =	swait.ge [sflag:s14], $0x2800  }
0x3c: {  	[sflag:s14] =	ssyncset.done $0x0  }
0x3d: {  	[sflag:s14] =	ssyncadd.s32 $0xFFFFD800  }
0x3e: {  	s21 =	stileid.u32;
	[bflag:$0x0] =	sbarrier.arrive $0xFFFF  }
0x3f: {  	s21 =	sshll.u32 s21, $0x6;
	s22 =	rddreg [dreg:$0xd]  }
0x40: {  	s21 =	sor.u32 $0x1C0A, s21;
	s23 =	rddreg [dreg:$0xc];
	s22 =	sshrl.u32 s22, $0x3  }
0x41: {  	[hbm:s23], [sflag:s21] =	dma.local [spmem:s22], $0x2800  }
0x42: {  	s23 =	simm.s32 $0xA  }
0x43: {  	_ =	swait.ge [sflag:s23], $0x2800  }
0x44: {  	s21 =	rddreg [dreg:$0x1c]  }
0x45: {  	s24 =	rddreg [dreg:$0xe];
	s22 =	sadd.s32 $0x1, s21  }
0x46: {  	p0 =	sne.s32 s22, s24  }
.Ltmp1:
0x47: {  	_ = 	snop;
	(pc) =	sbr.rel @!p0 .LBB2_9-.Ltmp1, $3  }
0x48: {  	_ =	sdelay $0x1  }
0x49: {  	[sflag:s23] =	ssyncset.done $0x0  }
0x4a: {  	[sflag:s23] =	ssyncadd.s32 $0xFFFFD800  }
.LBB2_1:
0x4b: {  	[dreg:$0x1c] =	wrdreg s22;
	s21 =	simm.s32 $0x70;
	s22 =	simm.s32 $0x3C0  }
.LBB2_2:
0x4c: {  	p0 =	sne.s32 s22, $0x9FC0;
	[tilespmem:s21+$0x400] =	vst v0  }
0x4d: {  	[tilespmem:s21+$0x390] =	vst v0  }
0x4e: {  	[tilespmem:s21+$0x3A0] =	vst v0  }
.Ltmp2:
0x4f: {  	[tilespmem:s21+$0x3B0] =	vst v0;
	(pc) =	sbr.rel @p0 .LBB2_2-.Ltmp2, $4  }
0x50: {  	[tilespmem:s21+$0x3C0] =	vst v0  }
0x51: {  	[tilespmem:s21+$0x3D0] =	vst v0  }
0x52: {  	[tilespmem:s21+$0x3E0] =	vst v0  }
0x53: {  	[tilespmem:s21+$0x3F0] =	vst v0;
	s21 =	sshra.s32 s22, $0x2;
	s22 =	sadd.s32 $0x200, s22  }
0x54: {  	[tilespmem:s21+$0x400] =	vst v0  }
0x55: {  	[tilespmem:s21+$0x390] =	vst v0  }
0x56: {  	[tilespmem:s21+$0x3A0] =	vst v0  }
0x57: {  	[tilespmem:s21+$0x3B0] =	vst v0  }
0x58: {  	[tilespmem:s21+$0x3C0] =	vst v0  }
0x59: {  	[tilespmem:s21+$0x3D0] =	vst v0  }
0x5a: {  	[tilespmem:s21+$0x3E0] =	vst v0  }
0x5b: {  	[tilespmem:s21+$0x3F0] =	vst v0;
	s24 =	rddreg [dreg:$0xd]  }
0x5c: {  	[spmem:s24] =	stream.linear.scatter [tilespmem:s7], [sflag:$0xA], $0x2800, $0x38;
	[tilespmem:$0x1E400] =	vst v63  }
0x5d: {  	_ =	swait.ge [sflag:s23], $0x2800  }
0x5e: {  	[sflag:s23] =	ssyncset.done $0x0  }
0x5f: {  	s22 =	rddreg [dreg:$0x15];
	[sflag:s23] =	ssyncadd.s32 $0xFFFFD800  }
0x60: {  	[spmem:s22] =	stream.linear.scatter [tilespmem:s7], [sflag:$0xA], $0x2800, $0x38;
	[tilespmem:$0x1E400] =	vst v63  }
0x61: {  	_ =	swait.ge [sflag:s23], $0x2800  }
0x62: {  	[sflag:s23] =	ssyncset.done $0x0  }
0x63: {  	s24 =	rddreg [dreg:$0x16];
	[sflag:s23] =	ssyncadd.s32 $0xFFFFD800  }
0x64: {  	[spmem:s24] =	stream.linear.scatter [tilespmem:s7], [sflag:$0xA], $0x2800, $0x38;
	[tilespmem:$0x1E400] =	vst v63  }
0x65: {  	_ =	swait.ge [sflag:s23], $0x2800  }
0x66: {  	[sflag:s23] =	ssyncset.done $0x0  }
0x67: {  	s22 =	rddreg [dreg:$0x17];
	[sflag:s23] =	ssyncadd.s32 $0xFFFFD800  }
0x68: {  	[spmem:s22] =	stream.linear.scatter [tilespmem:s7], [sflag:$0xA], $0x2800, $0x38;
	[tilespmem:$0x1E400] =	vst v63  }
0x69: {  	_ =	swait.ge [sflag:s23], $0x2800  }
0x6a: {  	[sflag:s23] =	ssyncset.done $0x0  }
0x6b: {  	s24 =	rddreg [dreg:$0x18];
	[sflag:s23] =	ssyncadd.s32 $0xFFFFD800  }
0x6c: {  	[spmem:s24] =	stream.linear.scatter [tilespmem:s7], [sflag:$0xA], $0x2800, $0x38;
	[tilespmem:$0x1E400] =	vst v63  }
0x6d: {  	_ =	swait.ge [sflag:s23], $0x2800  }
0x6e: {  	[sflag:s23] =	ssyncset.done $0x0  }
0x6f: {  	s22 =	rddreg [dreg:$0x19];
	[sflag:s23] =	ssyncadd.s32 $0xFFFFD800  }
0x70: {  	[spmem:s22] =	stream.linear.scatter [tilespmem:s7], [sflag:$0xA], $0x2800, $0x38;
	[tilespmem:$0x1E400] =	vst v63  }
0x71: {  	_ =	swait.ge [sflag:s23], $0x2800  }
0x72: {  	[sflag:s23] =	ssyncset.done $0x0  }
0x73: {  	s24 =	rddreg [dreg:$0x1a];
	[sflag:s23] =	ssyncadd.s32 $0xFFFFD800  }
0x74: {  	[spmem:s24] =	stream.linear.scatter [tilespmem:s7], [sflag:$0xA], $0x2800, $0x38;
	[tilespmem:$0x1E400] =	vst v63  }
0x75: {  	_ =	swait.ge [sflag:s23], $0x2800  }
0x76: {  	[sflag:s23] =	ssyncset.done $0x0  }
0x77: {  	s22 =	rddreg [dreg:$0x1b];
	[sflag:s23] =	ssyncadd.s32 $0xFFFFD800  }
0x78: {  	[spmem:s22] =	stream.linear.scatter [tilespmem:s7], [sflag:$0xA], $0x2800, $0x38;
	[tilespmem:$0x1E400] =	vst v63  }
0x79: {  	_ =	swait.ge [sflag:s23], $0x2800  }
0x7a: {  	[sflag:s23] =	ssyncset.done $0x0  }
0x7b: {  	[sflag:s23] =	ssyncadd.s32 $0xFFFFD800  }
0x7c: {  	[bflag:$0x0] =	sbarrier.arrive $0xFFFF  }
.Ltmp3:
0x7d: {  	s22 =	rddreg [dreg:$0x3];
	(pc) =	sbr.rel .LBB2_4-.Ltmp3, $4  }
0x7e: {  	s21 =	simm.s32 $0x0;
	s24 =	rddreg [dreg:$0x4]  }
0x7f: {  	[tilespmem:s21], [sflag:$0x1] =	stream.linear.gather [hbm4b:s22+s21], $0x50, $0x38;
	[tilespmem:$0x1E400] =	vst v63  }
0x80: {  	s23 =	rddreg [dreg:$0xf]  }
0x81: {  	[tilespmem:s16], [sflag:$0x1] =	stream.linear.gather [hbm4b:s24+s21], $0x50, $0x38;
	[tilespmem:$0x1E400] =	vst v63  }
.LBB2_6:
0x82: {  	_ =	swait.ge [sflag:s15], $0x2800  }
0x83: {  	[sflag:s15] =	ssyncset.done $0x0  }
0x84: {  	s22 =	sadd.s32 s21, s25;
	s24 =	rddreg [dreg:$0x14];
	[sflag:s15] =	ssyncadd.s32 $0xFFFFD800  }
0x85: {  	[tilespmem:s26], [sflag:$0x2] =	stream.linear.gather [hbm4b:s22+s3], $0x50, $0x38;
	[tilespmem:$0x1E400] =	vst v63  }
0x86: {  	s22 =	sadd.s32 s21, s24  }
0x87: {  	[tilespmem:s28], [sflag:$0x2] =	stream.linear.gather [hbm4b:s22+s3], $0x50, $0x38;
	[tilespmem:$0x1E400] =	vst v63  }
0x88: {  	_ =	swait.ge [sflag:s29], $0x2800  }
0x89: {  	[sflag:s29] =	ssyncset.done $0x0  }
0x8a: {  	[sflag:s29] =	ssyncadd.s32 $0xFFFFD800  }
0x8b: {  	[spmem:s1] =	stream.indirect.scatter.add.f32 [tilespmem:s7], [sflag:$0x5], $0x80, s16, s19, $0xb8;
	[tilespmem:$0x1E400] =	vst v63  }
0x8c: {  	_ =	swait.ge [sflag:s30], $0x50  }
0x8d: {  	[sflag:s30] =	ssyncset.done $0x0  }
0x8e: {  	[sflag:s30] =	ssyncadd.s32 $0xFFFFFFB0  }
0x8f: {  	_ =	swait.ge [sflag:s30], $0x50  }
0x90: {  	[sflag:s30] =	ssyncset.done $0x0  }
0x91: {  	[sflag:s30] =	ssyncadd.s32 $0xFFFFFFB0  }
0x92: {  	[tilespmem:s31], [sflag:$0x9] =	stream.indirect.gather [hbm4b:s4+s19], $0x80, s26, s19, $0xb8;
	[tilespmem:$0x1E400] =	vst v63  }
0x93: {  	_ =	swait.ge [sflag:s8], $0x2800  }
0x94: {  	[sflag:s8] =	ssyncset.done $0x0;
	s24 =	rddreg [dreg:$0x13]  }
0x95: {  	[sflag:s8] =	ssyncadd.s32 $0xFFFFD800;
	s22 =	sadd.s32 s21, s24;
	s24 =	rddreg [dreg:$0x12]  }
0x96: {  	[tilespmem:s0], [sflag:$0x3] =	stream.linear.gather [hbm4b:s22+s3], $0x50, $0x38;
	[tilespmem:$0x1E400] =	vst v63  }
0x97: {  	s22 =	sadd.s32 s21, s24  }
0x98: {  	[tilespmem:s2], [sflag:$0x3] =	stream.linear.gather [hbm4b:s22+s3], $0x50, $0x38;
	[tilespmem:$0x1E400] =	vst v63  }
0x99: {  	_ =	swait.ge [sflag:s29], $0x2800  }
0x9a: {  	[sflag:s29] =	ssyncset.done $0x0  }
0x9b: {  	[sflag:s29] =	ssyncadd.s32 $0xFFFFD800  }
0x9c: {  	[spmem:s1] =	stream.indirect.scatter.add.f32 [tilespmem:s31], [sflag:$0x6], $0x80, s28, s19, $0xb8;
	[tilespmem:$0x1E400] =	vst v63  }
0x9d: {  	_ =	swait.ge [sflag:s17], $0x50  }
0x9e: {  	[sflag:s17] =	ssyncset.done $0x0  }
0x9f: {  	[sflag:s17] =	ssyncadd.s32 $0xFFFFFFB0  }
0xa0: {  	_ =	swait.ge [sflag:s17], $0x50  }
0xa1: {  	[sflag:s17] =	ssyncset.done $0x0  }
0xa2: {  	[sflag:s17] =	ssyncadd.s32 $0xFFFFFFB0  }
0xa3: {  	[tilespmem:s10], [sflag:$0x9] =	stream.indirect.gather [hbm4b:s4+s19], $0x80, s0, s19, $0xb8;
	[tilespmem:$0x1E400] =	vst v63  }
0xa4: {  	_ =	swait.ge [sflag:s20], $0x2800  }
0xa5: {  	[sflag:s20] =	ssyncset.done $0x0;
	s24 =	rddreg [dreg:$0x11]  }
0xa6: {  	[sflag:s20] =	ssyncadd.s32 $0xFFFFD800;
	s22 =	sadd.s32 s21, s24;
	s24 =	rddreg [dreg:$0x10]  }
0xa7: {  	[tilespmem:s11], [sflag:$0x4] =	stream.linear.gather [hbm4b:s22+s3], $0x50, $0x38;
	[tilespmem:$0x1E400] =	vst v63  }
0xa8: {  	s22 =	sadd.s32 s21, s24  }
0xa9: {  	[tilespmem:s9], [sflag:$0x4] =	stream.linear.gather [hbm4b:s22+s3], $0x50, $0x38;
	[tilespmem:$0x1E400] =	vst v63  }
0xaa: {  	_ =	swait.ge [sflag:s29], $0x2800  }
0xab: {  	[sflag:s29] =	ssyncset.done $0x0  }
0xac: {  	[sflag:s29] =	ssyncadd.s32 $0xFFFFD800  }
0xad: {  	[spmem:s1] =	stream.indirect.scatter.add.f32 [tilespmem:s10], [sflag:$0x7], $0x80, s2, s19, $0xb8;
	[tilespmem:$0x1E400] =	vst v63  }
0xae: {  	_ =	swait.ge [sflag:s12], $0x50  }
0xaf: {  	[sflag:s12] =	ssyncset.done $0x0  }
0xb0: {  	[sflag:s12] =	ssyncadd.s32 $0xFFFFFFB0  }
0xb1: {  	_ =	swait.ge [sflag:s12], $0x50  }
0xb2: {  	[sflag:s12] =	ssyncset.done $0x0  }
0xb3: {  	[sflag:s12] =	ssyncadd.s32 $0xFFFFFFB0  }
0xb4: {  	[tilespmem:s13], [sflag:$0x9] =	stream.indirect.gather [hbm4b:s4+s19], $0x80, s11, s19, $0xb8;
	[tilespmem:$0x1E400] =	vst v63  }
0xb5: {  	_ =	swait.ge [sflag:s14], $0x2800  }
0xb6: {  	[sflag:s14] =	ssyncset.done $0x0  }
0xb7: {  	s22 =	smov.u32 s23;
	[sflag:s14] =	ssyncadd.s32 $0xFFFFD800  }
.LBB2_7:
0xb8: {  	s22 =	sshrl.u32 s22, $0x3  }
0xb9: {  	s21 =	sadd.s32 $0x28, s21;
	s24 =	sadd.s32 s5, s22  }
0xba: {  	[tilespmem:s3], [sflag:$0x1] =	stream.linear.gather [hbm4b:s24+s3], $0x50, $0x38;
	[tilespmem:$0x1E400] =	vst v63  }
0xbb: {  	s22 =	sadd.s32 s6, s22;
	p0 =	sne.s32 s21, $0x4D8  }
0xbc: {  	[tilespmem:s16], [sflag:$0x1] =	stream.linear.gather [hbm4b:s22+s3], $0x50, $0x38;
	[tilespmem:$0x1E400] =	vst v63  }
.Ltmp4:
0xbd: {  	_ = 	snop;
	(pc) =	sbr.rel @!p0 .LBB2_8-.Ltmp4, $4  }
0xbe: {  	_ =	swait.ge [sflag:s29], $0x2800  }
0xbf: {  	[sflag:s29] =	ssyncset.done $0x0  }
0xc0: {  	s23 =	sadd.s32 $0x140, s23;
	[sflag:s29] =	ssyncadd.s32 $0xFFFFD800  }
0xc1: {  	[spmem:s1] =	stream.indirect.scatter.add.f32 [tilespmem:s13], [sflag:$0x8], $0x80, s9, s19, $0xb8;
	[tilespmem:$0x1E400] =	vst v63  }
.LBB2_4:
0xc2: {  	_ =	swait.ge [sflag:s18], $0x50  }
0xc3: {  	p0 =	sne.s32 s21, $0x0;
	[sflag:s18] =	ssyncset.done $0x0  }
.Ltmp5:
0xc4: {  	[sflag:s18] =	ssyncadd.s32 $0xFFFFFFB0;
	(pc) =	sbr.rel @p0 .LBB2_6-.Ltmp5, $4  }
0xc5: {  	_ =	swait.ge [sflag:s18], $0x50  }
0xc6: {  	[sflag:s18] =	ssyncset.done $0x0  }
0xc7: {  	[sflag:s18] =	ssyncadd.s32 $0xFFFFFFB0  }
0xc8: {  	[tilespmem:s7], [sflag:$0x9] =	stream.indirect.gather [hbm4b:s4+s19], $0x80, s3, s19, $0xb8;
	[tilespmem:$0x1E400] =	vst v63  }
0xc9: {  	s22 =	rddreg [dreg:$0x6]  }
0xca: {  	[tilespmem:s26], [sflag:$0x2] =	stream.linear.gather [hbm4b:s22+s3], $0x50, $0x38;
	[tilespmem:$0x1E400] =	vst v63  }
0xcb: {  	s24 =	rddreg [dreg:$0x7]  }
0xcc: {  	[tilespmem:s28], [sflag:$0x2] =	stream.linear.gather [hbm4b:s24+s3], $0x50, $0x38;
	[tilespmem:$0x1E400] =	vst v63  }
0xcd: {  	_ =	swait.ge [sflag:s29], $0x2800  }
0xce: {  	[sflag:s29] =	ssyncset.done $0x0  }
0xcf: {  	[sflag:s29] =	ssyncadd.s32 $0xFFFFD800  }
0xd0: {  	[spmem:s1] =	stream.indirect.scatter.add.f32 [tilespmem:s7], [sflag:$0x5], $0x80, s16, s19, $0xb8;
	[tilespmem:$0x1E400] =	vst v63  }
0xd1: {  	_ =	swait.ge [sflag:s30], $0x50  }
0xd2: {  	[sflag:s30] =	ssyncset.done $0x0  }
0xd3: {  	[sflag:s30] =	ssyncadd.s32 $0xFFFFFFB0  }
0xd4: {  	_ =	swait.ge [sflag:s30], $0x50  }
0xd5: {  	[sflag:s30] =	ssyncset.done $0x0  }
0xd6: {  	[sflag:s30] =	ssyncadd.s32 $0xFFFFFFB0  }
0xd7: {  	[tilespmem:s31], [sflag:$0x9] =	stream.indirect.gather [hbm4b:s4+s19], $0x80, s26, s19, $0xb8;
	[tilespmem:$0x1E400] =	vst v63  }
0xd8: {  	s24 =	rddreg [dreg:$0x8]  }
0xd9: {  	[tilespmem:s0], [sflag:$0x3] =	stream.linear.gather [hbm4b:s24+s3], $0x50, $0x38;
	[tilespmem:$0x1E400] =	vst v63  }
0xda: {  	s24 =	rddreg [dreg:$0x9]  }
0xdb: {  	[tilespmem:s2], [sflag:$0x3] =	stream.linear.gather [hbm4b:s24+s3], $0x50, $0x38;
	[tilespmem:$0x1E400] =	vst v63  }
0xdc: {  	_ =	swait.ge [sflag:s29], $0x2800  }
0xdd: {  	[sflag:s29] =	ssyncset.done $0x0  }
0xde: {  	[sflag:s29] =	ssyncadd.s32 $0xFFFFD800  }
0xdf: {  	[spmem:s1] =	stream.indirect.scatter.add.f32 [tilespmem:s31], [sflag:$0x6], $0x80, s28, s19, $0xb8;
	[tilespmem:$0x1E400] =	vst v63  }
0xe0: {  	_ =	swait.ge [sflag:s17], $0x50  }
0xe1: {  	[sflag:s17] =	ssyncset.done $0x0  }
0xe2: {  	[sflag:s17] =	ssyncadd.s32 $0xFFFFFFB0  }
0xe3: {  	_ =	swait.ge [sflag:s17], $0x50  }
0xe4: {  	[sflag:s17] =	ssyncset.done $0x0  }
0xe5: {  	[sflag:s17] =	ssyncadd.s32 $0xFFFFFFB0  }
0xe6: {  	[tilespmem:s10], [sflag:$0x9] =	stream.indirect.gather [hbm4b:s4+s19], $0x80, s0, s19, $0xb8;
	[tilespmem:$0x1E400] =	vst v63  }
0xe7: {  	s24 =	rddreg [dreg:$0xa]  }
0xe8: {  	[tilespmem:s11], [sflag:$0x4] =	stream.linear.gather [hbm4b:s24+s3], $0x50, $0x38;
	[tilespmem:$0x1E400] =	vst v63  }
0xe9: {  	s24 =	rddreg [dreg:$0xb]  }
0xea: {  	[tilespmem:s9], [sflag:$0x4] =	stream.linear.gather [hbm4b:s24+s3], $0x50, $0x38;
	[tilespmem:$0x1E400] =	vst v63  }
0xeb: {  	_ =	swait.ge [sflag:s29], $0x2800  }
0xec: {  	[sflag:s29] =	ssyncset.done $0x0  }
0xed: {  	[sflag:s29] =	ssyncadd.s32 $0xFFFFD800  }
0xee: {  	[spmem:s1] =	stream.indirect.scatter.add.f32 [tilespmem:s10], [sflag:$0x7], $0x80, s2, s19, $0xb8;
	[tilespmem:$0x1E400] =	vst v63  }
0xef: {  	_ =	swait.ge [sflag:s12], $0x50  }
0xf0: {  	[sflag:s12] =	ssyncset.done $0x0  }
0xf1: {  	[sflag:s12] =	ssyncadd.s32 $0xFFFFFFB0  }
0xf2: {  	_ =	swait.ge [sflag:s12], $0x50  }
0xf3: {  	[sflag:s12] =	ssyncset.done $0x0  }
.Ltmp6:
0xf4: {  	[sflag:s12] =	ssyncadd.s32 $0xFFFFFFB0;
	(pc) =	sbr.rel .LBB2_7-.Ltmp6, $4  }
0xf5: {  	[tilespmem:s13], [sflag:$0x9] =	stream.indirect.gather [hbm4b:s4+s19], $0x80, s11, s19, $0xb8;
	[tilespmem:$0x1E400] =	vst v63  }
0xf6: {  	_ =	swait.ge [sflag:s14], $0x2800  }
0xf7: {  	[sflag:s14] =	ssyncset.done $0x0  }
0xf8: {  	s22 =	rddreg [dreg:$0x5];
	[sflag:s14] =	ssyncadd.s32 $0xFFFFD800  }
.LBB2_9:
0xf9: {  	_ =	sfence.sel $0x180000  }
0xfa: {  	[bflag:$0x0] =	sbarrier.arrive $0xFFFF  }
0xfb: {  	_ =	strace $0x9000004A  }
0xfc: {  	s0 =	stileid.u32;
	[bflag:$0x2] =	sbarrier.arrive $0xFFFF  }
0xfd: {  	p0 =	sne.s32 s0, $0x0;
	s0 =	rddreg [dreg:$0x2]  }
0xfe: {  	s0 =	sadd.s32 @!p0 $0x100000, s0  }
0xff: {  	[sflag:s0] =	ssyncadd.tile.s32 @!p0 $0x1;
	_ =	shalt  }
.Lfunc_end2:
_tile_overlayer_lowered:
.L_overlay_start_2:
0x100: {  	(tag) =	ssettag $0x2  }
0x101: {  	s0 =	rddreg [dreg:$0x0];
	s2 =	stileid.u32  }
0x102: {  	s1 =	rddreg [dreg:$0x1];
	p0 =	sne.s32 s2, $0x0  }
0x103: {  	s3 =	rddreg [dreg:$0x2];
	[bflag:$0x3] =	sbarrier.arrive $0xFFFF;
	s2 =	simm.s32 @!p0 $0x1C0A  }
0x104: {  	[timem:s3], [sflag:s2] =	dma.local @!p0 [hbm:s0], s1  }
0x105: {  	s0 =	simm.s32 @!p0 $0xA  }
0x106: {  	_ =	swait.ge @!p0 [sflag:s0], s1  }
0x107: {  	s1 =	ssub.s32 @!p0 $0x0, s1;
	[sflag:s0] =	ssyncset.done @!p0 $0x0  }
0x108: {  	[sflag:s0] =	ssyncadd.s32 @!p0 s1  }
0x109: {  	[bflag:$0x3] =	sbarrier.arrive $0xFFFF  }
0x10a: {  	_ =	shalt  }

// kernel: kernel.16.cloned.1.call-start
scs
__scs_entry_jumppad:
0x0: {  	(pc) =	sbr.rel $0x88, $3  }
0x1: {  	(tag) =	ssettag $0x0;
	lr =	simm.s32 $0x1  }
0x2: {  	[smem:$0x3F98] =	sst lr;
	_ =	strace $0xD0000000  }
0x3: {  	_ = 	snop  }
0x4: {  	_ = 	snop  }
0x5: {  	_ = 	snop  }
0x6: {  	_ = 	snop  }
0x7: {  	_ = 	snop  }
__scs_overlays_trampoline_lowered:
0x8: {  	[smem:$0x3FA7] =	sst s0  }
0x9: {  	[smem:$0x3FA8] =	sst s1  }
0xa: {  	[smem:$0x3FA9] =	sst s2  }
0xb: {  	[smem:$0x3FAA] =	sst s3  }
0xc: {  	[smem:$0x3FAB] =	sst s4  }
0xd: {  	[smem:$0x3FAC] =	sst s5  }
0xe: {  	[smem:$0x3FAD] =	sst s6  }
0xf: {  	[smem:$0x3FAE] =	sst s7  }
0x10: {  	[smem:$0x3FAF] =	sst s8  }
0x11: {  	[smem:$0x3FB0] =	sst s9;
	s0 =	simm.s32 @!p0 $0x0  }
0x12: {  	s1 =	sld [smem:$0x3F96];
	s0 =	simm.s32 @p0 $0x1  }
0x13: {  	[smem:$0x3FB1] =	sst s0;
	s0 =	simm.s32 @!p1 $0x0  }
0x14: {  	s2 =	sld [smem:$0x3F95];
	s0 =	simm.s32 @p1 $0x1  }
0x15: {  	[smem:$0x3FB2] =	sst s0;
	s0 =	simm.s32 @!p2 $0x0  }
0x16: {  	s3 =	sld [smem:$0x3FDB];
	s0 =	simm.s32 @p2 $0x1  }
0x17: {  	s4 =	simm.s32 $0x1BF5;
	[smem:$0x3FB4] =	sst s0  }
0x18: {  	s0 =	sld [smem:$0x3F97];
	_ =	swait.ge [sflag:s4], $0x0  }
0x19: {  	s7 =	sld [smem:$0x3F98]  }
0x1a: {  	s8 =	sadd.s32 $0xFFFFE003, lr  }
0x1b: {  	s9 =	sadd.s32 $0xFFFFFEF7, lr;
	s5 =	simm.s32 $0xFFFFFFFF;
	p2 =	slt.u32 s8, $0xFFFFF086  }
0x1c: {  	p1 =	slt.u32 s9, $0xF7A;
	s5 =	simm.s32 @!p2 $0x0  }
0x1d: {  	s5 =	simm.s32 @p1 $0x1;
	p0 =	seq.s32 s7, s2  }
0x1e: {  	s7 =	smul.u32 @!p0 $0xF7A, s2;
	p2 =	seq.s32 @!p0 s5, $0x0  }
0x1f: {  	s9 =	smul.u32 $0xF7A, s1;
	s8 =	simm.s32 @!p0 $0x1BF5;
	p2 =	por !p2, p0  }
0x20: {  	[sflag:s8] =	ssyncset.s32 @!p0 $0xFFFFF086;
	s6 =	sadd.s32 @!p0 s3, s7;
	s7 =	simm.s32 @!p0 $0x108  }
0x21: {  	s3 =	sadd.s32 s3, s9;
	s6 =	sadd.s32 @!p0 $0x88, s6;
	s7 =	simm.s32 @p2 $0x1082  }
0x22: {  	[simem:s7], [sflag:s8] =	dma.local @!p0 [hbm:s6], $0xF7A  }
0x23: {  	s9 =	sor.u32 $0xD0000000, s2;
	s6 =	simm.s32 $0x108;
	_ =	swait.ge @!p0 [sflag:s8], $0x0  }
0x24: {  	s3 =	sadd.s32 $0x88, s3;
	s6 =	simm.s32 @!p1 $0x1082;
	[sflag:s4] =	ssyncset.s32 $0xFFFFF086  }
0x25: {  	[simem:s6], [sflag:s4] =	dma.local [hbm:s3], $0xF7A  }
0x26: {  	[smem:$0x3F98] =	sst s1;
	(tag) =	ssettag s2;
	_ =	strace s9  }
0x27: {  	s1 =	sld [smem:$0x3FA8]  }
0x28: {  	s2 =	sld [smem:$0x3FA9]  }
0x29: {  	s4 =	sld [smem:$0x3FAB]  }
0x2a: {  	p0 =	seq.s32 s5, $0x0;
	s5 =	sld [smem:$0x3FAC]  }
0x2b: {  	s6 =	sld [smem:$0x3FAD]  }
0x2c: {  	s7 =	sld [smem:$0x3FAE]  }
0x2d: {  	s3 =	simm.s32 $0x108;
	s8 =	sld [smem:$0x3FAF]  }
0x2e: {  	s3 =	simm.s32 @!p0 $0x1082;
	s9 =	sld [smem:$0x3FB0]  }
0x2f: {  	lr =	sadd.s32 s0, s3;
	s0 =	sld [smem:$0x3FA7]  }
0x30: {  	s3 =	sld [smem:$0x3FAA]  }
0x31: {  	[smem:$0x3FB3] =	sst s10  }
0x32: {  	s10 =	sld [smem:$0x3FB1];
	_ =	sdelay $0x3  }
0x33: {  	p0 =	seq.s32 s10, $0x1;
	s10 =	sld [smem:$0x3FB3];
	_ =	sdelay $0x3  }
0x34: {  	[smem:$0x3FB3] =	sst s10  }
0x35: {  	s10 =	sld [smem:$0x3FB2];
	_ =	sdelay $0x3  }
0x36: {  	p1 =	seq.s32 s10, $0x1;
	s10 =	sld [smem:$0x3FB3];
	_ =	sdelay $0x3  }
0x37: {  	[smem:$0x3FB3] =	sst s10  }
0x38: {  	s10 =	sld [smem:$0x3FB4]  }
0x39: {  	_ = 	snop;
	(pc) =	sbr.ind lr, $3  }
0x3a: {  	_ = 	snop  }
0x3b: {  	_ = 	snop  }
0x3c: {  	p2 =	seq.s32 s10, $0x1;
	s10 =	sld [smem:$0x3FB3]  }
0x3d: {  	_ =	shalt  }
0x3e: {  	_ =	shalt  }
0x3f: {  	_ =	shalt  }
0x40: {  	_ =	shalt  }
0x41: {  	_ =	shalt  }
0x42: {  	_ =	shalt  }
0x43: {  	_ =	shalt  }
0x44: {  	_ =	shalt  }
0x45: {  	_ =	shalt  }
0x46: {  	_ =	shalt  }
0x47: {  	_ =	shalt  }
0x48: {  	_ =	shalt  }
0x49: {  	_ =	shalt  }
0x4a: {  	_ =	shalt  }
0x4b: {  	_ =	shalt  }
0x4c: {  	_ =	shalt  }
0x4d: {  	_ =	shalt  }
0x4e: {  	_ =	shalt  }
0x4f: {  	_ =	shalt  }
0x50: {  	_ =	shalt  }
0x51: {  	_ =	shalt  }
0x52: {  	_ =	shalt  }
0x53: {  	_ =	shalt  }
0x54: {  	_ =	shalt  }
0x55: {  	_ =	shalt  }
0x56: {  	_ =	shalt  }
0x57: {  	_ =	shalt  }
0x58: {  	_ =	shalt  }
0x59: {  	_ =	shalt  }
0x5a: {  	_ =	shalt  }
0x5b: {  	_ =	shalt  }
0x5c: {  	_ =	shalt  }
0x5d: {  	_ =	shalt  }
0x5e: {  	_ =	shalt  }
0x5f: {  	_ =	shalt  }
0x60: {  	_ =	shalt  }
0x61: {  	_ =	shalt  }
0x62: {  	_ =	shalt  }
0x63: {  	_ =	shalt  }
0x64: {  	_ =	shalt  }
0x65: {  	_ =	shalt  }
0x66: {  	_ =	shalt  }
0x67: {  	_ =	shalt  }
0x68: {  	_ =	shalt  }
0x69: {  	_ =	shalt  }
0x6a: {  	_ =	shalt  }
0x6b: {  	_ =	shalt  }
0x6c: {  	_ =	shalt  }
0x6d: {  	_ =	shalt  }
0x6e: {  	_ =	shalt  }
0x6f: {  	_ =	shalt  }
0x70: {  	_ =	shalt  }
0x71: {  	_ =	shalt  }
0x72: {  	_ =	shalt  }
0x73: {  	_ =	shalt  }
0x74: {  	_ =	shalt  }
0x75: {  	_ =	shalt  }
0x76: {  	_ =	shalt  }
0x77: {  	_ =	shalt  }
0x78: {  	_ =	shalt  }
0x79: {  	_ =	shalt  }
0x7a: {  	_ =	shalt  }
0x7b: {  	_ =	shalt  }
0x7c: {  	_ =	shalt  }
0x7d: {  	_ =	shalt  }
0x7e: {  	_ =	shalt  }
0x7f: {  	_ =	shalt  }
0x80: {  	_ =	shalt  }
0x81: {  	_ =	shalt  }
0x82: {  	_ =	shalt  }
0x83: {  	_ =	shalt  }
0x84: {  	_ =	shalt  }
0x85: {  	_ =	shalt  }
0x86: {  	_ =	shalt  }
0x87: {  	_ =	shalt  }
.Lfunc_end0:
.L_simem_size_0:
called_computation.2_lowered:
.L_overlay_start_0:
0x88: {  	s2 =	sld [smem:$0x3FD9]  }
0x89: {  	s3 =	sld [smem:$0x3FFE];
	_ =	sdelay $0x1  }
0x8a: {  	s1 =	srdreg.scid  }
0x8b: {  	s0 =	sand.u32 $0x1, s1  }
0x8c: {  	s16 =	sshll.u32 s0, $0xA;
	s2 =	sadd.s32 s3, s2  }
0x8d: {  	s2 =	sadd.s32 s2, s16  }
0x8e: {  	[smem:$0x3FBF] =	sst s2  }
0x8f: {  	_ = 	snop  }
0x90: {  	(tm) =	ssettm $0x1  }
0x91: {  	s17 =	sld [smem:$0x3FFB];
	_ =	sdelay $0x3  }
0x92: {  	_ =	strace s17  }
0x93: {  	s2 =	sld [smem:$0x3FFC];
	_ =	sdelay $0x3  }
0x94: {  	_ =	strace s2  }
0x95: {  	s2 =	sld [smem:$0x3FFD];
	_ =	sdelay $0x3  }
0x96: {  	_ =	strace s2  }
0x97: {  	_ =	strace $0x8FFFFFFF  }
0x98: {  	s18 =	sld [smem:$0x3FDB];
	_ =	sdelay $0x1  }
0x99: {  	s19 =	simm.s32 $_scs_section_size  }
0x9a: {  	s4 =	simm.s32 $_size__tile_overlayer_lowered;
	s5 =	simm.s32 $_tile_overlayer_lowered  }
0x9b: {  	s22 =	simm.s32 $0x1BFF;
	s21 =	sshll.u32 s5, $0x1;
	s2 =	sadd.s32 s19, s18  }
0x9c: {  	s6 =	simm.s32 $0x0;
	s20 =	sshll.u32 s4, $0x1;
	s4 =	sadd.s32 s21, s2  }
0x9d: {  	[timem:s6], [sflag:s22] =	dma.local [hbm:s4], s20  }
0x9e: {  	_ =	swait.ge [sflag:s22], s20  }
0x9f: {  	s3 =	ssub.s32 $0x0, s20;
	[sflag:s22] =	ssyncset.done $0x0  }
0xa0: {  	[sflag:s22] =	ssyncadd.s32 s3;
	_ =	sdelay $0x1  }
0xa1: {  	s23 =	simm.s32 $0x1B8B  }
0xa2: {  	_ =	swait.ge [sflag:s23], $0x1  }
0xa3: {  	[sflag:s23] =	ssyncset.done $0x0  }
0xa4: {  	s25 =	simm.s32 $0x1B8E;
	s24 =	sld [smem:$0x3FFE];
	[sflag:s23] =	ssyncadd.s32 $0xFFFFFFFF  }
0xa5: {  	s26 =	simm.s32 $execute0_lowered;
	[smem:$0x3FD2] =	sst s25  }
0xa6: {  	s4 =	sshll.u32 s26, $0x1;
	_ =	strace $0x8000004C;
	[dreg:$0x1] =	wrdreg $0xFFFFFFFF  }
0xa7: {  	s28 =	simm.s32 $_size_execute0_lowered;
	s2 =	sadd.s32 s2, s4;
	[dreg:$0x0] =	wrdreg $0x0  }
0xa8: {  	s4 =	sshll.u32 s28, $0x1;
	[dreg:$0x2] =	wrdreg s2  }
0xa9: {  	[dreg:$0x3] =	wrdreg s4  }
0xaa: {  	[dreg:$0x4] =	wrdreg $0xC0  }
0xab: {  	_ =	task [dreg:s6], $0x5FFFF  }
0xac: {  	[dreg:$0x1] =	wrdreg $0xFFFFFFFF  }
0xad: {  	[dreg:$0x0] =	wrdreg $0x60  }
0xae: {  	[dreg:$0x2] =	wrdreg s24  }
0xaf: {  	[dreg:$0x3] =	wrdreg $0xA4000  }
0xb0: {  	[dreg:$0x4] =	wrdreg $0x9  }
0xb1: {  	_ =	task.clear_ibuf [dreg:s6], $0x5FFFF;
	_ =	strace $0x9000004C  }
0xb2: {  	s29 =	simm.s32 $0x9;
	_ =	strace $0x8000004E  }
0xb3: {  	_ =	swait.ge [sflag:s29], $0x1  }
0xb4: {  	[sflag:s29] =	ssyncadd.s32 $0xFFFFFFFF  }
0xb5: {  	_ =	strace $0x9000004E  }
0xb6: {  	_ =	sfence  }
0xb7: {  	s30 =	sld [smem:$0x0];
	_ =	sdelay $0x2  }
0xb8: {  	s31 =	sshll.u32 s1, $0xD;
	s1 =	sshrl.u32 s1, $0x2  }
0xb9: {  	s3 =	sand.u32 $0x4000, s31;
	s1 =	sadd.s32 s1, s30  }
0xba: {  	s0 =	sor.u32 s3, s0;
	s1 =	sshll.u32 s1, $0x11  }
0xbb: {  	s0 =	sor.u32 s1, s0  }
0xbc: {  	s0 =	sadd.s32 $0x8F2B, s0  }
0xbd: {  	[sflag:s0] =	ssyncadd.remote.s32 $0x1  }
0xbe: {  	_ =	sfence.sel $0xFFFF  }
0xbf: {  	[dreg:$0x0] =	wrdreg $0xFFFFFFFF;
	(pc) =	sbr.abs _section_cstart, $3  }
0xc0: {  	[dreg:$0x1] =	wrdreg $0xFFFFFFFF  }
0xc1: {  	_ =	task.clear_ibuf [dreg:s6], $0x2FFFF;
	_ =	strace $0x9FFFFFFF  }
0xc2: {  	(tm) =	ssettm $0x7FFFFFFF  }
0xc3: {  	_ =	shalt  }
tec
execute0_lowered:
.L_overlay_start_1:
0x0: {  	(tag) =	ssettag $0x1  }
0x1: {  	s0 =	rddreg [dreg:$0x0]  }
0x2: {  	s1 =	rddreg [dreg:$0x1];
	s3 =	simm.s32 $0x0;
	s2 =	srdreg.scid  }
0x3: {  	s11 =	stileid.u32;
	s28 =	simm.s32 $0x280;
	s29 =	simm.s32 $0x9  }
0x4: {  	s30 =	simm.s32 $0x2;
	s31 =	simm.s32 $0x2C00;
	s7 =	smul.u32 $0x14000, s11  }
0x5: {  	[smem:$0x7FF] =	sst s3;
	s2 =	sand.u32 $0x1, s2;
	s24 =	smul.u32 $0x50000, s11  }
0x6: {  	s8 =	sshll.u32 s11, $0x1;
	s4 =	sadd.s32 $0x17600, s0;
	s11 =	smul.u32 $0x4E20, s11  }
0x7: {  	s5 =	sadd.s32 $0x3A00, s0;
	s6 =	smul.u32 $0x140000, s2;
	_ =	strace $0x8000004D  }
0x8: {  	s8 =	sor.u32 s2, s8;
	s9 =	ssub.s32 $0x2, s2;
	s2 =	smul.u32 $0x2710, s2  }
0x9: {  	s8 =	smul.u32 $0x2710, s8;
	s10 =	sshrl.u32 s9, $0x1;
	s7 =	sadd.s32 s7, s6  }
0xa: {  	s6 =	sadd.s32 $0xD800, s0;
	s18 =	ssub.s32 s9, s10;
	s2 =	sadd.s32 s2, s11  }
0xb: {  	s7 =	sshrl.u32 s7, $0x3;
	s19 =	sshrl.u32 s8, $0x3;
	s8 =	sadd.s32 $0x140, s8  }
0xc: {  	s11 =	sadd.s32 $0xF0, s2;
	s20 =	sadd.s32 s5, s19;
	[dreg:$0x5] =	wrdreg s8  }
0xd: {  	s21 =	sadd.s32 s6, s19;
	s22 =	sadd.s32 $0xA, s19;
	[dreg:$0x3] =	wrdreg s20  }
0xe: {  	s13 =	sadd.s32 $0xA0, s2;
	[dreg:$0x4] =	wrdreg s21;
	s23 =	sadd.s32 s5, s22  }
0xf: {  	s25 =	sadd.s32 $0x14, s19;
	s10 =	sadd.s32 s6, s22;
	[dreg:$0x6] =	wrdreg s23  }
0x10: {  	s9 =	sadd.s32 $0x1E, s19;
	s12 =	sadd.s32 s5, s25;
	[dreg:$0x7] =	wrdreg s10  }
0x11: {  	s0 =	sadd.s32 s7, s0;
	s26 =	sadd.s32 s5, s9;
	[dreg:$0x8] =	wrdreg s12  }
0x12: {  	s7 =	sshrl.u32 s13, $0x3;
	s9 =	sadd.s32 s6, s9;
	[dreg:$0xa] =	wrdreg s26  }
0x13: {  	s13 =	simm.s32 $0x7C00;
	s0 =	sadd.s32 $0x3E800, s0;
	[dreg:$0xb] =	wrdreg s9  }
0x14: {  	s15 =	sadd.s32 s7, s6;
	s17 =	sadd.s32 s7, s5;
	[dreg:$0xc] =	wrdreg s0  }
0x15: {  	s7 =	simm.s32 $0x400;
	s10 =	sadd.s32 s6, s25;
	[dreg:$0x12] =	wrdreg s15  }
0x16: {  	s9 =	sshrl.u32 s24, $0x2;
	s12 =	sadd.s32 $0x140, s2;
	[dreg:$0x13] =	wrdreg s17  }
0x17: {  	s0 =	sshrl.u32 s11, $0x3;
	s2 =	sadd.s32 $0x50, s2;
	[dreg:$0x9] =	wrdreg s10  }
0x18: {  	s17 =	simm.s32 $0x3;
	s10 =	smax.u32 s18, $0x1;
	[dreg:$0xf] =	wrdreg s12  }
0x19: {  	s11 =	simm.s32 $0x180;
	s14 =	sadd.s32 s0, s6;
	[dreg:$0xe] =	wrdreg s10  }
0x1a: {  	s15 =	simm.s32 $0x6;
	s0 =	sadd.s32 s0, s5;
	[dreg:$0x10] =	wrdreg s14  }
0x1b: {  	s8 =	sadd.s32 s9, s1;
	s16 =	sshrl.u32 s2, $0x3;
	[dreg:$0x11] =	wrdreg s0  }
0x1c: {  	s2 =	simm.s32 $0x300;
	s18 =	sadd.s32 s16, s6;
	[dreg:$0xd] =	wrdreg s8  }
0x1d: {  	s9 =	simm.s32 $0x380;
	s19 =	sadd.s32 $0x2800, s8;
	[dreg:$0x14] =	wrdreg s18  }
0x1e: {  	s12 =	simm.s32 $0x4;
	s20 =	sadd.s32 $0x5000, s8;
	[dreg:$0x15] =	wrdreg s19  }
0x1f: {  	s25 =	sadd.s32 s16, s5;
	s21 =	sadd.s32 $0x7800, s8;
	[dreg:$0x16] =	wrdreg s20  }
0x20: {  	s22 =	sadd.s32 $0xA000, s8;
	s23 =	sadd.s32 $0xC800, s8;
	[dreg:$0x17] =	wrdreg s21  }
0x21: {  	s24 =	sadd.s32 $0xF000, s8;
	s26 =	sadd.s32 $0x11800, s8;
	[dreg:$0x18] =	wrdreg s22  }
.Ltmp0:
0x22: {  	s16 =	simm.s32 $0x200;
	[dreg:$0x19] =	wrdreg s23;
	(pc) =	sbr.rel .LBB2_1-.Ltmp0, $4  }
0x23: {  	s0 =	simm.s32 $0x100;
	s10 =	simm.s32 $0x5400;
	[dreg:$0x1a] =	wrdreg s24  }
0x24: {  	s14 =	simm.s32 $0x5;
	s8 =	simm.s32 $0x7;
	[dreg:$0x1b] =	wrdreg s26  }
0x25: {  	s23 =	simm.s32 $0xA;
	s18 =	simm.s32 $0x1;
	s19 =	simm.s32 $0x50  }
0x26: {  	v0 =	vimm.f32 $0.0e+00;
	s26 =	simm.s32 $0x80;
	s20 =	simm.s32 $0x8;
	s22 =	simm.s32 $0x0  }
.LBB2_8:
0x27: {  	_ =	swait.ge [sflag:s18], $0x50  }
0x28: {  	[sflag:s18] =	ssyncset.done $0x0  }
0x29: {  	[sflag:s18] =	ssyncadd.s32 $0xFFFFFFB0  }
0x2a: {  	_ =	swait.ge [sflag:s18], $0x50  }
0x2b: {  	[sflag:s18] =	ssyncset.done $0x0  }
0x2c: {  	[sflag:s18] =	ssyncadd.s32 $0xFFFFFFB0  }
0x2d: {  	[tilespmem:s7], [sflag:$0x9] =	stream.indirect.gather [hbm4b:s4+s19], $0x80, s3, s19, $0xb8;
	[tilespmem:$0x1E400] =	vst v63  }
0x2e: {  	_ =	swait.ge [sflag:s15], $0x2800  }
0x2f: {  	[sflag:s15] =	ssyncset.done $0x0  }
0x30: {  	[sflag:s15] =	ssyncadd.s32 $0xFFFFD800  }
0x31: {  	_ =	swait.ge [sflag:s29], $0x2800  }
0x32: {  	[sflag:s29] =	ssyncset.done $0x0  }
0x33: {  	[sflag:s29] =	ssyncadd.s32 $0xFFFFD800  }
0x34: {  	[spmem:s1] =	stream.indirect.scatter.add.f32 [tilespmem:s7], [sflag:$0x5], $0x80, s16, s19, $0xb8;
	[tilespmem:$0x1E400] =	vst v63  }
0x35: {  	_ =	swait.ge [sflag:s8], $0x2800  }
0x36: {  	[sflag:s8] =	ssyncset.done $0x0  }
0x37: {  	[sflag:s8] =	ssyncadd.s32 $0xFFFFD800  }
0x38: {  	_ =	swait.ge [sflag:s20], $0x2800  }
0x39: {  	[sflag:s20] =	ssyncset.done $0x0  }
0x3a: {  	[sflag:s20] =	ssyncadd.s32 $0xFFFFD800  }
0x3b: {  	_ =	swait.ge [sflag:s14], $0x2800  }
0x3c: {  	[sflag:s14] =	ssyncset.done $0x0  }
0x3d: {  	[sflag:s14] =	ssyncadd.s32 $0xFFFFD800  }
0x3e: {  	s21 =	stileid.u32;
	[bflag:$0x0] =	sbarrier.arrive $0xFFFF  }
0x3f: {  	s21 =	sshll.u32 s21, $0x6;
	s22 =	rddreg [dreg:$0xd]  }
0x40: {  	s21 =	sor.u32 $0x1C0A, s21;
	s23 =	rddreg [dreg:$0xc];
	s22 =	sshrl.u32 s22, $0x3  }
0x41: {  	[hbm:s23], [sflag:s21] =	dma.local [spmem:s22], $0x2800  }
0x42: {  	s23 =	simm.s32 $0xA  }
0x43: {  	_ =	swait.ge [sflag:s23], $0x2800  }
0x44: {  	s21 =	rddreg [dreg:$0x1c]  }
0x45: {  	s24 =	rddreg [dreg:$0xe];
	s22 =	sadd.s32 $0x1, s21  }
0x46: {  	p0 =	sne.s32 s22, s24  }
.Ltmp1:
0x47: {  	_ = 	snop;
	(pc) =	sbr.rel @!p0 .LBB2_9-.Ltmp1, $3  }
0x48: {  	_ =	sdelay $0x1  }
0x49: {  	[sflag:s23] =	ssyncset.done $0x0  }
0x4a: {  	[sflag:s23] =	ssyncadd.s32 $0xFFFFD800  }
.LBB2_1:
0x4b: {  	[dreg:$0x1c] =	wrdreg s22;
	s21 =	simm.s32 $0x70;
	s22 =	simm.s32 $0x3C0  }
.LBB2_2:
0x4c: {  	p0 =	sne.s32 s22, $0x9FC0;
	[tilespmem:s21+$0x400] =	vst v0  }
0x4d: {  	[tilespmem:s21+$0x390] =	vst v0  }
0x4e: {  	[tilespmem:s21+$0x3A0] =	vst v0  }
.Ltmp2:
0x4f: {  	[tilespmem:s21+$0x3B0] =	vst v0;
	(pc) =	sbr.rel @p0 .LBB2_2-.Ltmp2, $4  }
0x50: {  	[tilespmem:s21+$0x3C0] =	vst v0  }
0x51: {  	[tilespmem:s21+$0x3D0] =	vst v0  }
0x52: {  	[tilespmem:s21+$0x3E0] =	vst v0  }
0x53: {  	[tilespmem:s21+$0x3F0] =	vst v0;
	s21 =	sshra.s32 s22, $0x2;
	s22 =	sadd.s32 $0x200, s22  }
0x54: {  	[tilespmem:s21+$0x400] =	vst v0  }
0x55: {  	[tilespmem:s21+$0x390] =	vst v0  }
0x56: {  	[tilespmem:s21+$0x3A0] =	vst v0  }
0x57: {  	[tilespmem:s21+$0x3B0] =	vst v0  }
0x58: {  	[tilespmem:s21+$0x3C0] =	vst v0  }
0x59: {  	[tilespmem:s21+$0x3D0] =	vst v0  }
0x5a: {  	[tilespmem:s21+$0x3E0] =	vst v0  }
0x5b: {  	[tilespmem:s21+$0x3F0] =	vst v0;
	s24 =	rddreg [dreg:$0xd]  }
0x5c: {  	[spmem:s24] =	stream.linear.scatter [tilespmem:s7], [sflag:$0xA], $0x2800, $0x38;
	[tilespmem:$0x1E400] =	vst v63  }
0x5d: {  	_ =	swait.ge [sflag:s23], $0x2800  }
0x5e: {  	[sflag:s23] =	ssyncset.done $0x0  }
0x5f: {  	s22 =	rddreg [dreg:$0x15];
	[sflag:s23] =	ssyncadd.s32 $0xFFFFD800  }
0x60: {  	[spmem:s22] =	stream.linear.scatter [tilespmem:s7], [sflag:$0xA], $0x2800, $0x38;
	[tilespmem:$0x1E400] =	vst v63  }
0x61: {  	_ =	swait.ge [sflag:s23], $0x2800  }
0x62: {  	[sflag:s23] =	ssyncset.done $0x0  }
0x63: {  	s24 =	rddreg [dreg:$0x16];
	[sflag:s23] =	ssyncadd.s32 $0xFFFFD800  }
0x64: {  	[spmem:s24] =	stream.linear.scatter [tilespmem:s7], [sflag:$0xA], $0x2800, $0x38;
	[tilespmem:$0x1E400] =	vst v63  }
0x65: {  	_ =	swait.ge [sflag:s23], $0x2800  }
0x66: {  	[sflag:s23] =	ssyncset.done $0x0  }
0x67: {  	s22 =	rddreg [dreg:$0x17];
	[sflag:s23] =	ssyncadd.s32 $0xFFFFD800  }
0x68: {  	[spmem:s22] =	stream.linear.scatter [tilespmem:s7], [sflag:$0xA], $0x2800, $0x38;
	[tilespmem:$0x1E400] =	vst v63  }
0x69: {  	_ =	swait.ge [sflag:s23], $0x2800  }
0x6a: {  	[sflag:s23] =	ssyncset.done $0x0  }
0x6b: {  	s24 =	rddreg [dreg:$0x18];
	[sflag:s23] =	ssyncadd.s32 $0xFFFFD800  }
0x6c: {  	[spmem:s24] =	stream.linear.scatter [tilespmem:s7], [sflag:$0xA], $0x2800, $0x38;
	[tilespmem:$0x1E400] =	vst v63  }
0x6d: {  	_ =	swait.ge [sflag:s23], $0x2800  }
0x6e: {  	[sflag:s23] =	ssyncset.done $0x0  }
0x6f: {  	s22 =	rddreg [dreg:$0x19];
	[sflag:s23] =	ssyncadd.s32 $0xFFFFD800  }
0x70: {  	[spmem:s22] =	stream.linear.scatter [tilespmem:s7], [sflag:$0xA], $0x2800, $0x38;
	[tilespmem:$0x1E400] =	vst v63  }
0x71: {  	_ =	swait.ge [sflag:s23], $0x2800  }
0x72: {  	[sflag:s23] =	ssyncset.done $0x0  }
0x73: {  	s24 =	rddreg [dreg:$0x1a];
	[sflag:s23] =	ssyncadd.s32 $0xFFFFD800  }
0x74: {  	[spmem:s24] =	stream.linear.scatter [tilespmem:s7], [sflag:$0xA], $0x2800, $0x38;
	[tilespmem:$0x1E400] =	vst v63  }
0x75: {  	_ =	swait.ge [sflag:s23], $0x2800  }
0x76: {  	[sflag:s23] =	ssyncset.done $0x0  }
0x77: {  	s22 =	rddreg [dreg:$0x1b];
	[sflag:s23] =	ssyncadd.s32 $0xFFFFD800  }
0x78: {  	[spmem:s22] =	stream.linear.scatter [tilespmem:s7], [sflag:$0xA], $0x2800, $0x38;
	[tilespmem:$0x1E400] =	vst v63  }
0x79: {  	_ =	swait.ge [sflag:s23], $0x2800  }
0x7a: {  	[sflag:s23] =	ssyncset.done $0x0  }
0x7b: {  	[sflag:s23] =	ssyncadd.s32 $0xFFFFD800  }
0x7c: {  	[bflag:$0x0] =	sbarrier.arrive $0xFFFF  }
.Ltmp3:
0x7d: {  	s22 =	rddreg [dreg:$0x3];
	(pc) =	sbr.rel .LBB2_4-.Ltmp3, $4  }
0x7e: {  	s21 =	simm.s32 $0x0;
	s24 =	rddreg [dreg:$0x4]  }
0x7f: {  	[tilespmem:s21], [sflag:$0x1] =	stream.linear.gather [hbm4b:s22+s21], $0x50, $0x38;
	[tilespmem:$0x1E400] =	vst v63  }
0x80: {  	s23 =	rddreg [dreg:$0xf]  }
0x81: {  	[tilespmem:s16], [sflag:$0x1] =	stream.linear.gather [hbm4b:s24+s21], $0x50, $0x38;
	[tilespmem:$0x1E400] =	vst v63  }
.LBB2_6:
0x82: {  	_ =	swait.ge [sflag:s15], $0x2800  }
0x83: {  	[sflag:s15] =	ssyncset.done $0x0  }
0x84: {  	s22 =	sadd.s32 s21, s25;
	s24 =	rddreg [dreg:$0x14];
	[sflag:s15] =	ssyncadd.s32 $0xFFFFD800  }
0x85: {  	[tilespmem:s26], [sflag:$0x2] =	stream.linear.gather [hbm4b:s22+s3], $0x50, $0x38;
	[tilespmem:$0x1E400] =	vst v63  }
0x86: {  	s22 =	sadd.s32 s21, s24  }
0x87: {  	[tilespmem:s28], [sflag:$0x2] =	stream.linear.gather [hbm4b:s22+s3], $0x50, $0x38;
	[tilespmem:$0x1E400] =	vst v63  }
0x88: {  	_ =	swait.ge [sflag:s29], $0x2800  }
0x89: {  	[sflag:s29] =	ssyncset.done $0x0  }
0x8a: {  	[sflag:s29] =	ssyncadd.s32 $0xFFFFD800  }
0x8b: {  	[spmem:s1] =	stream.indirect.scatter.add.f32 [tilespmem:s7], [sflag:$0x5], $0x80, s16, s19, $0xb8;
	[tilespmem:$0x1E400] =	vst v63  }
0x8c: {  	_ =	swait.ge [sflag:s30], $0x50  }
0x8d: {  	[sflag:s30] =	ssyncset.done $0x0  }
0x8e: {  	[sflag:s30] =	ssyncadd.s32 $0xFFFFFFB0  }
0x8f: {  	_ =	swait.ge [sflag:s30], $0x50  }
0x90: {  	[sflag:s30] =	ssyncset.done $0x0  }
0x91: {  	[sflag:s30] =	ssyncadd.s32 $0xFFFFFFB0  }
0x92: {  	[tilespmem:s31], [sflag:$0x9] =	stream.indirect.gather [hbm4b:s4+s19], $0x80, s26, s19, $0xb8;
	[tilespmem:$0x1E400] =	vst v63  }
0x93: {  	_ =	swait.ge [sflag:s8], $0x2800  }
0x94: {  	[sflag:s8] =	ssyncset.done $0x0;
	s24 =	rddreg [dreg:$0x13]  }
0x95: {  	[sflag:s8] =	ssyncadd.s32 $0xFFFFD800;
	s22 =	sadd.s32 s21, s24;
	s24 =	rddreg [dreg:$0x12]  }
0x96: {  	[tilespmem:s0], [sflag:$0x3] =	stream.linear.gather [hbm4b:s22+s3], $0x50, $0x38;
	[tilespmem:$0x1E400] =	vst v63  }
0x97: {  	s22 =	sadd.s32 s21, s24  }
0x98: {  	[tilespmem:s2], [sflag:$0x3] =	stream.linear.gather [hbm4b:s22+s3], $0x50, $0x38;
	[tilespmem:$0x1E400] =	vst v63  }
0x99: {  	_ =	swait.ge [sflag:s29], $0x2800  }
0x9a: {  	[sflag:s29] =	ssyncset.done $0x0  }
0x9b: {  	[sflag:s29] =	ssyncadd.s32 $0xFFFFD800  }
0x9c: {  	[spmem:s1] =	stream.indirect.scatter.add.f32 [tilespmem:s31], [sflag:$0x6], $0x80, s28, s19, $0xb8;
	[tilespmem:$0x1E400] =	vst v63  }
0x9d: {  	_ =	swait.ge [sflag:s17], $0x50  }
0x9e: {  	[sflag:s17] =	ssyncset.done $0x0  }
0x9f: {  	[sflag:s17] =	ssyncadd.s32 $0xFFFFFFB0  }
0xa0: {  	_ =	swait.ge [sflag:s17], $0x50  }
0xa1: {  	[sflag:s17] =	ssyncset.done $0x0  }
0xa2: {  	[sflag:s17] =	ssyncadd.s32 $0xFFFFFFB0  }
0xa3: {  	[tilespmem:s10], [sflag:$0x9] =	stream.indirect.gather [hbm4b:s4+s19], $0x80, s0, s19, $0xb8;
	[tilespmem:$0x1E400] =	vst v63  }
0xa4: {  	_ =	swait.ge [sflag:s20], $0x2800  }
0xa5: {  	[sflag:s20] =	ssyncset.done $0x0;
	s24 =	rddreg [dreg:$0x11]  }
0xa6: {  	[sflag:s20] =	ssyncadd.s32 $0xFFFFD800;
	s22 =	sadd.s32 s21, s24;
	s24 =	rddreg [dreg:$0x10]  }
0xa7: {  	[tilespmem:s11], [sflag:$0x4] =	stream.linear.gather [hbm4b:s22+s3], $0x50, $0x38;
	[tilespmem:$0x1E400] =	vst v63  }
0xa8: {  	s22 =	sadd.s32 s21, s24  }
0xa9: {  	[tilespmem:s9], [sflag:$0x4] =	stream.linear.gather [hbm4b:s22+s3], $0x50, $0x38;
	[tilespmem:$0x1E400] =	vst v63  }
0xaa: {  	_ =	swait.ge [sflag:s29], $0x2800  }
0xab: {  	[sflag:s29] =	ssyncset.done $0x0  }
0xac: {  	[sflag:s29] =	ssyncadd.s32 $0xFFFFD800  }
0xad: {  	[spmem:s1] =	stream.indirect.scatter.add.f32 [tilespmem:s10], [sflag:$0x7], $0x80, s2, s19, $0xb8;
	[tilespmem:$0x1E400] =	vst v63  }
0xae: {  	_ =	swait.ge [sflag:s12], $0x50  }
0xaf: {  	[sflag:s12] =	ssyncset.done $0x0  }
0xb0: {  	[sflag:s12] =	ssyncadd.s32 $0xFFFFFFB0  }
0xb1: {  	_ =	swait.ge [sflag:s12], $0x50  }
0xb2: {  	[sflag:s12] =	ssyncset.done $0x0  }
0xb3: {  	[sflag:s12] =	ssyncadd.s32 $0xFFFFFFB0  }
0xb4: {  	[tilespmem:s13], [sflag:$0x9] =	stream.indirect.gather [hbm4b:s4+s19], $0x80, s11, s19, $0xb8;
	[tilespmem:$0x1E400] =	vst v63  }
0xb5: {  	_ =	swait.ge [sflag:s14], $0x2800  }
0xb6: {  	[sflag:s14] =	ssyncset.done $0x0  }
0xb7: {  	s22 =	smov.u32 s23;
	[sflag:s14] =	ssyncadd.s32 $0xFFFFD800  }
.LBB2_7:
0xb8: {  	s22 =	sshrl.u32 s22, $0x3  }
0xb9: {  	s21 =	sadd.s32 $0x28, s21;
	s24 =	sadd.s32 s5, s22  }
0xba: {  	[tilespmem:s3], [sflag:$0x1] =	stream.linear.gather [hbm4b:s24+s3], $0x50, $0x38;
	[tilespmem:$0x1E400] =	vst v63  }
0xbb: {  	s22 =	sadd.s32 s6, s22;
	p0 =	sne.s32 s21, $0x4D8  }
0xbc: {  	[tilespmem:s16], [sflag:$0x1] =	stream.linear.gather [hbm4b:s22+s3], $0x50, $0x38;
	[tilespmem:$0x1E400] =	vst v63  }
.Ltmp4:
0xbd: {  	_ = 	snop;
	(pc) =	sbr.rel @!p0 .LBB2_8-.Ltmp4, $4  }
0xbe: {  	_ =	swait.ge [sflag:s29], $0x2800  }
0xbf: {  	[sflag:s29] =	ssyncset.done $0x0  }
0xc0: {  	s23 =	sadd.s32 $0x140, s23;
	[sflag:s29] =	ssyncadd.s32 $0xFFFFD800  }
0xc1: {  	[spmem:s1] =	stream.indirect.scatter.add.f32 [tilespmem:s13], [sflag:$0x8], $0x80, s9, s19, $0xb8;
	[tilespmem:$0x1E400] =	vst v63  }
.LBB2_4:
0xc2: {  	_ =	swait.ge [sflag:s18], $0x50  }
0xc3: {  	p0 =	sne.s32 s21, $0x0;
	[sflag:s18] =	ssyncset.done $0x0  }
.Ltmp5:
0xc4: {  	[sflag:s18] =	ssyncadd.s32 $0xFFFFFFB0;
	(pc) =	sbr.rel @p0 .LBB2_6-.Ltmp5, $4  }
0xc5: {  	_ =	swait.ge [sflag:s18], $0x50  }
0xc6: {  	[sflag:s18] =	ssyncset.done $0x0  }
0xc7: {  	[sflag:s18] =	ssyncadd.s32 $0xFFFFFFB0  }
0xc8: {  	[tilespmem:s7], [sflag:$0x9] =	stream.indirect.gather [hbm4b:s4+s19], $0x80, s3, s19, $0xb8;
	[tilespmem:$0x1E400] =	vst v63  }
0xc9: {  	s22 =	rddreg [dreg:$0x6]  }
0xca: {  	[tilespmem:s26], [sflag:$0x2] =	stream.linear.gather [hbm4b:s22+s3], $0x50, $0x38;
	[tilespmem:$0x1E400] =	vst v63  }
0xcb: {  	s24 =	rddreg [dreg:$0x7]  }
0xcc: {  	[tilespmem:s28], [sflag:$0x2] =	stream.linear.gather [hbm4b:s24+s3], $0x50, $0x38;
	[tilespmem:$0x1E400] =	vst v63  }
0xcd: {  	_ =	swait.ge [sflag:s29], $0x2800  }
0xce: {  	[sflag:s29] =	ssyncset.done $0x0  }
0xcf: {  	[sflag:s29] =	ssyncadd.s32 $0xFFFFD800  }
0xd0: {  	[spmem:s1] =	stream.indirect.scatter.add.f32 [tilespmem:s7], [sflag:$0x5], $0x80, s16, s19, $0xb8;
	[tilespmem:$0x1E400] =	vst v63  }
0xd1: {  	_ =	swait.ge [sflag:s30], $0x50  }
0xd2: {  	[sflag:s30] =	ssyncset.done $0x0  }
0xd3: {  	[sflag:s30] =	ssyncadd.s32 $0xFFFFFFB0  }
0xd4: {  	_ =	swait.ge [sflag:s30], $0x50  }
0xd5: {  	[sflag:s30] =	ssyncset.done $0x0  }
0xd6: {  	[sflag:s30] =	ssyncadd.s32 $0xFFFFFFB0  }
0xd7: {  	[tilespmem:s31], [sflag:$0x9] =	stream.indirect.gather [hbm4b:s4+s19], $0x80, s26, s19, $0xb8;
	[tilespmem:$0x1E400] =	vst v63  }
0xd8: {  	s24 =	rddreg [dreg:$0x8]  }
0xd9: {  	[tilespmem:s0], [sflag:$0x3] =	stream.linear.gather [hbm4b:s24+s3], $0x50, $0x38;
	[tilespmem:$0x1E400] =	vst v63  }
0xda: {  	s24 =	rddreg [dreg:$0x9]  }
0xdb: {  	[tilespmem:s2], [sflag:$0x3] =	stream.linear.gather [hbm4b:s24+s3], $0x50, $0x38;
	[tilespmem:$0x1E400] =	vst v63  }
0xdc: {  	_ =	swait.ge [sflag:s29], $0x2800  }
0xdd: {  	[sflag:s29] =	ssyncset.done $0x0  }
0xde: {  	[sflag:s29] =	ssyncadd.s32 $0xFFFFD800  }
0xdf: {  	[spmem:s1] =	stream.indirect.scatter.add.f32 [tilespmem:s31], [sflag:$0x6], $0x80, s28, s19, $0xb8;
	[tilespmem:$0x1E400] =	vst v63  }
0xe0: {  	_ =	swait.ge [sflag:s17], $0x50  }
0xe1: {  	[sflag:s17] =	ssyncset.done $0x0  }
0xe2: {  	[sflag:s17] =	ssyncadd.s32 $0xFFFFFFB0  }
0xe3: {  	_ =	swait.ge [sflag:s17], $0x50  }
0xe4: {  	[sflag:s17] =	ssyncset.done $0x0  }
0xe5: {  	[sflag:s17] =	ssyncadd.s32 $0xFFFFFFB0  }
0xe6: {  	[tilespmem:s10], [sflag:$0x9] =	stream.indirect.gather [hbm4b:s4+s19], $0x80, s0, s19, $0xb8;
	[tilespmem:$0x1E400] =	vst v63  }
0xe7: {  	s24 =	rddreg [dreg:$0xa]  }
0xe8: {  	[tilespmem:s11], [sflag:$0x4] =	stream.linear.gather [hbm4b:s24+s3], $0x50, $0x38;
	[tilespmem:$0x1E400] =	vst v63  }
0xe9: {  	s24 =	rddreg [dreg:$0xb]  }
0xea: {  	[tilespmem:s9], [sflag:$0x4] =	stream.linear.gather [hbm4b:s24+s3], $0x50, $0x38;
	[tilespmem:$0x1E400] =	vst v63  }
0xeb: {  	_ =	swait.ge [sflag:s29], $0x2800  }
0xec: {  	[sflag:s29] =	ssyncset.done $0x0  }
0xed: {  	[sflag:s29] =	ssyncadd.s32 $0xFFFFD800  }
0xee: {  	[spmem:s1] =	stream.indirect.scatter.add.f32 [tilespmem:s10], [sflag:$0x7], $0x80, s2, s19, $0xb8;
	[tilespmem:$0x1E400] =	vst v63  }
0xef: {  	_ =	swait.ge [sflag:s12], $0x50  }
0xf0: {  	[sflag:s12] =	ssyncset.done $0x0  }
0xf1: {  	[sflag:s12] =	ssyncadd.s32 $0xFFFFFFB0  }
0xf2: {  	_ =	swait.ge [sflag:s12], $0x50  }
0xf3: {  	[sflag:s12] =	ssyncset.done $0x0  }
.Ltmp6:
0xf4: {  	[sflag:s12] =	ssyncadd.s32 $0xFFFFFFB0;
	(pc) =	sbr.rel .LBB2_7-.Ltmp6, $4  }
0xf5: {  	[tilespmem:s13], [sflag:$0x9] =	stream.indirect.gather [hbm4b:s4+s19], $0x80, s11, s19, $0xb8;
	[tilespmem:$0x1E400] =	vst v63  }
0xf6: {  	_ =	swait.ge [sflag:s14], $0x2800  }
0xf7: {  	[sflag:s14] =	ssyncset.done $0x0  }
0xf8: {  	s22 =	rddreg [dreg:$0x5];
	[sflag:s14] =	ssyncadd.s32 $0xFFFFD800  }
.LBB2_9:
0xf9: {  	_ =	sfence.sel $0x180000  }
0xfa: {  	[bflag:$0x0] =	sbarrier.arrive $0xFFFF  }
0xfb: {  	_ =	strace $0x9000004D  }
0xfc: {  	s0 =	stileid.u32;
	[bflag:$0x2] =	sbarrier.arrive $0xFFFF  }
0xfd: {  	p0 =	sne.s32 s0, $0x0;
	s0 =	rddreg [dreg:$0x2]  }
0xfe: {  	s0 =	sadd.s32 @!p0 $0x100000, s0  }
0xff: {  	[sflag:s0] =	ssyncadd.tile.s32 @!p0 $0x1;
	_ =	shalt  }
.Lfunc_end2:
_tile_overlayer_lowered:
.L_overlay_start_2:
0x100: {  	(tag) =	ssettag $0x2  }
0x101: {  	s0 =	rddreg [dreg:$0x0];
	s2 =	stileid.u32  }
0x102: {  	s1 =	rddreg [dreg:$0x1];
	p0 =	sne.s32 s2, $0x0  }
0x103: {  	s3 =	rddreg [dreg:$0x2];
	[bflag:$0x3] =	sbarrier.arrive $0xFFFF;
	s2 =	simm.s32 @!p0 $0x1C0A  }
0x104: {  	[timem:s3], [sflag:s2] =	dma.local @!p0 [hbm:s0], s1  }
0x105: {  	s0 =	simm.s32 @!p0 $0xA  }
0x106: {  	_ =	swait.ge @!p0 [sflag:s0], s1  }
0x107: {  	s1 =	ssub.s32 @!p0 $0x0, s1;
	[sflag:s0] =	ssyncset.done @!p0 $0x0  }
0x108: {  	[sflag:s0] =	ssyncadd.s32 @!p0 s1  }
0x109: {  	[bflag:$0x3] =	sbarrier.arrive $0xFFFF  }
0x10a: {  	_ =	shalt  }

// kernel: kernel.19.cloned.1.call-start
scs
__scs_entry_jumppad:
0x0: {  	(pc) =	sbr.rel $0x88, $3  }
0x1: {  	(tag) =	ssettag $0x0;
	lr =	simm.s32 $0x1  }
0x2: {  	[smem:$0x3F98] =	sst lr;
	_ =	strace $0xD0000000  }
0x3: {  	_ = 	snop  }
0x4: {  	_ = 	snop  }
0x5: {  	_ = 	snop  }
0x6: {  	_ = 	snop  }
0x7: {  	_ = 	snop  }
__scs_overlays_trampoline_lowered:
0x8: {  	[smem:$0x3FA7] =	sst s0  }
0x9: {  	[smem:$0x3FA8] =	sst s1  }
0xa: {  	[smem:$0x3FA9] =	sst s2  }
0xb: {  	[smem:$0x3FAA] =	sst s3  }
0xc: {  	[smem:$0x3FAB] =	sst s4  }
0xd: {  	[smem:$0x3FAC] =	sst s5  }
0xe: {  	[smem:$0x3FAD] =	sst s6  }
0xf: {  	[smem:$0x3FAE] =	sst s7  }
0x10: {  	[smem:$0x3FAF] =	sst s8  }
0x11: {  	[smem:$0x3FB0] =	sst s9;
	s0 =	simm.s32 @!p0 $0x0  }
0x12: {  	s1 =	sld [smem:$0x3F96];
	s0 =	simm.s32 @p0 $0x1  }
0x13: {  	[smem:$0x3FB1] =	sst s0;
	s0 =	simm.s32 @!p1 $0x0  }
0x14: {  	s2 =	sld [smem:$0x3F95];
	s0 =	simm.s32 @p1 $0x1  }
0x15: {  	[smem:$0x3FB2] =	sst s0;
	s0 =	simm.s32 @!p2 $0x0  }
0x16: {  	s3 =	sld [smem:$0x3FDB];
	s0 =	simm.s32 @p2 $0x1  }
0x17: {  	s4 =	simm.s32 $0x1BF5;
	[smem:$0x3FB4] =	sst s0  }
0x18: {  	s0 =	sld [smem:$0x3F97];
	_ =	swait.ge [sflag:s4], $0x0  }
0x19: {  	s7 =	sld [smem:$0x3F98]  }
0x1a: {  	s8 =	sadd.s32 $0xFFFFE003, lr  }
0x1b: {  	s9 =	sadd.s32 $0xFFFFFEF7, lr;
	s5 =	simm.s32 $0xFFFFFFFF;
	p2 =	slt.u32 s8, $0xFFFFF086  }
0x1c: {  	p1 =	slt.u32 s9, $0xF7A;
	s5 =	simm.s32 @!p2 $0x0  }
0x1d: {  	s5 =	simm.s32 @p1 $0x1;
	p0 =	seq.s32 s7, s2  }
0x1e: {  	s7 =	smul.u32 @!p0 $0xF7A, s2;
	p2 =	seq.s32 @!p0 s5, $0x0  }
0x1f: {  	s9 =	smul.u32 $0xF7A, s1;
	s8 =	simm.s32 @!p0 $0x1BF5;
	p2 =	por !p2, p0  }
0x20: {  	[sflag:s8] =	ssyncset.s32 @!p0 $0xFFFFF086;
	s6 =	sadd.s32 @!p0 s3, s7;
	s7 =	simm.s32 @!p0 $0x108  }
0x21: {  	s3 =	sadd.s32 s3, s9;
	s6 =	sadd.s32 @!p0 $0x88, s6;
	s7 =	simm.s32 @p2 $0x1082  }
0x22: {  	[simem:s7], [sflag:s8] =	dma.local @!p0 [hbm:s6], $0xF7A  }
0x23: {  	s9 =	sor.u32 $0xD0000000, s2;
	s6 =	simm.s32 $0x108;
	_ =	swait.ge @!p0 [sflag:s8], $0x0  }
0x24: {  	s3 =	sadd.s32 $0x88, s3;
	s6 =	simm.s32 @!p1 $0x1082;
	[sflag:s4] =	ssyncset.s32 $0xFFFFF086  }
0x25: {  	[simem:s6], [sflag:s4] =	dma.local [hbm:s3], $0xF7A  }
0x26: {  	[smem:$0x3F98] =	sst s1;
	(tag) =	ssettag s2;
	_ =	strace s9  }
0x27: {  	s1 =	sld [smem:$0x3FA8]  }
0x28: {  	s2 =	sld [smem:$0x3FA9]  }
0x29: {  	s4 =	sld [smem:$0x3FAB]  }
0x2a: {  	p0 =	seq.s32 s5, $0x0;
	s5 =	sld [smem:$0x3FAC]  }
0x2b: {  	s6 =	sld [smem:$0x3FAD]  }
0x2c: {  	s7 =	sld [smem:$0x3FAE]  }
0x2d: {  	s3 =	simm.s32 $0x108;
	s8 =	sld [smem:$0x3FAF]  }
0x2e: {  	s3 =	simm.s32 @!p0 $0x1082;
	s9 =	sld [smem:$0x3FB0]  }
0x2f: {  	lr =	sadd.s32 s0, s3;
	s0 =	sld [smem:$0x3FA7]  }
0x30: {  	s3 =	sld [smem:$0x3FAA]  }
0x31: {  	[smem:$0x3FB3] =	sst s10  }
0x32: {  	s10 =	sld [smem:$0x3FB1];
	_ =	sdelay $0x3  }
0x33: {  	p0 =	seq.s32 s10, $0x1;
	s10 =	sld [smem:$0x3FB3];
	_ =	sdelay $0x3  }
0x34: {  	[smem:$0x3FB3] =	sst s10  }
0x35: {  	s10 =	sld [smem:$0x3FB2];
	_ =	sdelay $0x3  }
0x36: {  	p1 =	seq.s32 s10, $0x1;
	s10 =	sld [smem:$0x3FB3];
	_ =	sdelay $0x3  }
0x37: {  	[smem:$0x3FB3] =	sst s10  }
0x38: {  	s10 =	sld [smem:$0x3FB4]  }
0x39: {  	_ = 	snop;
	(pc) =	sbr.ind lr, $3  }
0x3a: {  	_ = 	snop  }
0x3b: {  	_ = 	snop  }
0x3c: {  	p2 =	seq.s32 s10, $0x1;
	s10 =	sld [smem:$0x3FB3]  }
0x3d: {  	_ =	shalt  }
0x3e: {  	_ =	shalt  }
0x3f: {  	_ =	shalt  }
0x40: {  	_ =	shalt  }
0x41: {  	_ =	shalt  }
0x42: {  	_ =	shalt  }
0x43: {  	_ =	shalt  }
0x44: {  	_ =	shalt  }
0x45: {  	_ =	shalt  }
0x46: {  	_ =	shalt  }
0x47: {  	_ =	shalt  }
0x48: {  	_ =	shalt  }
0x49: {  	_ =	shalt  }
0x4a: {  	_ =	shalt  }
0x4b: {  	_ =	shalt  }
0x4c: {  	_ =	shalt  }
0x4d: {  	_ =	shalt  }
0x4e: {  	_ =	shalt  }
0x4f: {  	_ =	shalt  }
0x50: {  	_ =	shalt  }
0x51: {  	_ =	shalt  }
0x52: {  	_ =	shalt  }
0x53: {  	_ =	shalt  }
0x54: {  	_ =	shalt  }
0x55: {  	_ =	shalt  }
0x56: {  	_ =	shalt  }
0x57: {  	_ =	shalt  }
0x58: {  	_ =	shalt  }
0x59: {  	_ =	shalt  }
0x5a: {  	_ =	shalt  }
0x5b: {  	_ =	shalt  }
0x5c: {  	_ =	shalt  }
0x5d: {  	_ =	shalt  }
0x5e: {  	_ =	shalt  }
0x5f: {  	_ =	shalt  }
0x60: {  	_ =	shalt  }
0x61: {  	_ =	shalt  }
0x62: {  	_ =	shalt  }
0x63: {  	_ =	shalt  }
0x64: {  	_ =	shalt  }
0x65: {  	_ =	shalt  }
0x66: {  	_ =	shalt  }
0x67: {  	_ =	shalt  }
0x68: {  	_ =	shalt  }
0x69: {  	_ =	shalt  }
0x6a: {  	_ =	shalt  }
0x6b: {  	_ =	shalt  }
0x6c: {  	_ =	shalt  }
0x6d: {  	_ =	shalt  }
0x6e: {  	_ =	shalt  }
0x6f: {  	_ =	shalt  }
0x70: {  	_ =	shalt  }
0x71: {  	_ =	shalt  }
0x72: {  	_ =	shalt  }
0x73: {  	_ =	shalt  }
0x74: {  	_ =	shalt  }
0x75: {  	_ =	shalt  }
0x76: {  	_ =	shalt  }
0x77: {  	_ =	shalt  }
0x78: {  	_ =	shalt  }
0x79: {  	_ =	shalt  }
0x7a: {  	_ =	shalt  }
0x7b: {  	_ =	shalt  }
0x7c: {  	_ =	shalt  }
0x7d: {  	_ =	shalt  }
0x7e: {  	_ =	shalt  }
0x7f: {  	_ =	shalt  }
0x80: {  	_ =	shalt  }
0x81: {  	_ =	shalt  }
0x82: {  	_ =	shalt  }
0x83: {  	_ =	shalt  }
0x84: {  	_ =	shalt  }
0x85: {  	_ =	shalt  }
0x86: {  	_ =	shalt  }
0x87: {  	_ =	shalt  }
.Lfunc_end0:
.L_simem_size_0:
called_computation.3_lowered:
.L_overlay_start_0:
0x88: {  	s2 =	sld [smem:$0x3FD9]  }
0x89: {  	s3 =	sld [smem:$0x3FFE];
	_ =	sdelay $0x1  }
0x8a: {  	s1 =	srdreg.scid  }
0x8b: {  	s0 =	sand.u32 $0x1, s1  }
0x8c: {  	s16 =	sshll.u32 s0, $0xA;
	s2 =	sadd.s32 s3, s2  }
0x8d: {  	s2 =	sadd.s32 s2, s16  }
0x8e: {  	[smem:$0x3FBF] =	sst s2  }
0x8f: {  	_ = 	snop  }
0x90: {  	(tm) =	ssettm $0x1  }
0x91: {  	s17 =	sld [smem:$0x3FFB];
	_ =	sdelay $0x3  }
0x92: {  	_ =	strace s17  }
0x93: {  	s2 =	sld [smem:$0x3FFC];
	_ =	sdelay $0x3  }
0x94: {  	_ =	strace s2  }
0x95: {  	s2 =	sld [smem:$0x3FFD];
	_ =	sdelay $0x3  }
0x96: {  	_ =	strace s2  }
0x97: {  	_ =	strace $0x8FFFFFFF  }
0x98: {  	s18 =	sld [smem:$0x3FDB];
	_ =	sdelay $0x1  }
0x99: {  	s19 =	simm.s32 $_scs_section_size  }
0x9a: {  	s4 =	simm.s32 $_size__tile_overlayer_lowered;
	s5 =	simm.s32 $_tile_overlayer_lowered  }
0x9b: {  	s22 =	simm.s32 $0x1BFF;
	s21 =	sshll.u32 s5, $0x1;
	s2 =	sadd.s32 s19, s18  }
0x9c: {  	s6 =	simm.s32 $0x0;
	s20 =	sshll.u32 s4, $0x1;
	s4 =	sadd.s32 s21, s2  }
0x9d: {  	[timem:s6], [sflag:s22] =	dma.local [hbm:s4], s20  }
0x9e: {  	_ =	swait.ge [sflag:s22], s20  }
0x9f: {  	s3 =	ssub.s32 $0x0, s20;
	[sflag:s22] =	ssyncset.done $0x0  }
0xa0: {  	[sflag:s22] =	ssyncadd.s32 s3;
	_ =	sdelay $0x1  }
0xa1: {  	s23 =	simm.s32 $0x1B8B  }
0xa2: {  	_ =	swait.ge [sflag:s23], $0x1  }
0xa3: {  	[sflag:s23] =	ssyncset.done $0x0  }
0xa4: {  	s25 =	simm.s32 $0x1B8E;
	s24 =	sld [smem:$0x3FFE];
	[sflag:s23] =	ssyncadd.s32 $0xFFFFFFFF  }
0xa5: {  	s26 =	simm.s32 $execute0_lowered;
	[smem:$0x3FD2] =	sst s25  }
0xa6: {  	s4 =	sshll.u32 s26, $0x1;
	_ =	strace $0x8000004F;
	[dreg:$0x1] =	wrdreg $0xFFFFFFFF  }
0xa7: {  	s28 =	simm.s32 $_size_execute0_lowered;
	s2 =	sadd.s32 s2, s4;
	[dreg:$0x0] =	wrdreg $0x0  }
0xa8: {  	s4 =	sshll.u32 s28, $0x1;
	[dreg:$0x2] =	wrdreg s2  }
0xa9: {  	[dreg:$0x3] =	wrdreg s4  }
0xaa: {  	[dreg:$0x4] =	wrdreg $0xC0  }
0xab: {  	_ =	task [dreg:s6], $0x5FFFF  }
0xac: {  	[dreg:$0x1] =	wrdreg $0xFFFFFFFF  }
0xad: {  	[dreg:$0x0] =	wrdreg $0x60  }
0xae: {  	[dreg:$0x2] =	wrdreg s24  }
0xaf: {  	[dreg:$0x3] =	wrdreg $0x84800  }
0xb0: {  	[dreg:$0x4] =	wrdreg $0x88C00  }
0xb1: {  	[dreg:$0x5] =	wrdreg $0x9  }
0xb2: {  	_ =	task.clear_ibuf [dreg:s6], $0x6FFFF;
	_ =	strace $0x9000004F  }
0xb3: {  	s29 =	simm.s32 $0x9;
	_ =	strace $0x80000051  }
0xb4: {  	_ =	swait.ge [sflag:s29], $0x1  }
0xb5: {  	[sflag:s29] =	ssyncadd.s32 $0xFFFFFFFF  }
0xb6: {  	_ =	strace $0x90000051  }
0xb7: {  	_ =	sfence  }
0xb8: {  	s30 =	sld [smem:$0x0];
	_ =	sdelay $0x2  }
0xb9: {  	s31 =	sshll.u32 s1, $0xD;
	s1 =	sshrl.u32 s1, $0x2  }
0xba: {  	s3 =	sand.u32 $0x4000, s31;
	s1 =	sadd.s32 s1, s30  }
0xbb: {  	s0 =	sor.u32 s3, s0;
	s1 =	sshll.u32 s1, $0x11  }
0xbc: {  	s0 =	sor.u32 s1, s0  }
0xbd: {  	s0 =	sadd.s32 $0x8F2B, s0  }
0xbe: {  	[sflag:s0] =	ssyncadd.remote.s32 $0x1  }
0xbf: {  	_ =	sfence.sel $0xFFFF  }
0xc0: {  	[dreg:$0x0] =	wrdreg $0xFFFFFFFF;
	(pc) =	sbr.abs _section_cstart, $3  }
0xc1: {  	[dreg:$0x1] =	wrdreg $0xFFFFFFFF  }
0xc2: {  	_ =	task.clear_ibuf [dreg:s6], $0x2FFFF;
	_ =	strace $0x9FFFFFFF  }
0xc3: {  	(tm) =	ssettm $0x7FFFFFFF  }
tec
execute0_lowered:
.L_overlay_start_1:
0x0: {  	(tag) =	ssettag $0x1  }
0x1: {  	s4 =	rddreg [dreg:$0x0]  }
0x2: {  	s1 =	rddreg [dreg:$0x1]  }
0x3: {  	s2 =	rddreg [dreg:$0x2]  }
0x4: {  	s0 =	rddreg [dreg:$0x3];
	s3 =	simm.s32 $0x0  }
0x5: {  	s5 =	srdreg.scid;
	s17 =	stileid.u32;
	s21 =	simm.s32 $0x0  }
0x6: {  	[smem:$0x7FF] =	sst s3;
	s16 =	sadd.s32 $0x3A00, s4;
	s5 =	sand.u32 $0x1, s5  }
0x7: {  	s8 =	sshll.u32 s17, $0x1;
	s15 =	sadd.s32 $0x8E800, s4;
	p0 =	sne.s32 s17, $0x0  }
0x8: {  	s17 =	simm.s32 $0x1;
	s6 =	smul.u32 $0x880, s5;
	s8 =	sor.u32 s5, s8  }
0x9: {  	_ =	strace $0x80000050;
	s7 =	ssub.s32 $0x2, s5;
	s14 =	smul.u32 $0x140, s8  }
0xa: {  	s9 =	sshrl.u32 s7, $0x1;
	s8 =	smul.u32 $0x1400, s8;
	s28 =	sadd.s32 s6, s4  }
0xb: {  	s29 =	ssub.s32 s7, s9;
	s4 =	sadd.s32 $0x2BA00, s28;
	s5 =	sadd.s32 $0x2CC00, s28  }
0xc: {  	s6 =	smax.u32 s29, $0x1;
	s30 =	sshrl.u32 s14, $0x3;
	s10 =	sadd.s32 $0x40, s14  }
0xd: {  	s8 =	sadd.s32 s16, s8;
	s12 =	sadd.s32 $0x80, s14;
	s18 =	sadd.s32 $0xC0, s14  }
0xe: {  	s14 =	sadd.s32 $0x100, s14;
	s7 =	sadd.s32 s15, s30;
	s31 =	sshrl.u32 s10, $0x3  }
0xf: {  	s10 =	sshll.u32 s10, $0x4;
	s11 =	sshrl.u32 s12, $0x3;
	s12 =	sshll.u32 s12, $0x4  }
0x10: {  	s13 =	sshrl.u32 s18, $0x3;
	s18 =	sshll.u32 s18, $0x4;
	s19 =	sshrl.u32 s14, $0x3  }
0x11: {  	s20 =	sshll.u32 s14, $0x4;
	s9 =	sadd.s32 s15, s31;
	s10 =	sadd.s32 s16, s10  }
0x12: {  	s11 =	sadd.s32 s15, s11;
	s12 =	sadd.s32 s16, s12;
	s13 =	sadd.s32 s15, s13  }
0x13: {  	s14 =	sadd.s32 s16, s18;
	s15 =	sadd.s32 s15, s19;
	s16 =	sadd.s32 s16, s20  }
0x14: {  	v0 =	vimm.f32 $1.000000000e+00;
	v1 =	vimm.f32 $0.0e+00;
	s18 =	simm.s32 $0x80;
	s19 =	simm.s32 $0x40;
	s20 =	simm.s32 $0x2080  }
.LBB2_1:
0x15: {  	s22 =	simm.s32 $0x0;
	s23 =	simm.s32 $0x200  }
.LBB2_2:
0x16: {  	p1 =	sne.s32 s23, $0x7E00;
	[tilespmem:s22+$0x20F0] =	vst v0  }
0x17: {  	[tilespmem:s22+$0x2080] =	vst v0  }
0x18: {  	[tilespmem:s22+$0x2090] =	vst v0  }
.Ltmp0:
0x19: {  	[tilespmem:s22+$0x20A0] =	vst v0;
	(pc) =	sbr.rel @p1 .LBB2_2-.Ltmp0, $4  }
0x1a: {  	[tilespmem:s22+$0x20B0] =	vst v0  }
0x1b: {  	[tilespmem:s22+$0x20C0] =	vst v0  }
0x1c: {  	[tilespmem:s22+$0x20D0] =	vst v0  }
0x1d: {  	[tilespmem:s22+$0x20E0] =	vst v0;
	s22 =	sshra.s32 s23, $0x2;
	s23 =	sadd.s32 $0x200, s23  }
0x1e: {  	[tilespmem:s22+$0x20F0] =	vst v0  }
0x1f: {  	[tilespmem:s22+$0x2080] =	vst v0  }
0x20: {  	[tilespmem:s22+$0x2090] =	vst v0  }
0x21: {  	[tilespmem:s22+$0x20A0] =	vst v0  }
0x22: {  	[tilespmem:s22+$0x20B0] =	vst v0  }
0x23: {  	[tilespmem:s22+$0x20C0] =	vst v0  }
0x24: {  	[tilespmem:s22+$0x20D0] =	vst v0  }
0x25: {  	[tilespmem:s22+$0x20E0] =	vst v0;
	s22 =	simm.s32 $0x70;
	s23 =	simm.s32 $0x3C0  }
.LBB2_4:
0x26: {  	p1 =	sne.s32 s23, $0x10FC0;
	[tilespmem:s22+$0x4080] =	vst v1  }
0x27: {  	[tilespmem:s22+$0x4010] =	vst v1  }
0x28: {  	[tilespmem:s22+$0x4020] =	vst v1  }
.Ltmp1:
0x29: {  	[tilespmem:s22+$0x4030] =	vst v1;
	(pc) =	sbr.rel @p1 .LBB2_4-.Ltmp1, $4  }
0x2a: {  	[tilespmem:s22+$0x4040] =	vst v1  }
0x2b: {  	[tilespmem:s22+$0x4050] =	vst v1  }
0x2c: {  	[tilespmem:s22+$0x4060] =	vst v1  }
0x2d: {  	[tilespmem:s22+$0x4070] =	vst v1;
	s22 =	sshra.s32 s23, $0x2;
	s23 =	sadd.s32 $0x200, s23  }
0x2e: {  	[tilespmem:s22+$0x4080] =	vst v1  }
0x2f: {  	[tilespmem:s22+$0x4010] =	vst v1  }
0x30: {  	[tilespmem:s22+$0x4020] =	vst v1  }
0x31: {  	[tilespmem:s22+$0x4030] =	vst v1  }
0x32: {  	[tilespmem:s22+$0x4040] =	vst v1  }
0x33: {  	[tilespmem:s22+$0x4050] =	vst v1  }
0x34: {  	[tilespmem:s22+$0x4060] =	vst v1  }
0x35: {  	[tilespmem:s22+$0x4070] =	vst v1;
	s23 =	simm.s32 @!p0 $0x4080;
	s22 =	simm.s32 @!p0 $0x1  }
0x36: {  	[spmem:s1] =	stream.linear.scatter @!p0 [tilespmem:s23], [sflag:$0x1], $0x4400, $0x38;
	[tilespmem:$0x8D00] =	vst v63  }
0x37: {  	_ =	swait.ge @!p0 [sflag:s22], $0x4400  }
0x38: {  	[sflag:s22] =	ssyncset.done @!p0 $0x0  }
0x39: {  	[sflag:s22] =	ssyncadd.s32 @!p0 $0xFFFFBC00  }
0x3a: {  	[spmem:s2] =	stream.linear.scatter @!p0 [tilespmem:s23], [sflag:$0x1], $0x4400, $0x38;
	[tilespmem:$0x8D00] =	vst v63  }
0x3b: {  	_ =	swait.ge @!p0 [sflag:s22], $0x4400  }
0x3c: {  	[sflag:s22] =	ssyncset.done @!p0 $0x0  }
0x3d: {  	[sflag:s22] =	ssyncadd.s32 @!p0 $0xFFFFBC00  }
0x3e: {  	[bflag:$0x0] =	sbarrier.arrive $0xFFFF  }
0x3f: {  	[tilespmem:s3], [sflag:$0x1] =	stream.linear.gather [hbm4b:s7+s3], $0x40, $0x38;
	[tilespmem:$0x8D00] =	vst v63  }
0x40: {  	_ =	swait.ge [sflag:s17], $0x40  }
0x41: {  	[sflag:s17] =	ssyncset.done $0x0  }
0x42: {  	[sflag:s17] =	ssyncadd.s32 $0xFFFFFFC0  }
0x43: {  	[tilespmem:s18], [sflag:$0x1] =	stream.linear.gather [hbm4b:s8+s3], $0x2000, $0x38;
	[tilespmem:$0x8D00] =	vst v63  }
0x44: {  	_ =	swait.ge [sflag:s17], $0x2000  }
0x45: {  	[sflag:s17] =	ssyncset.done $0x0  }
0x46: {  	[sflag:s17] =	ssyncadd.s32 $0xFFFFE000  }
0x47: {  	[spmem:s1] =	stream.indirect.scatter.add.f32 [tilespmem:s18], [sflag:$0x1], $0x80, s3, s19, $0xb8;
	[tilespmem:$0x8D00] =	vst v63  }
0x48: {  	_ =	swait.ge [sflag:s17], $0x2000  }
0x49: {  	[sflag:s17] =	ssyncset.done $0x0  }
0x4a: {  	[sflag:s17] =	ssyncadd.s32 $0xFFFFE000  }
0x4b: {  	[spmem:s2] =	stream.indirect.scatter.add.f32 [tilespmem:s20], [sflag:$0x1], $0x80, s3, s19, $0xb8;
	[tilespmem:$0x8D00] =	vst v63  }
0x4c: {  	_ =	swait.ge [sflag:s17], $0x2000  }
0x4d: {  	[sflag:s17] =	ssyncset.done $0x0  }
0x4e: {  	[sflag:s17] =	ssyncadd.s32 $0xFFFFE000  }
0x4f: {  	[tilespmem:s3], [sflag:$0x1] =	stream.linear.gather [hbm4b:s9+s3], $0x40, $0x38;
	[tilespmem:$0x8D00] =	vst v63  }
0x50: {  	_ =	swait.ge [sflag:s17], $0x40  }
0x51: {  	[sflag:s17] =	ssyncset.done $0x0  }
0x52: {  	[sflag:s17] =	ssyncadd.s32 $0xFFFFFFC0  }
0x53: {  	[tilespmem:s18], [sflag:$0x1] =	stream.linear.gather [hbm4b:s10+s3], $0x2000, $0x38;
	[tilespmem:$0x8D00] =	vst v63  }
0x54: {  	_ =	swait.ge [sflag:s17], $0x2000  }
0x55: {  	[sflag:s17] =	ssyncset.done $0x0  }
0x56: {  	[sflag:s17] =	ssyncadd.s32 $0xFFFFE000  }
0x57: {  	[spmem:s1] =	stream.indirect.scatter.add.f32 [tilespmem:s18], [sflag:$0x1], $0x80, s3, s19, $0xb8;
	[tilespmem:$0x8D00] =	vst v63  }
0x58: {  	_ =	swait.ge [sflag:s17], $0x2000  }
0x59: {  	[sflag:s17] =	ssyncset.done $0x0  }
0x5a: {  	[sflag:s17] =	ssyncadd.s32 $0xFFFFE000  }
0x5b: {  	[spmem:s2] =	stream.indirect.scatter.add.f32 [tilespmem:s20], [sflag:$0x1], $0x80, s3, s19, $0xb8;
	[tilespmem:$0x8D00] =	vst v63  }
0x5c: {  	_ =	swait.ge [sflag:s17], $0x2000  }
0x5d: {  	[sflag:s17] =	ssyncset.done $0x0  }
0x5e: {  	[sflag:s17] =	ssyncadd.s32 $0xFFFFE000  }
0x5f: {  	[tilespmem:s3], [sflag:$0x1] =	stream.linear.gather [hbm4b:s11+s3], $0x40, $0x38;
	[tilespmem:$0x8D00] =	vst v63  }
0x60: {  	_ =	swait.ge [sflag:s17], $0x40  }
0x61: {  	[sflag:s17] =	ssyncset.done $0x0  }
0x62: {  	[sflag:s17] =	ssyncadd.s32 $0xFFFFFFC0  }
0x63: {  	[tilespmem:s18], [sflag:$0x1] =	stream.linear.gather [hbm4b:s12+s3], $0x2000, $0x38;
	[tilespmem:$0x8D00] =	vst v63  }
0x64: {  	_ =	swait.ge [sflag:s17], $0x2000  }
0x65: {  	[sflag:s17] =	ssyncset.done $0x0  }
0x66: {  	[sflag:s17] =	ssyncadd.s32 $0xFFFFE000  }
0x67: {  	[spmem:s1] =	stream.indirect.scatter.add.f32 [tilespmem:s18], [sflag:$0x1], $0x80, s3, s19, $0xb8;
	[tilespmem:$0x8D00] =	vst v63  }
0x68: {  	_ =	swait.ge [sflag:s17], $0x2000  }
0x69: {  	[sflag:s17] =	ssyncset.done $0x0  }
0x6a: {  	[sflag:s17] =	ssyncadd.s32 $0xFFFFE000  }
0x6b: {  	[spmem:s2] =	stream.indirect.scatter.add.f32 [tilespmem:s20], [sflag:$0x1], $0x80, s3, s19, $0xb8;
	[tilespmem:$0x8D00] =	vst v63  }
0x6c: {  	_ =	swait.ge [sflag:s17], $0x2000  }
0x6d: {  	[sflag:s17] =	ssyncset.done $0x0  }
0x6e: {  	[sflag:s17] =	ssyncadd.s32 $0xFFFFE000  }
0x6f: {  	[tilespmem:s3], [sflag:$0x1] =	stream.linear.gather [hbm4b:s13+s3], $0x40, $0x38;
	[tilespmem:$0x8D00] =	vst v63  }
0x70: {  	_ =	swait.ge [sflag:s17], $0x40  }
0x71: {  	[sflag:s17] =	ssyncset.done $0x0  }
0x72: {  	[sflag:s17] =	ssyncadd.s32 $0xFFFFFFC0  }
0x73: {  	[tilespmem:s18], [sflag:$0x1] =	stream.linear.gather [hbm4b:s14+s3], $0x2000, $0x38;
	[tilespmem:$0x8D00] =	vst v63  }
0x74: {  	_ =	swait.ge [sflag:s17], $0x2000  }
0x75: {  	[sflag:s17] =	ssyncset.done $0x0  }
0x76: {  	[sflag:s17] =	ssyncadd.s32 $0xFFFFE000  }
0x77: {  	[spmem:s1] =	stream.indirect.scatter.add.f32 [tilespmem:s18], [sflag:$0x1], $0x80, s3, s19, $0xb8;
	[tilespmem:$0x8D00] =	vst v63  }
0x78: {  	_ =	swait.ge [sflag:s17], $0x2000  }
0x79: {  	[sflag:s17] =	ssyncset.done $0x0  }
0x7a: {  	[sflag:s17] =	ssyncadd.s32 $0xFFFFE000  }
0x7b: {  	[spmem:s2] =	stream.indirect.scatter.add.f32 [tilespmem:s20], [sflag:$0x1], $0x80, s3, s19, $0xb8;
	[tilespmem:$0x8D00] =	vst v63  }
0x7c: {  	_ =	swait.ge [sflag:s17], $0x2000  }
0x7d: {  	[sflag:s17] =	ssyncset.done $0x0  }
0x7e: {  	[sflag:s17] =	ssyncadd.s32 $0xFFFFE000  }
0x7f: {  	[tilespmem:s3], [sflag:$0x1] =	stream.linear.gather [hbm4b:s15+s3], $0x40, $0x38;
	[tilespmem:$0x8D00] =	vst v63  }
0x80: {  	_ =	swait.ge [sflag:s17], $0x40  }
0x81: {  	[sflag:s17] =	ssyncset.done $0x0  }
0x82: {  	[sflag:s17] =	ssyncadd.s32 $0xFFFFFFC0  }
0x83: {  	[tilespmem:s18], [sflag:$0x1] =	stream.linear.gather [hbm4b:s16+s3], $0x2000, $0x38;
	[tilespmem:$0x8D00] =	vst v63  }
0x84: {  	_ =	swait.ge [sflag:s17], $0x2000  }
0x85: {  	[sflag:s17] =	ssyncset.done $0x0  }
0x86: {  	[sflag:s17] =	ssyncadd.s32 $0xFFFFE000  }
0x87: {  	[spmem:s1] =	stream.indirect.scatter.add.f32 [tilespmem:s18], [sflag:$0x1], $0x80, s3, s19, $0xb8;
	[tilespmem:$0x8D00] =	vst v63  }
0x88: {  	_ =	swait.ge [sflag:s17], $0x2000  }
0x89: {  	[sflag:s17] =	ssyncset.done $0x0  }
0x8a: {  	[sflag:s17] =	ssyncadd.s32 $0xFFFFE000  }
0x8b: {  	[spmem:s2] =	stream.indirect.scatter.add.f32 [tilespmem:s20], [sflag:$0x1], $0x80, s3, s19, $0xb8;
	[tilespmem:$0x8D00] =	vst v63  }
0x8c: {  	_ =	swait.ge [sflag:s17], $0x2000  }
0x8d: {  	[sflag:s17] =	ssyncset.done $0x0  }
0x8e: {  	[sflag:s17] =	ssyncadd.s32 $0xFFFFE000  }
0x8f: {  	s24 =	simm.s32 @!p0 $0x1C01;
	s23 =	sshrl.u32 @!p0 s1, $0x3;
	[bflag:$0x0] =	sbarrier.arrive $0xFFFF  }
0x90: {  	[hbm:s4], [sflag:s24] =	dma.local @!p0 [spmem:s23], $0x880  }
0x91: {  	s21 =	sadd.s32 $0x1, s21;
	_ =	swait.ge @!p0 [sflag:s22], $0x880  }
0x92: {  	p1 =	sne.s32 s21, s6;
	[sflag:s22] =	ssyncset.done @!p0 $0x0  }
.Ltmp2:
0x93: {  	s23 =	sshrl.u32 @!p0 s2, $0x3;
	[sflag:s22] =	ssyncadd.s32 @!p0 $0xFFFFF780;
	(pc) =	sbr.rel @p1 .LBB2_1-.Ltmp2, $4  }
0x94: {  	[hbm:s5], [sflag:s24] =	dma.local @!p0 [spmem:s23], $0x880  }
0x95: {  	_ =	swait.ge @!p0 [sflag:s22], $0x880  }
0x96: {  	[sflag:s22] =	ssyncset.done @!p0 $0x0  }
0x97: {  	[sflag:s22] =	ssyncadd.s32 @!p0 $0xFFFFF780  }
0x98: {  	_ =	sfence.sel $0x180000  }
0x99: {  	[bflag:$0x0] =	sbarrier.arrive $0xFFFF  }
0x9a: {  	_ =	strace $0x90000050  }
0x9b: {  	s0 =	sadd.s32 @!p0 $0x100000, s0;
	[bflag:$0x2] =	sbarrier.arrive $0xFFFF  }
0x9c: {  	[sflag:s0] =	ssyncadd.tile.s32 @!p0 $0x1;
	_ =	shalt  }
.Lfunc_end2:
_tile_overlayer_lowered:
.L_overlay_start_2:
0x9d: {  	(tag) =	ssettag $0x2  }
0x9e: {  	s0 =	rddreg [dreg:$0x0];
	s2 =	stileid.u32  }
0x9f: {  	s1 =	rddreg [dreg:$0x1];
	p0 =	sne.s32 s2, $0x0  }
0xa0: {  	s3 =	rddreg [dreg:$0x2];
	[bflag:$0x3] =	sbarrier.arrive $0xFFFF;
	s2 =	simm.s32 @!p0 $0x1C01  }
0xa1: {  	[timem:s3], [sflag:s2] =	dma.local @!p0 [hbm:s0], s1  }
0xa2: {  	s0 =	simm.s32 @!p0 $0x1  }
0xa3: {  	_ =	swait.ge @!p0 [sflag:s0], s1  }
0xa4: {  	s1 =	ssub.s32 @!p0 $0x0, s1;
	[sflag:s0] =	ssyncset.done @!p0 $0x0  }
0xa5: {  	[sflag:s0] =	ssyncadd.s32 @!p0 s1  }
0xa6: {  	[bflag:$0x3] =	sbarrier.arrive $0xFFFF  }
0xa7: {  	_ =	shalt  }

</sc_bundles>
